<compile_context>
chip_gen: v7x
topology: tpu7x:2x2x1
jax: 0.10.2.dev20260603
libtpu: 0.0.44.dev20260713+nightly
codegen_flags: <defaults>
</compile_context>

<pallas_src>
import functools
import jax
import jax.numpy as jnp
from jax import lax
from jax.experimental import pallas as pl
from jax.experimental.pallas import tpu as pltpu
from jax.experimental.pallas import tpu_sc as plsc

SIZE = 4096
DIM = 512
B = 4
N = 4096
D_EMB = 512

NC = 2
NS = 16
NW = NC * NS
RW = N // NW
CE = 16
NB = 4
AHEAD = 2

_mesh = plsc.VectorSubcoreMesh(core_axis_name="c", subcore_axis_name="s")


@functools.partial(
    pl.kernel,
    out_type=jax.ShapeDtypeStruct((B, N, D_EMB + DIM), jnp.float32),
    mesh=_mesh,
    compiler_params=pltpu.CompilerParams(
        disable_bounds_checks=True, disable_semaphore_checks=True),
    scratch_types=[
        pltpu.VMEM((RW, DIM), jnp.float32),
        pltpu.VMEM((RW,), jnp.int32),
        pltpu.VMEM((NB, CE, D_EMB), jnp.float32),
        pltpu.SemaphoreType.DMA,
        pltpu.SemaphoreType.DMA,
        [pltpu.SemaphoreType.DMA] * NB,
        [pltpu.SemaphoreType.DMA] * NB,
    ],
)
def _sc_pos_embed(emb_hbm, pe_hbm, out_hbm, pe_v, idx_v, emb_v, sem_pe,
                  sem_g, sems_g, sems_s):
    wid = lax.axis_index("s") * NC + lax.axis_index("c")
    base = wid * RW
    n_chunks = B * (RW // CE)
    g_handles = [None] * n_chunks
    s_handles = [None] * n_chunks

    def _gather(j):
        b, c = divmod(j, RW // CE)
        return pltpu.async_copy(
            emb_hbm.at[b, pl.ds(base + c * CE, CE)], emb_v.at[j % NB],
            sems_g[j % NB])

    for j in range(min(AHEAD, n_chunks)):
        g_handles[j] = _gather(j)
    for r in range(RW // 16):
        idx_v[pl.ds(r * 16, 16)] = base + 1 + r * 16 + lax.iota(jnp.int32, 16)
    pltpu.async_copy(pe_hbm.at[idx_v], pe_v, sem_g).wait()
    pe_handles = [
        pltpu.async_copy(
            pe_v, out_hbm.at[b, pl.ds(base, RW), pl.ds(D_EMB, DIM)], sem_pe)
        for b in range(B)
    ]
    for i in range(n_chunks):
        j = i + AHEAD
        if j < n_chunks:
            if j >= NB:
                s_handles[j - NB].wait()
            g_handles[j] = _gather(j)
        g_handles[i].wait()
        b, c = divmod(i, RW // CE)
        s_handles[i] = pltpu.async_copy(
            emb_v.at[i % NB],
            out_hbm.at[b, pl.ds(base + c * CE, CE), pl.ds(0, D_EMB)],
            sems_s[i % NB])
    for i in range(max(0, n_chunks - NB), n_chunks):
        s_handles[i].wait()
    for h in pe_handles:
        h.wait()


def kernel(emb, pe):
    return _sc_pos_embed(emb, pe)

# --- scband reference (transcript-rebuilt; emitter-appended) ---
"""Pipeline reference for scband-position-embedding-6012954214867 (READ-ONLY COPY).

The authoritative reference and input builder live on the scoring server;
editing this copy changes nothing except your own understanding.
"""

import jax, jax.numpy as jnp
import numpy as np

SIZE = 4096
DIM = 512
B = 4
N = 4096
D_EMB = 512

def setup_inputs(seed: int = 0) -> dict:
    key = jax.random.key(seed)
    k1, k2 = jax.random.split(key)
    emb = jax.random.normal(k1, (B, N, D_EMB), dtype=jnp.float32)
    pe = jax.random.normal(k2, (SIZE + 1, DIM), dtype=jnp.float32) * 0.02
    pe = pe.at[0].set(0.0)  # padding_idx=0
    return {"emb": emb, "pe": pe}

def reference(emb, pe):
    b, n = emb.shape[0], emb.shape[1]
    pos_ids = jnp.arange(1, SIZE + 1, dtype=jnp.int64 if jax.config.jax_enable_x64 else jnp.int32)
    if n > SIZE:
        zeros = jnp.zeros((n - SIZE,), dtype=pos_ids.dtype)
        pos_ids = jnp.concatenate([pos_ids, zeros])
    # repeat 'n -> b n'
    pos_ids_b = jnp.broadcast_to(pos_ids[None, :], (b, n))
    pos_emb = jnp.take(pe, pos_ids_b, axis=0)  # [b, n, DIM]
    embeddings = jnp.concatenate([emb, pos_emb], axis=-1)
    return embeddings

if __name__ == "__main__":
    import jax
    _d = setup_inputs()
    print(jax.jit(kernel)(*tuple(_d.values())))

</pallas_src>

<mosaic_0001>
#map = affine_map<(d0, d1) -> (0, 0, 0)>
#map1 = affine_map<(d0, d1) -> (0, 0)>
module attributes {stable_mosaic.version = 14 : i64} {
  func.func @_sc_pos_embed(%arg0: i32, %arg1: i32, %arg2: memref<4x4096x512xf32, #tpu.memory_space<hbm>>, %arg3: memref<4097x512xf32, #tpu.memory_space<hbm>>, %arg4: memref<4x4096x1024xf32, #tpu.memory_space<hbm>>, %arg5: memref<128x512xf32, #tpu.memory_space<vmem>>, %arg6: memref<128xi32, #tpu.memory_space<vmem>>, %arg7: memref<4x16x512xf32, #tpu.memory_space<vmem>>, %arg8: memref<!tpu.dma_semaphore, #tpu.memory_space<semaphore_mem>>, %arg9: memref<!tpu.dma_semaphore, #tpu.memory_space<semaphore_mem>>, %arg10: memref<!tpu.dma_semaphore, #tpu.memory_space<semaphore_mem>>, %arg11: memref<!tpu.dma_semaphore, #tpu.memory_space<semaphore_mem>>, %arg12: memref<!tpu.dma_semaphore, #tpu.memory_space<semaphore_mem>>, %arg13: memref<!tpu.dma_semaphore, #tpu.memory_space<semaphore_mem>>, %arg14: memref<!tpu.dma_semaphore, #tpu.memory_space<semaphore_mem>>, %arg15: memref<!tpu.dma_semaphore, #tpu.memory_space<semaphore_mem>>, %arg16: memref<!tpu.dma_semaphore, #tpu.memory_space<semaphore_mem>>, %arg17: memref<!tpu.dma_semaphore, #tpu.memory_space<semaphore_mem>>) attributes {dimension_semantics = [#tpu.dimension_semantics<core_parallel>, #tpu.dimension_semantics<subcore_parallel>], iteration_bounds = array<i64: 2, 16>, scalar_prefetch = 0 : i64, scratch_operands = 13 : i64, tpu.core_type = #tpu.core_type<sc_vector_subcore>, window_params = [{transform_indices = #map}, {transform_indices = #map1}, {transform_indices = #map}]} {
    %mul3A = arith.constant 2 : i32
    %mul3A_0 = arith.muli %arg1, %mul3A : i32
    %add3A = arith.addi %mul3A_0, %arg0 : i32
    %mul3A_1 = arith.constant 128 : i32
    %mul3A_2 = arith.muli %add3A, %mul3A_1 : i32
    %add3A_3 = arith.constant 0 : i32
    %add3A_4 = arith.addi %mul3A_2, %add3A_3 : i32
    %dma_start3A = arith.constant 0 : i32
    %dma_start3A_5 = arith.constant 0 : i32
    %dma_start3A_6 = arith.constant 0 : i32
    %dma_start3A_7 = arith.constant 0 : i32
    %dma_start3A_8 = tpu.memref_slice %arg7[%dma_start3A_5, %dma_start3A_6, %dma_start3A_7] : memref<4x16x512xf32, #tpu.memory_space<vmem>> -> memref<1x16x512xf32, #tpu.memory_space<vmem>>
    %dma_start3A_9 = tpu.memref_squeeze %dma_start3A_8 : memref<1x16x512xf32, #tpu.memory_space<vmem>> -> memref<16x512xf32, #tpu.memory_space<vmem>>
    %dma_start3A_10 = arith.constant 0 : i32
    %dma_start3A_11 = tpu.memref_slice %arg2[%dma_start3A, %add3A_4, %dma_start3A_10] : memref<4x4096x512xf32, #tpu.memory_space<hbm>> -> memref<1x16x512xf32, #tpu.memory_space<hbm>>
    %dma_start3A_12 = tpu.memref_squeeze %dma_start3A_11 : memref<1x16x512xf32, #tpu.memory_space<hbm>> -> memref<16x512xf32, #tpu.memory_space<hbm>>
    %dma_start3A_13 = arith.constant 0 : i32
    %dma_start3A_14 = arith.constant 0 : i32
    %dma_start3A_15 = tpu.memref_slice %arg7[%dma_start3A_5, %dma_start3A_13, %dma_start3A_14] : memref<4x16x512xf32, #tpu.memory_space<vmem>> -> memref<1x16x512xf32, #tpu.memory_space<vmem>>
    %dma_start3A_16 = tpu.memref_squeeze %dma_start3A_15 : memref<1x16x512xf32, #tpu.memory_space<vmem>> -> memref<16x512xf32, #tpu.memory_space<vmem>>
    %dma_start3A_17 = arith.constant 0 : i32
    %dma_start3A_18 = tpu.memref_slice %arg2[%dma_start3A, %add3A_4, %dma_start3A_17] : memref<4x4096x512xf32, #tpu.memory_space<hbm>> -> memref<1x16x512xf32, #tpu.memory_space<hbm>>
    %dma_start3A_19 = tpu.memref_squeeze %dma_start3A_18 : memref<1x16x512xf32, #tpu.memory_space<hbm>> -> memref<16x512xf32, #tpu.memory_space<hbm>>
    tpu.enqueue_dma source(%dma_start3A_19 : memref<16x512xf32, #tpu.memory_space<hbm>>) target(%dma_start3A_16 : memref<16x512xf32, #tpu.memory_space<vmem>>) target_semaphore(%arg10 : memref<!tpu.dma_semaphore, #tpu.memory_space<semaphore_mem>>)
    %add3A_20 = arith.constant 16 : i32
    %add3A_21 = arith.addi %mul3A_2, %add3A_20 : i32
    %dma_start3A_22 = arith.constant 0 : i32
    %dma_start3A_23 = arith.constant 1 : i32
    %dma_start3A_24 = arith.constant 0 : i32
    %dma_start3A_25 = arith.constant 0 : i32
    %dma_start3A_26 = tpu.memref_slice %arg7[%dma_start3A_23, %dma_start3A_24, %dma_start3A_25] : memref<4x16x512xf32, #tpu.memory_space<vmem>> -> memref<1x16x512xf32, #tpu.memory_space<vmem>>
    %dma_start3A_27 = tpu.memref_squeeze %dma_start3A_26 : memref<1x16x512xf32, #tpu.memory_space<vmem>> -> memref<16x512xf32, #tpu.memory_space<vmem>>
    %dma_start3A_28 = arith.constant 0 : i32
    %dma_start3A_29 = tpu.memref_slice %arg2[%dma_start3A_22, %add3A_21, %dma_start3A_28] : memref<4x4096x512xf32, #tpu.memory_space<hbm>> -> memref<1x16x512xf32, #tpu.memory_space<hbm>>
    %dma_start3A_30 = tpu.memref_squeeze %dma_start3A_29 : memref<1x16x512xf32, #tpu.memory_space<hbm>> -> memref<16x512xf32, #tpu.memory_space<hbm>>
    %dma_start3A_31 = arith.constant 0 : i32
    %dma_start3A_32 = arith.constant 0 : i32
    %dma_start3A_33 = tpu.memref_slice %arg7[%dma_start3A_23, %dma_start3A_31, %dma_start3A_32] : memref<4x16x512xf32, #tpu.memory_space<vmem>> -> memref<1x16x512xf32, #tpu.memory_space<vmem>>
    %dma_start3A_34 = tpu.memref_squeeze %dma_start3A_33 : memref<1x16x512xf32, #tpu.memory_space<vmem>> -> memref<16x512xf32, #tpu.memory_space<vmem>>
    %dma_start3A_35 = arith.constant 0 : i32
    %dma_start3A_36 = tpu.memref_slice %arg2[%dma_start3A_22, %add3A_21, %dma_start3A_35] : memref<4x4096x512xf32, #tpu.memory_space<hbm>> -> memref<1x16x512xf32, #tpu.memory_space<hbm>>
    %dma_start3A_37 = tpu.memref_squeeze %dma_start3A_36 : memref<1x16x512xf32, #tpu.memory_space<hbm>> -> memref<16x512xf32, #tpu.memory_space<hbm>>
    tpu.enqueue_dma source(%dma_start3A_37 : memref<16x512xf32, #tpu.memory_space<hbm>>) target(%dma_start3A_34 : memref<16x512xf32, #tpu.memory_space<vmem>>) target_semaphore(%arg11 : memref<!tpu.dma_semaphore, #tpu.memory_space<semaphore_mem>>)
    %add3A_38 = arith.constant 1 : i32
    %add3A_39 = arith.addi %mul3A_2, %add3A_38 : i32
    %add3A_40 = arith.constant 0 : i32
    %add3A_41 = arith.addi %add3A_39, %add3A_40 : i32
    %iota3A = tpu.iota {dimensions = array<i32: 0>} : vector<16xi32>
    %add3A_42 = vector.broadcast %add3A_41 : i32 to vector<16xi32>
    %add3A_43 = arith.addi %add3A_42, %iota3A : vector<16xi32>
    %swap3A = arith.constant 0 : index
    %swap3A_44 = tpu.vector_load %arg6[%swap3A] {strides = array<i32>} : memref<128xi32, #tpu.memory_space<vmem>>, vector<16xi32>,
    %swap3A_45 = vector.shape_cast %swap3A_44 : vector<16xi32> to vector<16xi32>
    %swap3A_46 = vector.shape_cast %add3A_43 : vector<16xi32> to vector<16xi32>
    tpu.vector_store %arg6[%swap3A], %swap3A_46 {strides = array<i32>} : memref<128xi32, #tpu.memory_space<vmem>>, vector<16xi32>,
    %add3A_47 = arith.constant 1 : i32
    %add3A_48 = arith.addi %mul3A_2, %add3A_47 : i32
    %add3A_49 = arith.constant 16 : i32
    %add3A_50 = arith.addi %add3A_48, %add3A_49 : i32
    %iota3A_51 = tpu.iota {dimensions = array<i32: 0>} : vector<16xi32>
    %add3A_52 = vector.broadcast %add3A_50 : i32 to vector<16xi32>
    %add3A_53 = arith.addi %add3A_52, %iota3A_51 : vector<16xi32>
    %swap3A_54 = arith.constant 16 : index
    %swap3A_55 = tpu.vector_load %arg6[%swap3A_54] {strides = array<i32>} : memref<128xi32, #tpu.memory_space<vmem>>, vector<16xi32>,
    %swap3A_56 = vector.shape_cast %swap3A_55 : vector<16xi32> to vector<16xi32>
    %swap3A_57 = vector.shape_cast %add3A_53 : vector<16xi32> to vector<16xi32>
    tpu.vector_store %arg6[%swap3A_54], %swap3A_57 {strides = array<i32>} : memref<128xi32, #tpu.memory_space<vmem>>, vector<16xi32>,
    %add3A_58 = arith.constant 1 : i32
    %add3A_59 = arith.addi %mul3A_2, %add3A_58 : i32
    %add3A_60 = arith.constant 32 : i32
    %add3A_61 = arith.addi %add3A_59, %add3A_60 : i32
    %iota3A_62 = tpu.iota {dimensions = array<i32: 0>} : vector<16xi32>
    %add3A_63 = vector.broadcast %add3A_61 : i32 to vector<16xi32>
    %add3A_64 = arith.addi %add3A_63, %iota3A_62 : vector<16xi32>
    %swap3A_65 = arith.constant 32 : index
    %swap3A_66 = tpu.vector_load %arg6[%swap3A_65] {strides = array<i32>} : memref<128xi32, #tpu.memory_space<vmem>>, vector<16xi32>,
    %swap3A_67 = vector.shape_cast %swap3A_66 : vector<16xi32> to vector<16xi32>
    %swap3A_68 = vector.shape_cast %add3A_64 : vector<16xi32> to vector<16xi32>
    tpu.vector_store %arg6[%swap3A_65], %swap3A_68 {strides = array<i32>} : memref<128xi32, #tpu.memory_space<vmem>>, vector<16xi32>,
    %add3A_69 = arith.constant 1 : i32
    %add3A_70 = arith.addi %mul3A_2, %add3A_69 : i32
    %add3A_71 = arith.constant 48 : i32
    %add3A_72 = arith.addi %add3A_70, %add3A_71 : i32
    %iota3A_73 = tpu.iota {dimensions = array<i32: 0>} : vector<16xi32>
    %add3A_74 = vector.broadcast %add3A_72 : i32 to vector<16xi32>
    %add3A_75 = arith.addi %add3A_74, %iota3A_73 : vector<16xi32>
    %swap3A_76 = arith.constant 48 : index
    %swap3A_77 = tpu.vector_load %arg6[%swap3A_76] {strides = array<i32>} : memref<128xi32, #tpu.memory_space<vmem>>, vector<16xi32>,
    %swap3A_78 = vector.shape_cast %swap3A_77 : vector<16xi32> to vector<16xi32>
    %swap3A_79 = vector.shape_cast %add3A_75 : vector<16xi32> to vector<16xi32>
    tpu.vector_store %arg6[%swap3A_76], %swap3A_79 {strides = array<i32>} : memref<128xi32, #tpu.memory_space<vmem>>, vector<16xi32>,
    %add3A_80 = arith.constant 1 : i32
    %add3A_81 = arith.addi %mul3A_2, %add3A_80 : i32
    %add3A_82 = arith.constant 64 : i32
    %add3A_83 = arith.addi %add3A_81, %add3A_82 : i32
    %iota3A_84 = tpu.iota {dimensions = array<i32: 0>} : vector<16xi32>
    %add3A_85 = vector.broadcast %add3A_83 : i32 to vector<16xi32>
    %add3A_86 = arith.addi %add3A_85, %iota3A_84 : vector<16xi32>
    %swap3A_87 = arith.constant 64 : index
    %swap3A_88 = tpu.vector_load %arg6[%swap3A_87] {strides = array<i32>} : memref<128xi32, #tpu.memory_space<vmem>>, vector<16xi32>,
    %swap3A_89 = vector.shape_cast %swap3A_88 : vector<16xi32> to vector<16xi32>
    %swap3A_90 = vector.shape_cast %add3A_86 : vector<16xi32> to vector<16xi32>
    tpu.vector_store %arg6[%swap3A_87], %swap3A_90 {strides = array<i32>} : memref<128xi32, #tpu.memory_space<vmem>>, vector<16xi32>,
    %add3A_91 = arith.constant 1 : i32
    %add3A_92 = arith.addi %mul3A_2, %add3A_91 : i32
    %add3A_93 = arith.constant 80 : i32
    %add3A_94 = arith.addi %add3A_92, %add3A_93 : i32
    %iota3A_95 = tpu.iota {dimensions = array<i32: 0>} : vector<16xi32>
    %add3A_96 = vector.broadcast %add3A_94 : i32 to vector<16xi32>
    %add3A_97 = arith.addi %add3A_96, %iota3A_95 : vector<16xi32>
    %swap3A_98 = arith.constant 80 : index
    %swap3A_99 = tpu.vector_load %arg6[%swap3A_98] {strides = array<i32>} : memref<128xi32, #tpu.memory_space<vmem>>, vector<16xi32>,
    %swap3A_100 = vector.shape_cast %swap3A_99 : vector<16xi32> to vector<16xi32>
    %swap3A_101 = vector.shape_cast %add3A_97 : vector<16xi32> to vector<16xi32>
    tpu.vector_store %arg6[%swap3A_98], %swap3A_101 {strides = array<i32>} : memref<128xi32, #tpu.memory_space<vmem>>, vector<16xi32>,
    %add3A_102 = arith.constant 1 : i32
    %add3A_103 = arith.addi %mul3A_2, %add3A_102 : i32
    %add3A_104 = arith.constant 96 : i32
    %add3A_105 = arith.addi %add3A_103, %add3A_104 : i32
    %iota3A_106 = tpu.iota {dimensions = array<i32: 0>} : vector<16xi32>
    %add3A_107 = vector.broadcast %add3A_105 : i32 to vector<16xi32>
    %add3A_108 = arith.addi %add3A_107, %iota3A_106 : vector<16xi32>
    %swap3A_109 = arith.constant 96 : index
    %swap3A_110 = tpu.vector_load %arg6[%swap3A_109] {strides = array<i32>} : memref<128xi32, #tpu.memory_space<vmem>>, vector<16xi32>,
    %swap3A_111 = vector.shape_cast %swap3A_110 : vector<16xi32> to vector<16xi32>
    %swap3A_112 = vector.shape_cast %add3A_108 : vector<16xi32> to vector<16xi32>
    tpu.vector_store %arg6[%swap3A_109], %swap3A_112 {strides = array<i32>} : memref<128xi32, #tpu.memory_space<vmem>>, vector<16xi32>,
    %add3A_113 = arith.constant 1 : i32
    %add3A_114 = arith.addi %mul3A_2, %add3A_113 : i32
    %add3A_115 = arith.constant 112 : i32
    %add3A_116 = arith.addi %add3A_114, %add3A_115 : i32
    %iota3A_117 = tpu.iota {dimensions = array<i32: 0>} : vector<16xi32>
    %add3A_118 = vector.broadcast %add3A_116 : i32 to vector<16xi32>
    %add3A_119 = arith.addi %add3A_118, %iota3A_117 : vector<16xi32>
    %swap3A_120 = arith.constant 112 : index
    %swap3A_121 = tpu.vector_load %arg6[%swap3A_120] {strides = array<i32>} : memref<128xi32, #tpu.memory_space<vmem>>, vector<16xi32>,
    %swap3A_122 = vector.shape_cast %swap3A_121 : vector<16xi32> to vector<16xi32>
    %swap3A_123 = vector.shape_cast %add3A_119 : vector<16xi32> to vector<16xi32>
    tpu.vector_store %arg6[%swap3A_120], %swap3A_123 {strides = array<i32>} : memref<128xi32, #tpu.memory_space<vmem>>, vector<16xi32>,
    %dma_start3A_124 = arith.constant 0 : i32
    %dma_start3A_125 = arith.constant 0 : i32
    %dma_start3A_126 = tpu.memref_slice %arg3[%dma_start3A_124, %dma_start3A_125] : memref<4097x512xf32, #tpu.memory_space<hbm>> -> memref<4097x512xf32, #tpu.memory_space<hbm>>
    tpu.enqueue_indirect_dma source(%dma_start3A_126 : memref<4097x512xf32, #tpu.memory_space<hbm>>) target(%arg5 : memref<128x512xf32, #tpu.memory_space<vmem>>) offsets(%arg6 : memref<128xi32, #tpu.memory_space<vmem>>) semaphore(%arg9 : memref<!tpu.dma_semaphore, #tpu.memory_space<semaphore_mem>>)
    %dma_wait3A = arith.constant 0 : i32
    %dma_wait3A_127 = arith.constant 0 : i32
    %dma_wait3A_128 = tpu.memref_slice %arg3[%dma_wait3A, %dma_wait3A_127] : memref<4097x512xf32, #tpu.memory_space<hbm>> -> memref<4097x512xf32, #tpu.memory_space<hbm>>
    tpu.wait_indirect_dma semaphore(%arg9 : memref<!tpu.dma_semaphore, #tpu.memory_space<semaphore_mem>>) src(%dma_wait3A_128 : memref<4097x512xf32, #tpu.memory_space<hbm>>) dst(%arg5 : memref<128x512xf32, #tpu.memory_space<vmem>>)
    %dma_start3A_129 = arith.constant 0 : i32
    %dma_start3A_130 = arith.constant 512 : i32
    %dma_start3A_131 = tpu.memref_slice %arg4[%dma_start3A_129, %mul3A_2, %dma_start3A_130] : memref<4x4096x1024xf32, #tpu.memory_space<hbm>> -> memref<1x128x512xf32, #tpu.memory_space<hbm>>
    %dma_start3A_132 = tpu.memref_squeeze %dma_start3A_131 : memref<1x128x512xf32, #tpu.memory_space<hbm>> -> memref<128x512xf32, #tpu.memory_space<hbm>>
    %dma_start3A_133 = arith.constant 512 : i32
    %dma_start3A_134 = tpu.memref_slice %arg4[%dma_start3A_129, %mul3A_2, %dma_start3A_133] : memref<4x4096x1024xf32, #tpu.memory_space<hbm>> -> memref<1x128x512xf32, #tpu.memory_space<hbm>>
    %dma_start3A_135 = tpu.memref_squeeze %dma_start3A_134 : memref<1x128x512xf32, #tpu.memory_space<hbm>> -> memref<128x512xf32, #tpu.memory_space<hbm>>
    tpu.enqueue_dma source(%arg5 : memref<128x512xf32, #tpu.memory_space<vmem>>) target(%dma_start3A_135 : memref<128x512xf32, #tpu.memory_space<hbm>>) target_semaphore(%arg8 : memref<!tpu.dma_semaphore, #tpu.memory_space<semaphore_mem>>)
    %dma_start3A_136 = arith.constant 1 : i32
    %dma_start3A_137 = arith.constant 512 : i32
    %dma_start3A_138 = tpu.memref_slice %arg4[%dma_start3A_136, %mul3A_2, %dma_start3A_137] : memref<4x4096x1024xf32, #tpu.memory_space<hbm>> -> memref<1x128x512xf32, #tpu.memory_space<hbm>>
    %dma_start3A_139 = tpu.memref_squeeze %dma_start3A_138 : memref<1x128x512xf32, #tpu.memory_space<hbm>> -> memref<128x512xf32, #tpu.memory_space<hbm>>
    %dma_start3A_140 = arith.constant 512 : i32
    %dma_start3A_141 = tpu.memref_slice %arg4[%dma_start3A_136, %mul3A_2, %dma_start3A_140] : memref<4x4096x1024xf32, #tpu.memory_space<hbm>> -> memref<1x128x512xf32, #tpu.memory_space<hbm>>
    %dma_start3A_142 = tpu.memref_squeeze %dma_start3A_141 : memref<1x128x512xf32, #tpu.memory_space<hbm>> -> memref<128x512xf32, #tpu.memory_space<hbm>>
    tpu.enqueue_dma source(%arg5 : memref<128x512xf32, #tpu.memory_space<vmem>>) target(%dma_start3A_142 : memref<128x512xf32, #tpu.memory_space<hbm>>) target_semaphore(%arg8 : memref<!tpu.dma_semaphore, #tpu.memory_space<semaphore_mem>>)
    %dma_start3A_143 = arith.constant 2 : i32
    %dma_start3A_144 = arith.constant 512 : i32
    %dma_start3A_145 = tpu.memref_slice %arg4[%dma_start3A_143, %mul3A_2, %dma_start3A_144] : memref<4x4096x1024xf32, #tpu.memory_space<hbm>> -> memref<1x128x512xf32, #tpu.memory_space<hbm>>
    %dma_start3A_146 = tpu.memref_squeeze %dma_start3A_145 : memref<1x128x512xf32, #tpu.memory_space<hbm>> -> memref<128x512xf32, #tpu.memory_space<hbm>>
    %dma_start3A_147 = arith.constant 512 : i32
    %dma_start3A_148 = tpu.memref_slice %arg4[%dma_start3A_143, %mul3A_2, %dma_start3A_147] : memref<4x4096x1024xf32, #tpu.memory_space<hbm>> -> memref<1x128x512xf32, #tpu.memory_space<hbm>>
    %dma_start3A_149 = tpu.memref_squeeze %dma_start3A_148 : memref<1x128x512xf32, #tpu.memory_space<hbm>> -> memref<128x512xf32, #tpu.memory_space<hbm>>
    tpu.enqueue_dma source(%arg5 : memref<128x512xf32, #tpu.memory_space<vmem>>) target(%dma_start3A_149 : memref<128x512xf32, #tpu.memory_space<hbm>>) target_semaphore(%arg8 : memref<!tpu.dma_semaphore, #tpu.memory_space<semaphore_mem>>)
    %dma_start3A_150 = arith.constant 3 : i32
    %dma_start3A_151 = arith.constant 512 : i32
    %dma_start3A_152 = tpu.memref_slice %arg4[%dma_start3A_150, %mul3A_2, %dma_start3A_151] : memref<4x4096x1024xf32, #tpu.memory_space<hbm>> -> memref<1x128x512xf32, #tpu.memory_space<hbm>>
    %dma_start3A_153 = tpu.memref_squeeze %dma_start3A_152 : memref<1x128x512xf32, #tpu.memory_space<hbm>> -> memref<128x512xf32, #tpu.memory_space<hbm>>
    %dma_start3A_154 = arith.constant 512 : i32
    %dma_start3A_155 = tpu.memref_slice %arg4[%dma_start3A_150, %mul3A_2, %dma_start3A_154] : memref<4x4096x1024xf32, #tpu.memory_space<hbm>> -> memref<1x128x512xf32, #tpu.memory_space<hbm>>
    %dma_start3A_156 = tpu.memref_squeeze %dma_start3A_155 : memref<1x128x512xf32, #tpu.memory_space<hbm>> -> memref<128x512xf32, #tpu.memory_space<hbm>>
    tpu.enqueue_dma source(%arg5 : memref<128x512xf32, #tpu.memory_space<vmem>>) target(%dma_start3A_156 : memref<128x512xf32, #tpu.memory_space<hbm>>) target_semaphore(%arg8 : memref<!tpu.dma_semaphore, #tpu.memory_space<semaphore_mem>>)
    %add3A_157 = arith.constant 32 : i32
    %add3A_158 = arith.addi %mul3A_2, %add3A_157 : i32
    %dma_start3A_159 = arith.constant 0 : i32
    %dma_start3A_160 = arith.constant 2 : i32
    %dma_start3A_161 = arith.constant 0 : i32
    %dma_start3A_162 = arith.constant 0 : i32
    %dma_start3A_163 = tpu.memref_slice %arg7[%dma_start3A_160, %dma_start3A_161, %dma_start3A_162] : memref<4x16x512xf32, #tpu.memory_space<vmem>> -> memref<1x16x512xf32, #tpu.memory_space<vmem>>
    %dma_start3A_164 = tpu.memref_squeeze %dma_start3A_163 : memref<1x16x512xf32, #tpu.memory_space<vmem>> -> memref<16x512xf32, #tpu.memory_space<vmem>>
    %dma_start3A_165 = arith.constant 0 : i32
    %dma_start3A_166 = tpu.memref_slice %arg2[%dma_start3A_159, %add3A_158, %dma_start3A_165] : memref<4x4096x512xf32, #tpu.memory_space<hbm>> -> memref<1x16x512xf32, #tpu.memory_space<hbm>>
    %dma_start3A_167 = tpu.memref_squeeze %dma_start3A_166 : memref<1x16x512xf32, #tpu.memory_space<hbm>> -> memref<16x512xf32, #tpu.memory_space<hbm>>
    %dma_start3A_168 = arith.constant 0 : i32
    %dma_start3A_169 = arith.constant 0 : i32
    %dma_start3A_170 = tpu.memref_slice %arg7[%dma_start3A_160, %dma_start3A_168, %dma_start3A_169] : memref<4x16x512xf32, #tpu.memory_space<vmem>> -> memref<1x16x512xf32, #tpu.memory_space<vmem>>
    %dma_start3A_171 = tpu.memref_squeeze %dma_start3A_170 : memref<1x16x512xf32, #tpu.memory_space<vmem>> -> memref<16x512xf32, #tpu.memory_space<vmem>>
    %dma_start3A_172 = arith.constant 0 : i32
    %dma_start3A_173 = tpu.memref_slice %arg2[%dma_start3A_159, %add3A_158, %dma_start3A_172] : memref<4x4096x512xf32, #tpu.memory_space<hbm>> -> memref<1x16x512xf32, #tpu.memory_space<hbm>>
    %dma_start3A_174 = tpu.memref_squeeze %dma_start3A_173 : memref<1x16x512xf32, #tpu.memory_space<hbm>> -> memref<16x512xf32, #tpu.memory_space<hbm>>
    tpu.enqueue_dma source(%dma_start3A_174 : memref<16x512xf32, #tpu.memory_space<hbm>>) target(%dma_start3A_171 : memref<16x512xf32, #tpu.memory_space<vmem>>) target_semaphore(%arg12 : memref<!tpu.dma_semaphore, #tpu.memory_space<semaphore_mem>>)
    %dma_wait3A_175 = arith.constant 0 : i32
    %dma_wait3A_176 = arith.constant 0 : i32
    %dma_wait3A_177 = arith.constant 0 : i32
    %dma_wait3A_178 = arith.constant 0 : i32
    %dma_wait3A_179 = tpu.memref_slice %arg7[%dma_wait3A_176, %dma_wait3A_177, %dma_wait3A_178] : memref<4x16x512xf32, #tpu.memory_space<vmem>> -> memref<1x16x512xf32, #tpu.memory_space<vmem>>
    %dma_wait3A_180 = tpu.memref_squeeze %dma_wait3A_179 : memref<1x16x512xf32, #tpu.memory_space<vmem>> -> memref<16x512xf32, #tpu.memory_space<vmem>>
    %dma_wait3A_181 = arith.constant 0 : i32
    %dma_wait3A_182 = tpu.memref_slice %arg2[%dma_wait3A_175, %add3A_4, %dma_wait3A_181] : memref<4x4096x512xf32, #tpu.memory_space<hbm>> -> memref<1x16x512xf32, #tpu.memory_space<hbm>>
    %dma_wait3A_183 = tpu.memref_squeeze %dma_wait3A_182 : memref<1x16x512xf32, #tpu.memory_space<hbm>> -> memref<16x512xf32, #tpu.memory_space<hbm>>
    %dma_wait3A_184 = arith.constant 0 : i32
    %dma_wait3A_185 = arith.constant 0 : i32
    %dma_wait3A_186 = tpu.memref_slice %arg7[%dma_wait3A_176, %dma_wait3A_184, %dma_wait3A_185] : memref<4x16x512xf32, #tpu.memory_space<vmem>> -> memref<1x16x512xf32, #tpu.memory_space<vmem>>
    %dma_wait3A_187 = tpu.memref_squeeze %dma_wait3A_186 : memref<1x16x512xf32, #tpu.memory_space<vmem>> -> memref<16x512xf32, #tpu.memory_space<vmem>>
    %dma_wait3A_188 = arith.constant 0 : i32
    %dma_wait3A_189 = tpu.memref_slice %arg2[%dma_wait3A_175, %add3A_4, %dma_wait3A_188] : memref<4x4096x512xf32, #tpu.memory_space<hbm>> -> memref<1x16x512xf32, #tpu.memory_space<hbm>>
    %dma_wait3A_190 = tpu.memref_squeeze %dma_wait3A_189 : memref<1x16x512xf32, #tpu.memory_space<hbm>> -> memref<16x512xf32, #tpu.memory_space<hbm>>
    tpu.wait_dma2 semaphore(%arg10 : memref<!tpu.dma_semaphore, #tpu.memory_space<semaphore_mem>>) src(%dma_wait3A_190 : memref<16x512xf32, #tpu.memory_space<hbm>>) dst(%dma_wait3A_187 : memref<16x512xf32, #tpu.memory_space<vmem>>)
    %add3A_191 = arith.constant 0 : i32
    %add3A_192 = arith.addi %mul3A_2, %add3A_191 : i32
    %dma_start3A_193 = arith.constant 0 : i32
    %dma_start3A_194 = arith.constant 0 : i32
    %dma_start3A_195 = arith.constant 0 : i32
    %dma_start3A_196 = arith.constant 0 : i32
    %dma_start3A_197 = tpu.memref_slice %arg7[%dma_start3A_193, %dma_start3A_195, %dma_start3A_196] : memref<4x16x512xf32, #tpu.memory_space<vmem>> -> memref<1x16x512xf32, #tpu.memory_space<vmem>>
    %dma_start3A_198 = tpu.memref_squeeze %dma_start3A_197 : memref<1x16x512xf32, #tpu.memory_space<vmem>> -> memref<16x512xf32, #tpu.memory_space<vmem>>
    %dma_start3A_199 = arith.constant 0 : i32
    %dma_start3A_200 = tpu.memref_slice %arg4[%dma_start3A_194, %add3A_192, %dma_start3A_199] : memref<4x4096x1024xf32, #tpu.memory_space<hbm>> -> memref<1x16x512xf32, #tpu.memory_space<hbm>>
    %dma_start3A_201 = tpu.memref_squeeze %dma_start3A_200 : memref<1x16x512xf32, #tpu.memory_space<hbm>> -> memref<16x512xf32, #tpu.memory_space<hbm>>
    %dma_start3A_202 = arith.constant 0 : i32
    %dma_start3A_203 = tpu.memref_slice %arg4[%dma_start3A_194, %add3A_192, %dma_start3A_202] : memref<4x4096x1024xf32, #tpu.memory_space<hbm>> -> memref<1x16x512xf32, #tpu.memory_space<hbm>>
    %dma_start3A_204 = tpu.memref_squeeze %dma_start3A_203 : memref<1x16x512xf32, #tpu.memory_space<hbm>> -> memref<16x512xf32, #tpu.memory_space<hbm>>
    %dma_start3A_205 = arith.constant 0 : i32
    %dma_start3A_206 = arith.constant 0 : i32
    %dma_start3A_207 = tpu.memref_slice %arg7[%dma_start3A_193, %dma_start3A_205, %dma_start3A_206] : memref<4x16x512xf32, #tpu.memory_space<vmem>> -> memref<1x16x512xf32, #tpu.memory_space<vmem>>
    %dma_start3A_208 = tpu.memref_squeeze %dma_start3A_207 : memref<1x16x512xf32, #tpu.memory_space<vmem>> -> memref<16x512xf32, #tpu.memory_space<vmem>>
    tpu.enqueue_dma source(%dma_start3A_208 : memref<16x512xf32, #tpu.memory_space<vmem>>) target(%dma_start3A_204 : memref<16x512xf32, #tpu.memory_space<hbm>>) target_semaphore(%arg14 : memref<!tpu.dma_semaphore, #tpu.memory_space<semaphore_mem>>)
    %add3A_209 = arith.constant 48 : i32
    %add3A_210 = arith.addi %mul3A_2, %add3A_209 : i32
    %dma_start3A_211 = arith.constant 0 : i32
    %dma_start3A_212 = arith.constant 3 : i32
    %dma_start3A_213 = arith.constant 0 : i32
    %dma_start3A_214 = arith.constant 0 : i32
    %dma_start3A_215 = tpu.memref_slice %arg7[%dma_start3A_212, %dma_start3A_213, %dma_start3A_214] : memref<4x16x512xf32, #tpu.memory_space<vmem>> -> memref<1x16x512xf32, #tpu.memory_space<vmem>>
    %dma_start3A_216 = tpu.memref_squeeze %dma_start3A_215 : memref<1x16x512xf32, #tpu.memory_space<vmem>> -> memref<16x512xf32, #tpu.memory_space<vmem>>
    %dma_start3A_217 = arith.constant 0 : i32
    %dma_start3A_218 = tpu.memref_slice %arg2[%dma_start3A_211, %add3A_210, %dma_start3A_217] : memref<4x4096x512xf32, #tpu.memory_space<hbm>> -> memref<1x16x512xf32, #tpu.memory_space<hbm>>
    %dma_start3A_219 = tpu.memref_squeeze %dma_start3A_218 : memref<1x16x512xf32, #tpu.memory_space<hbm>> -> memref<16x512xf32, #tpu.memory_space<hbm>>
    %dma_start3A_220 = arith.constant 0 : i32
    %dma_start3A_221 = arith.constant 0 : i32
    %dma_start3A_222 = tpu.memref_slice %arg7[%dma_start3A_212, %dma_start3A_220, %dma_start3A_221] : memref<4x16x512xf32, #tpu.memory_space<vmem>> -> memref<1x16x512xf32, #tpu.memory_space<vmem>>
    %dma_start3A_223 = tpu.memref_squeeze %dma_start3A_222 : memref<1x16x512xf32, #tpu.memory_space<vmem>> -> memref<16x512xf32, #tpu.memory_space<vmem>>
    %dma_start3A_224 = arith.constant 0 : i32
    %dma_start3A_225 = tpu.memref_slice %arg2[%dma_start3A_211, %add3A_210, %dma_start3A_224] : memref<4x4096x512xf32, #tpu.memory_space<hbm>> -> memref<1x16x512xf32, #tpu.memory_space<hbm>>
    %dma_start3A_226 = tpu.memref_squeeze %dma_start3A_225 : memref<1x16x512xf32, #tpu.memory_space<hbm>> -> memref<16x512xf32, #tpu.memory_space<hbm>>
    tpu.enqueue_dma source(%dma_start3A_226 : memref<16x512xf32, #tpu.memory_space<hbm>>) target(%dma_start3A_223 : memref<16x512xf32, #tpu.memory_space<vmem>>) target_semaphore(%arg13 : memref<!tpu.dma_semaphore, #tpu.memory_space<semaphore_mem>>)
    %dma_wait3A_227 = arith.constant 0 : i32
    %dma_wait3A_228 = arith.constant 1 : i32
    %dma_wait3A_229 = arith.constant 0 : i32
    %dma_wait3A_230 = arith.constant 0 : i32
    %dma_wait3A_231 = tpu.memref_slice %arg7[%dma_wait3A_228, %dma_wait3A_229, %dma_wait3A_230] : memref<4x16x512xf32, #tpu.memory_space<vmem>> -> memref<1x16x512xf32, #tpu.memory_space<vmem>>
    %dma_wait3A_232 = tpu.memref_squeeze %dma_wait3A_231 : memref<1x16x512xf32, #tpu.memory_space<vmem>> -> memref<16x512xf32, #tpu.memory_space<vmem>>
    %dma_wait3A_233 = arith.constant 0 : i32
    %dma_wait3A_234 = tpu.memref_slice %arg2[%dma_wait3A_227, %add3A_21, %dma_wait3A_233] : memref<4x4096x512xf32, #tpu.memory_space<hbm>> -> memref<1x16x512xf32, #tpu.memory_space<hbm>>
    %dma_wait3A_235 = tpu.memref_squeeze %dma_wait3A_234 : memref<1x16x512xf32, #tpu.memory_space<hbm>> -> memref<16x512xf32, #tpu.memory_space<hbm>>
    %dma_wait3A_236 = arith.constant 0 : i32
    %dma_wait3A_237 = arith.constant 0 : i32
    %dma_wait3A_238 = tpu.memref_slice %arg7[%dma_wait3A_228, %dma_wait3A_236, %dma_wait3A_237] : memref<4x16x512xf32, #tpu.memory_space<vmem>> -> memref<1x16x512xf32, #tpu.memory_space<vmem>>
    %dma_wait3A_239 = tpu.memref_squeeze %dma_wait3A_238 : memref<1x16x512xf32, #tpu.memory_space<vmem>> -> memref<16x512xf32, #tpu.memory_space<vmem>>
    %dma_wait3A_240 = arith.constant 0 : i32
    %dma_wait3A_241 = tpu.memref_slice %arg2[%dma_wait3A_227, %add3A_21, %dma_wait3A_240] : memref<4x4096x512xf32, #tpu.memory_space<hbm>> -> memref<1x16x512xf32, #tpu.memory_space<hbm>>
    %dma_wait3A_242 = tpu.memref_squeeze %dma_wait3A_241 : memref<1x16x512xf32, #tpu.memory_space<hbm>> -> memref<16x512xf32, #tpu.memory_space<hbm>>
    tpu.wait_dma2 semaphore(%arg11 : memref<!tpu.dma_semaphore, #tpu.memory_space<semaphore_mem>>) src(%dma_wait3A_242 : memref<16x512xf32, #tpu.memory_space<hbm>>) dst(%dma_wait3A_239 : memref<16x512xf32, #tpu.memory_space<vmem>>)
    %add3A_243 = arith.constant 16 : i32
    %add3A_244 = arith.addi %mul3A_2, %add3A_243 : i32
    %dma_start3A_245 = arith.constant 1 : i32
    %dma_start3A_246 = arith.constant 0 : i32
    %dma_start3A_247 = arith.constant 0 : i32
    %dma_start3A_248 = arith.constant 0 : i32
    %dma_start3A_249 = tpu.memref_slice %arg7[%dma_start3A_245, %dma_start3A_247, %dma_start3A_248] : memref<4x16x512xf32, #tpu.memory_space<vmem>> -> memref<1x16x512xf32, #tpu.memory_space<vmem>>
    %dma_start3A_250 = tpu.memref_squeeze %dma_start3A_249 : memref<1x16x512xf32, #tpu.memory_space<vmem>> -> memref<16x512xf32, #tpu.memory_space<vmem>>
    %dma_start3A_251 = arith.constant 0 : i32
    %dma_start3A_252 = tpu.memref_slice %arg4[%dma_start3A_246, %add3A_244, %dma_start3A_251] : memref<4x4096x1024xf32, #tpu.memory_space<hbm>> -> memref<1x16x512xf32, #tpu.memory_space<hbm>>
    %dma_start3A_253 = tpu.memref_squeeze %dma_start3A_252 : memref<1x16x512xf32, #tpu.memory_space<hbm>> -> memref<16x512xf32, #tpu.memory_space<hbm>>
    %dma_start3A_254 = arith.constant 0 : i32
    %dma_start3A_255 = tpu.memref_slice %arg4[%dma_start3A_246, %add3A_244, %dma_start3A_254] : memref<4x4096x1024xf32, #tpu.memory_space<hbm>> -> memref<1x16x512xf32, #tpu.memory_space<hbm>>
    %dma_start3A_256 = tpu.memref_squeeze %dma_start3A_255 : memref<1x16x512xf32, #tpu.memory_space<hbm>> -> memref<16x512xf32, #tpu.memory_space<hbm>>
    %dma_start3A_257 = arith.constant 0 : i32
    %dma_start3A_258 = arith.constant 0 : i32
    %dma_start3A_259 = tpu.memref_slice %arg7[%dma_start3A_245, %dma_start3A_257, %dma_start3A_258] : memref<4x16x512xf32, #tpu.memory_space<vmem>> -> memref<1x16x512xf32, #tpu.memory_space<vmem>>
    %dma_start3A_260 = tpu.memref_squeeze %dma_start3A_259 : memref<1x16x512xf32, #tpu.memory_space<vmem>> -> memref<16x512xf32, #tpu.memory_space<vmem>>
    tpu.enqueue_dma source(%dma_start3A_260 : memref<16x512xf32, #tpu.memory_space<vmem>>) target(%dma_start3A_256 : memref<16x512xf32, #tpu.memory_space<hbm>>) target_semaphore(%arg15 : memref<!tpu.dma_semaphore, #tpu.memory_space<semaphore_mem>>)
    %dma_wait3A_261 = arith.constant 0 : i32
    %dma_wait3A_262 = arith.constant 0 : i32
    %dma_wait3A_263 = arith.constant 0 : i32
    %dma_wait3A_264 = arith.constant 0 : i32
    %dma_wait3A_265 = tpu.memref_slice %arg7[%dma_wait3A_261, %dma_wait3A_263, %dma_wait3A_264] : memref<4x16x512xf32, #tpu.memory_space<vmem>> -> memref<1x16x512xf32, #tpu.memory_space<vmem>>
    %dma_wait3A_266 = tpu.memref_squeeze %dma_wait3A_265 : memref<1x16x512xf32, #tpu.memory_space<vmem>> -> memref<16x512xf32, #tpu.memory_space<vmem>>
    %dma_wait3A_267 = arith.constant 0 : i32
    %dma_wait3A_268 = tpu.memref_slice %arg4[%dma_wait3A_262, %add3A_192, %dma_wait3A_267] : memref<4x4096x1024xf32, #tpu.memory_space<hbm>> -> memref<1x16x512xf32, #tpu.memory_space<hbm>>
    %dma_wait3A_269 = tpu.memref_squeeze %dma_wait3A_268 : memref<1x16x512xf32, #tpu.memory_space<hbm>> -> memref<16x512xf32, #tpu.memory_space<hbm>>
    %dma_wait3A_270 = arith.constant 0 : i32
    %dma_wait3A_271 = tpu.memref_slice %arg4[%dma_wait3A_262, %add3A_192, %dma_wait3A_270] : memref<4x4096x1024xf32, #tpu.memory_space<hbm>> -> memref<1x16x512xf32, #tpu.memory_space<hbm>>
    %dma_wait3A_272 = tpu.memref_squeeze %dma_wait3A_271 : memref<1x16x512xf32, #tpu.memory_space<hbm>> -> memref<16x512xf32, #tpu.memory_space<hbm>>
    %dma_wait3A_273 = arith.constant 0 : i32
    %dma_wait3A_274 = arith.constant 0 : i32
    %dma_wait3A_275 = tpu.memref_slice %arg7[%dma_wait3A_261, %dma_wait3A_273, %dma_wait3A_274] : memref<4x16x512xf32, #tpu.memory_space<vmem>> -> memref<1x16x512xf32, #tpu.memory_space<vmem>>
    %dma_wait3A_276 = tpu.memref_squeeze %dma_wait3A_275 : memref<1x16x512xf32, #tpu.memory_space<vmem>> -> memref<16x512xf32, #tpu.memory_space<vmem>>
    tpu.wait_dma2 semaphore(%arg14 : memref<!tpu.dma_semaphore, #tpu.memory_space<semaphore_mem>>) src(%dma_wait3A_276 : memref<16x512xf32, #tpu.memory_space<vmem>>) dst(%dma_wait3A_272 : memref<16x512xf32, #tpu.memory_space<hbm>>)
    %add3A_277 = arith.constant 64 : i32
    %add3A_278 = arith.addi %mul3A_2, %add3A_277 : i32
    %dma_start3A_279 = arith.constant 0 : i32
    %dma_start3A_280 = arith.constant 0 : i32
    %dma_start3A_281 = arith.constant 0 : i32
    %dma_start3A_282 = arith.constant 0 : i32
    %dma_start3A_283 = tpu.memref_slice %arg7[%dma_start3A_280, %dma_start3A_281, %dma_start3A_282] : memref<4x16x512xf32, #tpu.memory_space<vmem>> -> memref<1x16x512xf32, #tpu.memory_space<vmem>>
    %dma_start3A_284 = tpu.memref_squeeze %dma_start3A_283 : memref<1x16x512xf32, #tpu.memory_space<vmem>> -> memref<16x512xf32, #tpu.memory_space<vmem>>
    %dma_start3A_285 = arith.constant 0 : i32
    %dma_start3A_286 = tpu.memref_slice %arg2[%dma_start3A_279, %add3A_278, %dma_start3A_285] : memref<4x4096x512xf32, #tpu.memory_space<hbm>> -> memref<1x16x512xf32, #tpu.memory_space<hbm>>
    %dma_start3A_287 = tpu.memref_squeeze %dma_start3A_286 : memref<1x16x512xf32, #tpu.memory_space<hbm>> -> memref<16x512xf32, #tpu.memory_space<hbm>>
    %dma_start3A_288 = arith.constant 0 : i32
    %dma_start3A_289 = arith.constant 0 : i32
    %dma_start3A_290 = tpu.memref_slice %arg7[%dma_start3A_280, %dma_start3A_288, %dma_start3A_289] : memref<4x16x512xf32, #tpu.memory_space<vmem>> -> memref<1x16x512xf32, #tpu.memory_space<vmem>>
    %dma_start3A_291 = tpu.memref_squeeze %dma_start3A_290 : memref<1x16x512xf32, #tpu.memory_space<vmem>> -> memref<16x512xf32, #tpu.memory_space<vmem>>
    %dma_start3A_292 = arith.constant 0 : i32
    %dma_start3A_293 = tpu.memref_slice %arg2[%dma_start3A_279, %add3A_278, %dma_start3A_292] : memref<4x4096x512xf32, #tpu.memory_space<hbm>> -> memref<1x16x512xf32, #tpu.memory_space<hbm>>
    %dma_start3A_294 = tpu.memref_squeeze %dma_start3A_293 : memref<1x16x512xf32, #tpu.memory_space<hbm>> -> memref<16x512xf32, #tpu.memory_space<hbm>>
    tpu.enqueue_dma source(%dma_start3A_294 : memref<16x512xf32, #tpu.memory_space<hbm>>) target(%dma_start3A_291 : memref<16x512xf32, #tpu.memory_space<vmem>>) target_semaphore(%arg10 : memref<!tpu.dma_semaphore, #tpu.memory_space<semaphore_mem>>)
    %dma_wait3A_295 = arith.constant 0 : i32
    %dma_wait3A_296 = arith.constant 2 : i32
    %dma_wait3A_297 = arith.constant 0 : i32
    %dma_wait3A_298 = arith.constant 0 : i32
    %dma_wait3A_299 = tpu.memref_slice %arg7[%dma_wait3A_296, %dma_wait3A_297, %dma_wait3A_298] : memref<4x16x512xf32, #tpu.memory_space<vmem>> -> memref<1x16x512xf32, #tpu.memory_space<vmem>>
    %dma_wait3A_300 = tpu.memref_squeeze %dma_wait3A_299 : memref<1x16x512xf32, #tpu.memory_space<vmem>> -> memref<16x512xf32, #tpu.memory_space<vmem>>
    %dma_wait3A_301 = arith.constant 0 : i32
    %dma_wait3A_302 = tpu.memref_slice %arg2[%dma_wait3A_295, %add3A_158, %dma_wait3A_301] : memref<4x4096x512xf32, #tpu.memory_space<hbm>> -> memref<1x16x512xf32, #tpu.memory_space<hbm>>
    %dma_wait3A_303 = tpu.memref_squeeze %dma_wait3A_302 : memref<1x16x512xf32, #tpu.memory_space<hbm>> -> memref<16x512xf32, #tpu.memory_space<hbm>>
    %dma_wait3A_304 = arith.constant 0 : i32
    %dma_wait3A_305 = arith.constant 0 : i32
    %dma_wait3A_306 = tpu.memref_slice %arg7[%dma_wait3A_296, %dma_wait3A_304, %dma_wait3A_305] : memref<4x16x512xf32, #tpu.memory_space<vmem>> -> memref<1x16x512xf32, #tpu.memory_space<vmem>>
    %dma_wait3A_307 = tpu.memref_squeeze %dma_wait3A_306 : memref<1x16x512xf32, #tpu.memory_space<vmem>> -> memref<16x512xf32, #tpu.memory_space<vmem>>
    %dma_wait3A_308 = arith.constant 0 : i32
    %dma_wait3A_309 = tpu.memref_slice %arg2[%dma_wait3A_295, %add3A_158, %dma_wait3A_308] : memref<4x4096x512xf32, #tpu.memory_space<hbm>> -> memref<1x16x512xf32, #tpu.memory_space<hbm>>
    %dma_wait3A_310 = tpu.memref_squeeze %dma_wait3A_309 : memref<1x16x512xf32, #tpu.memory_space<hbm>> -> memref<16x512xf32, #tpu.memory_space<hbm>>
    tpu.wait_dma2 semaphore(%arg12 : memref<!tpu.dma_semaphore, #tpu.memory_space<semaphore_mem>>) src(%dma_wait3A_310 : memref<16x512xf32, #tpu.memory_space<hbm>>) dst(%dma_wait3A_307 : memref<16x512xf32, #tpu.memory_space<vmem>>)
    %add3A_311 = arith.constant 32 : i32
    %add3A_312 = arith.addi %mul3A_2, %add3A_311 : i32
    %dma_start3A_313 = arith.constant 2 : i32
    %dma_start3A_314 = arith.constant 0 : i32
    %dma_start3A_315 = arith.constant 0 : i32
    %dma_start3A_316 = arith.constant 0 : i32
    %dma_start3A_317 = tpu.memref_slice %arg7[%dma_start3A_313, %dma_start3A_315, %dma_start3A_316] : memref<4x16x512xf32, #tpu.memory_space<vmem>> -> memref<1x16x512xf32, #tpu.memory_space<vmem>>
    %dma_start3A_318 = tpu.memref_squeeze %dma_start3A_317 : memref<1x16x512xf32, #tpu.memory_space<vmem>> -> memref<16x512xf32, #tpu.memory_space<vmem>>
    %dma_start3A_319 = arith.constant 0 : i32
    %dma_start3A_320 = tpu.memref_slice %arg4[%dma_start3A_314, %add3A_312, %dma_start3A_319] : memref<4x4096x1024xf32, #tpu.memory_space<hbm>> -> memref<1x16x512xf32, #tpu.memory_space<hbm>>
    %dma_start3A_321 = tpu.memref_squeeze %dma_start3A_320 : memref<1x16x512xf32, #tpu.memory_space<hbm>> -> memref<16x512xf32, #tpu.memory_space<hbm>>
    %dma_start3A_322 = arith.constant 0 : i32
    %dma_start3A_323 = tpu.memref_slice %arg4[%dma_start3A_314, %add3A_312, %dma_start3A_322] : memref<4x4096x1024xf32, #tpu.memory_space<hbm>> -> memref<1x16x512xf32, #tpu.memory_space<hbm>>
    %dma_start3A_324 = tpu.memref_squeeze %dma_start3A_323 : memref<1x16x512xf32, #tpu.memory_space<hbm>> -> memref<16x512xf32, #tpu.memory_space<hbm>>
    %dma_start3A_325 = arith.constant 0 : i32
    %dma_start3A_326 = arith.constant 0 : i32
    %dma_start3A_327 = tpu.memref_slice %arg7[%dma_start3A_313, %dma_start3A_325, %dma_start3A_326] : memref<4x16x512xf32, #tpu.memory_space<vmem>> -> memref<1x16x512xf32, #tpu.memory_space<vmem>>
    %dma_start3A_328 = tpu.memref_squeeze %dma_start3A_327 : memref<1x16x512xf32, #tpu.memory_space<vmem>> -> memref<16x512xf32, #tpu.memory_space<vmem>>
    tpu.enqueue_dma source(%dma_start3A_328 : memref<16x512xf32, #tpu.memory_space<vmem>>) target(%dma_start3A_324 : memref<16x512xf32, #tpu.memory_space<hbm>>) target_semaphore(%arg16 : memref<!tpu.dma_semaphore, #tpu.memory_space<semaphore_mem>>)
    %dma_wait3A_329 = arith.constant 1 : i32
    %dma_wait3A_330 = arith.constant 0 : i32
    %dma_wait3A_331 = arith.constant 0 : i32
    %dma_wait3A_332 = arith.constant 0 : i32
    %dma_wait3A_333 = tpu.memref_slice %arg7[%dma_wait3A_329, %dma_wait3A_331, %dma_wait3A_332] : memref<4x16x512xf32, #tpu.memory_space<vmem>> -> memref<1x16x512xf32, #tpu.memory_space<vmem>>
    %dma_wait3A_334 = tpu.memref_squeeze %dma_wait3A_333 : memref<1x16x512xf32, #tpu.memory_space<vmem>> -> memref<16x512xf32, #tpu.memory_space<vmem>>
    %dma_wait3A_335 = arith.constant 0 : i32
    %dma_wait3A_336 = tpu.memref_slice %arg4[%dma_wait3A_330, %add3A_244, %dma_wait3A_335] : memref<4x4096x1024xf32, #tpu.memory_space<hbm>> -> memref<1x16x512xf32, #tpu.memory_space<hbm>>
    %dma_wait3A_337 = tpu.memref_squeeze %dma_wait3A_336 : memref<1x16x512xf32, #tpu.memory_space<hbm>> -> memref<16x512xf32, #tpu.memory_space<hbm>>
    %dma_wait3A_338 = arith.constant 0 : i32
    %dma_wait3A_339 = tpu.memref_slice %arg4[%dma_wait3A_330, %add3A_244, %dma_wait3A_338] : memref<4x4096x1024xf32, #tpu.memory_space<hbm>> -> memref<1x16x512xf32, #tpu.memory_space<hbm>>
    %dma_wait3A_340 = tpu.memref_squeeze %dma_wait3A_339 : memref<1x16x512xf32, #tpu.memory_space<hbm>> -> memref<16x512xf32, #tpu.memory_space<hbm>>
    %dma_wait3A_341 = arith.constant 0 : i32
    %dma_wait3A_342 = arith.constant 0 : i32
    %dma_wait3A_343 = tpu.memref_slice %arg7[%dma_wait3A_329, %dma_wait3A_341, %dma_wait3A_342] : memref<4x16x512xf32, #tpu.memory_space<vmem>> -> memref<1x16x512xf32, #tpu.memory_space<vmem>>
    %dma_wait3A_344 = tpu.memref_squeeze %dma_wait3A_343 : memref<1x16x512xf32, #tpu.memory_space<vmem>> -> memref<16x512xf32, #tpu.memory_space<vmem>>
    tpu.wait_dma2 semaphore(%arg15 : memref<!tpu.dma_semaphore, #tpu.memory_space<semaphore_mem>>) src(%dma_wait3A_344 : memref<16x512xf32, #tpu.memory_space<vmem>>) dst(%dma_wait3A_340 : memref<16x512xf32, #tpu.memory_space<hbm>>)
    %add3A_345 = arith.constant 80 : i32
    %add3A_346 = arith.addi %mul3A_2, %add3A_345 : i32
    %dma_start3A_347 = arith.constant 0 : i32
    %dma_start3A_348 = arith.constant 1 : i32
    %dma_start3A_349 = arith.constant 0 : i32
    %dma_start3A_350 = arith.constant 0 : i32
    %dma_start3A_351 = tpu.memref_slice %arg7[%dma_start3A_348, %dma_start3A_349, %dma_start3A_350] : memref<4x16x512xf32, #tpu.memory_space<vmem>> -> memref<1x16x512xf32, #tpu.memory_space<vmem>>
    %dma_start3A_352 = tpu.memref_squeeze %dma_start3A_351 : memref<1x16x512xf32, #tpu.memory_space<vmem>> -> memref<16x512xf32, #tpu.memory_space<vmem>>
    %dma_start3A_353 = arith.constant 0 : i32
    %dma_start3A_354 = tpu.memref_slice %arg2[%dma_start3A_347, %add3A_346, %dma_start3A_353] : memref<4x4096x512xf32, #tpu.memory_space<hbm>> -> memref<1x16x512xf32, #tpu.memory_space<hbm>>
    %dma_start3A_355 = tpu.memref_squeeze %dma_start3A_354 : memref<1x16x512xf32, #tpu.memory_space<hbm>> -> memref<16x512xf32, #tpu.memory_space<hbm>>
    %dma_start3A_356 = arith.constant 0 : i32
    %dma_start3A_357 = arith.constant 0 : i32
    %dma_start3A_358 = tpu.memref_slice %arg7[%dma_start3A_348, %dma_start3A_356, %dma_start3A_357] : memref<4x16x512xf32, #tpu.memory_space<vmem>> -> memref<1x16x512xf32, #tpu.memory_space<vmem>>
    %dma_start3A_359 = tpu.memref_squeeze %dma_start3A_358 : memref<1x16x512xf32, #tpu.memory_space<vmem>> -> memref<16x512xf32, #tpu.memory_space<vmem>>
    %dma_start3A_360 = arith.constant 0 : i32
    %dma_start3A_361 = tpu.memref_slice %arg2[%dma_start3A_347, %add3A_346, %dma_start3A_360] : memref<4x4096x512xf32, #tpu.memory_space<hbm>> -> memref<1x16x512xf32, #tpu.memory_space<hbm>>
    %dma_start3A_362 = tpu.memref_squeeze %dma_start3A_361 : memref<1x16x512xf32, #tpu.memory_space<hbm>> -> memref<16x512xf32, #tpu.memory_space<hbm>>
    tpu.enqueue_dma source(%dma_start3A_362 : memref<16x512xf32, #tpu.memory_space<hbm>>) target(%dma_start3A_359 : memref<16x512xf32, #tpu.memory_space<vmem>>) target_semaphore(%arg11 : memref<!tpu.dma_semaphore, #tpu.memory_space<semaphore_mem>>)
    %dma_wait3A_363 = arith.constant 0 : i32
    %dma_wait3A_364 = arith.constant 3 : i32
    %dma_wait3A_365 = arith.constant 0 : i32
    %dma_wait3A_366 = arith.constant 0 : i32
    %dma_wait3A_367 = tpu.memref_slice %arg7[%dma_wait3A_364, %dma_wait3A_365, %dma_wait3A_366] : memref<4x16x512xf32, #tpu.memory_space<vmem>> -> memref<1x16x512xf32, #tpu.memory_space<vmem>>
    %dma_wait3A_368 = tpu.memref_squeeze %dma_wait3A_367 : memref<1x16x512xf32, #tpu.memory_space<vmem>> -> memref<16x512xf32, #tpu.memory_space<vmem>>
    %dma_wait3A_369 = arith.constant 0 : i32
    %dma_wait3A_370 = tpu.memref_slice %arg2[%dma_wait3A_363, %add3A_210, %dma_wait3A_369] : memref<4x4096x512xf32, #tpu.memory_space<hbm>> -> memref<1x16x512xf32, #tpu.memory_space<hbm>>
    %dma_wait3A_371 = tpu.memref_squeeze %dma_wait3A_370 : memref<1x16x512xf32, #tpu.memory_space<hbm>> -> memref<16x512xf32, #tpu.memory_space<hbm>>
    %dma_wait3A_372 = arith.constant 0 : i32
    %dma_wait3A_373 = arith.constant 0 : i32
    %dma_wait3A_374 = tpu.memref_slice %arg7[%dma_wait3A_364, %dma_wait3A_372, %dma_wait3A_373] : memref<4x16x512xf32, #tpu.memory_space<vmem>> -> memref<1x16x512xf32, #tpu.memory_space<vmem>>
    %dma_wait3A_375 = tpu.memref_squeeze %dma_wait3A_374 : memref<1x16x512xf32, #tpu.memory_space<vmem>> -> memref<16x512xf32, #tpu.memory_space<vmem>>
    %dma_wait3A_376 = arith.constant 0 : i32
    %dma_wait3A_377 = tpu.memref_slice %arg2[%dma_wait3A_363, %add3A_210, %dma_wait3A_376] : memref<4x4096x512xf32, #tpu.memory_space<hbm>> -> memref<1x16x512xf32, #tpu.memory_space<hbm>>
    %dma_wait3A_378 = tpu.memref_squeeze %dma_wait3A_377 : memref<1x16x512xf32, #tpu.memory_space<hbm>> -> memref<16x512xf32, #tpu.memory_space<hbm>>
    tpu.wait_dma2 semaphore(%arg13 : memref<!tpu.dma_semaphore, #tpu.memory_space<semaphore_mem>>) src(%dma_wait3A_378 : memref<16x512xf32, #tpu.memory_space<hbm>>) dst(%dma_wait3A_375 : memref<16x512xf32, #tpu.memory_space<vmem>>)
    %add3A_379 = arith.constant 48 : i32
    %add3A_380 = arith.addi %mul3A_2, %add3A_379 : i32
    %dma_start3A_381 = arith.constant 3 : i32
    %dma_start3A_382 = arith.constant 0 : i32
    %dma_start3A_383 = arith.constant 0 : i32
    %dma_start3A_384 = arith.constant 0 : i32
    %dma_start3A_385 = tpu.memref_slice %arg7[%dma_start3A_381, %dma_start3A_383, %dma_start3A_384] : memref<4x16x512xf32, #tpu.memory_space<vmem>> -> memref<1x16x512xf32, #tpu.memory_space<vmem>>
    %dma_start3A_386 = tpu.memref_squeeze %dma_start3A_385 : memref<1x16x512xf32, #tpu.memory_space<vmem>> -> memref<16x512xf32, #tpu.memory_space<vmem>>
    %dma_start3A_387 = arith.constant 0 : i32
    %dma_start3A_388 = tpu.memref_slice %arg4[%dma_start3A_382, %add3A_380, %dma_start3A_387] : memref<4x4096x1024xf32, #tpu.memory_space<hbm>> -> memref<1x16x512xf32, #tpu.memory_space<hbm>>
    %dma_start3A_389 = tpu.memref_squeeze %dma_start3A_388 : memref<1x16x512xf32, #tpu.memory_space<hbm>> -> memref<16x512xf32, #tpu.memory_space<hbm>>
    %dma_start3A_390 = arith.constant 0 : i32
    %dma_start3A_391 = tpu.memref_slice %arg4[%dma_start3A_382, %add3A_380, %dma_start3A_390] : memref<4x4096x1024xf32, #tpu.memory_space<hbm>> -> memref<1x16x512xf32, #tpu.memory_space<hbm>>
    %dma_start3A_392 = tpu.memref_squeeze %dma_start3A_391 : memref<1x16x512xf32, #tpu.memory_space<hbm>> -> memref<16x512xf32, #tpu.memory_space<hbm>>
    %dma_start3A_393 = arith.constant 0 : i32
    %dma_start3A_394 = arith.constant 0 : i32
    %dma_start3A_395 = tpu.memref_slice %arg7[%dma_start3A_381, %dma_start3A_393, %dma_start3A_394] : memref<4x16x512xf32, #tpu.memory_space<vmem>> -> memref<1x16x512xf32, #tpu.memory_space<vmem>>
    %dma_start3A_396 = tpu.memref_squeeze %dma_start3A_395 : memref<1x16x512xf32, #tpu.memory_space<vmem>> -> memref<16x512xf32, #tpu.memory_space<vmem>>
    tpu.enqueue_dma source(%dma_start3A_396 : memref<16x512xf32, #tpu.memory_space<vmem>>) target(%dma_start3A_392 : memref<16x512xf32, #tpu.memory_space<hbm>>) target_semaphore(%arg17 : memref<!tpu.dma_semaphore, #tpu.memory_space<semaphore_mem>>)
    %dma_wait3A_397 = arith.constant 2 : i32
    %dma_wait3A_398 = arith.constant 0 : i32
    %dma_wait3A_399 = arith.constant 0 : i32
    %dma_wait3A_400 = arith.constant 0 : i32
    %dma_wait3A_401 = tpu.memref_slice %arg7[%dma_wait3A_397, %dma_wait3A_399, %dma_wait3A_400] : memref<4x16x512xf32, #tpu.memory_space<vmem>> -> memref<1x16x512xf32, #tpu.memory_space<vmem>>
    %dma_wait3A_402 = tpu.memref_squeeze %dma_wait3A_401 : memref<1x16x512xf32, #tpu.memory_space<vmem>> -> memref<16x512xf32, #tpu.memory_space<vmem>>
    %dma_wait3A_403 = arith.constant 0 : i32
    %dma_wait3A_404 = tpu.memref_slice %arg4[%dma_wait3A_398, %add3A_312, %dma_wait3A_403] : memref<4x4096x1024xf32, #tpu.memory_space<hbm>> -> memref<1x16x512xf32, #tpu.memory_space<hbm>>
    %dma_wait3A_405 = tpu.memref_squeeze %dma_wait3A_404 : memref<1x16x512xf32, #tpu.memory_space<hbm>> -> memref<16x512xf32, #tpu.memory_space<hbm>>
    %dma_wait3A_406 = arith.constant 0 : i32
    %dma_wait3A_407 = tpu.memref_slice %arg4[%dma_wait3A_398, %add3A_312, %dma_wait3A_406] : memref<4x4096x1024xf32, #tpu.memory_space<hbm>> -> memref<1x16x512xf32, #tpu.memory_space<hbm>>
    %dma_wait3A_408 = tpu.memref_squeeze %dma_wait3A_407 : memref<1x16x512xf32, #tpu.memory_space<hbm>> -> memref<16x512xf32, #tpu.memory_space<hbm>>
    %dma_wait3A_409 = arith.constant 0 : i32
    %dma_wait3A_410 = arith.constant 0 : i32
    %dma_wait3A_411 = tpu.memref_slice %arg7[%dma_wait3A_397, %dma_wait3A_409, %dma_wait3A_410] : memref<4x16x512xf32, #tpu.memory_space<vmem>> -> memref<1x16x512xf32, #tpu.memory_space<vmem>>
    %dma_wait3A_412 = tpu.memref_squeeze %dma_wait3A_411 : memref<1x16x512xf32, #tpu.memory_space<vmem>> -> memref<16x512xf32, #tpu.memory_space<vmem>>
    tpu.wait_dma2 semaphore(%arg16 : memref<!tpu.dma_semaphore, #tpu.memory_space<semaphore_mem>>) src(%dma_wait3A_412 : memref<16x512xf32, #tpu.memory_space<vmem>>) dst(%dma_wait3A_408 : memref<16x512xf32, #tpu.memory_space<hbm>>)
    %add3A_413 = arith.constant 96 : i32
    %add3A_414 = arith.addi %mul3A_2, %add3A_413 : i32
    %dma_start3A_415 = arith.constant 0 : i32
    %dma_start3A_416 = arith.constant 2 : i32
    %dma_start3A_417 = arith.constant 0 : i32
    %dma_start3A_418 = arith.constant 0 : i32
    %dma_start3A_419 = tpu.memref_slice %arg7[%dma_start3A_416, %dma_start3A_417, %dma_start3A_418] : memref<4x16x512xf32, #tpu.memory_space<vmem>> -> memref<1x16x512xf32, #tpu.memory_space<vmem>>
    %dma_start3A_420 = tpu.memref_squeeze %dma_start3A_419 : memref<1x16x512xf32, #tpu.memory_space<vmem>> -> memref<16x512xf32, #tpu.memory_space<vmem>>
    %dma_start3A_421 = arith.constant 0 : i32
    %dma_start3A_422 = tpu.memref_slice %arg2[%dma_start3A_415, %add3A_414, %dma_start3A_421] : memref<4x4096x512xf32, #tpu.memory_space<hbm>> -> memref<1x16x512xf32, #tpu.memory_space<hbm>>
    %dma_start3A_423 = tpu.memref_squeeze %dma_start3A_422 : memref<1x16x512xf32, #tpu.memory_space<hbm>> -> memref<16x512xf32, #tpu.memory_space<hbm>>
    %dma_start3A_424 = arith.constant 0 : i32
    %dma_start3A_425 = arith.constant 0 : i32
    %dma_start3A_426 = tpu.memref_slice %arg7[%dma_start3A_416, %dma_start3A_424, %dma_start3A_425] : memref<4x16x512xf32, #tpu.memory_space<vmem>> -> memref<1x16x512xf32, #tpu.memory_space<vmem>>
    %dma_start3A_427 = tpu.memref_squeeze %dma_start3A_426 : memref<1x16x512xf32, #tpu.memory_space<vmem>> -> memref<16x512xf32, #tpu.memory_space<vmem>>
    %dma_start3A_428 = arith.constant 0 : i32
    %dma_start3A_429 = tpu.memref_slice %arg2[%dma_start3A_415, %add3A_414, %dma_start3A_428] : memref<4x4096x512xf32, #tpu.memory_space<hbm>> -> memref<1x16x512xf32, #tpu.memory_space<hbm>>
    %dma_start3A_430 = tpu.memref_squeeze %dma_start3A_429 : memref<1x16x512xf32, #tpu.memory_space<hbm>> -> memref<16x512xf32, #tpu.memory_space<hbm>>
    tpu.enqueue_dma source(%dma_start3A_430 : memref<16x512xf32, #tpu.memory_space<hbm>>) target(%dma_start3A_427 : memref<16x512xf32, #tpu.memory_space<vmem>>) target_semaphore(%arg12 : memref<!tpu.dma_semaphore, #tpu.memory_space<semaphore_mem>>)
    %dma_wait3A_431 = arith.constant 0 : i32
    %dma_wait3A_432 = arith.constant 0 : i32
    %dma_wait3A_433 = arith.constant 0 : i32
    %dma_wait3A_434 = arith.constant 0 : i32
    %dma_wait3A_435 = tpu.memref_slice %arg7[%dma_wait3A_432, %dma_wait3A_433, %dma_wait3A_434] : memref<4x16x512xf32, #tpu.memory_space<vmem>> -> memref<1x16x512xf32, #tpu.memory_space<vmem>>
    %dma_wait3A_436 = tpu.memref_squeeze %dma_wait3A_435 : memref<1x16x512xf32, #tpu.memory_space<vmem>> -> memref<16x512xf32, #tpu.memory_space<vmem>>
    %dma_wait3A_437 = arith.constant 0 : i32
    %dma_wait3A_438 = tpu.memref_slice %arg2[%dma_wait3A_431, %add3A_278, %dma_wait3A_437] : memref<4x4096x512xf32, #tpu.memory_space<hbm>> -> memref<1x16x512xf32, #tpu.memory_space<hbm>>
    %dma_wait3A_439 = tpu.memref_squeeze %dma_wait3A_438 : memref<1x16x512xf32, #tpu.memory_space<hbm>> -> memref<16x512xf32, #tpu.memory_space<hbm>>
    %dma_wait3A_440 = arith.constant 0 : i32
    %dma_wait3A_441 = arith.constant 0 : i32
    %dma_wait3A_442 = tpu.memref_slice %arg7[%dma_wait3A_432, %dma_wait3A_440, %dma_wait3A_441] : memref<4x16x512xf32, #tpu.memory_space<vmem>> -> memref<1x16x512xf32, #tpu.memory_space<vmem>>
    %dma_wait3A_443 = tpu.memref_squeeze %dma_wait3A_442 : memref<1x16x512xf32, #tpu.memory_space<vmem>> -> memref<16x512xf32, #tpu.memory_space<vmem>>
    %dma_wait3A_444 = arith.constant 0 : i32
    %dma_wait3A_445 = tpu.memref_slice %arg2[%dma_wait3A_431, %add3A_278, %dma_wait3A_444] : memref<4x4096x512xf32, #tpu.memory_space<hbm>> -> memref<1x16x512xf32, #tpu.memory_space<hbm>>
    %dma_wait3A_446 = tpu.memref_squeeze %dma_wait3A_445 : memref<1x16x512xf32, #tpu.memory_space<hbm>> -> memref<16x512xf32, #tpu.memory_space<hbm>>
    tpu.wait_dma2 semaphore(%arg10 : memref<!tpu.dma_semaphore, #tpu.memory_space<semaphore_mem>>) src(%dma_wait3A_446 : memref<16x512xf32, #tpu.memory_space<hbm>>) dst(%dma_wait3A_443 : memref<16x512xf32, #tpu.memory_space<vmem>>)
    %add3A_447 = arith.constant 64 : i32
    %add3A_448 = arith.addi %mul3A_2, %add3A_447 : i32
    %dma_start3A_449 = arith.constant 0 : i32
    %dma_start3A_450 = arith.constant 0 : i32
    %dma_start3A_451 = arith.constant 0 : i32
    %dma_start3A_452 = arith.constant 0 : i32
    %dma_start3A_453 = tpu.memref_slice %arg7[%dma_start3A_449, %dma_start3A_451, %dma_start3A_452] : memref<4x16x512xf32, #tpu.memory_space<vmem>> -> memref<1x16x512xf32, #tpu.memory_space<vmem>>
    %dma_start3A_454 = tpu.memref_squeeze %dma_start3A_453 : memref<1x16x512xf32, #tpu.memory_space<vmem>> -> memref<16x512xf32, #tpu.memory_space<vmem>>
    %dma_start3A_455 = arith.constant 0 : i32
    %dma_start3A_456 = tpu.memref_slice %arg4[%dma_start3A_450, %add3A_448, %dma_start3A_455] : memref<4x4096x1024xf32, #tpu.memory_space<hbm>> -> memref<1x16x512xf32, #tpu.memory_space<hbm>>
    %dma_start3A_457 = tpu.memref_squeeze %dma_start3A_456 : memref<1x16x512xf32, #tpu.memory_space<hbm>> -> memref<16x512xf32, #tpu.memory_space<hbm>>
    %dma_start3A_458 = arith.constant 0 : i32
    %dma_start3A_459 = tpu.memref_slice %arg4[%dma_start3A_450, %add3A_448, %dma_start3A_458] : memref<4x4096x1024xf32, #tpu.memory_space<hbm>> -> memref<1x16x512xf32, #tpu.memory_space<hbm>>
    %dma_start3A_460 = tpu.memref_squeeze %dma_start3A_459 : memref<1x16x512xf32, #tpu.memory_space<hbm>> -> memref<16x512xf32, #tpu.memory_space<hbm>>
    %dma_start3A_461 = arith.constant 0 : i32
    %dma_start3A_462 = arith.constant 0 : i32
    %dma_start3A_463 = tpu.memref_slice %arg7[%dma_start3A_449, %dma_start3A_461, %dma_start3A_462] : memref<4x16x512xf32, #tpu.memory_space<vmem>> -> memref<1x16x512xf32, #tpu.memory_space<vmem>>
    %dma_start3A_464 = tpu.memref_squeeze %dma_start3A_463 : memref<1x16x512xf32, #tpu.memory_space<vmem>> -> memref<16x512xf32, #tpu.memory_space<vmem>>
    tpu.enqueue_dma source(%dma_start3A_464 : memref<16x512xf32, #tpu.memory_space<vmem>>) target(%dma_start3A_460 : memref<16x512xf32, #tpu.memory_space<hbm>>) target_semaphore(%arg14 : memref<!tpu.dma_semaphore, #tpu.memory_space<semaphore_mem>>)
    %dma_wait3A_465 = arith.constant 3 : i32
    %dma_wait3A_466 = arith.constant 0 : i32
    %dma_wait3A_467 = arith.constant 0 : i32
    %dma_wait3A_468 = arith.constant 0 : i32
    %dma_wait3A_469 = tpu.memref_slice %arg7[%dma_wait3A_465, %dma_wait3A_467, %dma_wait3A_468] : memref<4x16x512xf32, #tpu.memory_space<vmem>> -> memref<1x16x512xf32, #tpu.memory_space<vmem>>
    %dma_wait3A_470 = tpu.memref_squeeze %dma_wait3A_469 : memref<1x16x512xf32, #tpu.memory_space<vmem>> -> memref<16x512xf32, #tpu.memory_space<vmem>>
    %dma_wait3A_471 = arith.constant 0 : i32
    %dma_wait3A_472 = tpu.memref_slice %arg4[%dma_wait3A_466, %add3A_380, %dma_wait3A_471] : memref<4x4096x1024xf32, #tpu.memory_space<hbm>> -> memref<1x16x512xf32, #tpu.memory_space<hbm>>
    %dma_wait3A_473 = tpu.memref_squeeze %dma_wait3A_472 : memref<1x16x512xf32, #tpu.memory_space<hbm>> -> memref<16x512xf32, #tpu.memory_space<hbm>>
    %dma_wait3A_474 = arith.constant 0 : i32
    %dma_wait3A_475 = tpu.memref_slice %arg4[%dma_wait3A_466, %add3A_380, %dma_wait3A_474] : memref<4x4096x1024xf32, #tpu.memory_space<hbm>> -> memref<1x16x512xf32, #tpu.memory_space<hbm>>
    %dma_wait3A_476 = tpu.memref_squeeze %dma_wait3A_475 : memref<1x16x512xf32, #tpu.memory_space<hbm>> -> memref<16x512xf32, #tpu.memory_space<hbm>>
    %dma_wait3A_477 = arith.constant 0 : i32
    %dma_wait3A_478 = arith.constant 0 : i32
    %dma_wait3A_479 = tpu.memref_slice %arg7[%dma_wait3A_465, %dma_wait3A_477, %dma_wait3A_478] : memref<4x16x512xf32, #tpu.memory_space<vmem>> -> memref<1x16x512xf32, #tpu.memory_space<vmem>>
    %dma_wait3A_480 = tpu.memref_squeeze %dma_wait3A_479 : memref<1x16x512xf32, #tpu.memory_space<vmem>> -> memref<16x512xf32, #tpu.memory_space<vmem>>
    tpu.wait_dma2 semaphore(%arg17 : memref<!tpu.dma_semaphore, #tpu.memory_space<semaphore_mem>>) src(%dma_wait3A_480 : memref<16x512xf32, #tpu.memory_space<vmem>>) dst(%dma_wait3A_476 : memref<16x512xf32, #tpu.memory_space<hbm>>)
    %add3A_481 = arith.constant 112 : i32
    %add3A_482 = arith.addi %mul3A_2, %add3A_481 : i32
    %dma_start3A_483 = arith.constant 0 : i32
    %dma_start3A_484 = arith.constant 3 : i32
    %dma_start3A_485 = arith.constant 0 : i32
    %dma_start3A_486 = arith.constant 0 : i32
    %dma_start3A_487 = tpu.memref_slice %arg7[%dma_start3A_484, %dma_start3A_485, %dma_start3A_486] : memref<4x16x512xf32, #tpu.memory_space<vmem>> -> memref<1x16x512xf32, #tpu.memory_space<vmem>>
    %dma_start3A_488 = tpu.memref_squeeze %dma_start3A_487 : memref<1x16x512xf32, #tpu.memory_space<vmem>> -> memref<16x512xf32, #tpu.memory_space<vmem>>
    %dma_start3A_489 = arith.constant 0 : i32
    %dma_start3A_490 = tpu.memref_slice %arg2[%dma_start3A_483, %add3A_482, %dma_start3A_489] : memref<4x4096x512xf32, #tpu.memory_space<hbm>> -> memref<1x16x512xf32, #tpu.memory_space<hbm>>
    %dma_start3A_491 = tpu.memref_squeeze %dma_start3A_490 : memref<1x16x512xf32, #tpu.memory_space<hbm>> -> memref<16x512xf32, #tpu.memory_space<hbm>>
    %dma_start3A_492 = arith.constant 0 : i32
    %dma_start3A_493 = arith.constant 0 : i32
    %dma_start3A_494 = tpu.memref_slice %arg7[%dma_start3A_484, %dma_start3A_492, %dma_start3A_493] : memref<4x16x512xf32, #tpu.memory_space<vmem>> -> memref<1x16x512xf32, #tpu.memory_space<vmem>>
    %dma_start3A_495 = tpu.memref_squeeze %dma_start3A_494 : memref<1x16x512xf32, #tpu.memory_space<vmem>> -> memref<16x512xf32, #tpu.memory_space<vmem>>
    %dma_start3A_496 = arith.constant 0 : i32
    %dma_start3A_497 = tpu.memref_slice %arg2[%dma_start3A_483, %add3A_482, %dma_start3A_496] : memref<4x4096x512xf32, #tpu.memory_space<hbm>> -> memref<1x16x512xf32, #tpu.memory_space<hbm>>
    %dma_start3A_498 = tpu.memref_squeeze %dma_start3A_497 : memref<1x16x512xf32, #tpu.memory_space<hbm>> -> memref<16x512xf32, #tpu.memory_space<hbm>>
    tpu.enqueue_dma source(%dma_start3A_498 : memref<16x512xf32, #tpu.memory_space<hbm>>) target(%dma_start3A_495 : memref<16x512xf32, #tpu.memory_space<vmem>>) target_semaphore(%arg13 : memref<!tpu.dma_semaphore, #tpu.memory_space<semaphore_mem>>)
    %dma_wait3A_499 = arith.constant 0 : i32
    %dma_wait3A_500 = arith.constant 1 : i32
    %dma_wait3A_501 = arith.constant 0 : i32
    %dma_wait3A_502 = arith.constant 0 : i32
    %dma_wait3A_503 = tpu.memref_slice %arg7[%dma_wait3A_500, %dma_wait3A_501, %dma_wait3A_502] : memref<4x16x512xf32, #tpu.memory_space<vmem>> -> memref<1x16x512xf32, #tpu.memory_space<vmem>>
    %dma_wait3A_504 = tpu.memref_squeeze %dma_wait3A_503 : memref<1x16x512xf32, #tpu.memory_space<vmem>> -> memref<16x512xf32, #tpu.memory_space<vmem>>
    %dma_wait3A_505 = arith.constant 0 : i32
    %dma_wait3A_506 = tpu.memref_slice %arg2[%dma_wait3A_499, %add3A_346, %dma_wait3A_505] : memref<4x4096x512xf32, #tpu.memory_space<hbm>> -> memref<1x16x512xf32, #tpu.memory_space<hbm>>
    %dma_wait3A_507 = tpu.memref_squeeze %dma_wait3A_506 : memref<1x16x512xf32, #tpu.memory_space<hbm>> -> memref<16x512xf32, #tpu.memory_space<hbm>>
    %dma_wait3A_508 = arith.constant 0 : i32
    %dma_wait3A_509 = arith.constant 0 : i32
    %dma_wait3A_510 = tpu.memref_slice %arg7[%dma_wait3A_500, %dma_wait3A_508, %dma_wait3A_509] : memref<4x16x512xf32, #tpu.memory_space<vmem>> -> memref<1x16x512xf32, #tpu.memory_space<vmem>>
    %dma_wait3A_511 = tpu.memref_squeeze %dma_wait3A_510 : memref<1x16x512xf32, #tpu.memory_space<vmem>> -> memref<16x512xf32, #tpu.memory_space<vmem>>
    %dma_wait3A_512 = arith.constant 0 : i32
    %dma_wait3A_513 = tpu.memref_slice %arg2[%dma_wait3A_499, %add3A_346, %dma_wait3A_512] : memref<4x4096x512xf32, #tpu.memory_space<hbm>> -> memref<1x16x512xf32, #tpu.memory_space<hbm>>
    %dma_wait3A_514 = tpu.memref_squeeze %dma_wait3A_513 : memref<1x16x512xf32, #tpu.memory_space<hbm>> -> memref<16x512xf32, #tpu.memory_space<hbm>>
    tpu.wait_dma2 semaphore(%arg11 : memref<!tpu.dma_semaphore, #tpu.memory_space<semaphore_mem>>) src(%dma_wait3A_514 : memref<16x512xf32, #tpu.memory_space<hbm>>) dst(%dma_wait3A_511 : memref<16x512xf32, #tpu.memory_space<vmem>>)
    %add3A_515 = arith.constant 80 : i32
    %add3A_516 = arith.addi %mul3A_2, %add3A_515 : i32
    %dma_start3A_517 = arith.constant 1 : i32
    %dma_start3A_518 = arith.constant 0 : i32
    %dma_start3A_519 = arith.constant 0 : i32
    %dma_start3A_520 = arith.constant 0 : i32
    %dma_start3A_521 = tpu.memref_slice %arg7[%dma_start3A_517, %dma_start3A_519, %dma_start3A_520] : memref<4x16x512xf32, #tpu.memory_space<vmem>> -> memref<1x16x512xf32, #tpu.memory_space<vmem>>
    %dma_start3A_522 = tpu.memref_squeeze %dma_start3A_521 : memref<1x16x512xf32, #tpu.memory_space<vmem>> -> memref<16x512xf32, #tpu.memory_space<vmem>>
    %dma_start3A_523 = arith.constant 0 : i32
    %dma_start3A_524 = tpu.memref_slice %arg4[%dma_start3A_518, %add3A_516, %dma_start3A_523] : memref<4x4096x1024xf32, #tpu.memory_space<hbm>> -> memref<1x16x512xf32, #tpu.memory_space<hbm>>
    %dma_start3A_525 = tpu.memref_squeeze %dma_start3A_524 : memref<1x16x512xf32, #tpu.memory_space<hbm>> -> memref<16x512xf32, #tpu.memory_space<hbm>>
    %dma_start3A_526 = arith.constant 0 : i32
    %dma_start3A_527 = tpu.memref_slice %arg4[%dma_start3A_518, %add3A_516, %dma_start3A_526] : memref<4x4096x1024xf32, #tpu.memory_space<hbm>> -> memref<1x16x512xf32, #tpu.memory_space<hbm>>
    %dma_start3A_528 = tpu.memref_squeeze %dma_start3A_527 : memref<1x16x512xf32, #tpu.memory_space<hbm>> -> memref<16x512xf32, #tpu.memory_space<hbm>>
    %dma_start3A_529 = arith.constant 0 : i32
    %dma_start3A_530 = arith.constant 0 : i32
    %dma_start3A_531 = tpu.memref_slice %arg7[%dma_start3A_517, %dma_start3A_529, %dma_start3A_530] : memref<4x16x512xf32, #tpu.memory_space<vmem>> -> memref<1x16x512xf32, #tpu.memory_space<vmem>>
    %dma_start3A_532 = tpu.memref_squeeze %dma_start3A_531 : memref<1x16x512xf32, #tpu.memory_space<vmem>> -> memref<16x512xf32, #tpu.memory_space<vmem>>
    tpu.enqueue_dma source(%dma_start3A_532 : memref<16x512xf32, #tpu.memory_space<vmem>>) target(%dma_start3A_528 : memref<16x512xf32, #tpu.memory_space<hbm>>) target_semaphore(%arg15 : memref<!tpu.dma_semaphore, #tpu.memory_space<semaphore_mem>>)
    %dma_wait3A_533 = arith.constant 0 : i32
    %dma_wait3A_534 = arith.constant 0 : i32
    %dma_wait3A_535 = arith.constant 0 : i32
    %dma_wait3A_536 = arith.constant 0 : i32
    %dma_wait3A_537 = tpu.memref_slice %arg7[%dma_wait3A_533, %dma_wait3A_535, %dma_wait3A_536] : memref<4x16x512xf32, #tpu.memory_space<vmem>> -> memref<1x16x512xf32, #tpu.memory_space<vmem>>
    %dma_wait3A_538 = tpu.memref_squeeze %dma_wait3A_537 : memref<1x16x512xf32, #tpu.memory_space<vmem>> -> memref<16x512xf32, #tpu.memory_space<vmem>>
    %dma_wait3A_539 = arith.constant 0 : i32
    %dma_wait3A_540 = tpu.memref_slice %arg4[%dma_wait3A_534, %add3A_448, %dma_wait3A_539] : memref<4x4096x1024xf32, #tpu.memory_space<hbm>> -> memref<1x16x512xf32, #tpu.memory_space<hbm>>
    %dma_wait3A_541 = tpu.memref_squeeze %dma_wait3A_540 : memref<1x16x512xf32, #tpu.memory_space<hbm>> -> memref<16x512xf32, #tpu.memory_space<hbm>>
    %dma_wait3A_542 = arith.constant 0 : i32
    %dma_wait3A_543 = tpu.memref_slice %arg4[%dma_wait3A_534, %add3A_448, %dma_wait3A_542] : memref<4x4096x1024xf32, #tpu.memory_space<hbm>> -> memref<1x16x512xf32, #tpu.memory_space<hbm>>
    %dma_wait3A_544 = tpu.memref_squeeze %dma_wait3A_543 : memref<1x16x512xf32, #tpu.memory_space<hbm>> -> memref<16x512xf32, #tpu.memory_space<hbm>>
    %dma_wait3A_545 = arith.constant 0 : i32
    %dma_wait3A_546 = arith.constant 0 : i32
    %dma_wait3A_547 = tpu.memref_slice %arg7[%dma_wait3A_533, %dma_wait3A_545, %dma_wait3A_546] : memref<4x16x512xf32, #tpu.memory_space<vmem>> -> memref<1x16x512xf32, #tpu.memory_space<vmem>>
    %dma_wait3A_548 = tpu.memref_squeeze %dma_wait3A_547 : memref<1x16x512xf32, #tpu.memory_space<vmem>> -> memref<16x512xf32, #tpu.memory_space<vmem>>
    tpu.wait_dma2 semaphore(%arg14 : memref<!tpu.dma_semaphore, #tpu.memory_space<semaphore_mem>>) src(%dma_wait3A_548 : memref<16x512xf32, #tpu.memory_space<vmem>>) dst(%dma_wait3A_544 : memref<16x512xf32, #tpu.memory_space<hbm>>)
    %add3A_549 = arith.constant 0 : i32
    %add3A_550 = arith.addi %mul3A_2, %add3A_549 : i32
    %dma_start3A_551 = arith.constant 1 : i32
    %dma_start3A_552 = arith.constant 0 : i32
    %dma_start3A_553 = arith.constant 0 : i32
    %dma_start3A_554 = arith.constant 0 : i32
    %dma_start3A_555 = tpu.memref_slice %arg7[%dma_start3A_552, %dma_start3A_553, %dma_start3A_554] : memref<4x16x512xf32, #tpu.memory_space<vmem>> -> memref<1x16x512xf32, #tpu.memory_space<vmem>>
    %dma_start3A_556 = tpu.memref_squeeze %dma_start3A_555 : memref<1x16x512xf32, #tpu.memory_space<vmem>> -> memref<16x512xf32, #tpu.memory_space<vmem>>
    %dma_start3A_557 = arith.constant 0 : i32
    %dma_start3A_558 = tpu.memref_slice %arg2[%dma_start3A_551, %add3A_550, %dma_start3A_557] : memref<4x4096x512xf32, #tpu.memory_space<hbm>> -> memref<1x16x512xf32, #tpu.memory_space<hbm>>
    %dma_start3A_559 = tpu.memref_squeeze %dma_start3A_558 : memref<1x16x512xf32, #tpu.memory_space<hbm>> -> memref<16x512xf32, #tpu.memory_space<hbm>>
    %dma_start3A_560 = arith.constant 0 : i32
    %dma_start3A_561 = arith.constant 0 : i32
    %dma_start3A_562 = tpu.memref_slice %arg7[%dma_start3A_552, %dma_start3A_560, %dma_start3A_561] : memref<4x16x512xf32, #tpu.memory_space<vmem>> -> memref<1x16x512xf32, #tpu.memory_space<vmem>>
    %dma_start3A_563 = tpu.memref_squeeze %dma_start3A_562 : memref<1x16x512xf32, #tpu.memory_space<vmem>> -> memref<16x512xf32, #tpu.memory_space<vmem>>
    %dma_start3A_564 = arith.constant 0 : i32
    %dma_start3A_565 = tpu.memref_slice %arg2[%dma_start3A_551, %add3A_550, %dma_start3A_564] : memref<4x4096x512xf32, #tpu.memory_space<hbm>> -> memref<1x16x512xf32, #tpu.memory_space<hbm>>
    %dma_start3A_566 = tpu.memref_squeeze %dma_start3A_565 : memref<1x16x512xf32, #tpu.memory_space<hbm>> -> memref<16x512xf32, #tpu.memory_space<hbm>>
    tpu.enqueue_dma source(%dma_start3A_566 : memref<16x512xf32, #tpu.memory_space<hbm>>) target(%dma_start3A_563 : memref<16x512xf32, #tpu.memory_space<vmem>>) target_semaphore(%arg10 : memref<!tpu.dma_semaphore, #tpu.memory_space<semaphore_mem>>)
    %dma_wait3A_567 = arith.constant 0 : i32
    %dma_wait3A_568 = arith.constant 2 : i32
    %dma_wait3A_569 = arith.constant 0 : i32
    %dma_wait3A_570 = arith.constant 0 : i32
    %dma_wait3A_571 = tpu.memref_slice %arg7[%dma_wait3A_568, %dma_wait3A_569, %dma_wait3A_570] : memref<4x16x512xf32, #tpu.memory_space<vmem>> -> memref<1x16x512xf32, #tpu.memory_space<vmem>>
    %dma_wait3A_572 = tpu.memref_squeeze %dma_wait3A_571 : memref<1x16x512xf32, #tpu.memory_space<vmem>> -> memref<16x512xf32, #tpu.memory_space<vmem>>
    %dma_wait3A_573 = arith.constant 0 : i32
    %dma_wait3A_574 = tpu.memref_slice %arg2[%dma_wait3A_567, %add3A_414, %dma_wait3A_573] : memref<4x4096x512xf32, #tpu.memory_space<hbm>> -> memref<1x16x512xf32, #tpu.memory_space<hbm>>
    %dma_wait3A_575 = tpu.memref_squeeze %dma_wait3A_574 : memref<1x16x512xf32, #tpu.memory_space<hbm>> -> memref<16x512xf32, #tpu.memory_space<hbm>>
    %dma_wait3A_576 = arith.constant 0 : i32
    %dma_wait3A_577 = arith.constant 0 : i32
    %dma_wait3A_578 = tpu.memref_slice %arg7[%dma_wait3A_568, %dma_wait3A_576, %dma_wait3A_577] : memref<4x16x512xf32, #tpu.memory_space<vmem>> -> memref<1x16x512xf32, #tpu.memory_space<vmem>>
    %dma_wait3A_579 = tpu.memref_squeeze %dma_wait3A_578 : memref<1x16x512xf32, #tpu.memory_space<vmem>> -> memref<16x512xf32, #tpu.memory_space<vmem>>
    %dma_wait3A_580 = arith.constant 0 : i32
    %dma_wait3A_581 = tpu.memref_slice %arg2[%dma_wait3A_567, %add3A_414, %dma_wait3A_580] : memref<4x4096x512xf32, #tpu.memory_space<hbm>> -> memref<1x16x512xf32, #tpu.memory_space<hbm>>
    %dma_wait3A_582 = tpu.memref_squeeze %dma_wait3A_581 : memref<1x16x512xf32, #tpu.memory_space<hbm>> -> memref<16x512xf32, #tpu.memory_space<hbm>>
    tpu.wait_dma2 semaphore(%arg12 : memref<!tpu.dma_semaphore, #tpu.memory_space<semaphore_mem>>) src(%dma_wait3A_582 : memref<16x512xf32, #tpu.memory_space<hbm>>) dst(%dma_wait3A_579 : memref<16x512xf32, #tpu.memory_space<vmem>>)
    %add3A_583 = arith.constant 96 : i32
    %add3A_584 = arith.addi %mul3A_2, %add3A_583 : i32
    %dma_start3A_585 = arith.constant 2 : i32
    %dma_start3A_586 = arith.constant 0 : i32
    %dma_start3A_587 = arith.constant 0 : i32
    %dma_start3A_588 = arith.constant 0 : i32
    %dma_start3A_589 = tpu.memref_slice %arg7[%dma_start3A_585, %dma_start3A_587, %dma_start3A_588] : memref<4x16x512xf32, #tpu.memory_space<vmem>> -> memref<1x16x512xf32, #tpu.memory_space<vmem>>
    %dma_start3A_590 = tpu.memref_squeeze %dma_start3A_589 : memref<1x16x512xf32, #tpu.memory_space<vmem>> -> memref<16x512xf32, #tpu.memory_space<vmem>>
    %dma_start3A_591 = arith.constant 0 : i32
    %dma_start3A_592 = tpu.memref_slice %arg4[%dma_start3A_586, %add3A_584, %dma_start3A_591] : memref<4x4096x1024xf32, #tpu.memory_space<hbm>> -> memref<1x16x512xf32, #tpu.memory_space<hbm>>
    %dma_start3A_593 = tpu.memref_squeeze %dma_start3A_592 : memref<1x16x512xf32, #tpu.memory_space<hbm>> -> memref<16x512xf32, #tpu.memory_space<hbm>>
    %dma_start3A_594 = arith.constant 0 : i32
    %dma_start3A_595 = tpu.memref_slice %arg4[%dma_start3A_586, %add3A_584, %dma_start3A_594] : memref<4x4096x1024xf32, #tpu.memory_space<hbm>> -> memref<1x16x512xf32, #tpu.memory_space<hbm>>
    %dma_start3A_596 = tpu.memref_squeeze %dma_start3A_595 : memref<1x16x512xf32, #tpu.memory_space<hbm>> -> memref<16x512xf32, #tpu.memory_space<hbm>>
    %dma_start3A_597 = arith.constant 0 : i32
    %dma_start3A_598 = arith.constant 0 : i32
    %dma_start3A_599 = tpu.memref_slice %arg7[%dma_start3A_585, %dma_start3A_597, %dma_start3A_598] : memref<4x16x512xf32, #tpu.memory_space<vmem>> -> memref<1x16x512xf32, #tpu.memory_space<vmem>>
    %dma_start3A_600 = tpu.memref_squeeze %dma_start3A_599 : memref<1x16x512xf32, #tpu.memory_space<vmem>> -> memref<16x512xf32, #tpu.memory_space<vmem>>
    tpu.enqueue_dma source(%dma_start3A_600 : memref<16x512xf32, #tpu.memory_space<vmem>>) target(%dma_start3A_596 : memref<16x512xf32, #tpu.memory_space<hbm>>) target_semaphore(%arg16 : memref<!tpu.dma_semaphore, #tpu.memory_space<semaphore_mem>>)
    %dma_wait3A_601 = arith.constant 1 : i32
    %dma_wait3A_602 = arith.constant 0 : i32
    %dma_wait3A_603 = arith.constant 0 : i32
    %dma_wait3A_604 = arith.constant 0 : i32
    %dma_wait3A_605 = tpu.memref_slice %arg7[%dma_wait3A_601, %dma_wait3A_603, %dma_wait3A_604] : memref<4x16x512xf32, #tpu.memory_space<vmem>> -> memref<1x16x512xf32, #tpu.memory_space<vmem>>
    %dma_wait3A_606 = tpu.memref_squeeze %dma_wait3A_605 : memref<1x16x512xf32, #tpu.memory_space<vmem>> -> memref<16x512xf32, #tpu.memory_space<vmem>>
    %dma_wait3A_607 = arith.constant 0 : i32
    %dma_wait3A_608 = tpu.memref_slice %arg4[%dma_wait3A_602, %add3A_516, %dma_wait3A_607] : memref<4x4096x1024xf32, #tpu.memory_space<hbm>> -> memref<1x16x512xf32, #tpu.memory_space<hbm>>
    %dma_wait3A_609 = tpu.memref_squeeze %dma_wait3A_608 : memref<1x16x512xf32, #tpu.memory_space<hbm>> -> memref<16x512xf32, #tpu.memory_space<hbm>>
    %dma_wait3A_610 = arith.constant 0 : i32
    %dma_wait3A_611 = tpu.memref_slice %arg4[%dma_wait3A_602, %add3A_516, %dma_wait3A_610] : memref<4x4096x1024xf32, #tpu.memory_space<hbm>> -> memref<1x16x512xf32, #tpu.memory_space<hbm>>
    %dma_wait3A_612 = tpu.memref_squeeze %dma_wait3A_611 : memref<1x16x512xf32, #tpu.memory_space<hbm>> -> memref<16x512xf32, #tpu.memory_space<hbm>>
    %dma_wait3A_613 = arith.constant 0 : i32
    %dma_wait3A_614 = arith.constant 0 : i32
    %dma_wait3A_615 = tpu.memref_slice %arg7[%dma_wait3A_601, %dma_wait3A_613, %dma_wait3A_614] : memref<4x16x512xf32, #tpu.memory_space<vmem>> -> memref<1x16x512xf32, #tpu.memory_space<vmem>>
    %dma_wait3A_616 = tpu.memref_squeeze %dma_wait3A_615 : memref<1x16x512xf32, #tpu.memory_space<vmem>> -> memref<16x512xf32, #tpu.memory_space<vmem>>
    tpu.wait_dma2 semaphore(%arg15 : memref<!tpu.dma_semaphore, #tpu.memory_space<semaphore_mem>>) src(%dma_wait3A_616 : memref<16x512xf32, #tpu.memory_space<vmem>>) dst(%dma_wait3A_612 : memref<16x512xf32, #tpu.memory_space<hbm>>)
    %add3A_617 = arith.constant 16 : i32
    %add3A_618 = arith.addi %mul3A_2, %add3A_617 : i32
    %dma_start3A_619 = arith.constant 1 : i32
    %dma_start3A_620 = arith.constant 1 : i32
    %dma_start3A_621 = arith.constant 0 : i32
    %dma_start3A_622 = arith.constant 0 : i32
    %dma_start3A_623 = tpu.memref_slice %arg7[%dma_start3A_620, %dma_start3A_621, %dma_start3A_622] : memref<4x16x512xf32, #tpu.memory_space<vmem>> -> memref<1x16x512xf32, #tpu.memory_space<vmem>>
    %dma_start3A_624 = tpu.memref_squeeze %dma_start3A_623 : memref<1x16x512xf32, #tpu.memory_space<vmem>> -> memref<16x512xf32, #tpu.memory_space<vmem>>
    %dma_start3A_625 = arith.constant 0 : i32
    %dma_start3A_626 = tpu.memref_slice %arg2[%dma_start3A_619, %add3A_618, %dma_start3A_625] : memref<4x4096x512xf32, #tpu.memory_space<hbm>> -> memref<1x16x512xf32, #tpu.memory_space<hbm>>
    %dma_start3A_627 = tpu.memref_squeeze %dma_start3A_626 : memref<1x16x512xf32, #tpu.memory_space<hbm>> -> memref<16x512xf32, #tpu.memory_space<hbm>>
    %dma_start3A_628 = arith.constant 0 : i32
    %dma_start3A_629 = arith.constant 0 : i32
    %dma_start3A_630 = tpu.memref_slice %arg7[%dma_start3A_620, %dma_start3A_628, %dma_start3A_629] : memref<4x16x512xf32, #tpu.memory_space<vmem>> -> memref<1x16x512xf32, #tpu.memory_space<vmem>>
    %dma_start3A_631 = tpu.memref_squeeze %dma_start3A_630 : memref<1x16x512xf32, #tpu.memory_space<vmem>> -> memref<16x512xf32, #tpu.memory_space<vmem>>
    %dma_start3A_632 = arith.constant 0 : i32
    %dma_start3A_633 = tpu.memref_slice %arg2[%dma_start3A_619, %add3A_618, %dma_start3A_632] : memref<4x4096x512xf32, #tpu.memory_space<hbm>> -> memref<1x16x512xf32, #tpu.memory_space<hbm>>
    %dma_start3A_634 = tpu.memref_squeeze %dma_start3A_633 : memref<1x16x512xf32, #tpu.memory_space<hbm>> -> memref<16x512xf32, #tpu.memory_space<hbm>>
    tpu.enqueue_dma source(%dma_start3A_634 : memref<16x512xf32, #tpu.memory_space<hbm>>) target(%dma_start3A_631 : memref<16x512xf32, #tpu.memory_space<vmem>>) target_semaphore(%arg11 : memref<!tpu.dma_semaphore, #tpu.memory_space<semaphore_mem>>)
    %dma_wait3A_635 = arith.constant 0 : i32
    %dma_wait3A_636 = arith.constant 3 : i32
    %dma_wait3A_637 = arith.constant 0 : i32
    %dma_wait3A_638 = arith.constant 0 : i32
    %dma_wait3A_639 = tpu.memref_slice %arg7[%dma_wait3A_636, %dma_wait3A_637, %dma_wait3A_638] : memref<4x16x512xf32, #tpu.memory_space<vmem>> -> memref<1x16x512xf32, #tpu.memory_space<vmem>>
    %dma_wait3A_640 = tpu.memref_squeeze %dma_wait3A_639 : memref<1x16x512xf32, #tpu.memory_space<vmem>> -> memref<16x512xf32, #tpu.memory_space<vmem>>
    %dma_wait3A_641 = arith.constant 0 : i32
    %dma_wait3A_642 = tpu.memref_slice %arg2[%dma_wait3A_635, %add3A_482, %dma_wait3A_641] : memref<4x4096x512xf32, #tpu.memory_space<hbm>> -> memref<1x16x512xf32, #tpu.memory_space<hbm>>
    %dma_wait3A_643 = tpu.memref_squeeze %dma_wait3A_642 : memref<1x16x512xf32, #tpu.memory_space<hbm>> -> memref<16x512xf32, #tpu.memory_space<hbm>>
    %dma_wait3A_644 = arith.constant 0 : i32
    %dma_wait3A_645 = arith.constant 0 : i32
    %dma_wait3A_646 = tpu.memref_slice %arg7[%dma_wait3A_636, %dma_wait3A_644, %dma_wait3A_645] : memref<4x16x512xf32, #tpu.memory_space<vmem>> -> memref<1x16x512xf32, #tpu.memory_space<vmem>>
    %dma_wait3A_647 = tpu.memref_squeeze %dma_wait3A_646 : memref<1x16x512xf32, #tpu.memory_space<vmem>> -> memref<16x512xf32, #tpu.memory_space<vmem>>
    %dma_wait3A_648 = arith.constant 0 : i32
    %dma_wait3A_649 = tpu.memref_slice %arg2[%dma_wait3A_635, %add3A_482, %dma_wait3A_648] : memref<4x4096x512xf32, #tpu.memory_space<hbm>> -> memref<1x16x512xf32, #tpu.memory_space<hbm>>
    %dma_wait3A_650 = tpu.memref_squeeze %dma_wait3A_649 : memref<1x16x512xf32, #tpu.memory_space<hbm>> -> memref<16x512xf32, #tpu.memory_space<hbm>>
    tpu.wait_dma2 semaphore(%arg13 : memref<!tpu.dma_semaphore, #tpu.memory_space<semaphore_mem>>) src(%dma_wait3A_650 : memref<16x512xf32, #tpu.memory_space<hbm>>) dst(%dma_wait3A_647 : memref<16x512xf32, #tpu.memory_space<vmem>>)
    %add3A_651 = arith.constant 112 : i32
    %add3A_652 = arith.addi %mul3A_2, %add3A_651 : i32
    %dma_start3A_653 = arith.constant 3 : i32
    %dma_start3A_654 = arith.constant 0 : i32
    %dma_start3A_655 = arith.constant 0 : i32
    %dma_start3A_656 = arith.constant 0 : i32
    %dma_start3A_657 = tpu.memref_slice %arg7[%dma_start3A_653, %dma_start3A_655, %dma_start3A_656] : memref<4x16x512xf32, #tpu.memory_space<vmem>> -> memref<1x16x512xf32, #tpu.memory_space<vmem>>
    %dma_start3A_658 = tpu.memref_squeeze %dma_start3A_657 : memref<1x16x512xf32, #tpu.memory_space<vmem>> -> memref<16x512xf32, #tpu.memory_space<vmem>>
    %dma_start3A_659 = arith.constant 0 : i32
    %dma_start3A_660 = tpu.memref_slice %arg4[%dma_start3A_654, %add3A_652, %dma_start3A_659] : memref<4x4096x1024xf32, #tpu.memory_space<hbm>> -> memref<1x16x512xf32, #tpu.memory_space<hbm>>
    %dma_start3A_661 = tpu.memref_squeeze %dma_start3A_660 : memref<1x16x512xf32, #tpu.memory_space<hbm>> -> memref<16x512xf32, #tpu.memory_space<hbm>>
    %dma_start3A_662 = arith.constant 0 : i32
    %dma_start3A_663 = tpu.memref_slice %arg4[%dma_start3A_654, %add3A_652, %dma_start3A_662] : memref<4x4096x1024xf32, #tpu.memory_space<hbm>> -> memref<1x16x512xf32, #tpu.memory_space<hbm>>
    %dma_start3A_664 = tpu.memref_squeeze %dma_start3A_663 : memref<1x16x512xf32, #tpu.memory_space<hbm>> -> memref<16x512xf32, #tpu.memory_space<hbm>>
    %dma_start3A_665 = arith.constant 0 : i32
    %dma_start3A_666 = arith.constant 0 : i32
    %dma_start3A_667 = tpu.memref_slice %arg7[%dma_start3A_653, %dma_start3A_665, %dma_start3A_666] : memref<4x16x512xf32, #tpu.memory_space<vmem>> -> memref<1x16x512xf32, #tpu.memory_space<vmem>>
    %dma_start3A_668 = tpu.memref_squeeze %dma_start3A_667 : memref<1x16x512xf32, #tpu.memory_space<vmem>> -> memref<16x512xf32, #tpu.memory_space<vmem>>
    tpu.enqueue_dma source(%dma_start3A_668 : memref<16x512xf32, #tpu.memory_space<vmem>>) target(%dma_start3A_664 : memref<16x512xf32, #tpu.memory_space<hbm>>) target_semaphore(%arg17 : memref<!tpu.dma_semaphore, #tpu.memory_space<semaphore_mem>>)
    %dma_wait3A_669 = arith.constant 2 : i32
    %dma_wait3A_670 = arith.constant 0 : i32
    %dma_wait3A_671 = arith.constant 0 : i32
    %dma_wait3A_672 = arith.constant 0 : i32
    %dma_wait3A_673 = tpu.memref_slice %arg7[%dma_wait3A_669, %dma_wait3A_671, %dma_wait3A_672] : memref<4x16x512xf32, #tpu.memory_space<vmem>> -> memref<1x16x512xf32, #tpu.memory_space<vmem>>
    %dma_wait3A_674 = tpu.memref_squeeze %dma_wait3A_673 : memref<1x16x512xf32, #tpu.memory_space<vmem>> -> memref<16x512xf32, #tpu.memory_space<vmem>>
    %dma_wait3A_675 = arith.constant 0 : i32
    %dma_wait3A_676 = tpu.memref_slice %arg4[%dma_wait3A_670, %add3A_584, %dma_wait3A_675] : memref<4x4096x1024xf32, #tpu.memory_space<hbm>> -> memref<1x16x512xf32, #tpu.memory_space<hbm>>
    %dma_wait3A_677 = tpu.memref_squeeze %dma_wait3A_676 : memref<1x16x512xf32, #tpu.memory_space<hbm>> -> memref<16x512xf32, #tpu.memory_space<hbm>>
    %dma_wait3A_678 = arith.constant 0 : i32
    %dma_wait3A_679 = tpu.memref_slice %arg4[%dma_wait3A_670, %add3A_584, %dma_wait3A_678] : memref<4x4096x1024xf32, #tpu.memory_space<hbm>> -> memref<1x16x512xf32, #tpu.memory_space<hbm>>
    %dma_wait3A_680 = tpu.memref_squeeze %dma_wait3A_679 : memref<1x16x512xf32, #tpu.memory_space<hbm>> -> memref<16x512xf32, #tpu.memory_space<hbm>>
    %dma_wait3A_681 = arith.constant 0 : i32
    %dma_wait3A_682 = arith.constant 0 : i32
    %dma_wait3A_683 = tpu.memref_slice %arg7[%dma_wait3A_669, %dma_wait3A_681, %dma_wait3A_682] : memref<4x16x512xf32, #tpu.memory_space<vmem>> -> memref<1x16x512xf32, #tpu.memory_space<vmem>>
    %dma_wait3A_684 = tpu.memref_squeeze %dma_wait3A_683 : memref<1x16x512xf32, #tpu.memory_space<vmem>> -> memref<16x512xf32, #tpu.memory_space<vmem>>
    tpu.wait_dma2 semaphore(%arg16 : memref<!tpu.dma_semaphore, #tpu.memory_space<semaphore_mem>>) src(%dma_wait3A_684 : memref<16x512xf32, #tpu.memory_space<vmem>>) dst(%dma_wait3A_680 : memref<16x512xf32, #tpu.memory_space<hbm>>)
    %add3A_685 = arith.constant 32 : i32
    %add3A_686 = arith.addi %mul3A_2, %add3A_685 : i32
    %dma_start3A_687 = arith.constant 1 : i32
    %dma_start3A_688 = arith.constant 2 : i32
    %dma_start3A_689 = arith.constant 0 : i32
    %dma_start3A_690 = arith.constant 0 : i32
    %dma_start3A_691 = tpu.memref_slice %arg7[%dma_start3A_688, %dma_start3A_689, %dma_start3A_690] : memref<4x16x512xf32, #tpu.memory_space<vmem>> -> memref<1x16x512xf32, #tpu.memory_space<vmem>>
    %dma_start3A_692 = tpu.memref_squeeze %dma_start3A_691 : memref<1x16x512xf32, #tpu.memory_space<vmem>> -> memref<16x512xf32, #tpu.memory_space<vmem>>
    %dma_start3A_693 = arith.constant 0 : i32
    %dma_start3A_694 = tpu.memref_slice %arg2[%dma_start3A_687, %add3A_686, %dma_start3A_693] : memref<4x4096x512xf32, #tpu.memory_space<hbm>> -> memref<1x16x512xf32, #tpu.memory_space<hbm>>
    %dma_start3A_695 = tpu.memref_squeeze %dma_start3A_694 : memref<1x16x512xf32, #tpu.memory_space<hbm>> -> memref<16x512xf32, #tpu.memory_space<hbm>>
    %dma_start3A_696 = arith.constant 0 : i32
    %dma_start3A_697 = arith.constant 0 : i32
    %dma_start3A_698 = tpu.memref_slice %arg7[%dma_start3A_688, %dma_start3A_696, %dma_start3A_697] : memref<4x16x512xf32, #tpu.memory_space<vmem>> -> memref<1x16x512xf32, #tpu.memory_space<vmem>>
    %dma_start3A_699 = tpu.memref_squeeze %dma_start3A_698 : memref<1x16x512xf32, #tpu.memory_space<vmem>> -> memref<16x512xf32, #tpu.memory_space<vmem>>
    %dma_start3A_700 = arith.constant 0 : i32
    %dma_start3A_701 = tpu.memref_slice %arg2[%dma_start3A_687, %add3A_686, %dma_start3A_700] : memref<4x4096x512xf32, #tpu.memory_space<hbm>> -> memref<1x16x512xf32, #tpu.memory_space<hbm>>
    %dma_start3A_702 = tpu.memref_squeeze %dma_start3A_701 : memref<1x16x512xf32, #tpu.memory_space<hbm>> -> memref<16x512xf32, #tpu.memory_space<hbm>>
    tpu.enqueue_dma source(%dma_start3A_702 : memref<16x512xf32, #tpu.memory_space<hbm>>) target(%dma_start3A_699 : memref<16x512xf32, #tpu.memory_space<vmem>>) target_semaphore(%arg12 : memref<!tpu.dma_semaphore, #tpu.memory_space<semaphore_mem>>)
    %dma_wait3A_703 = arith.constant 1 : i32
    %dma_wait3A_704 = arith.constant 0 : i32
    %dma_wait3A_705 = arith.constant 0 : i32
    %dma_wait3A_706 = arith.constant 0 : i32
    %dma_wait3A_707 = tpu.memref_slice %arg7[%dma_wait3A_704, %dma_wait3A_705, %dma_wait3A_706] : memref<4x16x512xf32, #tpu.memory_space<vmem>> -> memref<1x16x512xf32, #tpu.memory_space<vmem>>
    %dma_wait3A_708 = tpu.memref_squeeze %dma_wait3A_707 : memref<1x16x512xf32, #tpu.memory_space<vmem>> -> memref<16x512xf32, #tpu.memory_space<vmem>>
    %dma_wait3A_709 = arith.constant 0 : i32
    %dma_wait3A_710 = tpu.memref_slice %arg2[%dma_wait3A_703, %add3A_550, %dma_wait3A_709] : memref<4x4096x512xf32, #tpu.memory_space<hbm>> -> memref<1x16x512xf32, #tpu.memory_space<hbm>>
    %dma_wait3A_711 = tpu.memref_squeeze %dma_wait3A_710 : memref<1x16x512xf32, #tpu.memory_space<hbm>> -> memref<16x512xf32, #tpu.memory_space<hbm>>
    %dma_wait3A_712 = arith.constant 0 : i32
    %dma_wait3A_713 = arith.constant 0 : i32
    %dma_wait3A_714 = tpu.memref_slice %arg7[%dma_wait3A_704, %dma_wait3A_712, %dma_wait3A_713] : memref<4x16x512xf32, #tpu.memory_space<vmem>> -> memref<1x16x512xf32, #tpu.memory_space<vmem>>
    %dma_wait3A_715 = tpu.memref_squeeze %dma_wait3A_714 : memref<1x16x512xf32, #tpu.memory_space<vmem>> -> memref<16x512xf32, #tpu.memory_space<vmem>>
    %dma_wait3A_716 = arith.constant 0 : i32
    %dma_wait3A_717 = tpu.memref_slice %arg2[%dma_wait3A_703, %add3A_550, %dma_wait3A_716] : memref<4x4096x512xf32, #tpu.memory_space<hbm>> -> memref<1x16x512xf32, #tpu.memory_space<hbm>>
    %dma_wait3A_718 = tpu.memref_squeeze %dma_wait3A_717 : memref<1x16x512xf32, #tpu.memory_space<hbm>> -> memref<16x512xf32, #tpu.memory_space<hbm>>
    tpu.wait_dma2 semaphore(%arg10 : memref<!tpu.dma_semaphore, #tpu.memory_space<semaphore_mem>>) src(%dma_wait3A_718 : memref<16x512xf32, #tpu.memory_space<hbm>>) dst(%dma_wait3A_715 : memref<16x512xf32, #tpu.memory_space<vmem>>)
    %add3A_719 = arith.constant 0 : i32
    %add3A_720 = arith.addi %mul3A_2, %add3A_719 : i32
    %dma_start3A_721 = arith.constant 0 : i32
    %dma_start3A_722 = arith.constant 1 : i32
    %dma_start3A_723 = arith.constant 0 : i32
    %dma_start3A_724 = arith.constant 0 : i32
    %dma_start3A_725 = tpu.memref_slice %arg7[%dma_start3A_721, %dma_start3A_723, %dma_start3A_724] : memref<4x16x512xf32, #tpu.memory_space<vmem>> -> memref<1x16x512xf32, #tpu.memory_space<vmem>>
    %dma_start3A_726 = tpu.memref_squeeze %dma_start3A_725 : memref<1x16x512xf32, #tpu.memory_space<vmem>> -> memref<16x512xf32, #tpu.memory_space<vmem>>
    %dma_start3A_727 = arith.constant 0 : i32
    %dma_start3A_728 = tpu.memref_slice %arg4[%dma_start3A_722, %add3A_720, %dma_start3A_727] : memref<4x4096x1024xf32, #tpu.memory_space<hbm>> -> memref<1x16x512xf32, #tpu.memory_space<hbm>>
    %dma_start3A_729 = tpu.memref_squeeze %dma_start3A_728 : memref<1x16x512xf32, #tpu.memory_space<hbm>> -> memref<16x512xf32, #tpu.memory_space<hbm>>
    %dma_start3A_730 = arith.constant 0 : i32
    %dma_start3A_731 = tpu.memref_slice %arg4[%dma_start3A_722, %add3A_720, %dma_start3A_730] : memref<4x4096x1024xf32, #tpu.memory_space<hbm>> -> memref<1x16x512xf32, #tpu.memory_space<hbm>>
    %dma_start3A_732 = tpu.memref_squeeze %dma_start3A_731 : memref<1x16x512xf32, #tpu.memory_space<hbm>> -> memref<16x512xf32, #tpu.memory_space<hbm>>
    %dma_start3A_733 = arith.constant 0 : i32
    %dma_start3A_734 = arith.constant 0 : i32
    %dma_start3A_735 = tpu.memref_slice %arg7[%dma_start3A_721, %dma_start3A_733, %dma_start3A_734] : memref<4x16x512xf32, #tpu.memory_space<vmem>> -> memref<1x16x512xf32, #tpu.memory_space<vmem>>
    %dma_start3A_736 = tpu.memref_squeeze %dma_start3A_735 : memref<1x16x512xf32, #tpu.memory_space<vmem>> -> memref<16x512xf32, #tpu.memory_space<vmem>>
    tpu.enqueue_dma source(%dma_start3A_736 : memref<16x512xf32, #tpu.memory_space<vmem>>) target(%dma_start3A_732 : memref<16x512xf32, #tpu.memory_space<hbm>>) target_semaphore(%arg14 : memref<!tpu.dma_semaphore, #tpu.memory_space<semaphore_mem>>)
    %dma_wait3A_737 = arith.constant 3 : i32
    %dma_wait3A_738 = arith.constant 0 : i32
    %dma_wait3A_739 = arith.constant 0 : i32
    %dma_wait3A_740 = arith.constant 0 : i32
    %dma_wait3A_741 = tpu.memref_slice %arg7[%dma_wait3A_737, %dma_wait3A_739, %dma_wait3A_740] : memref<4x16x512xf32, #tpu.memory_space<vmem>> -> memref<1x16x512xf32, #tpu.memory_space<vmem>>
    %dma_wait3A_742 = tpu.memref_squeeze %dma_wait3A_741 : memref<1x16x512xf32, #tpu.memory_space<vmem>> -> memref<16x512xf32, #tpu.memory_space<vmem>>
    %dma_wait3A_743 = arith.constant 0 : i32
    %dma_wait3A_744 = tpu.memref_slice %arg4[%dma_wait3A_738, %add3A_652, %dma_wait3A_743] : memref<4x4096x1024xf32, #tpu.memory_space<hbm>> -> memref<1x16x512xf32, #tpu.memory_space<hbm>>
    %dma_wait3A_745 = tpu.memref_squeeze %dma_wait3A_744 : memref<1x16x512xf32, #tpu.memory_space<hbm>> -> memref<16x512xf32, #tpu.memory_space<hbm>>
    %dma_wait3A_746 = arith.constant 0 : i32
    %dma_wait3A_747 = tpu.memref_slice %arg4[%dma_wait3A_738, %add3A_652, %dma_wait3A_746] : memref<4x4096x1024xf32, #tpu.memory_space<hbm>> -> memref<1x16x512xf32, #tpu.memory_space<hbm>>
    %dma_wait3A_748 = tpu.memref_squeeze %dma_wait3A_747 : memref<1x16x512xf32, #tpu.memory_space<hbm>> -> memref<16x512xf32, #tpu.memory_space<hbm>>
    %dma_wait3A_749 = arith.constant 0 : i32
    %dma_wait3A_750 = arith.constant 0 : i32
    %dma_wait3A_751 = tpu.memref_slice %arg7[%dma_wait3A_737, %dma_wait3A_749, %dma_wait3A_750] : memref<4x16x512xf32, #tpu.memory_space<vmem>> -> memref<1x16x512xf32, #tpu.memory_space<vmem>>
    %dma_wait3A_752 = tpu.memref_squeeze %dma_wait3A_751 : memref<1x16x512xf32, #tpu.memory_space<vmem>> -> memref<16x512xf32, #tpu.memory_space<vmem>>
    tpu.wait_dma2 semaphore(%arg17 : memref<!tpu.dma_semaphore, #tpu.memory_space<semaphore_mem>>) src(%dma_wait3A_752 : memref<16x512xf32, #tpu.memory_space<vmem>>) dst(%dma_wait3A_748 : memref<16x512xf32, #tpu.memory_space<hbm>>)
    %add3A_753 = arith.constant 48 : i32
    %add3A_754 = arith.addi %mul3A_2, %add3A_753 : i32
    %dma_start3A_755 = arith.constant 1 : i32
    %dma_start3A_756 = arith.constant 3 : i32
    %dma_start3A_757 = arith.constant 0 : i32
    %dma_start3A_758 = arith.constant 0 : i32
    %dma_start3A_759 = tpu.memref_slice %arg7[%dma_start3A_756, %dma_start3A_757, %dma_start3A_758] : memref<4x16x512xf32, #tpu.memory_space<vmem>> -> memref<1x16x512xf32, #tpu.memory_space<vmem>>
    %dma_start3A_760 = tpu.memref_squeeze %dma_start3A_759 : memref<1x16x512xf32, #tpu.memory_space<vmem>> -> memref<16x512xf32, #tpu.memory_space<vmem>>
    %dma_start3A_761 = arith.constant 0 : i32
    %dma_start3A_762 = tpu.memref_slice %arg2[%dma_start3A_755, %add3A_754, %dma_start3A_761] : memref<4x4096x512xf32, #tpu.memory_space<hbm>> -> memref<1x16x512xf32, #tpu.memory_space<hbm>>
    %dma_start3A_763 = tpu.memref_squeeze %dma_start3A_762 : memref<1x16x512xf32, #tpu.memory_space<hbm>> -> memref<16x512xf32, #tpu.memory_space<hbm>>
    %dma_start3A_764 = arith.constant 0 : i32
    %dma_start3A_765 = arith.constant 0 : i32
    %dma_start3A_766 = tpu.memref_slice %arg7[%dma_start3A_756, %dma_start3A_764, %dma_start3A_765] : memref<4x16x512xf32, #tpu.memory_space<vmem>> -> memref<1x16x512xf32, #tpu.memory_space<vmem>>
    %dma_start3A_767 = tpu.memref_squeeze %dma_start3A_766 : memref<1x16x512xf32, #tpu.memory_space<vmem>> -> memref<16x512xf32, #tpu.memory_space<vmem>>
    %dma_start3A_768 = arith.constant 0 : i32
    %dma_start3A_769 = tpu.memref_slice %arg2[%dma_start3A_755, %add3A_754, %dma_start3A_768] : memref<4x4096x512xf32, #tpu.memory_space<hbm>> -> memref<1x16x512xf32, #tpu.memory_space<hbm>>
    %dma_start3A_770 = tpu.memref_squeeze %dma_start3A_769 : memref<1x16x512xf32, #tpu.memory_space<hbm>> -> memref<16x512xf32, #tpu.memory_space<hbm>>
    tpu.enqueue_dma source(%dma_start3A_770 : memref<16x512xf32, #tpu.memory_space<hbm>>) target(%dma_start3A_767 : memref<16x512xf32, #tpu.memory_space<vmem>>) target_semaphore(%arg13 : memref<!tpu.dma_semaphore, #tpu.memory_space<semaphore_mem>>)
    %dma_wait3A_771 = arith.constant 1 : i32
    %dma_wait3A_772 = arith.constant 1 : i32
    %dma_wait3A_773 = arith.constant 0 : i32
    %dma_wait3A_774 = arith.constant 0 : i32
    %dma_wait3A_775 = tpu.memref_slice %arg7[%dma_wait3A_772, %dma_wait3A_773, %dma_wait3A_774] : memref<4x16x512xf32, #tpu.memory_space<vmem>> -> memref<1x16x512xf32, #tpu.memory_space<vmem>>
    %dma_wait3A_776 = tpu.memref_squeeze %dma_wait3A_775 : memref<1x16x512xf32, #tpu.memory_space<vmem>> -> memref<16x512xf32, #tpu.memory_space<vmem>>
    %dma_wait3A_777 = arith.constant 0 : i32
    %dma_wait3A_778 = tpu.memref_slice %arg2[%dma_wait3A_771, %add3A_618, %dma_wait3A_777] : memref<4x4096x512xf32, #tpu.memory_space<hbm>> -> memref<1x16x512xf32, #tpu.memory_space<hbm>>
    %dma_wait3A_779 = tpu.memref_squeeze %dma_wait3A_778 : memref<1x16x512xf32, #tpu.memory_space<hbm>> -> memref<16x512xf32, #tpu.memory_space<hbm>>
    %dma_wait3A_780 = arith.constant 0 : i32
    %dma_wait3A_781 = arith.constant 0 : i32
    %dma_wait3A_782 = tpu.memref_slice %arg7[%dma_wait3A_772, %dma_wait3A_780, %dma_wait3A_781] : memref<4x16x512xf32, #tpu.memory_space<vmem>> -> memref<1x16x512xf32, #tpu.memory_space<vmem>>
    %dma_wait3A_783 = tpu.memref_squeeze %dma_wait3A_782 : memref<1x16x512xf32, #tpu.memory_space<vmem>> -> memref<16x512xf32, #tpu.memory_space<vmem>>
    %dma_wait3A_784 = arith.constant 0 : i32
    %dma_wait3A_785 = tpu.memref_slice %arg2[%dma_wait3A_771, %add3A_618, %dma_wait3A_784] : memref<4x4096x512xf32, #tpu.memory_space<hbm>> -> memref<1x16x512xf32, #tpu.memory_space<hbm>>
    %dma_wait3A_786 = tpu.memref_squeeze %dma_wait3A_785 : memref<1x16x512xf32, #tpu.memory_space<hbm>> -> memref<16x512xf32, #tpu.memory_space<hbm>>
    tpu.wait_dma2 semaphore(%arg11 : memref<!tpu.dma_semaphore, #tpu.memory_space<semaphore_mem>>) src(%dma_wait3A_786 : memref<16x512xf32, #tpu.memory_space<hbm>>) dst(%dma_wait3A_783 : memref<16x512xf32, #tpu.memory_space<vmem>>)
    %add3A_787 = arith.constant 16 : i32
    %add3A_788 = arith.addi %mul3A_2, %add3A_787 : i32
    %dma_start3A_789 = arith.constant 1 : i32
    %dma_start3A_790 = arith.constant 1 : i32
    %dma_start3A_791 = arith.constant 0 : i32
    %dma_start3A_792 = arith.constant 0 : i32
    %dma_start3A_793 = tpu.memref_slice %arg7[%dma_start3A_789, %dma_start3A_791, %dma_start3A_792] : memref<4x16x512xf32, #tpu.memory_space<vmem>> -> memref<1x16x512xf32, #tpu.memory_space<vmem>>
    %dma_start3A_794 = tpu.memref_squeeze %dma_start3A_793 : memref<1x16x512xf32, #tpu.memory_space<vmem>> -> memref<16x512xf32, #tpu.memory_space<vmem>>
    %dma_start3A_795 = arith.constant 0 : i32
    %dma_start3A_796 = tpu.memref_slice %arg4[%dma_start3A_790, %add3A_788, %dma_start3A_795] : memref<4x4096x1024xf32, #tpu.memory_space<hbm>> -> memref<1x16x512xf32, #tpu.memory_space<hbm>>
    %dma_start3A_797 = tpu.memref_squeeze %dma_start3A_796 : memref<1x16x512xf32, #tpu.memory_space<hbm>> -> memref<16x512xf32, #tpu.memory_space<hbm>>
    %dma_start3A_798 = arith.constant 0 : i32
    %dma_start3A_799 = tpu.memref_slice %arg4[%dma_start3A_790, %add3A_788, %dma_start3A_798] : memref<4x4096x1024xf32, #tpu.memory_space<hbm>> -> memref<1x16x512xf32, #tpu.memory_space<hbm>>
    %dma_start3A_800 = tpu.memref_squeeze %dma_start3A_799 : memref<1x16x512xf32, #tpu.memory_space<hbm>> -> memref<16x512xf32, #tpu.memory_space<hbm>>
    %dma_start3A_801 = arith.constant 0 : i32
    %dma_start3A_802 = arith.constant 0 : i32
    %dma_start3A_803 = tpu.memref_slice %arg7[%dma_start3A_789, %dma_start3A_801, %dma_start3A_802] : memref<4x16x512xf32, #tpu.memory_space<vmem>> -> memref<1x16x512xf32, #tpu.memory_space<vmem>>
    %dma_start3A_804 = tpu.memref_squeeze %dma_start3A_803 : memref<1x16x512xf32, #tpu.memory_space<vmem>> -> memref<16x512xf32, #tpu.memory_space<vmem>>
    tpu.enqueue_dma source(%dma_start3A_804 : memref<16x512xf32, #tpu.memory_space<vmem>>) target(%dma_start3A_800 : memref<16x512xf32, #tpu.memory_space<hbm>>) target_semaphore(%arg15 : memref<!tpu.dma_semaphore, #tpu.memory_space<semaphore_mem>>)
    %dma_wait3A_805 = arith.constant 0 : i32
    %dma_wait3A_806 = arith.constant 1 : i32
    %dma_wait3A_807 = arith.constant 0 : i32
    %dma_wait3A_808 = arith.constant 0 : i32
    %dma_wait3A_809 = tpu.memref_slice %arg7[%dma_wait3A_805, %dma_wait3A_807, %dma_wait3A_808] : memref<4x16x512xf32, #tpu.memory_space<vmem>> -> memref<1x16x512xf32, #tpu.memory_space<vmem>>
    %dma_wait3A_810 = tpu.memref_squeeze %dma_wait3A_809 : memref<1x16x512xf32, #tpu.memory_space<vmem>> -> memref<16x512xf32, #tpu.memory_space<vmem>>
    %dma_wait3A_811 = arith.constant 0 : i32
    %dma_wait3A_812 = tpu.memref_slice %arg4[%dma_wait3A_806, %add3A_720, %dma_wait3A_811] : memref<4x4096x1024xf32, #tpu.memory_space<hbm>> -> memref<1x16x512xf32, #tpu.memory_space<hbm>>
    %dma_wait3A_813 = tpu.memref_squeeze %dma_wait3A_812 : memref<1x16x512xf32, #tpu.memory_space<hbm>> -> memref<16x512xf32, #tpu.memory_space<hbm>>
    %dma_wait3A_814 = arith.constant 0 : i32
    %dma_wait3A_815 = tpu.memref_slice %arg4[%dma_wait3A_806, %add3A_720, %dma_wait3A_814] : memref<4x4096x1024xf32, #tpu.memory_space<hbm>> -> memref<1x16x512xf32, #tpu.memory_space<hbm>>
    %dma_wait3A_816 = tpu.memref_squeeze %dma_wait3A_815 : memref<1x16x512xf32, #tpu.memory_space<hbm>> -> memref<16x512xf32, #tpu.memory_space<hbm>>
    %dma_wait3A_817 = arith.constant 0 : i32
    %dma_wait3A_818 = arith.constant 0 : i32
    %dma_wait3A_819 = tpu.memref_slice %arg7[%dma_wait3A_805, %dma_wait3A_817, %dma_wait3A_818] : memref<4x16x512xf32, #tpu.memory_space<vmem>> -> memref<1x16x512xf32, #tpu.memory_space<vmem>>
    %dma_wait3A_820 = tpu.memref_squeeze %dma_wait3A_819 : memref<1x16x512xf32, #tpu.memory_space<vmem>> -> memref<16x512xf32, #tpu.memory_space<vmem>>
    tpu.wait_dma2 semaphore(%arg14 : memref<!tpu.dma_semaphore, #tpu.memory_space<semaphore_mem>>) src(%dma_wait3A_820 : memref<16x512xf32, #tpu.memory_space<vmem>>) dst(%dma_wait3A_816 : memref<16x512xf32, #tpu.memory_space<hbm>>)
    %add3A_821 = arith.constant 64 : i32
    %add3A_822 = arith.addi %mul3A_2, %add3A_821 : i32
    %dma_start3A_823 = arith.constant 1 : i32
    %dma_start3A_824 = arith.constant 0 : i32
    %dma_start3A_825 = arith.constant 0 : i32
    %dma_start3A_826 = arith.constant 0 : i32
    %dma_start3A_827 = tpu.memref_slice %arg7[%dma_start3A_824, %dma_start3A_825, %dma_start3A_826] : memref<4x16x512xf32, #tpu.memory_space<vmem>> -> memref<1x16x512xf32, #tpu.memory_space<vmem>>
    %dma_start3A_828 = tpu.memref_squeeze %dma_start3A_827 : memref<1x16x512xf32, #tpu.memory_space<vmem>> -> memref<16x512xf32, #tpu.memory_space<vmem>>
    %dma_start3A_829 = arith.constant 0 : i32
    %dma_start3A_830 = tpu.memref_slice %arg2[%dma_start3A_823, %add3A_822, %dma_start3A_829] : memref<4x4096x512xf32, #tpu.memory_space<hbm>> -> memref<1x16x512xf32, #tpu.memory_space<hbm>>
    %dma_start3A_831 = tpu.memref_squeeze %dma_start3A_830 : memref<1x16x512xf32, #tpu.memory_space<hbm>> -> memref<16x512xf32, #tpu.memory_space<hbm>>
    %dma_start3A_832 = arith.constant 0 : i32
    %dma_start3A_833 = arith.constant 0 : i32
    %dma_start3A_834 = tpu.memref_slice %arg7[%dma_start3A_824, %dma_start3A_832, %dma_start3A_833] : memref<4x16x512xf32, #tpu.memory_space<vmem>> -> memref<1x16x512xf32, #tpu.memory_space<vmem>>
    %dma_start3A_835 = tpu.memref_squeeze %dma_start3A_834 : memref<1x16x512xf32, #tpu.memory_space<vmem>> -> memref<16x512xf32, #tpu.memory_space<vmem>>
    %dma_start3A_836 = arith.constant 0 : i32
    %dma_start3A_837 = tpu.memref_slice %arg2[%dma_start3A_823, %add3A_822, %dma_start3A_836] : memref<4x4096x512xf32, #tpu.memory_space<hbm>> -> memref<1x16x512xf32, #tpu.memory_space<hbm>>
    %dma_start3A_838 = tpu.memref_squeeze %dma_start3A_837 : memref<1x16x512xf32, #tpu.memory_space<hbm>> -> memref<16x512xf32, #tpu.memory_space<hbm>>
    tpu.enqueue_dma source(%dma_start3A_838 : memref<16x512xf32, #tpu.memory_space<hbm>>) target(%dma_start3A_835 : memref<16x512xf32, #tpu.memory_space<vmem>>) target_semaphore(%arg10 : memref<!tpu.dma_semaphore, #tpu.memory_space<semaphore_mem>>)
    %dma_wait3A_839 = arith.constant 1 : i32
    %dma_wait3A_840 = arith.constant 2 : i32
    %dma_wait3A_841 = arith.constant 0 : i32
    %dma_wait3A_842 = arith.constant 0 : i32
    %dma_wait3A_843 = tpu.memref_slice %arg7[%dma_wait3A_840, %dma_wait3A_841, %dma_wait3A_842] : memref<4x16x512xf32, #tpu.memory_space<vmem>> -> memref<1x16x512xf32, #tpu.memory_space<vmem>>
    %dma_wait3A_844 = tpu.memref_squeeze %dma_wait3A_843 : memref<1x16x512xf32, #tpu.memory_space<vmem>> -> memref<16x512xf32, #tpu.memory_space<vmem>>
    %dma_wait3A_845 = arith.constant 0 : i32
    %dma_wait3A_846 = tpu.memref_slice %arg2[%dma_wait3A_839, %add3A_686, %dma_wait3A_845] : memref<4x4096x512xf32, #tpu.memory_space<hbm>> -> memref<1x16x512xf32, #tpu.memory_space<hbm>>
    %dma_wait3A_847 = tpu.memref_squeeze %dma_wait3A_846 : memref<1x16x512xf32, #tpu.memory_space<hbm>> -> memref<16x512xf32, #tpu.memory_space<hbm>>
    %dma_wait3A_848 = arith.constant 0 : i32
    %dma_wait3A_849 = arith.constant 0 : i32
    %dma_wait3A_850 = tpu.memref_slice %arg7[%dma_wait3A_840, %dma_wait3A_848, %dma_wait3A_849] : memref<4x16x512xf32, #tpu.memory_space<vmem>> -> memref<1x16x512xf32, #tpu.memory_space<vmem>>
    %dma_wait3A_851 = tpu.memref_squeeze %dma_wait3A_850 : memref<1x16x512xf32, #tpu.memory_space<vmem>> -> memref<16x512xf32, #tpu.memory_space<vmem>>
    %dma_wait3A_852 = arith.constant 0 : i32
    %dma_wait3A_853 = tpu.memref_slice %arg2[%dma_wait3A_839, %add3A_686, %dma_wait3A_852] : memref<4x4096x512xf32, #tpu.memory_space<hbm>> -> memref<1x16x512xf32, #tpu.memory_space<hbm>>
    %dma_wait3A_854 = tpu.memref_squeeze %dma_wait3A_853 : memref<1x16x512xf32, #tpu.memory_space<hbm>> -> memref<16x512xf32, #tpu.memory_space<hbm>>
    tpu.wait_dma2 semaphore(%arg12 : memref<!tpu.dma_semaphore, #tpu.memory_space<semaphore_mem>>) src(%dma_wait3A_854 : memref<16x512xf32, #tpu.memory_space<hbm>>) dst(%dma_wait3A_851 : memref<16x512xf32, #tpu.memory_space<vmem>>)
    %add3A_855 = arith.constant 32 : i32
    %add3A_856 = arith.addi %mul3A_2, %add3A_855 : i32
    %dma_start3A_857 = arith.constant 2 : i32
    %dma_start3A_858 = arith.constant 1 : i32
    %dma_start3A_859 = arith.constant 0 : i32
    %dma_start3A_860 = arith.constant 0 : i32
    %dma_start3A_861 = tpu.memref_slice %arg7[%dma_start3A_857, %dma_start3A_859, %dma_start3A_860] : memref<4x16x512xf32, #tpu.memory_space<vmem>> -> memref<1x16x512xf32, #tpu.memory_space<vmem>>
    %dma_start3A_862 = tpu.memref_squeeze %dma_start3A_861 : memref<1x16x512xf32, #tpu.memory_space<vmem>> -> memref<16x512xf32, #tpu.memory_space<vmem>>
    %dma_start3A_863 = arith.constant 0 : i32
    %dma_start3A_864 = tpu.memref_slice %arg4[%dma_start3A_858, %add3A_856, %dma_start3A_863] : memref<4x4096x1024xf32, #tpu.memory_space<hbm>> -> memref<1x16x512xf32, #tpu.memory_space<hbm>>
    %dma_start3A_865 = tpu.memref_squeeze %dma_start3A_864 : memref<1x16x512xf32, #tpu.memory_space<hbm>> -> memref<16x512xf32, #tpu.memory_space<hbm>>
    %dma_start3A_866 = arith.constant 0 : i32
    %dma_start3A_867 = tpu.memref_slice %arg4[%dma_start3A_858, %add3A_856, %dma_start3A_866] : memref<4x4096x1024xf32, #tpu.memory_space<hbm>> -> memref<1x16x512xf32, #tpu.memory_space<hbm>>
    %dma_start3A_868 = tpu.memref_squeeze %dma_start3A_867 : memref<1x16x512xf32, #tpu.memory_space<hbm>> -> memref<16x512xf32, #tpu.memory_space<hbm>>
    %dma_start3A_869 = arith.constant 0 : i32
    %dma_start3A_870 = arith.constant 0 : i32
    %dma_start3A_871 = tpu.memref_slice %arg7[%dma_start3A_857, %dma_start3A_869, %dma_start3A_870] : memref<4x16x512xf32, #tpu.memory_space<vmem>> -> memref<1x16x512xf32, #tpu.memory_space<vmem>>
    %dma_start3A_872 = tpu.memref_squeeze %dma_start3A_871 : memref<1x16x512xf32, #tpu.memory_space<vmem>> -> memref<16x512xf32, #tpu.memory_space<vmem>>
    tpu.enqueue_dma source(%dma_start3A_872 : memref<16x512xf32, #tpu.memory_space<vmem>>) target(%dma_start3A_868 : memref<16x512xf32, #tpu.memory_space<hbm>>) target_semaphore(%arg16 : memref<!tpu.dma_semaphore, #tpu.memory_space<semaphore_mem>>)
    %dma_wait3A_873 = arith.constant 1 : i32
    %dma_wait3A_874 = arith.constant 1 : i32
    %dma_wait3A_875 = arith.constant 0 : i32
    %dma_wait3A_876 = arith.constant 0 : i32
    %dma_wait3A_877 = tpu.memref_slice %arg7[%dma_wait3A_873, %dma_wait3A_875, %dma_wait3A_876] : memref<4x16x512xf32, #tpu.memory_space<vmem>> -> memref<1x16x512xf32, #tpu.memory_space<vmem>>
    %dma_wait3A_878 = tpu.memref_squeeze %dma_wait3A_877 : memref<1x16x512xf32, #tpu.memory_space<vmem>> -> memref<16x512xf32, #tpu.memory_space<vmem>>
    %dma_wait3A_879 = arith.constant 0 : i32
    %dma_wait3A_880 = tpu.memref_slice %arg4[%dma_wait3A_874, %add3A_788, %dma_wait3A_879] : memref<4x4096x1024xf32, #tpu.memory_space<hbm>> -> memref<1x16x512xf32, #tpu.memory_space<hbm>>
    %dma_wait3A_881 = tpu.memref_squeeze %dma_wait3A_880 : memref<1x16x512xf32, #tpu.memory_space<hbm>> -> memref<16x512xf32, #tpu.memory_space<hbm>>
    %dma_wait3A_882 = arith.constant 0 : i32
    %dma_wait3A_883 = tpu.memref_slice %arg4[%dma_wait3A_874, %add3A_788, %dma_wait3A_882] : memref<4x4096x1024xf32, #tpu.memory_space<hbm>> -> memref<1x16x512xf32, #tpu.memory_space<hbm>>
    %dma_wait3A_884 = tpu.memref_squeeze %dma_wait3A_883 : memref<1x16x512xf32, #tpu.memory_space<hbm>> -> memref<16x512xf32, #tpu.memory_space<hbm>>
    %dma_wait3A_885 = arith.constant 0 : i32
    %dma_wait3A_886 = arith.constant 0 : i32
    %dma_wait3A_887 = tpu.memref_slice %arg7[%dma_wait3A_873, %dma_wait3A_885, %dma_wait3A_886] : memref<4x16x512xf32, #tpu.memory_space<vmem>> -> memref<1x16x512xf32, #tpu.memory_space<vmem>>
    %dma_wait3A_888 = tpu.memref_squeeze %dma_wait3A_887 : memref<1x16x512xf32, #tpu.memory_space<vmem>> -> memref<16x512xf32, #tpu.memory_space<vmem>>
    tpu.wait_dma2 semaphore(%arg15 : memref<!tpu.dma_semaphore, #tpu.memory_space<semaphore_mem>>) src(%dma_wait3A_888 : memref<16x512xf32, #tpu.memory_space<vmem>>) dst(%dma_wait3A_884 : memref<16x512xf32, #tpu.memory_space<hbm>>)
    %add3A_889 = arith.constant 80 : i32
    %add3A_890 = arith.addi %mul3A_2, %add3A_889 : i32
    %dma_start3A_891 = arith.constant 1 : i32
    %dma_start3A_892 = arith.constant 1 : i32
    %dma_start3A_893 = arith.constant 0 : i32
    %dma_start3A_894 = arith.constant 0 : i32
    %dma_start3A_895 = tpu.memref_slice %arg7[%dma_start3A_892, %dma_start3A_893, %dma_start3A_894] : memref<4x16x512xf32, #tpu.memory_space<vmem>> -> memref<1x16x512xf32, #tpu.memory_space<vmem>>
    %dma_start3A_896 = tpu.memref_squeeze %dma_start3A_895 : memref<1x16x512xf32, #tpu.memory_space<vmem>> -> memref<16x512xf32, #tpu.memory_space<vmem>>
    %dma_start3A_897 = arith.constant 0 : i32
    %dma_start3A_898 = tpu.memref_slice %arg2[%dma_start3A_891, %add3A_890, %dma_start3A_897] : memref<4x4096x512xf32, #tpu.memory_space<hbm>> -> memref<1x16x512xf32, #tpu.memory_space<hbm>>
    %dma_start3A_899 = tpu.memref_squeeze %dma_start3A_898 : memref<1x16x512xf32, #tpu.memory_space<hbm>> -> memref<16x512xf32, #tpu.memory_space<hbm>>
    %dma_start3A_900 = arith.constant 0 : i32
    %dma_start3A_901 = arith.constant 0 : i32
    %dma_start3A_902 = tpu.memref_slice %arg7[%dma_start3A_892, %dma_start3A_900, %dma_start3A_901] : memref<4x16x512xf32, #tpu.memory_space<vmem>> -> memref<1x16x512xf32, #tpu.memory_space<vmem>>
    %dma_start3A_903 = tpu.memref_squeeze %dma_start3A_902 : memref<1x16x512xf32, #tpu.memory_space<vmem>> -> memref<16x512xf32, #tpu.memory_space<vmem>>
    %dma_start3A_904 = arith.constant 0 : i32
    %dma_start3A_905 = tpu.memref_slice %arg2[%dma_start3A_891, %add3A_890, %dma_start3A_904] : memref<4x4096x512xf32, #tpu.memory_space<hbm>> -> memref<1x16x512xf32, #tpu.memory_space<hbm>>
    %dma_start3A_906 = tpu.memref_squeeze %dma_start3A_905 : memref<1x16x512xf32, #tpu.memory_space<hbm>> -> memref<16x512xf32, #tpu.memory_space<hbm>>
    tpu.enqueue_dma source(%dma_start3A_906 : memref<16x512xf32, #tpu.memory_space<hbm>>) target(%dma_start3A_903 : memref<16x512xf32, #tpu.memory_space<vmem>>) target_semaphore(%arg11 : memref<!tpu.dma_semaphore, #tpu.memory_space<semaphore_mem>>)
    %dma_wait3A_907 = arith.constant 1 : i32
    %dma_wait3A_908 = arith.constant 3 : i32
    %dma_wait3A_909 = arith.constant 0 : i32
    %dma_wait3A_910 = arith.constant 0 : i32
    %dma_wait3A_911 = tpu.memref_slice %arg7[%dma_wait3A_908, %dma_wait3A_909, %dma_wait3A_910] : memref<4x16x512xf32, #tpu.memory_space<vmem>> -> memref<1x16x512xf32, #tpu.memory_space<vmem>>
    %dma_wait3A_912 = tpu.memref_squeeze %dma_wait3A_911 : memref<1x16x512xf32, #tpu.memory_space<vmem>> -> memref<16x512xf32, #tpu.memory_space<vmem>>
    %dma_wait3A_913 = arith.constant 0 : i32
    %dma_wait3A_914 = tpu.memref_slice %arg2[%dma_wait3A_907, %add3A_754, %dma_wait3A_913] : memref<4x4096x512xf32, #tpu.memory_space<hbm>> -> memref<1x16x512xf32, #tpu.memory_space<hbm>>
    %dma_wait3A_915 = tpu.memref_squeeze %dma_wait3A_914 : memref<1x16x512xf32, #tpu.memory_space<hbm>> -> memref<16x512xf32, #tpu.memory_space<hbm>>
    %dma_wait3A_916 = arith.constant 0 : i32
    %dma_wait3A_917 = arith.constant 0 : i32
    %dma_wait3A_918 = tpu.memref_slice %arg7[%dma_wait3A_908, %dma_wait3A_916, %dma_wait3A_917] : memref<4x16x512xf32, #tpu.memory_space<vmem>> -> memref<1x16x512xf32, #tpu.memory_space<vmem>>
    %dma_wait3A_919 = tpu.memref_squeeze %dma_wait3A_918 : memref<1x16x512xf32, #tpu.memory_space<vmem>> -> memref<16x512xf32, #tpu.memory_space<vmem>>
    %dma_wait3A_920 = arith.constant 0 : i32
    %dma_wait3A_921 = tpu.memref_slice %arg2[%dma_wait3A_907, %add3A_754, %dma_wait3A_920] : memref<4x4096x512xf32, #tpu.memory_space<hbm>> -> memref<1x16x512xf32, #tpu.memory_space<hbm>>
    %dma_wait3A_922 = tpu.memref_squeeze %dma_wait3A_921 : memref<1x16x512xf32, #tpu.memory_space<hbm>> -> memref<16x512xf32, #tpu.memory_space<hbm>>
    tpu.wait_dma2 semaphore(%arg13 : memref<!tpu.dma_semaphore, #tpu.memory_space<semaphore_mem>>) src(%dma_wait3A_922 : memref<16x512xf32, #tpu.memory_space<hbm>>) dst(%dma_wait3A_919 : memref<16x512xf32, #tpu.memory_space<vmem>>)
    %add3A_923 = arith.constant 48 : i32
    %add3A_924 = arith.addi %mul3A_2, %add3A_923 : i32
    %dma_start3A_925 = arith.constant 3 : i32
    %dma_start3A_926 = arith.constant 1 : i32
    %dma_start3A_927 = arith.constant 0 : i32
    %dma_start3A_928 = arith.constant 0 : i32
    %dma_start3A_929 = tpu.memref_slice %arg7[%dma_start3A_925, %dma_start3A_927, %dma_start3A_928] : memref<4x16x512xf32, #tpu.memory_space<vmem>> -> memref<1x16x512xf32, #tpu.memory_space<vmem>>
    %dma_start3A_930 = tpu.memref_squeeze %dma_start3A_929 : memref<1x16x512xf32, #tpu.memory_space<vmem>> -> memref<16x512xf32, #tpu.memory_space<vmem>>
    %dma_start3A_931 = arith.constant 0 : i32
    %dma_start3A_932 = tpu.memref_slice %arg4[%dma_start3A_926, %add3A_924, %dma_start3A_931] : memref<4x4096x1024xf32, #tpu.memory_space<hbm>> -> memref<1x16x512xf32, #tpu.memory_space<hbm>>
    %dma_start3A_933 = tpu.memref_squeeze %dma_start3A_932 : memref<1x16x512xf32, #tpu.memory_space<hbm>> -> memref<16x512xf32, #tpu.memory_space<hbm>>
    %dma_start3A_934 = arith.constant 0 : i32
    %dma_start3A_935 = tpu.memref_slice %arg4[%dma_start3A_926, %add3A_924, %dma_start3A_934] : memref<4x4096x1024xf32, #tpu.memory_space<hbm>> -> memref<1x16x512xf32, #tpu.memory_space<hbm>>
    %dma_start3A_936 = tpu.memref_squeeze %dma_start3A_935 : memref<1x16x512xf32, #tpu.memory_space<hbm>> -> memref<16x512xf32, #tpu.memory_space<hbm>>
    %dma_start3A_937 = arith.constant 0 : i32
    %dma_start3A_938 = arith.constant 0 : i32
    %dma_start3A_939 = tpu.memref_slice %arg7[%dma_start3A_925, %dma_start3A_937, %dma_start3A_938] : memref<4x16x512xf32, #tpu.memory_space<vmem>> -> memref<1x16x512xf32, #tpu.memory_space<vmem>>
    %dma_start3A_940 = tpu.memref_squeeze %dma_start3A_939 : memref<1x16x512xf32, #tpu.memory_space<vmem>> -> memref<16x512xf32, #tpu.memory_space<vmem>>
    tpu.enqueue_dma source(%dma_start3A_940 : memref<16x512xf32, #tpu.memory_space<vmem>>) target(%dma_start3A_936 : memref<16x512xf32, #tpu.memory_space<hbm>>) target_semaphore(%arg17 : memref<!tpu.dma_semaphore, #tpu.memory_space<semaphore_mem>>)
    %dma_wait3A_941 = arith.constant 2 : i32
    %dma_wait3A_942 = arith.constant 1 : i32
    %dma_wait3A_943 = arith.constant 0 : i32
    %dma_wait3A_944 = arith.constant 0 : i32
    %dma_wait3A_945 = tpu.memref_slice %arg7[%dma_wait3A_941, %dma_wait3A_943, %dma_wait3A_944] : memref<4x16x512xf32, #tpu.memory_space<vmem>> -> memref<1x16x512xf32, #tpu.memory_space<vmem>>
    %dma_wait3A_946 = tpu.memref_squeeze %dma_wait3A_945 : memref<1x16x512xf32, #tpu.memory_space<vmem>> -> memref<16x512xf32, #tpu.memory_space<vmem>>
    %dma_wait3A_947 = arith.constant 0 : i32
    %dma_wait3A_948 = tpu.memref_slice %arg4[%dma_wait3A_942, %add3A_856, %dma_wait3A_947] : memref<4x4096x1024xf32, #tpu.memory_space<hbm>> -> memref<1x16x512xf32, #tpu.memory_space<hbm>>
    %dma_wait3A_949 = tpu.memref_squeeze %dma_wait3A_948 : memref<1x16x512xf32, #tpu.memory_space<hbm>> -> memref<16x512xf32, #tpu.memory_space<hbm>>
    %dma_wait3A_950 = arith.constant 0 : i32
    %dma_wait3A_951 = tpu.memref_slice %arg4[%dma_wait3A_942, %add3A_856, %dma_wait3A_950] : memref<4x4096x1024xf32, #tpu.memory_space<hbm>> -> memref<1x16x512xf32, #tpu.memory_space<hbm>>
    %dma_wait3A_952 = tpu.memref_squeeze %dma_wait3A_951 : memref<1x16x512xf32, #tpu.memory_space<hbm>> -> memref<16x512xf32, #tpu.memory_space<hbm>>
    %dma_wait3A_953 = arith.constant 0 : i32
    %dma_wait3A_954 = arith.constant 0 : i32
    %dma_wait3A_955 = tpu.memref_slice %arg7[%dma_wait3A_941, %dma_wait3A_953, %dma_wait3A_954] : memref<4x16x512xf32, #tpu.memory_space<vmem>> -> memref<1x16x512xf32, #tpu.memory_space<vmem>>
    %dma_wait3A_956 = tpu.memref_squeeze %dma_wait3A_955 : memref<1x16x512xf32, #tpu.memory_space<vmem>> -> memref<16x512xf32, #tpu.memory_space<vmem>>
    tpu.wait_dma2 semaphore(%arg16 : memref<!tpu.dma_semaphore, #tpu.memory_space<semaphore_mem>>) src(%dma_wait3A_956 : memref<16x512xf32, #tpu.memory_space<vmem>>) dst(%dma_wait3A_952 : memref<16x512xf32, #tpu.memory_space<hbm>>)
    %add3A_957 = arith.constant 96 : i32
    %add3A_958 = arith.addi %mul3A_2, %add3A_957 : i32
    %dma_start3A_959 = arith.constant 1 : i32
    %dma_start3A_960 = arith.constant 2 : i32
    %dma_start3A_961 = arith.constant 0 : i32
    %dma_start3A_962 = arith.constant 0 : i32
    %dma_start3A_963 = tpu.memref_slice %arg7[%dma_start3A_960, %dma_start3A_961, %dma_start3A_962] : memref<4x16x512xf32, #tpu.memory_space<vmem>> -> memref<1x16x512xf32, #tpu.memory_space<vmem>>
    %dma_start3A_964 = tpu.memref_squeeze %dma_start3A_963 : memref<1x16x512xf32, #tpu.memory_space<vmem>> -> memref<16x512xf32, #tpu.memory_space<vmem>>
    %dma_start3A_965 = arith.constant 0 : i32
    %dma_start3A_966 = tpu.memref_slice %arg2[%dma_start3A_959, %add3A_958, %dma_start3A_965] : memref<4x4096x512xf32, #tpu.memory_space<hbm>> -> memref<1x16x512xf32, #tpu.memory_space<hbm>>
    %dma_start3A_967 = tpu.memref_squeeze %dma_start3A_966 : memref<1x16x512xf32, #tpu.memory_space<hbm>> -> memref<16x512xf32, #tpu.memory_space<hbm>>
    %dma_start3A_968 = arith.constant 0 : i32
    %dma_start3A_969 = arith.constant 0 : i32
    %dma_start3A_970 = tpu.memref_slice %arg7[%dma_start3A_960, %dma_start3A_968, %dma_start3A_969] : memref<4x16x512xf32, #tpu.memory_space<vmem>> -> memref<1x16x512xf32, #tpu.memory_space<vmem>>
    %dma_start3A_971 = tpu.memref_squeeze %dma_start3A_970 : memref<1x16x512xf32, #tpu.memory_space<vmem>> -> memref<16x512xf32, #tpu.memory_space<vmem>>
    %dma_start3A_972 = arith.constant 0 : i32
    %dma_start3A_973 = tpu.memref_slice %arg2[%dma_start3A_959, %add3A_958, %dma_start3A_972] : memref<4x4096x512xf32, #tpu.memory_space<hbm>> -> memref<1x16x512xf32, #tpu.memory_space<hbm>>
    %dma_start3A_974 = tpu.memref_squeeze %dma_start3A_973 : memref<1x16x512xf32, #tpu.memory_space<hbm>> -> memref<16x512xf32, #tpu.memory_space<hbm>>
    tpu.enqueue_dma source(%dma_start3A_974 : memref<16x512xf32, #tpu.memory_space<hbm>>) target(%dma_start3A_971 : memref<16x512xf32, #tpu.memory_space<vmem>>) target_semaphore(%arg12 : memref<!tpu.dma_semaphore, #tpu.memory_space<semaphore_mem>>)
    %dma_wait3A_975 = arith.constant 1 : i32
    %dma_wait3A_976 = arith.constant 0 : i32
    %dma_wait3A_977 = arith.constant 0 : i32
    %dma_wait3A_978 = arith.constant 0 : i32
    %dma_wait3A_979 = tpu.memref_slice %arg7[%dma_wait3A_976, %dma_wait3A_977, %dma_wait3A_978] : memref<4x16x512xf32, #tpu.memory_space<vmem>> -> memref<1x16x512xf32, #tpu.memory_space<vmem>>
    %dma_wait3A_980 = tpu.memref_squeeze %dma_wait3A_979 : memref<1x16x512xf32, #tpu.memory_space<vmem>> -> memref<16x512xf32, #tpu.memory_space<vmem>>
    %dma_wait3A_981 = arith.constant 0 : i32
    %dma_wait3A_982 = tpu.memref_slice %arg2[%dma_wait3A_975, %add3A_822, %dma_wait3A_981] : memref<4x4096x512xf32, #tpu.memory_space<hbm>> -> memref<1x16x512xf32, #tpu.memory_space<hbm>>
    %dma_wait3A_983 = tpu.memref_squeeze %dma_wait3A_982 : memref<1x16x512xf32, #tpu.memory_space<hbm>> -> memref<16x512xf32, #tpu.memory_space<hbm>>
    %dma_wait3A_984 = arith.constant 0 : i32
    %dma_wait3A_985 = arith.constant 0 : i32
    %dma_wait3A_986 = tpu.memref_slice %arg7[%dma_wait3A_976, %dma_wait3A_984, %dma_wait3A_985] : memref<4x16x512xf32, #tpu.memory_space<vmem>> -> memref<1x16x512xf32, #tpu.memory_space<vmem>>
    %dma_wait3A_987 = tpu.memref_squeeze %dma_wait3A_986 : memref<1x16x512xf32, #tpu.memory_space<vmem>> -> memref<16x512xf32, #tpu.memory_space<vmem>>
    %dma_wait3A_988 = arith.constant 0 : i32
    %dma_wait3A_989 = tpu.memref_slice %arg2[%dma_wait3A_975, %add3A_822, %dma_wait3A_988] : memref<4x4096x512xf32, #tpu.memory_space<hbm>> -> memref<1x16x512xf32, #tpu.memory_space<hbm>>
    %dma_wait3A_990 = tpu.memref_squeeze %dma_wait3A_989 : memref<1x16x512xf32, #tpu.memory_space<hbm>> -> memref<16x512xf32, #tpu.memory_space<hbm>>
    tpu.wait_dma2 semaphore(%arg10 : memref<!tpu.dma_semaphore, #tpu.memory_space<semaphore_mem>>) src(%dma_wait3A_990 : memref<16x512xf32, #tpu.memory_space<hbm>>) dst(%dma_wait3A_987 : memref<16x512xf32, #tpu.memory_space<vmem>>)
    %add3A_991 = arith.constant 64 : i32
    %add3A_992 = arith.addi %mul3A_2, %add3A_991 : i32
    %dma_start3A_993 = arith.constant 0 : i32
    %dma_start3A_994 = arith.constant 1 : i32
    %dma_start3A_995 = arith.constant 0 : i32
    %dma_start3A_996 = arith.constant 0 : i32
    %dma_start3A_997 = tpu.memref_slice %arg7[%dma_start3A_993, %dma_start3A_995, %dma_start3A_996] : memref<4x16x512xf32, #tpu.memory_space<vmem>> -> memref<1x16x512xf32, #tpu.memory_space<vmem>>
    %dma_start3A_998 = tpu.memref_squeeze %dma_start3A_997 : memref<1x16x512xf32, #tpu.memory_space<vmem>> -> memref<16x512xf32, #tpu.memory_space<vmem>>
    %dma_start3A_999 = arith.constant 0 : i32
    %dma_start3A_1000 = tpu.memref_slice %arg4[%dma_start3A_994, %add3A_992, %dma_start3A_999] : memref<4x4096x1024xf32, #tpu.memory_space<hbm>> -> memref<1x16x512xf32, #tpu.memory_space<hbm>>
    %dma_start3A_1001 = tpu.memref_squeeze %dma_start3A_1000 : memref<1x16x512xf32, #tpu.memory_space<hbm>> -> memref<16x512xf32, #tpu.memory_space<hbm>>
    %dma_start3A_1002 = arith.constant 0 : i32
    %dma_start3A_1003 = tpu.memref_slice %arg4[%dma_start3A_994, %add3A_992, %dma_start3A_1002] : memref<4x4096x1024xf32, #tpu.memory_space<hbm>> -> memref<1x16x512xf32, #tpu.memory_space<hbm>>
    %dma_start3A_1004 = tpu.memref_squeeze %dma_start3A_1003 : memref<1x16x512xf32, #tpu.memory_space<hbm>> -> memref<16x512xf32, #tpu.memory_space<hbm>>
    %dma_start3A_1005 = arith.constant 0 : i32
    %dma_start3A_1006 = arith.constant 0 : i32
    %dma_start3A_1007 = tpu.memref_slice %arg7[%dma_start3A_993, %dma_start3A_1005, %dma_start3A_1006] : memref<4x16x512xf32, #tpu.memory_space<vmem>> -> memref<1x16x512xf32, #tpu.memory_space<vmem>>
    %dma_start3A_1008 = tpu.memref_squeeze %dma_start3A_1007 : memref<1x16x512xf32, #tpu.memory_space<vmem>> -> memref<16x512xf32, #tpu.memory_space<vmem>>
    tpu.enqueue_dma source(%dma_start3A_1008 : memref<16x512xf32, #tpu.memory_space<vmem>>) target(%dma_start3A_1004 : memref<16x512xf32, #tpu.memory_space<hbm>>) target_semaphore(%arg14 : memref<!tpu.dma_semaphore, #tpu.memory_space<semaphore_mem>>)
    %dma_wait3A_1009 = arith.constant 3 : i32
    %dma_wait3A_1010 = arith.constant 1 : i32
    %dma_wait3A_1011 = arith.constant 0 : i32
    %dma_wait3A_1012 = arith.constant 0 : i32
    %dma_wait3A_1013 = tpu.memref_slice %arg7[%dma_wait3A_1009, %dma_wait3A_1011, %dma_wait3A_1012] : memref<4x16x512xf32, #tpu.memory_space<vmem>> -> memref<1x16x512xf32, #tpu.memory_space<vmem>>
    %dma_wait3A_1014 = tpu.memref_squeeze %dma_wait3A_1013 : memref<1x16x512xf32, #tpu.memory_space<vmem>> -> memref<16x512xf32, #tpu.memory_space<vmem>>
    %dma_wait3A_1015 = arith.constant 0 : i32
    %dma_wait3A_1016 = tpu.memref_slice %arg4[%dma_wait3A_1010, %add3A_924, %dma_wait3A_1015] : memref<4x4096x1024xf32, #tpu.memory_space<hbm>> -> memref<1x16x512xf32, #tpu.memory_space<hbm>>
    %dma_wait3A_1017 = tpu.memref_squeeze %dma_wait3A_1016 : memref<1x16x512xf32, #tpu.memory_space<hbm>> -> memref<16x512xf32, #tpu.memory_space<hbm>>
    %dma_wait3A_1018 = arith.constant 0 : i32
    %dma_wait3A_1019 = tpu.memref_slice %arg4[%dma_wait3A_1010, %add3A_924, %dma_wait3A_1018] : memref<4x4096x1024xf32, #tpu.memory_space<hbm>> -> memref<1x16x512xf32, #tpu.memory_space<hbm>>
    %dma_wait3A_1020 = tpu.memref_squeeze %dma_wait3A_1019 : memref<1x16x512xf32, #tpu.memory_space<hbm>> -> memref<16x512xf32, #tpu.memory_space<hbm>>
    %dma_wait3A_1021 = arith.constant 0 : i32
    %dma_wait3A_1022 = arith.constant 0 : i32
    %dma_wait3A_1023 = tpu.memref_slice %arg7[%dma_wait3A_1009, %dma_wait3A_1021, %dma_wait3A_1022] : memref<4x16x512xf32, #tpu.memory_space<vmem>> -> memref<1x16x512xf32, #tpu.memory_space<vmem>>
    %dma_wait3A_1024 = tpu.memref_squeeze %dma_wait3A_1023 : memref<1x16x512xf32, #tpu.memory_space<vmem>> -> memref<16x512xf32, #tpu.memory_space<vmem>>
    tpu.wait_dma2 semaphore(%arg17 : memref<!tpu.dma_semaphore, #tpu.memory_space<semaphore_mem>>) src(%dma_wait3A_1024 : memref<16x512xf32, #tpu.memory_space<vmem>>) dst(%dma_wait3A_1020 : memref<16x512xf32, #tpu.memory_space<hbm>>)
    %add3A_1025 = arith.constant 112 : i32
    %add3A_1026 = arith.addi %mul3A_2, %add3A_1025 : i32
    %dma_start3A_1027 = arith.constant 1 : i32
    %dma_start3A_1028 = arith.constant 3 : i32
    %dma_start3A_1029 = arith.constant 0 : i32
    %dma_start3A_1030 = arith.constant 0 : i32
    %dma_start3A_1031 = tpu.memref_slice %arg7[%dma_start3A_1028, %dma_start3A_1029, %dma_start3A_1030] : memref<4x16x512xf32, #tpu.memory_space<vmem>> -> memref<1x16x512xf32, #tpu.memory_space<vmem>>
    %dma_start3A_1032 = tpu.memref_squeeze %dma_start3A_1031 : memref<1x16x512xf32, #tpu.memory_space<vmem>> -> memref<16x512xf32, #tpu.memory_space<vmem>>
    %dma_start3A_1033 = arith.constant 0 : i32
    %dma_start3A_1034 = tpu.memref_slice %arg2[%dma_start3A_1027, %add3A_1026, %dma_start3A_1033] : memref<4x4096x512xf32, #tpu.memory_space<hbm>> -> memref<1x16x512xf32, #tpu.memory_space<hbm>>
    %dma_start3A_1035 = tpu.memref_squeeze %dma_start3A_1034 : memref<1x16x512xf32, #tpu.memory_space<hbm>> -> memref<16x512xf32, #tpu.memory_space<hbm>>
    %dma_start3A_1036 = arith.constant 0 : i32
    %dma_start3A_1037 = arith.constant 0 : i32
    %dma_start3A_1038 = tpu.memref_slice %arg7[%dma_start3A_1028, %dma_start3A_1036, %dma_start3A_1037] : memref<4x16x512xf32, #tpu.memory_space<vmem>> -> memref<1x16x512xf32, #tpu.memory_space<vmem>>
    %dma_start3A_1039 = tpu.memref_squeeze %dma_start3A_1038 : memref<1x16x512xf32, #tpu.memory_space<vmem>> -> memref<16x512xf32, #tpu.memory_space<vmem>>
    %dma_start3A_1040 = arith.constant 0 : i32
    %dma_start3A_1041 = tpu.memref_slice %arg2[%dma_start3A_1027, %add3A_1026, %dma_start3A_1040] : memref<4x4096x512xf32, #tpu.memory_space<hbm>> -> memref<1x16x512xf32, #tpu.memory_space<hbm>>
    %dma_start3A_1042 = tpu.memref_squeeze %dma_start3A_1041 : memref<1x16x512xf32, #tpu.memory_space<hbm>> -> memref<16x512xf32, #tpu.memory_space<hbm>>
    tpu.enqueue_dma source(%dma_start3A_1042 : memref<16x512xf32, #tpu.memory_space<hbm>>) target(%dma_start3A_1039 : memref<16x512xf32, #tpu.memory_space<vmem>>) target_semaphore(%arg13 : memref<!tpu.dma_semaphore, #tpu.memory_space<semaphore_mem>>)
    %dma_wait3A_1043 = arith.constant 1 : i32
    %dma_wait3A_1044 = arith.constant 1 : i32
    %dma_wait3A_1045 = arith.constant 0 : i32
    %dma_wait3A_1046 = arith.constant 0 : i32
    %dma_wait3A_1047 = tpu.memref_slice %arg7[%dma_wait3A_1044, %dma_wait3A_1045, %dma_wait3A_1046] : memref<4x16x512xf32, #tpu.memory_space<vmem>> -> memref<1x16x512xf32, #tpu.memory_space<vmem>>
    %dma_wait3A_1048 = tpu.memref_squeeze %dma_wait3A_1047 : memref<1x16x512xf32, #tpu.memory_space<vmem>> -> memref<16x512xf32, #tpu.memory_space<vmem>>
    %dma_wait3A_1049 = arith.constant 0 : i32
    %dma_wait3A_1050 = tpu.memref_slice %arg2[%dma_wait3A_1043, %add3A_890, %dma_wait3A_1049] : memref<4x4096x512xf32, #tpu.memory_space<hbm>> -> memref<1x16x512xf32, #tpu.memory_space<hbm>>
    %dma_wait3A_1051 = tpu.memref_squeeze %dma_wait3A_1050 : memref<1x16x512xf32, #tpu.memory_space<hbm>> -> memref<16x512xf32, #tpu.memory_space<hbm>>
    %dma_wait3A_1052 = arith.constant 0 : i32
    %dma_wait3A_1053 = arith.constant 0 : i32
    %dma_wait3A_1054 = tpu.memref_slice %arg7[%dma_wait3A_1044, %dma_wait3A_1052, %dma_wait3A_1053] : memref<4x16x512xf32, #tpu.memory_space<vmem>> -> memref<1x16x512xf32, #tpu.memory_space<vmem>>
    %dma_wait3A_1055 = tpu.memref_squeeze %dma_wait3A_1054 : memref<1x16x512xf32, #tpu.memory_space<vmem>> -> memref<16x512xf32, #tpu.memory_space<vmem>>
    %dma_wait3A_1056 = arith.constant 0 : i32
    %dma_wait3A_1057 = tpu.memref_slice %arg2[%dma_wait3A_1043, %add3A_890, %dma_wait3A_1056] : memref<4x4096x512xf32, #tpu.memory_space<hbm>> -> memref<1x16x512xf32, #tpu.memory_space<hbm>>
    %dma_wait3A_1058 = tpu.memref_squeeze %dma_wait3A_1057 : memref<1x16x512xf32, #tpu.memory_space<hbm>> -> memref<16x512xf32, #tpu.memory_space<hbm>>
    tpu.wait_dma2 semaphore(%arg11 : memref<!tpu.dma_semaphore, #tpu.memory_space<semaphore_mem>>) src(%dma_wait3A_1058 : memref<16x512xf32, #tpu.memory_space<hbm>>) dst(%dma_wait3A_1055 : memref<16x512xf32, #tpu.memory_space<vmem>>)
    %add3A_1059 = arith.constant 80 : i32
    %add3A_1060 = arith.addi %mul3A_2, %add3A_1059 : i32
    %dma_start3A_1061 = arith.constant 1 : i32
    %dma_start3A_1062 = arith.constant 1 : i32
    %dma_start3A_1063 = arith.constant 0 : i32
    %dma_start3A_1064 = arith.constant 0 : i32
    %dma_start3A_1065 = tpu.memref_slice %arg7[%dma_start3A_1061, %dma_start3A_1063, %dma_start3A_1064] : memref<4x16x512xf32, #tpu.memory_space<vmem>> -> memref<1x16x512xf32, #tpu.memory_space<vmem>>
    %dma_start3A_1066 = tpu.memref_squeeze %dma_start3A_1065 : memref<1x16x512xf32, #tpu.memory_space<vmem>> -> memref<16x512xf32, #tpu.memory_space<vmem>>
    %dma_start3A_1067 = arith.constant 0 : i32
    %dma_start3A_1068 = tpu.memref_slice %arg4[%dma_start3A_1062, %add3A_1060, %dma_start3A_1067] : memref<4x4096x1024xf32, #tpu.memory_space<hbm>> -> memref<1x16x512xf32, #tpu.memory_space<hbm>>
    %dma_start3A_1069 = tpu.memref_squeeze %dma_start3A_1068 : memref<1x16x512xf32, #tpu.memory_space<hbm>> -> memref<16x512xf32, #tpu.memory_space<hbm>>
    %dma_start3A_1070 = arith.constant 0 : i32
    %dma_start3A_1071 = tpu.memref_slice %arg4[%dma_start3A_1062, %add3A_1060, %dma_start3A_1070] : memref<4x4096x1024xf32, #tpu.memory_space<hbm>> -> memref<1x16x512xf32, #tpu.memory_space<hbm>>
    %dma_start3A_1072 = tpu.memref_squeeze %dma_start3A_1071 : memref<1x16x512xf32, #tpu.memory_space<hbm>> -> memref<16x512xf32, #tpu.memory_space<hbm>>
    %dma_start3A_1073 = arith.constant 0 : i32
    %dma_start3A_1074 = arith.constant 0 : i32
    %dma_start3A_1075 = tpu.memref_slice %arg7[%dma_start3A_1061, %dma_start3A_1073, %dma_start3A_1074] : memref<4x16x512xf32, #tpu.memory_space<vmem>> -> memref<1x16x512xf32, #tpu.memory_space<vmem>>
    %dma_start3A_1076 = tpu.memref_squeeze %dma_start3A_1075 : memref<1x16x512xf32, #tpu.memory_space<vmem>> -> memref<16x512xf32, #tpu.memory_space<vmem>>
    tpu.enqueue_dma source(%dma_start3A_1076 : memref<16x512xf32, #tpu.memory_space<vmem>>) target(%dma_start3A_1072 : memref<16x512xf32, #tpu.memory_space<hbm>>) target_semaphore(%arg15 : memref<!tpu.dma_semaphore, #tpu.memory_space<semaphore_mem>>)
    %dma_wait3A_1077 = arith.constant 0 : i32
    %dma_wait3A_1078 = arith.constant 1 : i32
    %dma_wait3A_1079 = arith.constant 0 : i32
    %dma_wait3A_1080 = arith.constant 0 : i32
    %dma_wait3A_1081 = tpu.memref_slice %arg7[%dma_wait3A_1077, %dma_wait3A_1079, %dma_wait3A_1080] : memref<4x16x512xf32, #tpu.memory_space<vmem>> -> memref<1x16x512xf32, #tpu.memory_space<vmem>>
    %dma_wait3A_1082 = tpu.memref_squeeze %dma_wait3A_1081 : memref<1x16x512xf32, #tpu.memory_space<vmem>> -> memref<16x512xf32, #tpu.memory_space<vmem>>
    %dma_wait3A_1083 = arith.constant 0 : i32
    %dma_wait3A_1084 = tpu.memref_slice %arg4[%dma_wait3A_1078, %add3A_992, %dma_wait3A_1083] : memref<4x4096x1024xf32, #tpu.memory_space<hbm>> -> memref<1x16x512xf32, #tpu.memory_space<hbm>>
    %dma_wait3A_1085 = tpu.memref_squeeze %dma_wait3A_1084 : memref<1x16x512xf32, #tpu.memory_space<hbm>> -> memref<16x512xf32, #tpu.memory_space<hbm>>
    %dma_wait3A_1086 = arith.constant 0 : i32
    %dma_wait3A_1087 = tpu.memref_slice %arg4[%dma_wait3A_1078, %add3A_992, %dma_wait3A_1086] : memref<4x4096x1024xf32, #tpu.memory_space<hbm>> -> memref<1x16x512xf32, #tpu.memory_space<hbm>>
    %dma_wait3A_1088 = tpu.memref_squeeze %dma_wait3A_1087 : memref<1x16x512xf32, #tpu.memory_space<hbm>> -> memref<16x512xf32, #tpu.memory_space<hbm>>
    %dma_wait3A_1089 = arith.constant 0 : i32
    %dma_wait3A_1090 = arith.constant 0 : i32
    %dma_wait3A_1091 = tpu.memref_slice %arg7[%dma_wait3A_1077, %dma_wait3A_1089, %dma_wait3A_1090] : memref<4x16x512xf32, #tpu.memory_space<vmem>> -> memref<1x16x512xf32, #tpu.memory_space<vmem>>
    %dma_wait3A_1092 = tpu.memref_squeeze %dma_wait3A_1091 : memref<1x16x512xf32, #tpu.memory_space<vmem>> -> memref<16x512xf32, #tpu.memory_space<vmem>>
    tpu.wait_dma2 semaphore(%arg14 : memref<!tpu.dma_semaphore, #tpu.memory_space<semaphore_mem>>) src(%dma_wait3A_1092 : memref<16x512xf32, #tpu.memory_space<vmem>>) dst(%dma_wait3A_1088 : memref<16x512xf32, #tpu.memory_space<hbm>>)
    %add3A_1093 = arith.constant 0 : i32
    %add3A_1094 = arith.addi %mul3A_2, %add3A_1093 : i32
    %dma_start3A_1095 = arith.constant 2 : i32
    %dma_start3A_1096 = arith.constant 0 : i32
    %dma_start3A_1097 = arith.constant 0 : i32
    %dma_start3A_1098 = arith.constant 0 : i32
    %dma_start3A_1099 = tpu.memref_slice %arg7[%dma_start3A_1096, %dma_start3A_1097, %dma_start3A_1098] : memref<4x16x512xf32, #tpu.memory_space<vmem>> -> memref<1x16x512xf32, #tpu.memory_space<vmem>>
    %dma_start3A_1100 = tpu.memref_squeeze %dma_start3A_1099 : memref<1x16x512xf32, #tpu.memory_space<vmem>> -> memref<16x512xf32, #tpu.memory_space<vmem>>
    %dma_start3A_1101 = arith.constant 0 : i32
    %dma_start3A_1102 = tpu.memref_slice %arg2[%dma_start3A_1095, %add3A_1094, %dma_start3A_1101] : memref<4x4096x512xf32, #tpu.memory_space<hbm>> -> memref<1x16x512xf32, #tpu.memory_space<hbm>>
    %dma_start3A_1103 = tpu.memref_squeeze %dma_start3A_1102 : memref<1x16x512xf32, #tpu.memory_space<hbm>> -> memref<16x512xf32, #tpu.memory_space<hbm>>
    %dma_start3A_1104 = arith.constant 0 : i32
    %dma_start3A_1105 = arith.constant 0 : i32
    %dma_start3A_1106 = tpu.memref_slice %arg7[%dma_start3A_1096, %dma_start3A_1104, %dma_start3A_1105] : memref<4x16x512xf32, #tpu.memory_space<vmem>> -> memref<1x16x512xf32, #tpu.memory_space<vmem>>
    %dma_start3A_1107 = tpu.memref_squeeze %dma_start3A_1106 : memref<1x16x512xf32, #tpu.memory_space<vmem>> -> memref<16x512xf32, #tpu.memory_space<vmem>>
    %dma_start3A_1108 = arith.constant 0 : i32
    %dma_start3A_1109 = tpu.memref_slice %arg2[%dma_start3A_1095, %add3A_1094, %dma_start3A_1108] : memref<4x4096x512xf32, #tpu.memory_space<hbm>> -> memref<1x16x512xf32, #tpu.memory_space<hbm>>
    %dma_start3A_1110 = tpu.memref_squeeze %dma_start3A_1109 : memref<1x16x512xf32, #tpu.memory_space<hbm>> -> memref<16x512xf32, #tpu.memory_space<hbm>>
    tpu.enqueue_dma source(%dma_start3A_1110 : memref<16x512xf32, #tpu.memory_space<hbm>>) target(%dma_start3A_1107 : memref<16x512xf32, #tpu.memory_space<vmem>>) target_semaphore(%arg10 : memref<!tpu.dma_semaphore, #tpu.memory_space<semaphore_mem>>)
    %dma_wait3A_1111 = arith.constant 1 : i32
    %dma_wait3A_1112 = arith.constant 2 : i32
    %dma_wait3A_1113 = arith.constant 0 : i32
    %dma_wait3A_1114 = arith.constant 0 : i32
    %dma_wait3A_1115 = tpu.memref_slice %arg7[%dma_wait3A_1112, %dma_wait3A_1113, %dma_wait3A_1114] : memref<4x16x512xf32, #tpu.memory_space<vmem>> -> memref<1x16x512xf32, #tpu.memory_space<vmem>>
    %dma_wait3A_1116 = tpu.memref_squeeze %dma_wait3A_1115 : memref<1x16x512xf32, #tpu.memory_space<vmem>> -> memref<16x512xf32, #tpu.memory_space<vmem>>
    %dma_wait3A_1117 = arith.constant 0 : i32
    %dma_wait3A_1118 = tpu.memref_slice %arg2[%dma_wait3A_1111, %add3A_958, %dma_wait3A_1117] : memref<4x4096x512xf32, #tpu.memory_space<hbm>> -> memref<1x16x512xf32, #tpu.memory_space<hbm>>
    %dma_wait3A_1119 = tpu.memref_squeeze %dma_wait3A_1118 : memref<1x16x512xf32, #tpu.memory_space<hbm>> -> memref<16x512xf32, #tpu.memory_space<hbm>>
    %dma_wait3A_1120 = arith.constant 0 : i32
    %dma_wait3A_1121 = arith.constant 0 : i32
    %dma_wait3A_1122 = tpu.memref_slice %arg7[%dma_wait3A_1112, %dma_wait3A_1120, %dma_wait3A_1121] : memref<4x16x512xf32, #tpu.memory_space<vmem>> -> memref<1x16x512xf32, #tpu.memory_space<vmem>>
    %dma_wait3A_1123 = tpu.memref_squeeze %dma_wait3A_1122 : memref<1x16x512xf32, #tpu.memory_space<vmem>> -> memref<16x512xf32, #tpu.memory_space<vmem>>
    %dma_wait3A_1124 = arith.constant 0 : i32
    %dma_wait3A_1125 = tpu.memref_slice %arg2[%dma_wait3A_1111, %add3A_958, %dma_wait3A_1124] : memref<4x4096x512xf32, #tpu.memory_space<hbm>> -> memref<1x16x512xf32, #tpu.memory_space<hbm>>
    %dma_wait3A_1126 = tpu.memref_squeeze %dma_wait3A_1125 : memref<1x16x512xf32, #tpu.memory_space<hbm>> -> memref<16x512xf32, #tpu.memory_space<hbm>>
    tpu.wait_dma2 semaphore(%arg12 : memref<!tpu.dma_semaphore, #tpu.memory_space<semaphore_mem>>) src(%dma_wait3A_1126 : memref<16x512xf32, #tpu.memory_space<hbm>>) dst(%dma_wait3A_1123 : memref<16x512xf32, #tpu.memory_space<vmem>>)
    %add3A_1127 = arith.constant 96 : i32
    %add3A_1128 = arith.addi %mul3A_2, %add3A_1127 : i32
    %dma_start3A_1129 = arith.constant 2 : i32
    %dma_start3A_1130 = arith.constant 1 : i32
    %dma_start3A_1131 = arith.constant 0 : i32
    %dma_start3A_1132 = arith.constant 0 : i32
    %dma_start3A_1133 = tpu.memref_slice %arg7[%dma_start3A_1129, %dma_start3A_1131, %dma_start3A_1132] : memref<4x16x512xf32, #tpu.memory_space<vmem>> -> memref<1x16x512xf32, #tpu.memory_space<vmem>>
    %dma_start3A_1134 = tpu.memref_squeeze %dma_start3A_1133 : memref<1x16x512xf32, #tpu.memory_space<vmem>> -> memref<16x512xf32, #tpu.memory_space<vmem>>
    %dma_start3A_1135 = arith.constant 0 : i32
    %dma_start3A_1136 = tpu.memref_slice %arg4[%dma_start3A_1130, %add3A_1128, %dma_start3A_1135] : memref<4x4096x1024xf32, #tpu.memory_space<hbm>> -> memref<1x16x512xf32, #tpu.memory_space<hbm>>
    %dma_start3A_1137 = tpu.memref_squeeze %dma_start3A_1136 : memref<1x16x512xf32, #tpu.memory_space<hbm>> -> memref<16x512xf32, #tpu.memory_space<hbm>>
    %dma_start3A_1138 = arith.constant 0 : i32
    %dma_start3A_1139 = tpu.memref_slice %arg4[%dma_start3A_1130, %add3A_1128, %dma_start3A_1138] : memref<4x4096x1024xf32, #tpu.memory_space<hbm>> -> memref<1x16x512xf32, #tpu.memory_space<hbm>>
    %dma_start3A_1140 = tpu.memref_squeeze %dma_start3A_1139 : memref<1x16x512xf32, #tpu.memory_space<hbm>> -> memref<16x512xf32, #tpu.memory_space<hbm>>
    %dma_start3A_1141 = arith.constant 0 : i32
    %dma_start3A_1142 = arith.constant 0 : i32
    %dma_start3A_1143 = tpu.memref_slice %arg7[%dma_start3A_1129, %dma_start3A_1141, %dma_start3A_1142] : memref<4x16x512xf32, #tpu.memory_space<vmem>> -> memref<1x16x512xf32, #tpu.memory_space<vmem>>
    %dma_start3A_1144 = tpu.memref_squeeze %dma_start3A_1143 : memref<1x16x512xf32, #tpu.memory_space<vmem>> -> memref<16x512xf32, #tpu.memory_space<vmem>>
    tpu.enqueue_dma source(%dma_start3A_1144 : memref<16x512xf32, #tpu.memory_space<vmem>>) target(%dma_start3A_1140 : memref<16x512xf32, #tpu.memory_space<hbm>>) target_semaphore(%arg16 : memref<!tpu.dma_semaphore, #tpu.memory_space<semaphore_mem>>)
    %dma_wait3A_1145 = arith.constant 1 : i32
    %dma_wait3A_1146 = arith.constant 1 : i32
    %dma_wait3A_1147 = arith.constant 0 : i32
    %dma_wait3A_1148 = arith.constant 0 : i32
    %dma_wait3A_1149 = tpu.memref_slice %arg7[%dma_wait3A_1145, %dma_wait3A_1147, %dma_wait3A_1148] : memref<4x16x512xf32, #tpu.memory_space<vmem>> -> memref<1x16x512xf32, #tpu.memory_space<vmem>>
    %dma_wait3A_1150 = tpu.memref_squeeze %dma_wait3A_1149 : memref<1x16x512xf32, #tpu.memory_space<vmem>> -> memref<16x512xf32, #tpu.memory_space<vmem>>
    %dma_wait3A_1151 = arith.constant 0 : i32
    %dma_wait3A_1152 = tpu.memref_slice %arg4[%dma_wait3A_1146, %add3A_1060, %dma_wait3A_1151] : memref<4x4096x1024xf32, #tpu.memory_space<hbm>> -> memref<1x16x512xf32, #tpu.memory_space<hbm>>
    %dma_wait3A_1153 = tpu.memref_squeeze %dma_wait3A_1152 : memref<1x16x512xf32, #tpu.memory_space<hbm>> -> memref<16x512xf32, #tpu.memory_space<hbm>>
    %dma_wait3A_1154 = arith.constant 0 : i32
    %dma_wait3A_1155 = tpu.memref_slice %arg4[%dma_wait3A_1146, %add3A_1060, %dma_wait3A_1154] : memref<4x4096x1024xf32, #tpu.memory_space<hbm>> -> memref<1x16x512xf32, #tpu.memory_space<hbm>>
    %dma_wait3A_1156 = tpu.memref_squeeze %dma_wait3A_1155 : memref<1x16x512xf32, #tpu.memory_space<hbm>> -> memref<16x512xf32, #tpu.memory_space<hbm>>
    %dma_wait3A_1157 = arith.constant 0 : i32
    %dma_wait3A_1158 = arith.constant 0 : i32
    %dma_wait3A_1159 = tpu.memref_slice %arg7[%dma_wait3A_1145, %dma_wait3A_1157, %dma_wait3A_1158] : memref<4x16x512xf32, #tpu.memory_space<vmem>> -> memref<1x16x512xf32, #tpu.memory_space<vmem>>
    %dma_wait3A_1160 = tpu.memref_squeeze %dma_wait3A_1159 : memref<1x16x512xf32, #tpu.memory_space<vmem>> -> memref<16x512xf32, #tpu.memory_space<vmem>>
    tpu.wait_dma2 semaphore(%arg15 : memref<!tpu.dma_semaphore, #tpu.memory_space<semaphore_mem>>) src(%dma_wait3A_1160 : memref<16x512xf32, #tpu.memory_space<vmem>>) dst(%dma_wait3A_1156 : memref<16x512xf32, #tpu.memory_space<hbm>>)
    %add3A_1161 = arith.constant 16 : i32
    %add3A_1162 = arith.addi %mul3A_2, %add3A_1161 : i32
    %dma_start3A_1163 = arith.constant 2 : i32
    %dma_start3A_1164 = arith.constant 1 : i32
    %dma_start3A_1165 = arith.constant 0 : i32
    %dma_start3A_1166 = arith.constant 0 : i32
    %dma_start3A_1167 = tpu.memref_slice %arg7[%dma_start3A_1164, %dma_start3A_1165, %dma_start3A_1166] : memref<4x16x512xf32, #tpu.memory_space<vmem>> -> memref<1x16x512xf32, #tpu.memory_space<vmem>>
    %dma_start3A_1168 = tpu.memref_squeeze %dma_start3A_1167 : memref<1x16x512xf32, #tpu.memory_space<vmem>> -> memref<16x512xf32, #tpu.memory_space<vmem>>
    %dma_start3A_1169 = arith.constant 0 : i32
    %dma_start3A_1170 = tpu.memref_slice %arg2[%dma_start3A_1163, %add3A_1162, %dma_start3A_1169] : memref<4x4096x512xf32, #tpu.memory_space<hbm>> -> memref<1x16x512xf32, #tpu.memory_space<hbm>>
    %dma_start3A_1171 = tpu.memref_squeeze %dma_start3A_1170 : memref<1x16x512xf32, #tpu.memory_space<hbm>> -> memref<16x512xf32, #tpu.memory_space<hbm>>
    %dma_start3A_1172 = arith.constant 0 : i32
    %dma_start3A_1173 = arith.constant 0 : i32
    %dma_start3A_1174 = tpu.memref_slice %arg7[%dma_start3A_1164, %dma_start3A_1172, %dma_start3A_1173] : memref<4x16x512xf32, #tpu.memory_space<vmem>> -> memref<1x16x512xf32, #tpu.memory_space<vmem>>
    %dma_start3A_1175 = tpu.memref_squeeze %dma_start3A_1174 : memref<1x16x512xf32, #tpu.memory_space<vmem>> -> memref<16x512xf32, #tpu.memory_space<vmem>>
    %dma_start3A_1176 = arith.constant 0 : i32
    %dma_start3A_1177 = tpu.memref_slice %arg2[%dma_start3A_1163, %add3A_1162, %dma_start3A_1176] : memref<4x4096x512xf32, #tpu.memory_space<hbm>> -> memref<1x16x512xf32, #tpu.memory_space<hbm>>
    %dma_start3A_1178 = tpu.memref_squeeze %dma_start3A_1177 : memref<1x16x512xf32, #tpu.memory_space<hbm>> -> memref<16x512xf32, #tpu.memory_space<hbm>>
    tpu.enqueue_dma source(%dma_start3A_1178 : memref<16x512xf32, #tpu.memory_space<hbm>>) target(%dma_start3A_1175 : memref<16x512xf32, #tpu.memory_space<vmem>>) target_semaphore(%arg11 : memref<!tpu.dma_semaphore, #tpu.memory_space<semaphore_mem>>)
    %dma_wait3A_1179 = arith.constant 1 : i32
    %dma_wait3A_1180 = arith.constant 3 : i32
    %dma_wait3A_1181 = arith.constant 0 : i32
    %dma_wait3A_1182 = arith.constant 0 : i32
    %dma_wait3A_1183 = tpu.memref_slice %arg7[%dma_wait3A_1180, %dma_wait3A_1181, %dma_wait3A_1182] : memref<4x16x512xf32, #tpu.memory_space<vmem>> -> memref<1x16x512xf32, #tpu.memory_space<vmem>>
    %dma_wait3A_1184 = tpu.memref_squeeze %dma_wait3A_1183 : memref<1x16x512xf32, #tpu.memory_space<vmem>> -> memref<16x512xf32, #tpu.memory_space<vmem>>
    %dma_wait3A_1185 = arith.constant 0 : i32
    %dma_wait3A_1186 = tpu.memref_slice %arg2[%dma_wait3A_1179, %add3A_1026, %dma_wait3A_1185] : memref<4x4096x512xf32, #tpu.memory_space<hbm>> -> memref<1x16x512xf32, #tpu.memory_space<hbm>>
    %dma_wait3A_1187 = tpu.memref_squeeze %dma_wait3A_1186 : memref<1x16x512xf32, #tpu.memory_space<hbm>> -> memref<16x512xf32, #tpu.memory_space<hbm>>
    %dma_wait3A_1188 = arith.constant 0 : i32
    %dma_wait3A_1189 = arith.constant 0 : i32
    %dma_wait3A_1190 = tpu.memref_slice %arg7[%dma_wait3A_1180, %dma_wait3A_1188, %dma_wait3A_1189] : memref<4x16x512xf32, #tpu.memory_space<vmem>> -> memref<1x16x512xf32, #tpu.memory_space<vmem>>
    %dma_wait3A_1191 = tpu.memref_squeeze %dma_wait3A_1190 : memref<1x16x512xf32, #tpu.memory_space<vmem>> -> memref<16x512xf32, #tpu.memory_space<vmem>>
    %dma_wait3A_1192 = arith.constant 0 : i32
    %dma_wait3A_1193 = tpu.memref_slice %arg2[%dma_wait3A_1179, %add3A_1026, %dma_wait3A_1192] : memref<4x4096x512xf32, #tpu.memory_space<hbm>> -> memref<1x16x512xf32, #tpu.memory_space<hbm>>
    %dma_wait3A_1194 = tpu.memref_squeeze %dma_wait3A_1193 : memref<1x16x512xf32, #tpu.memory_space<hbm>> -> memref<16x512xf32, #tpu.memory_space<hbm>>
    tpu.wait_dma2 semaphore(%arg13 : memref<!tpu.dma_semaphore, #tpu.memory_space<semaphore_mem>>) src(%dma_wait3A_1194 : memref<16x512xf32, #tpu.memory_space<hbm>>) dst(%dma_wait3A_1191 : memref<16x512xf32, #tpu.memory_space<vmem>>)
    %add3A_1195 = arith.constant 112 : i32
    %add3A_1196 = arith.addi %mul3A_2, %add3A_1195 : i32
    %dma_start3A_1197 = arith.constant 3 : i32
    %dma_start3A_1198 = arith.constant 1 : i32
    %dma_start3A_1199 = arith.constant 0 : i32
    %dma_start3A_1200 = arith.constant 0 : i32
    %dma_start3A_1201 = tpu.memref_slice %arg7[%dma_start3A_1197, %dma_start3A_1199, %dma_start3A_1200] : memref<4x16x512xf32, #tpu.memory_space<vmem>> -> memref<1x16x512xf32, #tpu.memory_space<vmem>>
    %dma_start3A_1202 = tpu.memref_squeeze %dma_start3A_1201 : memref<1x16x512xf32, #tpu.memory_space<vmem>> -> memref<16x512xf32, #tpu.memory_space<vmem>>
    %dma_start3A_1203 = arith.constant 0 : i32
    %dma_start3A_1204 = tpu.memref_slice %arg4[%dma_start3A_1198, %add3A_1196, %dma_start3A_1203] : memref<4x4096x1024xf32, #tpu.memory_space<hbm>> -> memref<1x16x512xf32, #tpu.memory_space<hbm>>
    %dma_start3A_1205 = tpu.memref_squeeze %dma_start3A_1204 : memref<1x16x512xf32, #tpu.memory_space<hbm>> -> memref<16x512xf32, #tpu.memory_space<hbm>>
    %dma_start3A_1206 = arith.constant 0 : i32
    %dma_start3A_1207 = tpu.memref_slice %arg4[%dma_start3A_1198, %add3A_1196, %dma_start3A_1206] : memref<4x4096x1024xf32, #tpu.memory_space<hbm>> -> memref<1x16x512xf32, #tpu.memory_space<hbm>>
    %dma_start3A_1208 = tpu.memref_squeeze %dma_start3A_1207 : memref<1x16x512xf32, #tpu.memory_space<hbm>> -> memref<16x512xf32, #tpu.memory_space<hbm>>
    %dma_start3A_1209 = arith.constant 0 : i32
    %dma_start3A_1210 = arith.constant 0 : i32
    %dma_start3A_1211 = tpu.memref_slice %arg7[%dma_start3A_1197, %dma_start3A_1209, %dma_start3A_1210] : memref<4x16x512xf32, #tpu.memory_space<vmem>> -> memref<1x16x512xf32, #tpu.memory_space<vmem>>
    %dma_start3A_1212 = tpu.memref_squeeze %dma_start3A_1211 : memref<1x16x512xf32, #tpu.memory_space<vmem>> -> memref<16x512xf32, #tpu.memory_space<vmem>>
    tpu.enqueue_dma source(%dma_start3A_1212 : memref<16x512xf32, #tpu.memory_space<vmem>>) target(%dma_start3A_1208 : memref<16x512xf32, #tpu.memory_space<hbm>>) target_semaphore(%arg17 : memref<!tpu.dma_semaphore, #tpu.memory_space<semaphore_mem>>)
    %dma_wait3A_1213 = arith.constant 2 : i32
    %dma_wait3A_1214 = arith.constant 1 : i32
    %dma_wait3A_1215 = arith.constant 0 : i32
    %dma_wait3A_1216 = arith.constant 0 : i32
    %dma_wait3A_1217 = tpu.memref_slice %arg7[%dma_wait3A_1213, %dma_wait3A_1215, %dma_wait3A_1216] : memref<4x16x512xf32, #tpu.memory_space<vmem>> -> memref<1x16x512xf32, #tpu.memory_space<vmem>>
    %dma_wait3A_1218 = tpu.memref_squeeze %dma_wait3A_1217 : memref<1x16x512xf32, #tpu.memory_space<vmem>> -> memref<16x512xf32, #tpu.memory_space<vmem>>
    %dma_wait3A_1219 = arith.constant 0 : i32
    %dma_wait3A_1220 = tpu.memref_slice %arg4[%dma_wait3A_1214, %add3A_1128, %dma_wait3A_1219] : memref<4x4096x1024xf32, #tpu.memory_space<hbm>> -> memref<1x16x512xf32, #tpu.memory_space<hbm>>
    %dma_wait3A_1221 = tpu.memref_squeeze %dma_wait3A_1220 : memref<1x16x512xf32, #tpu.memory_space<hbm>> -> memref<16x512xf32, #tpu.memory_space<hbm>>
    %dma_wait3A_1222 = arith.constant 0 : i32
    %dma_wait3A_1223 = tpu.memref_slice %arg4[%dma_wait3A_1214, %add3A_1128, %dma_wait3A_1222] : memref<4x4096x1024xf32, #tpu.memory_space<hbm>> -> memref<1x16x512xf32, #tpu.memory_space<hbm>>
    %dma_wait3A_1224 = tpu.memref_squeeze %dma_wait3A_1223 : memref<1x16x512xf32, #tpu.memory_space<hbm>> -> memref<16x512xf32, #tpu.memory_space<hbm>>
    %dma_wait3A_1225 = arith.constant 0 : i32
    %dma_wait3A_1226 = arith.constant 0 : i32
    %dma_wait3A_1227 = tpu.memref_slice %arg7[%dma_wait3A_1213, %dma_wait3A_1225, %dma_wait3A_1226] : memref<4x16x512xf32, #tpu.memory_space<vmem>> -> memref<1x16x512xf32, #tpu.memory_space<vmem>>
    %dma_wait3A_1228 = tpu.memref_squeeze %dma_wait3A_1227 : memref<1x16x512xf32, #tpu.memory_space<vmem>> -> memref<16x512xf32, #tpu.memory_space<vmem>>
    tpu.wait_dma2 semaphore(%arg16 : memref<!tpu.dma_semaphore, #tpu.memory_space<semaphore_mem>>) src(%dma_wait3A_1228 : memref<16x512xf32, #tpu.memory_space<vmem>>) dst(%dma_wait3A_1224 : memref<16x512xf32, #tpu.memory_space<hbm>>)
    %add3A_1229 = arith.constant 32 : i32
    %add3A_1230 = arith.addi %mul3A_2, %add3A_1229 : i32
    %dma_start3A_1231 = arith.constant 2 : i32
    %dma_start3A_1232 = arith.constant 2 : i32
    %dma_start3A_1233 = arith.constant 0 : i32
    %dma_start3A_1234 = arith.constant 0 : i32
    %dma_start3A_1235 = tpu.memref_slice %arg7[%dma_start3A_1232, %dma_start3A_1233, %dma_start3A_1234] : memref<4x16x512xf32, #tpu.memory_space<vmem>> -> memref<1x16x512xf32, #tpu.memory_space<vmem>>
    %dma_start3A_1236 = tpu.memref_squeeze %dma_start3A_1235 : memref<1x16x512xf32, #tpu.memory_space<vmem>> -> memref<16x512xf32, #tpu.memory_space<vmem>>
    %dma_start3A_1237 = arith.constant 0 : i32
    %dma_start3A_1238 = tpu.memref_slice %arg2[%dma_start3A_1231, %add3A_1230, %dma_start3A_1237] : memref<4x4096x512xf32, #tpu.memory_space<hbm>> -> memref<1x16x512xf32, #tpu.memory_space<hbm>>
    %dma_start3A_1239 = tpu.memref_squeeze %dma_start3A_1238 : memref<1x16x512xf32, #tpu.memory_space<hbm>> -> memref<16x512xf32, #tpu.memory_space<hbm>>
    %dma_start3A_1240 = arith.constant 0 : i32
    %dma_start3A_1241 = arith.constant 0 : i32
    %dma_start3A_1242 = tpu.memref_slice %arg7[%dma_start3A_1232, %dma_start3A_1240, %dma_start3A_1241] : memref<4x16x512xf32, #tpu.memory_space<vmem>> -> memref<1x16x512xf32, #tpu.memory_space<vmem>>
    %dma_start3A_1243 = tpu.memref_squeeze %dma_start3A_1242 : memref<1x16x512xf32, #tpu.memory_space<vmem>> -> memref<16x512xf32, #tpu.memory_space<vmem>>
    %dma_start3A_1244 = arith.constant 0 : i32
    %dma_start3A_1245 = tpu.memref_slice %arg2[%dma_start3A_1231, %add3A_1230, %dma_start3A_1244] : memref<4x4096x512xf32, #tpu.memory_space<hbm>> -> memref<1x16x512xf32, #tpu.memory_space<hbm>>
    %dma_start3A_1246 = tpu.memref_squeeze %dma_start3A_1245 : memref<1x16x512xf32, #tpu.memory_space<hbm>> -> memref<16x512xf32, #tpu.memory_space<hbm>>
    tpu.enqueue_dma source(%dma_start3A_1246 : memref<16x512xf32, #tpu.memory_space<hbm>>) target(%dma_start3A_1243 : memref<16x512xf32, #tpu.memory_space<vmem>>) target_semaphore(%arg12 : memref<!tpu.dma_semaphore, #tpu.memory_space<semaphore_mem>>)
    %dma_wait3A_1247 = arith.constant 2 : i32
    %dma_wait3A_1248 = arith.constant 0 : i32
    %dma_wait3A_1249 = arith.constant 0 : i32
    %dma_wait3A_1250 = arith.constant 0 : i32
    %dma_wait3A_1251 = tpu.memref_slice %arg7[%dma_wait3A_1248, %dma_wait3A_1249, %dma_wait3A_1250] : memref<4x16x512xf32, #tpu.memory_space<vmem>> -> memref<1x16x512xf32, #tpu.memory_space<vmem>>
    %dma_wait3A_1252 = tpu.memref_squeeze %dma_wait3A_1251 : memref<1x16x512xf32, #tpu.memory_space<vmem>> -> memref<16x512xf32, #tpu.memory_space<vmem>>
    %dma_wait3A_1253 = arith.constant 0 : i32
    %dma_wait3A_1254 = tpu.memref_slice %arg2[%dma_wait3A_1247, %add3A_1094, %dma_wait3A_1253] : memref<4x4096x512xf32, #tpu.memory_space<hbm>> -> memref<1x16x512xf32, #tpu.memory_space<hbm>>
    %dma_wait3A_1255 = tpu.memref_squeeze %dma_wait3A_1254 : memref<1x16x512xf32, #tpu.memory_space<hbm>> -> memref<16x512xf32, #tpu.memory_space<hbm>>
    %dma_wait3A_1256 = arith.constant 0 : i32
    %dma_wait3A_1257 = arith.constant 0 : i32
    %dma_wait3A_1258 = tpu.memref_slice %arg7[%dma_wait3A_1248, %dma_wait3A_1256, %dma_wait3A_1257] : memref<4x16x512xf32, #tpu.memory_space<vmem>> -> memref<1x16x512xf32, #tpu.memory_space<vmem>>
    %dma_wait3A_1259 = tpu.memref_squeeze %dma_wait3A_1258 : memref<1x16x512xf32, #tpu.memory_space<vmem>> -> memref<16x512xf32, #tpu.memory_space<vmem>>
    %dma_wait3A_1260 = arith.constant 0 : i32
    %dma_wait3A_1261 = tpu.memref_slice %arg2[%dma_wait3A_1247, %add3A_1094, %dma_wait3A_1260] : memref<4x4096x512xf32, #tpu.memory_space<hbm>> -> memref<1x16x512xf32, #tpu.memory_space<hbm>>
    %dma_wait3A_1262 = tpu.memref_squeeze %dma_wait3A_1261 : memref<1x16x512xf32, #tpu.memory_space<hbm>> -> memref<16x512xf32, #tpu.memory_space<hbm>>
    tpu.wait_dma2 semaphore(%arg10 : memref<!tpu.dma_semaphore, #tpu.memory_space<semaphore_mem>>) src(%dma_wait3A_1262 : memref<16x512xf32, #tpu.memory_space<hbm>>) dst(%dma_wait3A_1259 : memref<16x512xf32, #tpu.memory_space<vmem>>)
    %add3A_1263 = arith.constant 0 : i32
    %add3A_1264 = arith.addi %mul3A_2, %add3A_1263 : i32
    %dma_start3A_1265 = arith.constant 0 : i32
    %dma_start3A_1266 = arith.constant 2 : i32
    %dma_start3A_1267 = arith.constant 0 : i32
    %dma_start3A_1268 = arith.constant 0 : i32
    %dma_start3A_1269 = tpu.memref_slice %arg7[%dma_start3A_1265, %dma_start3A_1267, %dma_start3A_1268] : memref<4x16x512xf32, #tpu.memory_space<vmem>> -> memref<1x16x512xf32, #tpu.memory_space<vmem>>
    %dma_start3A_1270 = tpu.memref_squeeze %dma_start3A_1269 : memref<1x16x512xf32, #tpu.memory_space<vmem>> -> memref<16x512xf32, #tpu.memory_space<vmem>>
    %dma_start3A_1271 = arith.constant 0 : i32
    %dma_start3A_1272 = tpu.memref_slice %arg4[%dma_start3A_1266, %add3A_1264, %dma_start3A_1271] : memref<4x4096x1024xf32, #tpu.memory_space<hbm>> -> memref<1x16x512xf32, #tpu.memory_space<hbm>>
    %dma_start3A_1273 = tpu.memref_squeeze %dma_start3A_1272 : memref<1x16x512xf32, #tpu.memory_space<hbm>> -> memref<16x512xf32, #tpu.memory_space<hbm>>
    %dma_start3A_1274 = arith.constant 0 : i32
    %dma_start3A_1275 = tpu.memref_slice %arg4[%dma_start3A_1266, %add3A_1264, %dma_start3A_1274] : memref<4x4096x1024xf32, #tpu.memory_space<hbm>> -> memref<1x16x512xf32, #tpu.memory_space<hbm>>
    %dma_start3A_1276 = tpu.memref_squeeze %dma_start3A_1275 : memref<1x16x512xf32, #tpu.memory_space<hbm>> -> memref<16x512xf32, #tpu.memory_space<hbm>>
    %dma_start3A_1277 = arith.constant 0 : i32
    %dma_start3A_1278 = arith.constant 0 : i32
    %dma_start3A_1279 = tpu.memref_slice %arg7[%dma_start3A_1265, %dma_start3A_1277, %dma_start3A_1278] : memref<4x16x512xf32, #tpu.memory_space<vmem>> -> memref<1x16x512xf32, #tpu.memory_space<vmem>>
    %dma_start3A_1280 = tpu.memref_squeeze %dma_start3A_1279 : memref<1x16x512xf32, #tpu.memory_space<vmem>> -> memref<16x512xf32, #tpu.memory_space<vmem>>
    tpu.enqueue_dma source(%dma_start3A_1280 : memref<16x512xf32, #tpu.memory_space<vmem>>) target(%dma_start3A_1276 : memref<16x512xf32, #tpu.memory_space<hbm>>) target_semaphore(%arg14 : memref<!tpu.dma_semaphore, #tpu.memory_space<semaphore_mem>>)
    %dma_wait3A_1281 = arith.constant 3 : i32
    %dma_wait3A_1282 = arith.constant 1 : i32
    %dma_wait3A_1283 = arith.constant 0 : i32
    %dma_wait3A_1284 = arith.constant 0 : i32
    %dma_wait3A_1285 = tpu.memref_slice %arg7[%dma_wait3A_1281, %dma_wait3A_1283, %dma_wait3A_1284] : memref<4x16x512xf32, #tpu.memory_space<vmem>> -> memref<1x16x512xf32, #tpu.memory_space<vmem>>
    %dma_wait3A_1286 = tpu.memref_squeeze %dma_wait3A_1285 : memref<1x16x512xf32, #tpu.memory_space<vmem>> -> memref<16x512xf32, #tpu.memory_space<vmem>>
    %dma_wait3A_1287 = arith.constant 0 : i32
    %dma_wait3A_1288 = tpu.memref_slice %arg4[%dma_wait3A_1282, %add3A_1196, %dma_wait3A_1287] : memref<4x4096x1024xf32, #tpu.memory_space<hbm>> -> memref<1x16x512xf32, #tpu.memory_space<hbm>>
    %dma_wait3A_1289 = tpu.memref_squeeze %dma_wait3A_1288 : memref<1x16x512xf32, #tpu.memory_space<hbm>> -> memref<16x512xf32, #tpu.memory_space<hbm>>
    %dma_wait3A_1290 = arith.constant 0 : i32
    %dma_wait3A_1291 = tpu.memref_slice %arg4[%dma_wait3A_1282, %add3A_1196, %dma_wait3A_1290] : memref<4x4096x1024xf32, #tpu.memory_space<hbm>> -> memref<1x16x512xf32, #tpu.memory_space<hbm>>
    %dma_wait3A_1292 = tpu.memref_squeeze %dma_wait3A_1291 : memref<1x16x512xf32, #tpu.memory_space<hbm>> -> memref<16x512xf32, #tpu.memory_space<hbm>>
    %dma_wait3A_1293 = arith.constant 0 : i32
    %dma_wait3A_1294 = arith.constant 0 : i32
    %dma_wait3A_1295 = tpu.memref_slice %arg7[%dma_wait3A_1281, %dma_wait3A_1293, %dma_wait3A_1294] : memref<4x16x512xf32, #tpu.memory_space<vmem>> -> memref<1x16x512xf32, #tpu.memory_space<vmem>>
    %dma_wait3A_1296 = tpu.memref_squeeze %dma_wait3A_1295 : memref<1x16x512xf32, #tpu.memory_space<vmem>> -> memref<16x512xf32, #tpu.memory_space<vmem>>
    tpu.wait_dma2 semaphore(%arg17 : memref<!tpu.dma_semaphore, #tpu.memory_space<semaphore_mem>>) src(%dma_wait3A_1296 : memref<16x512xf32, #tpu.memory_space<vmem>>) dst(%dma_wait3A_1292 : memref<16x512xf32, #tpu.memory_space<hbm>>)
    %add3A_1297 = arith.constant 48 : i32
    %add3A_1298 = arith.addi %mul3A_2, %add3A_1297 : i32
    %dma_start3A_1299 = arith.constant 2 : i32
    %dma_start3A_1300 = arith.constant 3 : i32
    %dma_start3A_1301 = arith.constant 0 : i32
    %dma_start3A_1302 = arith.constant 0 : i32
    %dma_start3A_1303 = tpu.memref_slice %arg7[%dma_start3A_1300, %dma_start3A_1301, %dma_start3A_1302] : memref<4x16x512xf32, #tpu.memory_space<vmem>> -> memref<1x16x512xf32, #tpu.memory_space<vmem>>
    %dma_start3A_1304 = tpu.memref_squeeze %dma_start3A_1303 : memref<1x16x512xf32, #tpu.memory_space<vmem>> -> memref<16x512xf32, #tpu.memory_space<vmem>>
    %dma_start3A_1305 = arith.constant 0 : i32
    %dma_start3A_1306 = tpu.memref_slice %arg2[%dma_start3A_1299, %add3A_1298, %dma_start3A_1305] : memref<4x4096x512xf32, #tpu.memory_space<hbm>> -> memref<1x16x512xf32, #tpu.memory_space<hbm>>
    %dma_start3A_1307 = tpu.memref_squeeze %dma_start3A_1306 : memref<1x16x512xf32, #tpu.memory_space<hbm>> -> memref<16x512xf32, #tpu.memory_space<hbm>>
    %dma_start3A_1308 = arith.constant 0 : i32
    %dma_start3A_1309 = arith.constant 0 : i32
    %dma_start3A_1310 = tpu.memref_slice %arg7[%dma_start3A_1300, %dma_start3A_1308, %dma_start3A_1309] : memref<4x16x512xf32, #tpu.memory_space<vmem>> -> memref<1x16x512xf32, #tpu.memory_space<vmem>>
    %dma_start3A_1311 = tpu.memref_squeeze %dma_start3A_1310 : memref<1x16x512xf32, #tpu.memory_space<vmem>> -> memref<16x512xf32, #tpu.memory_space<vmem>>
    %dma_start3A_1312 = arith.constant 0 : i32
    %dma_start3A_1313 = tpu.memref_slice %arg2[%dma_start3A_1299, %add3A_1298, %dma_start3A_1312] : memref<4x4096x512xf32, #tpu.memory_space<hbm>> -> memref<1x16x512xf32, #tpu.memory_space<hbm>>
    %dma_start3A_1314 = tpu.memref_squeeze %dma_start3A_1313 : memref<1x16x512xf32, #tpu.memory_space<hbm>> -> memref<16x512xf32, #tpu.memory_space<hbm>>
    tpu.enqueue_dma source(%dma_start3A_1314 : memref<16x512xf32, #tpu.memory_space<hbm>>) target(%dma_start3A_1311 : memref<16x512xf32, #tpu.memory_space<vmem>>) target_semaphore(%arg13 : memref<!tpu.dma_semaphore, #tpu.memory_space<semaphore_mem>>)
    %dma_wait3A_1315 = arith.constant 2 : i32
    %dma_wait3A_1316 = arith.constant 1 : i32
    %dma_wait3A_1317 = arith.constant 0 : i32
    %dma_wait3A_1318 = arith.constant 0 : i32
    %dma_wait3A_1319 = tpu.memref_slice %arg7[%dma_wait3A_1316, %dma_wait3A_1317, %dma_wait3A_1318] : memref<4x16x512xf32, #tpu.memory_space<vmem>> -> memref<1x16x512xf32, #tpu.memory_space<vmem>>
    %dma_wait3A_1320 = tpu.memref_squeeze %dma_wait3A_1319 : memref<1x16x512xf32, #tpu.memory_space<vmem>> -> memref<16x512xf32, #tpu.memory_space<vmem>>
    %dma_wait3A_1321 = arith.constant 0 : i32
    %dma_wait3A_1322 = tpu.memref_slice %arg2[%dma_wait3A_1315, %add3A_1162, %dma_wait3A_1321] : memref<4x4096x512xf32, #tpu.memory_space<hbm>> -> memref<1x16x512xf32, #tpu.memory_space<hbm>>
    %dma_wait3A_1323 = tpu.memref_squeeze %dma_wait3A_1322 : memref<1x16x512xf32, #tpu.memory_space<hbm>> -> memref<16x512xf32, #tpu.memory_space<hbm>>
    %dma_wait3A_1324 = arith.constant 0 : i32
    %dma_wait3A_1325 = arith.constant 0 : i32
    %dma_wait3A_1326 = tpu.memref_slice %arg7[%dma_wait3A_1316, %dma_wait3A_1324, %dma_wait3A_1325] : memref<4x16x512xf32, #tpu.memory_space<vmem>> -> memref<1x16x512xf32, #tpu.memory_space<vmem>>
    %dma_wait3A_1327 = tpu.memref_squeeze %dma_wait3A_1326 : memref<1x16x512xf32, #tpu.memory_space<vmem>> -> memref<16x512xf32, #tpu.memory_space<vmem>>
    %dma_wait3A_1328 = arith.constant 0 : i32
    %dma_wait3A_1329 = tpu.memref_slice %arg2[%dma_wait3A_1315, %add3A_1162, %dma_wait3A_1328] : memref<4x4096x512xf32, #tpu.memory_space<hbm>> -> memref<1x16x512xf32, #tpu.memory_space<hbm>>
    %dma_wait3A_1330 = tpu.memref_squeeze %dma_wait3A_1329 : memref<1x16x512xf32, #tpu.memory_space<hbm>> -> memref<16x512xf32, #tpu.memory_space<hbm>>
    tpu.wait_dma2 semaphore(%arg11 : memref<!tpu.dma_semaphore, #tpu.memory_space<semaphore_mem>>) src(%dma_wait3A_1330 : memref<16x512xf32, #tpu.memory_space<hbm>>) dst(%dma_wait3A_1327 : memref<16x512xf32, #tpu.memory_space<vmem>>)
    %add3A_1331 = arith.constant 16 : i32
    %add3A_1332 = arith.addi %mul3A_2, %add3A_1331 : i32
    %dma_start3A_1333 = arith.constant 1 : i32
    %dma_start3A_1334 = arith.constant 2 : i32
    %dma_start3A_1335 = arith.constant 0 : i32
    %dma_start3A_1336 = arith.constant 0 : i32
    %dma_start3A_1337 = tpu.memref_slice %arg7[%dma_start3A_1333, %dma_start3A_1335, %dma_start3A_1336] : memref<4x16x512xf32, #tpu.memory_space<vmem>> -> memref<1x16x512xf32, #tpu.memory_space<vmem>>
    %dma_start3A_1338 = tpu.memref_squeeze %dma_start3A_1337 : memref<1x16x512xf32, #tpu.memory_space<vmem>> -> memref<16x512xf32, #tpu.memory_space<vmem>>
    %dma_start3A_1339 = arith.constant 0 : i32
    %dma_start3A_1340 = tpu.memref_slice %arg4[%dma_start3A_1334, %add3A_1332, %dma_start3A_1339] : memref<4x4096x1024xf32, #tpu.memory_space<hbm>> -> memref<1x16x512xf32, #tpu.memory_space<hbm>>
    %dma_start3A_1341 = tpu.memref_squeeze %dma_start3A_1340 : memref<1x16x512xf32, #tpu.memory_space<hbm>> -> memref<16x512xf32, #tpu.memory_space<hbm>>
    %dma_start3A_1342 = arith.constant 0 : i32
    %dma_start3A_1343 = tpu.memref_slice %arg4[%dma_start3A_1334, %add3A_1332, %dma_start3A_1342] : memref<4x4096x1024xf32, #tpu.memory_space<hbm>> -> memref<1x16x512xf32, #tpu.memory_space<hbm>>
    %dma_start3A_1344 = tpu.memref_squeeze %dma_start3A_1343 : memref<1x16x512xf32, #tpu.memory_space<hbm>> -> memref<16x512xf32, #tpu.memory_space<hbm>>
    %dma_start3A_1345 = arith.constant 0 : i32
    %dma_start3A_1346 = arith.constant 0 : i32
    %dma_start3A_1347 = tpu.memref_slice %arg7[%dma_start3A_1333, %dma_start3A_1345, %dma_start3A_1346] : memref<4x16x512xf32, #tpu.memory_space<vmem>> -> memref<1x16x512xf32, #tpu.memory_space<vmem>>
    %dma_start3A_1348 = tpu.memref_squeeze %dma_start3A_1347 : memref<1x16x512xf32, #tpu.memory_space<vmem>> -> memref<16x512xf32, #tpu.memory_space<vmem>>
    tpu.enqueue_dma source(%dma_start3A_1348 : memref<16x512xf32, #tpu.memory_space<vmem>>) target(%dma_start3A_1344 : memref<16x512xf32, #tpu.memory_space<hbm>>) target_semaphore(%arg15 : memref<!tpu.dma_semaphore, #tpu.memory_space<semaphore_mem>>)
    %dma_wait3A_1349 = arith.constant 0 : i32
    %dma_wait3A_1350 = arith.constant 2 : i32
    %dma_wait3A_1351 = arith.constant 0 : i32
    %dma_wait3A_1352 = arith.constant 0 : i32
    %dma_wait3A_1353 = tpu.memref_slice %arg7[%dma_wait3A_1349, %dma_wait3A_1351, %dma_wait3A_1352] : memref<4x16x512xf32, #tpu.memory_space<vmem>> -> memref<1x16x512xf32, #tpu.memory_space<vmem>>
    %dma_wait3A_1354 = tpu.memref_squeeze %dma_wait3A_1353 : memref<1x16x512xf32, #tpu.memory_space<vmem>> -> memref<16x512xf32, #tpu.memory_space<vmem>>
    %dma_wait3A_1355 = arith.constant 0 : i32
    %dma_wait3A_1356 = tpu.memref_slice %arg4[%dma_wait3A_1350, %add3A_1264, %dma_wait3A_1355] : memref<4x4096x1024xf32, #tpu.memory_space<hbm>> -> memref<1x16x512xf32, #tpu.memory_space<hbm>>
    %dma_wait3A_1357 = tpu.memref_squeeze %dma_wait3A_1356 : memref<1x16x512xf32, #tpu.memory_space<hbm>> -> memref<16x512xf32, #tpu.memory_space<hbm>>
    %dma_wait3A_1358 = arith.constant 0 : i32
    %dma_wait3A_1359 = tpu.memref_slice %arg4[%dma_wait3A_1350, %add3A_1264, %dma_wait3A_1358] : memref<4x4096x1024xf32, #tpu.memory_space<hbm>> -> memref<1x16x512xf32, #tpu.memory_space<hbm>>
    %dma_wait3A_1360 = tpu.memref_squeeze %dma_wait3A_1359 : memref<1x16x512xf32, #tpu.memory_space<hbm>> -> memref<16x512xf32, #tpu.memory_space<hbm>>
    %dma_wait3A_1361 = arith.constant 0 : i32
    %dma_wait3A_1362 = arith.constant 0 : i32
    %dma_wait3A_1363 = tpu.memref_slice %arg7[%dma_wait3A_1349, %dma_wait3A_1361, %dma_wait3A_1362] : memref<4x16x512xf32, #tpu.memory_space<vmem>> -> memref<1x16x512xf32, #tpu.memory_space<vmem>>
    %dma_wait3A_1364 = tpu.memref_squeeze %dma_wait3A_1363 : memref<1x16x512xf32, #tpu.memory_space<vmem>> -> memref<16x512xf32, #tpu.memory_space<vmem>>
    tpu.wait_dma2 semaphore(%arg14 : memref<!tpu.dma_semaphore, #tpu.memory_space<semaphore_mem>>) src(%dma_wait3A_1364 : memref<16x512xf32, #tpu.memory_space<vmem>>) dst(%dma_wait3A_1360 : memref<16x512xf32, #tpu.memory_space<hbm>>)
    %add3A_1365 = arith.constant 64 : i32
    %add3A_1366 = arith.addi %mul3A_2, %add3A_1365 : i32
    %dma_start3A_1367 = arith.constant 2 : i32
    %dma_start3A_1368 = arith.constant 0 : i32
    %dma_start3A_1369 = arith.constant 0 : i32
    %dma_start3A_1370 = arith.constant 0 : i32
    %dma_start3A_1371 = tpu.memref_slice %arg7[%dma_start3A_1368, %dma_start3A_1369, %dma_start3A_1370] : memref<4x16x512xf32, #tpu.memory_space<vmem>> -> memref<1x16x512xf32, #tpu.memory_space<vmem>>
    %dma_start3A_1372 = tpu.memref_squeeze %dma_start3A_1371 : memref<1x16x512xf32, #tpu.memory_space<vmem>> -> memref<16x512xf32, #tpu.memory_space<vmem>>
    %dma_start3A_1373 = arith.constant 0 : i32
    %dma_start3A_1374 = tpu.memref_slice %arg2[%dma_start3A_1367, %add3A_1366, %dma_start3A_1373] : memref<4x4096x512xf32, #tpu.memory_space<hbm>> -> memref<1x16x512xf32, #tpu.memory_space<hbm>>
    %dma_start3A_1375 = tpu.memref_squeeze %dma_start3A_1374 : memref<1x16x512xf32, #tpu.memory_space<hbm>> -> memref<16x512xf32, #tpu.memory_space<hbm>>
    %dma_start3A_1376 = arith.constant 0 : i32
    %dma_start3A_1377 = arith.constant 0 : i32
    %dma_start3A_1378 = tpu.memref_slice %arg7[%dma_start3A_1368, %dma_start3A_1376, %dma_start3A_1377] : memref<4x16x512xf32, #tpu.memory_space<vmem>> -> memref<1x16x512xf32, #tpu.memory_space<vmem>>
    %dma_start3A_1379 = tpu.memref_squeeze %dma_start3A_1378 : memref<1x16x512xf32, #tpu.memory_space<vmem>> -> memref<16x512xf32, #tpu.memory_space<vmem>>
    %dma_start3A_1380 = arith.constant 0 : i32
    %dma_start3A_1381 = tpu.memref_slice %arg2[%dma_start3A_1367, %add3A_1366, %dma_start3A_1380] : memref<4x4096x512xf32, #tpu.memory_space<hbm>> -> memref<1x16x512xf32, #tpu.memory_space<hbm>>
    %dma_start3A_1382 = tpu.memref_squeeze %dma_start3A_1381 : memref<1x16x512xf32, #tpu.memory_space<hbm>> -> memref<16x512xf32, #tpu.memory_space<hbm>>
    tpu.enqueue_dma source(%dma_start3A_1382 : memref<16x512xf32, #tpu.memory_space<hbm>>) target(%dma_start3A_1379 : memref<16x512xf32, #tpu.memory_space<vmem>>) target_semaphore(%arg10 : memref<!tpu.dma_semaphore, #tpu.memory_space<semaphore_mem>>)
    %dma_wait3A_1383 = arith.constant 2 : i32
    %dma_wait3A_1384 = arith.constant 2 : i32
    %dma_wait3A_1385 = arith.constant 0 : i32
    %dma_wait3A_1386 = arith.constant 0 : i32
    %dma_wait3A_1387 = tpu.memref_slice %arg7[%dma_wait3A_1384, %dma_wait3A_1385, %dma_wait3A_1386] : memref<4x16x512xf32, #tpu.memory_space<vmem>> -> memref<1x16x512xf32, #tpu.memory_space<vmem>>
    %dma_wait3A_1388 = tpu.memref_squeeze %dma_wait3A_1387 : memref<1x16x512xf32, #tpu.memory_space<vmem>> -> memref<16x512xf32, #tpu.memory_space<vmem>>
    %dma_wait3A_1389 = arith.constant 0 : i32
    %dma_wait3A_1390 = tpu.memref_slice %arg2[%dma_wait3A_1383, %add3A_1230, %dma_wait3A_1389] : memref<4x4096x512xf32, #tpu.memory_space<hbm>> -> memref<1x16x512xf32, #tpu.memory_space<hbm>>
    %dma_wait3A_1391 = tpu.memref_squeeze %dma_wait3A_1390 : memref<1x16x512xf32, #tpu.memory_space<hbm>> -> memref<16x512xf32, #tpu.memory_space<hbm>>
    %dma_wait3A_1392 = arith.constant 0 : i32
    %dma_wait3A_1393 = arith.constant 0 : i32
    %dma_wait3A_1394 = tpu.memref_slice %arg7[%dma_wait3A_1384, %dma_wait3A_1392, %dma_wait3A_1393] : memref<4x16x512xf32, #tpu.memory_space<vmem>> -> memref<1x16x512xf32, #tpu.memory_space<vmem>>
    %dma_wait3A_1395 = tpu.memref_squeeze %dma_wait3A_1394 : memref<1x16x512xf32, #tpu.memory_space<vmem>> -> memref<16x512xf32, #tpu.memory_space<vmem>>
    %dma_wait3A_1396 = arith.constant 0 : i32
    %dma_wait3A_1397 = tpu.memref_slice %arg2[%dma_wait3A_1383, %add3A_1230, %dma_wait3A_1396] : memref<4x4096x512xf32, #tpu.memory_space<hbm>> -> memref<1x16x512xf32, #tpu.memory_space<hbm>>
    %dma_wait3A_1398 = tpu.memref_squeeze %dma_wait3A_1397 : memref<1x16x512xf32, #tpu.memory_space<hbm>> -> memref<16x512xf32, #tpu.memory_space<hbm>>
    tpu.wait_dma2 semaphore(%arg12 : memref<!tpu.dma_semaphore, #tpu.memory_space<semaphore_mem>>) src(%dma_wait3A_1398 : memref<16x512xf32, #tpu.memory_space<hbm>>) dst(%dma_wait3A_1395 : memref<16x512xf32, #tpu.memory_space<vmem>>)
    %add3A_1399 = arith.constant 32 : i32
    %add3A_1400 = arith.addi %mul3A_2, %add3A_1399 : i32
    %dma_start3A_1401 = arith.constant 2 : i32
    %dma_start3A_1402 = arith.constant 2 : i32
    %dma_start3A_1403 = arith.constant 0 : i32
    %dma_start3A_1404 = arith.constant 0 : i32
    %dma_start3A_1405 = tpu.memref_slice %arg7[%dma_start3A_1401, %dma_start3A_1403, %dma_start3A_1404] : memref<4x16x512xf32, #tpu.memory_space<vmem>> -> memref<1x16x512xf32, #tpu.memory_space<vmem>>
    %dma_start3A_1406 = tpu.memref_squeeze %dma_start3A_1405 : memref<1x16x512xf32, #tpu.memory_space<vmem>> -> memref<16x512xf32, #tpu.memory_space<vmem>>
    %dma_start3A_1407 = arith.constant 0 : i32
    %dma_start3A_1408 = tpu.memref_slice %arg4[%dma_start3A_1402, %add3A_1400, %dma_start3A_1407] : memref<4x4096x1024xf32, #tpu.memory_space<hbm>> -> memref<1x16x512xf32, #tpu.memory_space<hbm>>
    %dma_start3A_1409 = tpu.memref_squeeze %dma_start3A_1408 : memref<1x16x512xf32, #tpu.memory_space<hbm>> -> memref<16x512xf32, #tpu.memory_space<hbm>>
    %dma_start3A_1410 = arith.constant 0 : i32
    %dma_start3A_1411 = tpu.memref_slice %arg4[%dma_start3A_1402, %add3A_1400, %dma_start3A_1410] : memref<4x4096x1024xf32, #tpu.memory_space<hbm>> -> memref<1x16x512xf32, #tpu.memory_space<hbm>>
    %dma_start3A_1412 = tpu.memref_squeeze %dma_start3A_1411 : memref<1x16x512xf32, #tpu.memory_space<hbm>> -> memref<16x512xf32, #tpu.memory_space<hbm>>
    %dma_start3A_1413 = arith.constant 0 : i32
    %dma_start3A_1414 = arith.constant 0 : i32
    %dma_start3A_1415 = tpu.memref_slice %arg7[%dma_start3A_1401, %dma_start3A_1413, %dma_start3A_1414] : memref<4x16x512xf32, #tpu.memory_space<vmem>> -> memref<1x16x512xf32, #tpu.memory_space<vmem>>
    %dma_start3A_1416 = tpu.memref_squeeze %dma_start3A_1415 : memref<1x16x512xf32, #tpu.memory_space<vmem>> -> memref<16x512xf32, #tpu.memory_space<vmem>>
    tpu.enqueue_dma source(%dma_start3A_1416 : memref<16x512xf32, #tpu.memory_space<vmem>>) target(%dma_start3A_1412 : memref<16x512xf32, #tpu.memory_space<hbm>>) target_semaphore(%arg16 : memref<!tpu.dma_semaphore, #tpu.memory_space<semaphore_mem>>)
    %dma_wait3A_1417 = arith.constant 1 : i32
    %dma_wait3A_1418 = arith.constant 2 : i32
    %dma_wait3A_1419 = arith.constant 0 : i32
    %dma_wait3A_1420 = arith.constant 0 : i32
    %dma_wait3A_1421 = tpu.memref_slice %arg7[%dma_wait3A_1417, %dma_wait3A_1419, %dma_wait3A_1420] : memref<4x16x512xf32, #tpu.memory_space<vmem>> -> memref<1x16x512xf32, #tpu.memory_space<vmem>>
    %dma_wait3A_1422 = tpu.memref_squeeze %dma_wait3A_1421 : memref<1x16x512xf32, #tpu.memory_space<vmem>> -> memref<16x512xf32, #tpu.memory_space<vmem>>
    %dma_wait3A_1423 = arith.constant 0 : i32
    %dma_wait3A_1424 = tpu.memref_slice %arg4[%dma_wait3A_1418, %add3A_1332, %dma_wait3A_1423] : memref<4x4096x1024xf32, #tpu.memory_space<hbm>> -> memref<1x16x512xf32, #tpu.memory_space<hbm>>
    %dma_wait3A_1425 = tpu.memref_squeeze %dma_wait3A_1424 : memref<1x16x512xf32, #tpu.memory_space<hbm>> -> memref<16x512xf32, #tpu.memory_space<hbm>>
    %dma_wait3A_1426 = arith.constant 0 : i32
    %dma_wait3A_1427 = tpu.memref_slice %arg4[%dma_wait3A_1418, %add3A_1332, %dma_wait3A_1426] : memref<4x4096x1024xf32, #tpu.memory_space<hbm>> -> memref<1x16x512xf32, #tpu.memory_space<hbm>>
    %dma_wait3A_1428 = tpu.memref_squeeze %dma_wait3A_1427 : memref<1x16x512xf32, #tpu.memory_space<hbm>> -> memref<16x512xf32, #tpu.memory_space<hbm>>
    %dma_wait3A_1429 = arith.constant 0 : i32
    %dma_wait3A_1430 = arith.constant 0 : i32
    %dma_wait3A_1431 = tpu.memref_slice %arg7[%dma_wait3A_1417, %dma_wait3A_1429, %dma_wait3A_1430] : memref<4x16x512xf32, #tpu.memory_space<vmem>> -> memref<1x16x512xf32, #tpu.memory_space<vmem>>
    %dma_wait3A_1432 = tpu.memref_squeeze %dma_wait3A_1431 : memref<1x16x512xf32, #tpu.memory_space<vmem>> -> memref<16x512xf32, #tpu.memory_space<vmem>>
    tpu.wait_dma2 semaphore(%arg15 : memref<!tpu.dma_semaphore, #tpu.memory_space<semaphore_mem>>) src(%dma_wait3A_1432 : memref<16x512xf32, #tpu.memory_space<vmem>>) dst(%dma_wait3A_1428 : memref<16x512xf32, #tpu.memory_space<hbm>>)
    %add3A_1433 = arith.constant 80 : i32
    %add3A_1434 = arith.addi %mul3A_2, %add3A_1433 : i32
    %dma_start3A_1435 = arith.constant 2 : i32
    %dma_start3A_1436 = arith.constant 1 : i32
    %dma_start3A_1437 = arith.constant 0 : i32
    %dma_start3A_1438 = arith.constant 0 : i32
    %dma_start3A_1439 = tpu.memref_slice %arg7[%dma_start3A_1436, %dma_start3A_1437, %dma_start3A_1438] : memref<4x16x512xf32, #tpu.memory_space<vmem>> -> memref<1x16x512xf32, #tpu.memory_space<vmem>>
    %dma_start3A_1440 = tpu.memref_squeeze %dma_start3A_1439 : memref<1x16x512xf32, #tpu.memory_space<vmem>> -> memref<16x512xf32, #tpu.memory_space<vmem>>
    %dma_start3A_1441 = arith.constant 0 : i32
    %dma_start3A_1442 = tpu.memref_slice %arg2[%dma_start3A_1435, %add3A_1434, %dma_start3A_1441] : memref<4x4096x512xf32, #tpu.memory_space<hbm>> -> memref<1x16x512xf32, #tpu.memory_space<hbm>>
    %dma_start3A_1443 = tpu.memref_squeeze %dma_start3A_1442 : memref<1x16x512xf32, #tpu.memory_space<hbm>> -> memref<16x512xf32, #tpu.memory_space<hbm>>
    %dma_start3A_1444 = arith.constant 0 : i32
    %dma_start3A_1445 = arith.constant 0 : i32
    %dma_start3A_1446 = tpu.memref_slice %arg7[%dma_start3A_1436, %dma_start3A_1444, %dma_start3A_1445] : memref<4x16x512xf32, #tpu.memory_space<vmem>> -> memref<1x16x512xf32, #tpu.memory_space<vmem>>
    %dma_start3A_1447 = tpu.memref_squeeze %dma_start3A_1446 : memref<1x16x512xf32, #tpu.memory_space<vmem>> -> memref<16x512xf32, #tpu.memory_space<vmem>>
    %dma_start3A_1448 = arith.constant 0 : i32
    %dma_start3A_1449 = tpu.memref_slice %arg2[%dma_start3A_1435, %add3A_1434, %dma_start3A_1448] : memref<4x4096x512xf32, #tpu.memory_space<hbm>> -> memref<1x16x512xf32, #tpu.memory_space<hbm>>
    %dma_start3A_1450 = tpu.memref_squeeze %dma_start3A_1449 : memref<1x16x512xf32, #tpu.memory_space<hbm>> -> memref<16x512xf32, #tpu.memory_space<hbm>>
    tpu.enqueue_dma source(%dma_start3A_1450 : memref<16x512xf32, #tpu.memory_space<hbm>>) target(%dma_start3A_1447 : memref<16x512xf32, #tpu.memory_space<vmem>>) target_semaphore(%arg11 : memref<!tpu.dma_semaphore, #tpu.memory_space<semaphore_mem>>)
    %dma_wait3A_1451 = arith.constant 2 : i32
    %dma_wait3A_1452 = arith.constant 3 : i32
    %dma_wait3A_1453 = arith.constant 0 : i32
    %dma_wait3A_1454 = arith.constant 0 : i32
    %dma_wait3A_1455 = tpu.memref_slice %arg7[%dma_wait3A_1452, %dma_wait3A_1453, %dma_wait3A_1454] : memref<4x16x512xf32, #tpu.memory_space<vmem>> -> memref<1x16x512xf32, #tpu.memory_space<vmem>>
    %dma_wait3A_1456 = tpu.memref_squeeze %dma_wait3A_1455 : memref<1x16x512xf32, #tpu.memory_space<vmem>> -> memref<16x512xf32, #tpu.memory_space<vmem>>
    %dma_wait3A_1457 = arith.constant 0 : i32
    %dma_wait3A_1458 = tpu.memref_slice %arg2[%dma_wait3A_1451, %add3A_1298, %dma_wait3A_1457] : memref<4x4096x512xf32, #tpu.memory_space<hbm>> -> memref<1x16x512xf32, #tpu.memory_space<hbm>>
    %dma_wait3A_1459 = tpu.memref_squeeze %dma_wait3A_1458 : memref<1x16x512xf32, #tpu.memory_space<hbm>> -> memref<16x512xf32, #tpu.memory_space<hbm>>
    %dma_wait3A_1460 = arith.constant 0 : i32
    %dma_wait3A_1461 = arith.constant 0 : i32
    %dma_wait3A_1462 = tpu.memref_slice %arg7[%dma_wait3A_1452, %dma_wait3A_1460, %dma_wait3A_1461] : memref<4x16x512xf32, #tpu.memory_space<vmem>> -> memref<1x16x512xf32, #tpu.memory_space<vmem>>
    %dma_wait3A_1463 = tpu.memref_squeeze %dma_wait3A_1462 : memref<1x16x512xf32, #tpu.memory_space<vmem>> -> memref<16x512xf32, #tpu.memory_space<vmem>>
    %dma_wait3A_1464 = arith.constant 0 : i32
    %dma_wait3A_1465 = tpu.memref_slice %arg2[%dma_wait3A_1451, %add3A_1298, %dma_wait3A_1464] : memref<4x4096x512xf32, #tpu.memory_space<hbm>> -> memref<1x16x512xf32, #tpu.memory_space<hbm>>
    %dma_wait3A_1466 = tpu.memref_squeeze %dma_wait3A_1465 : memref<1x16x512xf32, #tpu.memory_space<hbm>> -> memref<16x512xf32, #tpu.memory_space<hbm>>
    tpu.wait_dma2 semaphore(%arg13 : memref<!tpu.dma_semaphore, #tpu.memory_space<semaphore_mem>>) src(%dma_wait3A_1466 : memref<16x512xf32, #tpu.memory_space<hbm>>) dst(%dma_wait3A_1463 : memref<16x512xf32, #tpu.memory_space<vmem>>)
    %add3A_1467 = arith.constant 48 : i32
    %add3A_1468 = arith.addi %mul3A_2, %add3A_1467 : i32
    %dma_start3A_1469 = arith.constant 3 : i32
    %dma_start3A_1470 = arith.constant 2 : i32
    %dma_start3A_1471 = arith.constant 0 : i32
    %dma_start3A_1472 = arith.constant 0 : i32
    %dma_start3A_1473 = tpu.memref_slice %arg7[%dma_start3A_1469, %dma_start3A_1471, %dma_start3A_1472] : memref<4x16x512xf32, #tpu.memory_space<vmem>> -> memref<1x16x512xf32, #tpu.memory_space<vmem>>
    %dma_start3A_1474 = tpu.memref_squeeze %dma_start3A_1473 : memref<1x16x512xf32, #tpu.memory_space<vmem>> -> memref<16x512xf32, #tpu.memory_space<vmem>>
    %dma_start3A_1475 = arith.constant 0 : i32
    %dma_start3A_1476 = tpu.memref_slice %arg4[%dma_start3A_1470, %add3A_1468, %dma_start3A_1475] : memref<4x4096x1024xf32, #tpu.memory_space<hbm>> -> memref<1x16x512xf32, #tpu.memory_space<hbm>>
    %dma_start3A_1477 = tpu.memref_squeeze %dma_start3A_1476 : memref<1x16x512xf32, #tpu.memory_space<hbm>> -> memref<16x512xf32, #tpu.memory_space<hbm>>
    %dma_start3A_1478 = arith.constant 0 : i32
    %dma_start3A_1479 = tpu.memref_slice %arg4[%dma_start3A_1470, %add3A_1468, %dma_start3A_1478] : memref<4x4096x1024xf32, #tpu.memory_space<hbm>> -> memref<1x16x512xf32, #tpu.memory_space<hbm>>
    %dma_start3A_1480 = tpu.memref_squeeze %dma_start3A_1479 : memref<1x16x512xf32, #tpu.memory_space<hbm>> -> memref<16x512xf32, #tpu.memory_space<hbm>>
    %dma_start3A_1481 = arith.constant 0 : i32
    %dma_start3A_1482 = arith.constant 0 : i32
    %dma_start3A_1483 = tpu.memref_slice %arg7[%dma_start3A_1469, %dma_start3A_1481, %dma_start3A_1482] : memref<4x16x512xf32, #tpu.memory_space<vmem>> -> memref<1x16x512xf32, #tpu.memory_space<vmem>>
    %dma_start3A_1484 = tpu.memref_squeeze %dma_start3A_1483 : memref<1x16x512xf32, #tpu.memory_space<vmem>> -> memref<16x512xf32, #tpu.memory_space<vmem>>
    tpu.enqueue_dma source(%dma_start3A_1484 : memref<16x512xf32, #tpu.memory_space<vmem>>) target(%dma_start3A_1480 : memref<16x512xf32, #tpu.memory_space<hbm>>) target_semaphore(%arg17 : memref<!tpu.dma_semaphore, #tpu.memory_space<semaphore_mem>>)
    %dma_wait3A_1485 = arith.constant 2 : i32
    %dma_wait3A_1486 = arith.constant 2 : i32
    %dma_wait3A_1487 = arith.constant 0 : i32
    %dma_wait3A_1488 = arith.constant 0 : i32
    %dma_wait3A_1489 = tpu.memref_slice %arg7[%dma_wait3A_1485, %dma_wait3A_1487, %dma_wait3A_1488] : memref<4x16x512xf32, #tpu.memory_space<vmem>> -> memref<1x16x512xf32, #tpu.memory_space<vmem>>
    %dma_wait3A_1490 = tpu.memref_squeeze %dma_wait3A_1489 : memref<1x16x512xf32, #tpu.memory_space<vmem>> -> memref<16x512xf32, #tpu.memory_space<vmem>>
    %dma_wait3A_1491 = arith.constant 0 : i32
    %dma_wait3A_1492 = tpu.memref_slice %arg4[%dma_wait3A_1486, %add3A_1400, %dma_wait3A_1491] : memref<4x4096x1024xf32, #tpu.memory_space<hbm>> -> memref<1x16x512xf32, #tpu.memory_space<hbm>>
    %dma_wait3A_1493 = tpu.memref_squeeze %dma_wait3A_1492 : memref<1x16x512xf32, #tpu.memory_space<hbm>> -> memref<16x512xf32, #tpu.memory_space<hbm>>
    %dma_wait3A_1494 = arith.constant 0 : i32
    %dma_wait3A_1495 = tpu.memref_slice %arg4[%dma_wait3A_1486, %add3A_1400, %dma_wait3A_1494] : memref<4x4096x1024xf32, #tpu.memory_space<hbm>> -> memref<1x16x512xf32, #tpu.memory_space<hbm>>
    %dma_wait3A_1496 = tpu.memref_squeeze %dma_wait3A_1495 : memref<1x16x512xf32, #tpu.memory_space<hbm>> -> memref<16x512xf32, #tpu.memory_space<hbm>>
    %dma_wait3A_1497 = arith.constant 0 : i32
    %dma_wait3A_1498 = arith.constant 0 : i32
    %dma_wait3A_1499 = tpu.memref_slice %arg7[%dma_wait3A_1485, %dma_wait3A_1497, %dma_wait3A_1498] : memref<4x16x512xf32, #tpu.memory_space<vmem>> -> memref<1x16x512xf32, #tpu.memory_space<vmem>>
    %dma_wait3A_1500 = tpu.memref_squeeze %dma_wait3A_1499 : memref<1x16x512xf32, #tpu.memory_space<vmem>> -> memref<16x512xf32, #tpu.memory_space<vmem>>
    tpu.wait_dma2 semaphore(%arg16 : memref<!tpu.dma_semaphore, #tpu.memory_space<semaphore_mem>>) src(%dma_wait3A_1500 : memref<16x512xf32, #tpu.memory_space<vmem>>) dst(%dma_wait3A_1496 : memref<16x512xf32, #tpu.memory_space<hbm>>)
    %add3A_1501 = arith.constant 96 : i32
    %add3A_1502 = arith.addi %mul3A_2, %add3A_1501 : i32
    %dma_start3A_1503 = arith.constant 2 : i32
    %dma_start3A_1504 = arith.constant 2 : i32
    %dma_start3A_1505 = arith.constant 0 : i32
    %dma_start3A_1506 = arith.constant 0 : i32
    %dma_start3A_1507 = tpu.memref_slice %arg7[%dma_start3A_1504, %dma_start3A_1505, %dma_start3A_1506] : memref<4x16x512xf32, #tpu.memory_space<vmem>> -> memref<1x16x512xf32, #tpu.memory_space<vmem>>
    %dma_start3A_1508 = tpu.memref_squeeze %dma_start3A_1507 : memref<1x16x512xf32, #tpu.memory_space<vmem>> -> memref<16x512xf32, #tpu.memory_space<vmem>>
    %dma_start3A_1509 = arith.constant 0 : i32
    %dma_start3A_1510 = tpu.memref_slice %arg2[%dma_start3A_1503, %add3A_1502, %dma_start3A_1509] : memref<4x4096x512xf32, #tpu.memory_space<hbm>> -> memref<1x16x512xf32, #tpu.memory_space<hbm>>
    %dma_start3A_1511 = tpu.memref_squeeze %dma_start3A_1510 : memref<1x16x512xf32, #tpu.memory_space<hbm>> -> memref<16x512xf32, #tpu.memory_space<hbm>>
    %dma_start3A_1512 = arith.constant 0 : i32
    %dma_start3A_1513 = arith.constant 0 : i32
    %dma_start3A_1514 = tpu.memref_slice %arg7[%dma_start3A_1504, %dma_start3A_1512, %dma_start3A_1513] : memref<4x16x512xf32, #tpu.memory_space<vmem>> -> memref<1x16x512xf32, #tpu.memory_space<vmem>>
    %dma_start3A_1515 = tpu.memref_squeeze %dma_start3A_1514 : memref<1x16x512xf32, #tpu.memory_space<vmem>> -> memref<16x512xf32, #tpu.memory_space<vmem>>
    %dma_start3A_1516 = arith.constant 0 : i32
    %dma_start3A_1517 = tpu.memref_slice %arg2[%dma_start3A_1503, %add3A_1502, %dma_start3A_1516] : memref<4x4096x512xf32, #tpu.memory_space<hbm>> -> memref<1x16x512xf32, #tpu.memory_space<hbm>>
    %dma_start3A_1518 = tpu.memref_squeeze %dma_start3A_1517 : memref<1x16x512xf32, #tpu.memory_space<hbm>> -> memref<16x512xf32, #tpu.memory_space<hbm>>
    tpu.enqueue_dma source(%dma_start3A_1518 : memref<16x512xf32, #tpu.memory_space<hbm>>) target(%dma_start3A_1515 : memref<16x512xf32, #tpu.memory_space<vmem>>) target_semaphore(%arg12 : memref<!tpu.dma_semaphore, #tpu.memory_space<semaphore_mem>>)
    %dma_wait3A_1519 = arith.constant 2 : i32
    %dma_wait3A_1520 = arith.constant 0 : i32
    %dma_wait3A_1521 = arith.constant 0 : i32
    %dma_wait3A_1522 = arith.constant 0 : i32
    %dma_wait3A_1523 = tpu.memref_slice %arg7[%dma_wait3A_1520, %dma_wait3A_1521, %dma_wait3A_1522] : memref<4x16x512xf32, #tpu.memory_space<vmem>> -> memref<1x16x512xf32, #tpu.memory_space<vmem>>
    %dma_wait3A_1524 = tpu.memref_squeeze %dma_wait3A_1523 : memref<1x16x512xf32, #tpu.memory_space<vmem>> -> memref<16x512xf32, #tpu.memory_space<vmem>>
    %dma_wait3A_1525 = arith.constant 0 : i32
    %dma_wait3A_1526 = tpu.memref_slice %arg2[%dma_wait3A_1519, %add3A_1366, %dma_wait3A_1525] : memref<4x4096x512xf32, #tpu.memory_space<hbm>> -> memref<1x16x512xf32, #tpu.memory_space<hbm>>
    %dma_wait3A_1527 = tpu.memref_squeeze %dma_wait3A_1526 : memref<1x16x512xf32, #tpu.memory_space<hbm>> -> memref<16x512xf32, #tpu.memory_space<hbm>>
    %dma_wait3A_1528 = arith.constant 0 : i32
    %dma_wait3A_1529 = arith.constant 0 : i32
    %dma_wait3A_1530 = tpu.memref_slice %arg7[%dma_wait3A_1520, %dma_wait3A_1528, %dma_wait3A_1529] : memref<4x16x512xf32, #tpu.memory_space<vmem>> -> memref<1x16x512xf32, #tpu.memory_space<vmem>>
    %dma_wait3A_1531 = tpu.memref_squeeze %dma_wait3A_1530 : memref<1x16x512xf32, #tpu.memory_space<vmem>> -> memref<16x512xf32, #tpu.memory_space<vmem>>
    %dma_wait3A_1532 = arith.constant 0 : i32
    %dma_wait3A_1533 = tpu.memref_slice %arg2[%dma_wait3A_1519, %add3A_1366, %dma_wait3A_1532] : memref<4x4096x512xf32, #tpu.memory_space<hbm>> -> memref<1x16x512xf32, #tpu.memory_space<hbm>>
    %dma_wait3A_1534 = tpu.memref_squeeze %dma_wait3A_1533 : memref<1x16x512xf32, #tpu.memory_space<hbm>> -> memref<16x512xf32, #tpu.memory_space<hbm>>
    tpu.wait_dma2 semaphore(%arg10 : memref<!tpu.dma_semaphore, #tpu.memory_space<semaphore_mem>>) src(%dma_wait3A_1534 : memref<16x512xf32, #tpu.memory_space<hbm>>) dst(%dma_wait3A_1531 : memref<16x512xf32, #tpu.memory_space<vmem>>)
    %add3A_1535 = arith.constant 64 : i32
    %add3A_1536 = arith.addi %mul3A_2, %add3A_1535 : i32
    %dma_start3A_1537 = arith.constant 0 : i32
    %dma_start3A_1538 = arith.constant 2 : i32
    %dma_start3A_1539 = arith.constant 0 : i32
    %dma_start3A_1540 = arith.constant 0 : i32
    %dma_start3A_1541 = tpu.memref_slice %arg7[%dma_start3A_1537, %dma_start3A_1539, %dma_start3A_1540] : memref<4x16x512xf32, #tpu.memory_space<vmem>> -> memref<1x16x512xf32, #tpu.memory_space<vmem>>
    %dma_start3A_1542 = tpu.memref_squeeze %dma_start3A_1541 : memref<1x16x512xf32, #tpu.memory_space<vmem>> -> memref<16x512xf32, #tpu.memory_space<vmem>>
    %dma_start3A_1543 = arith.constant 0 : i32
    %dma_start3A_1544 = tpu.memref_slice %arg4[%dma_start3A_1538, %add3A_1536, %dma_start3A_1543] : memref<4x4096x1024xf32, #tpu.memory_space<hbm>> -> memref<1x16x512xf32, #tpu.memory_space<hbm>>
    %dma_start3A_1545 = tpu.memref_squeeze %dma_start3A_1544 : memref<1x16x512xf32, #tpu.memory_space<hbm>> -> memref<16x512xf32, #tpu.memory_space<hbm>>
    %dma_start3A_1546 = arith.constant 0 : i32
    %dma_start3A_1547 = tpu.memref_slice %arg4[%dma_start3A_1538, %add3A_1536, %dma_start3A_1546] : memref<4x4096x1024xf32, #tpu.memory_space<hbm>> -> memref<1x16x512xf32, #tpu.memory_space<hbm>>
    %dma_start3A_1548 = tpu.memref_squeeze %dma_start3A_1547 : memref<1x16x512xf32, #tpu.memory_space<hbm>> -> memref<16x512xf32, #tpu.memory_space<hbm>>
    %dma_start3A_1549 = arith.constant 0 : i32
    %dma_start3A_1550 = arith.constant 0 : i32
    %dma_start3A_1551 = tpu.memref_slice %arg7[%dma_start3A_1537, %dma_start3A_1549, %dma_start3A_1550] : memref<4x16x512xf32, #tpu.memory_space<vmem>> -> memref<1x16x512xf32, #tpu.memory_space<vmem>>
    %dma_start3A_1552 = tpu.memref_squeeze %dma_start3A_1551 : memref<1x16x512xf32, #tpu.memory_space<vmem>> -> memref<16x512xf32, #tpu.memory_space<vmem>>
    tpu.enqueue_dma source(%dma_start3A_1552 : memref<16x512xf32, #tpu.memory_space<vmem>>) target(%dma_start3A_1548 : memref<16x512xf32, #tpu.memory_space<hbm>>) target_semaphore(%arg14 : memref<!tpu.dma_semaphore, #tpu.memory_space<semaphore_mem>>)
    %dma_wait3A_1553 = arith.constant 3 : i32
    %dma_wait3A_1554 = arith.constant 2 : i32
    %dma_wait3A_1555 = arith.constant 0 : i32
    %dma_wait3A_1556 = arith.constant 0 : i32
    %dma_wait3A_1557 = tpu.memref_slice %arg7[%dma_wait3A_1553, %dma_wait3A_1555, %dma_wait3A_1556] : memref<4x16x512xf32, #tpu.memory_space<vmem>> -> memref<1x16x512xf32, #tpu.memory_space<vmem>>
    %dma_wait3A_1558 = tpu.memref_squeeze %dma_wait3A_1557 : memref<1x16x512xf32, #tpu.memory_space<vmem>> -> memref<16x512xf32, #tpu.memory_space<vmem>>
    %dma_wait3A_1559 = arith.constant 0 : i32
    %dma_wait3A_1560 = tpu.memref_slice %arg4[%dma_wait3A_1554, %add3A_1468, %dma_wait3A_1559] : memref<4x4096x1024xf32, #tpu.memory_space<hbm>> -> memref<1x16x512xf32, #tpu.memory_space<hbm>>
    %dma_wait3A_1561 = tpu.memref_squeeze %dma_wait3A_1560 : memref<1x16x512xf32, #tpu.memory_space<hbm>> -> memref<16x512xf32, #tpu.memory_space<hbm>>
    %dma_wait3A_1562 = arith.constant 0 : i32
    %dma_wait3A_1563 = tpu.memref_slice %arg4[%dma_wait3A_1554, %add3A_1468, %dma_wait3A_1562] : memref<4x4096x1024xf32, #tpu.memory_space<hbm>> -> memref<1x16x512xf32, #tpu.memory_space<hbm>>
    %dma_wait3A_1564 = tpu.memref_squeeze %dma_wait3A_1563 : memref<1x16x512xf32, #tpu.memory_space<hbm>> -> memref<16x512xf32, #tpu.memory_space<hbm>>
    %dma_wait3A_1565 = arith.constant 0 : i32
    %dma_wait3A_1566 = arith.constant 0 : i32
    %dma_wait3A_1567 = tpu.memref_slice %arg7[%dma_wait3A_1553, %dma_wait3A_1565, %dma_wait3A_1566] : memref<4x16x512xf32, #tpu.memory_space<vmem>> -> memref<1x16x512xf32, #tpu.memory_space<vmem>>
    %dma_wait3A_1568 = tpu.memref_squeeze %dma_wait3A_1567 : memref<1x16x512xf32, #tpu.memory_space<vmem>> -> memref<16x512xf32, #tpu.memory_space<vmem>>
    tpu.wait_dma2 semaphore(%arg17 : memref<!tpu.dma_semaphore, #tpu.memory_space<semaphore_mem>>) src(%dma_wait3A_1568 : memref<16x512xf32, #tpu.memory_space<vmem>>) dst(%dma_wait3A_1564 : memref<16x512xf32, #tpu.memory_space<hbm>>)
    %add3A_1569 = arith.constant 112 : i32
    %add3A_1570 = arith.addi %mul3A_2, %add3A_1569 : i32
    %dma_start3A_1571 = arith.constant 2 : i32
    %dma_start3A_1572 = arith.constant 3 : i32
    %dma_start3A_1573 = arith.constant 0 : i32
    %dma_start3A_1574 = arith.constant 0 : i32
    %dma_start3A_1575 = tpu.memref_slice %arg7[%dma_start3A_1572, %dma_start3A_1573, %dma_start3A_1574] : memref<4x16x512xf32, #tpu.memory_space<vmem>> -> memref<1x16x512xf32, #tpu.memory_space<vmem>>
    %dma_start3A_1576 = tpu.memref_squeeze %dma_start3A_1575 : memref<1x16x512xf32, #tpu.memory_space<vmem>> -> memref<16x512xf32, #tpu.memory_space<vmem>>
    %dma_start3A_1577 = arith.constant 0 : i32
    %dma_start3A_1578 = tpu.memref_slice %arg2[%dma_start3A_1571, %add3A_1570, %dma_start3A_1577] : memref<4x4096x512xf32, #tpu.memory_space<hbm>> -> memref<1x16x512xf32, #tpu.memory_space<hbm>>
    %dma_start3A_1579 = tpu.memref_squeeze %dma_start3A_1578 : memref<1x16x512xf32, #tpu.memory_space<hbm>> -> memref<16x512xf32, #tpu.memory_space<hbm>>
    %dma_start3A_1580 = arith.constant 0 : i32
    %dma_start3A_1581 = arith.constant 0 : i32
    %dma_start3A_1582 = tpu.memref_slice %arg7[%dma_start3A_1572, %dma_start3A_1580, %dma_start3A_1581] : memref<4x16x512xf32, #tpu.memory_space<vmem>> -> memref<1x16x512xf32, #tpu.memory_space<vmem>>
    %dma_start3A_1583 = tpu.memref_squeeze %dma_start3A_1582 : memref<1x16x512xf32, #tpu.memory_space<vmem>> -> memref<16x512xf32, #tpu.memory_space<vmem>>
    %dma_start3A_1584 = arith.constant 0 : i32
    %dma_start3A_1585 = tpu.memref_slice %arg2[%dma_start3A_1571, %add3A_1570, %dma_start3A_1584] : memref<4x4096x512xf32, #tpu.memory_space<hbm>> -> memref<1x16x512xf32, #tpu.memory_space<hbm>>
    %dma_start3A_1586 = tpu.memref_squeeze %dma_start3A_1585 : memref<1x16x512xf32, #tpu.memory_space<hbm>> -> memref<16x512xf32, #tpu.memory_space<hbm>>
    tpu.enqueue_dma source(%dma_start3A_1586 : memref<16x512xf32, #tpu.memory_space<hbm>>) target(%dma_start3A_1583 : memref<16x512xf32, #tpu.memory_space<vmem>>) target_semaphore(%arg13 : memref<!tpu.dma_semaphore, #tpu.memory_space<semaphore_mem>>)
    %dma_wait3A_1587 = arith.constant 2 : i32
    %dma_wait3A_1588 = arith.constant 1 : i32
    %dma_wait3A_1589 = arith.constant 0 : i32
    %dma_wait3A_1590 = arith.constant 0 : i32
    %dma_wait3A_1591 = tpu.memref_slice %arg7[%dma_wait3A_1588, %dma_wait3A_1589, %dma_wait3A_1590] : memref<4x16x512xf32, #tpu.memory_space<vmem>> -> memref<1x16x512xf32, #tpu.memory_space<vmem>>
    %dma_wait3A_1592 = tpu.memref_squeeze %dma_wait3A_1591 : memref<1x16x512xf32, #tpu.memory_space<vmem>> -> memref<16x512xf32, #tpu.memory_space<vmem>>
    %dma_wait3A_1593 = arith.constant 0 : i32
    %dma_wait3A_1594 = tpu.memref_slice %arg2[%dma_wait3A_1587, %add3A_1434, %dma_wait3A_1593] : memref<4x4096x512xf32, #tpu.memory_space<hbm>> -> memref<1x16x512xf32, #tpu.memory_space<hbm>>
    %dma_wait3A_1595 = tpu.memref_squeeze %dma_wait3A_1594 : memref<1x16x512xf32, #tpu.memory_space<hbm>> -> memref<16x512xf32, #tpu.memory_space<hbm>>
    %dma_wait3A_1596 = arith.constant 0 : i32
    %dma_wait3A_1597 = arith.constant 0 : i32
    %dma_wait3A_1598 = tpu.memref_slice %arg7[%dma_wait3A_1588, %dma_wait3A_1596, %dma_wait3A_1597] : memref<4x16x512xf32, #tpu.memory_space<vmem>> -> memref<1x16x512xf32, #tpu.memory_space<vmem>>
    %dma_wait3A_1599 = tpu.memref_squeeze %dma_wait3A_1598 : memref<1x16x512xf32, #tpu.memory_space<vmem>> -> memref<16x512xf32, #tpu.memory_space<vmem>>
    %dma_wait3A_1600 = arith.constant 0 : i32
    %dma_wait3A_1601 = tpu.memref_slice %arg2[%dma_wait3A_1587, %add3A_1434, %dma_wait3A_1600] : memref<4x4096x512xf32, #tpu.memory_space<hbm>> -> memref<1x16x512xf32, #tpu.memory_space<hbm>>
    %dma_wait3A_1602 = tpu.memref_squeeze %dma_wait3A_1601 : memref<1x16x512xf32, #tpu.memory_space<hbm>> -> memref<16x512xf32, #tpu.memory_space<hbm>>
    tpu.wait_dma2 semaphore(%arg11 : memref<!tpu.dma_semaphore, #tpu.memory_space<semaphore_mem>>) src(%dma_wait3A_1602 : memref<16x512xf32, #tpu.memory_space<hbm>>) dst(%dma_wait3A_1599 : memref<16x512xf32, #tpu.memory_space<vmem>>)
    %add3A_1603 = arith.constant 80 : i32
    %add3A_1604 = arith.addi %mul3A_2, %add3A_1603 : i32
    %dma_start3A_1605 = arith.constant 1 : i32
    %dma_start3A_1606 = arith.constant 2 : i32
    %dma_start3A_1607 = arith.constant 0 : i32
    %dma_start3A_1608 = arith.constant 0 : i32
    %dma_start3A_1609 = tpu.memref_slice %arg7[%dma_start3A_1605, %dma_start3A_1607, %dma_start3A_1608] : memref<4x16x512xf32, #tpu.memory_space<vmem>> -> memref<1x16x512xf32, #tpu.memory_space<vmem>>
    %dma_start3A_1610 = tpu.memref_squeeze %dma_start3A_1609 : memref<1x16x512xf32, #tpu.memory_space<vmem>> -> memref<16x512xf32, #tpu.memory_space<vmem>>
    %dma_start3A_1611 = arith.constant 0 : i32
    %dma_start3A_1612 = tpu.memref_slice %arg4[%dma_start3A_1606, %add3A_1604, %dma_start3A_1611] : memref<4x4096x1024xf32, #tpu.memory_space<hbm>> -> memref<1x16x512xf32, #tpu.memory_space<hbm>>
    %dma_start3A_1613 = tpu.memref_squeeze %dma_start3A_1612 : memref<1x16x512xf32, #tpu.memory_space<hbm>> -> memref<16x512xf32, #tpu.memory_space<hbm>>
    %dma_start3A_1614 = arith.constant 0 : i32
    %dma_start3A_1615 = tpu.memref_slice %arg4[%dma_start3A_1606, %add3A_1604, %dma_start3A_1614] : memref<4x4096x1024xf32, #tpu.memory_space<hbm>> -> memref<1x16x512xf32, #tpu.memory_space<hbm>>
    %dma_start3A_1616 = tpu.memref_squeeze %dma_start3A_1615 : memref<1x16x512xf32, #tpu.memory_space<hbm>> -> memref<16x512xf32, #tpu.memory_space<hbm>>
    %dma_start3A_1617 = arith.constant 0 : i32
    %dma_start3A_1618 = arith.constant 0 : i32
    %dma_start3A_1619 = tpu.memref_slice %arg7[%dma_start3A_1605, %dma_start3A_1617, %dma_start3A_1618] : memref<4x16x512xf32, #tpu.memory_space<vmem>> -> memref<1x16x512xf32, #tpu.memory_space<vmem>>
    %dma_start3A_1620 = tpu.memref_squeeze %dma_start3A_1619 : memref<1x16x512xf32, #tpu.memory_space<vmem>> -> memref<16x512xf32, #tpu.memory_space<vmem>>
    tpu.enqueue_dma source(%dma_start3A_1620 : memref<16x512xf32, #tpu.memory_space<vmem>>) target(%dma_start3A_1616 : memref<16x512xf32, #tpu.memory_space<hbm>>) target_semaphore(%arg15 : memref<!tpu.dma_semaphore, #tpu.memory_space<semaphore_mem>>)
    %dma_wait3A_1621 = arith.constant 0 : i32
    %dma_wait3A_1622 = arith.constant 2 : i32
    %dma_wait3A_1623 = arith.constant 0 : i32
    %dma_wait3A_1624 = arith.constant 0 : i32
    %dma_wait3A_1625 = tpu.memref_slice %arg7[%dma_wait3A_1621, %dma_wait3A_1623, %dma_wait3A_1624] : memref<4x16x512xf32, #tpu.memory_space<vmem>> -> memref<1x16x512xf32, #tpu.memory_space<vmem>>
    %dma_wait3A_1626 = tpu.memref_squeeze %dma_wait3A_1625 : memref<1x16x512xf32, #tpu.memory_space<vmem>> -> memref<16x512xf32, #tpu.memory_space<vmem>>
    %dma_wait3A_1627 = arith.constant 0 : i32
    %dma_wait3A_1628 = tpu.memref_slice %arg4[%dma_wait3A_1622, %add3A_1536, %dma_wait3A_1627] : memref<4x4096x1024xf32, #tpu.memory_space<hbm>> -> memref<1x16x512xf32, #tpu.memory_space<hbm>>
    %dma_wait3A_1629 = tpu.memref_squeeze %dma_wait3A_1628 : memref<1x16x512xf32, #tpu.memory_space<hbm>> -> memref<16x512xf32, #tpu.memory_space<hbm>>
    %dma_wait3A_1630 = arith.constant 0 : i32
    %dma_wait3A_1631 = tpu.memref_slice %arg4[%dma_wait3A_1622, %add3A_1536, %dma_wait3A_1630] : memref<4x4096x1024xf32, #tpu.memory_space<hbm>> -> memref<1x16x512xf32, #tpu.memory_space<hbm>>
    %dma_wait3A_1632 = tpu.memref_squeeze %dma_wait3A_1631 : memref<1x16x512xf32, #tpu.memory_space<hbm>> -> memref<16x512xf32, #tpu.memory_space<hbm>>
    %dma_wait3A_1633 = arith.constant 0 : i32
    %dma_wait3A_1634 = arith.constant 0 : i32
    %dma_wait3A_1635 = tpu.memref_slice %arg7[%dma_wait3A_1621, %dma_wait3A_1633, %dma_wait3A_1634] : memref<4x16x512xf32, #tpu.memory_space<vmem>> -> memref<1x16x512xf32, #tpu.memory_space<vmem>>
    %dma_wait3A_1636 = tpu.memref_squeeze %dma_wait3A_1635 : memref<1x16x512xf32, #tpu.memory_space<vmem>> -> memref<16x512xf32, #tpu.memory_space<vmem>>
    tpu.wait_dma2 semaphore(%arg14 : memref<!tpu.dma_semaphore, #tpu.memory_space<semaphore_mem>>) src(%dma_wait3A_1636 : memref<16x512xf32, #tpu.memory_space<vmem>>) dst(%dma_wait3A_1632 : memref<16x512xf32, #tpu.memory_space<hbm>>)
    %add3A_1637 = arith.constant 0 : i32
    %add3A_1638 = arith.addi %mul3A_2, %add3A_1637 : i32
    %dma_start3A_1639 = arith.constant 3 : i32
    %dma_start3A_1640 = arith.constant 0 : i32
    %dma_start3A_1641 = arith.constant 0 : i32
    %dma_start3A_1642 = arith.constant 0 : i32
    %dma_start3A_1643 = tpu.memref_slice %arg7[%dma_start3A_1640, %dma_start3A_1641, %dma_start3A_1642] : memref<4x16x512xf32, #tpu.memory_space<vmem>> -> memref<1x16x512xf32, #tpu.memory_space<vmem>>
    %dma_start3A_1644 = tpu.memref_squeeze %dma_start3A_1643 : memref<1x16x512xf32, #tpu.memory_space<vmem>> -> memref<16x512xf32, #tpu.memory_space<vmem>>
    %dma_start3A_1645 = arith.constant 0 : i32
    %dma_start3A_1646 = tpu.memref_slice %arg2[%dma_start3A_1639, %add3A_1638, %dma_start3A_1645] : memref<4x4096x512xf32, #tpu.memory_space<hbm>> -> memref<1x16x512xf32, #tpu.memory_space<hbm>>
    %dma_start3A_1647 = tpu.memref_squeeze %dma_start3A_1646 : memref<1x16x512xf32, #tpu.memory_space<hbm>> -> memref<16x512xf32, #tpu.memory_space<hbm>>
    %dma_start3A_1648 = arith.constant 0 : i32
    %dma_start3A_1649 = arith.constant 0 : i32
    %dma_start3A_1650 = tpu.memref_slice %arg7[%dma_start3A_1640, %dma_start3A_1648, %dma_start3A_1649] : memref<4x16x512xf32, #tpu.memory_space<vmem>> -> memref<1x16x512xf32, #tpu.memory_space<vmem>>
    %dma_start3A_1651 = tpu.memref_squeeze %dma_start3A_1650 : memref<1x16x512xf32, #tpu.memory_space<vmem>> -> memref<16x512xf32, #tpu.memory_space<vmem>>
    %dma_start3A_1652 = arith.constant 0 : i32
    %dma_start3A_1653 = tpu.memref_slice %arg2[%dma_start3A_1639, %add3A_1638, %dma_start3A_1652] : memref<4x4096x512xf32, #tpu.memory_space<hbm>> -> memref<1x16x512xf32, #tpu.memory_space<hbm>>
    %dma_start3A_1654 = tpu.memref_squeeze %dma_start3A_1653 : memref<1x16x512xf32, #tpu.memory_space<hbm>> -> memref<16x512xf32, #tpu.memory_space<hbm>>
    tpu.enqueue_dma source(%dma_start3A_1654 : memref<16x512xf32, #tpu.memory_space<hbm>>) target(%dma_start3A_1651 : memref<16x512xf32, #tpu.memory_space<vmem>>) target_semaphore(%arg10 : memref<!tpu.dma_semaphore, #tpu.memory_space<semaphore_mem>>)
    %dma_wait3A_1655 = arith.constant 2 : i32
    %dma_wait3A_1656 = arith.constant 2 : i32
    %dma_wait3A_1657 = arith.constant 0 : i32
    %dma_wait3A_1658 = arith.constant 0 : i32
    %dma_wait3A_1659 = tpu.memref_slice %arg7[%dma_wait3A_1656, %dma_wait3A_1657, %dma_wait3A_1658] : memref<4x16x512xf32, #tpu.memory_space<vmem>> -> memref<1x16x512xf32, #tpu.memory_space<vmem>>
    %dma_wait3A_1660 = tpu.memref_squeeze %dma_wait3A_1659 : memref<1x16x512xf32, #tpu.memory_space<vmem>> -> memref<16x512xf32, #tpu.memory_space<vmem>>
    %dma_wait3A_1661 = arith.constant 0 : i32
    %dma_wait3A_1662 = tpu.memref_slice %arg2[%dma_wait3A_1655, %add3A_1502, %dma_wait3A_1661] : memref<4x4096x512xf32, #tpu.memory_space<hbm>> -> memref<1x16x512xf32, #tpu.memory_space<hbm>>
    %dma_wait3A_1663 = tpu.memref_squeeze %dma_wait3A_1662 : memref<1x16x512xf32, #tpu.memory_space<hbm>> -> memref<16x512xf32, #tpu.memory_space<hbm>>
    %dma_wait3A_1664 = arith.constant 0 : i32
    %dma_wait3A_1665 = arith.constant 0 : i32
    %dma_wait3A_1666 = tpu.memref_slice %arg7[%dma_wait3A_1656, %dma_wait3A_1664, %dma_wait3A_1665] : memref<4x16x512xf32, #tpu.memory_space<vmem>> -> memref<1x16x512xf32, #tpu.memory_space<vmem>>
    %dma_wait3A_1667 = tpu.memref_squeeze %dma_wait3A_1666 : memref<1x16x512xf32, #tpu.memory_space<vmem>> -> memref<16x512xf32, #tpu.memory_space<vmem>>
    %dma_wait3A_1668 = arith.constant 0 : i32
    %dma_wait3A_1669 = tpu.memref_slice %arg2[%dma_wait3A_1655, %add3A_1502, %dma_wait3A_1668] : memref<4x4096x512xf32, #tpu.memory_space<hbm>> -> memref<1x16x512xf32, #tpu.memory_space<hbm>>
    %dma_wait3A_1670 = tpu.memref_squeeze %dma_wait3A_1669 : memref<1x16x512xf32, #tpu.memory_space<hbm>> -> memref<16x512xf32, #tpu.memory_space<hbm>>
    tpu.wait_dma2 semaphore(%arg12 : memref<!tpu.dma_semaphore, #tpu.memory_space<semaphore_mem>>) src(%dma_wait3A_1670 : memref<16x512xf32, #tpu.memory_space<hbm>>) dst(%dma_wait3A_1667 : memref<16x512xf32, #tpu.memory_space<vmem>>)
    %add3A_1671 = arith.constant 96 : i32
    %add3A_1672 = arith.addi %mul3A_2, %add3A_1671 : i32
    %dma_start3A_1673 = arith.constant 2 : i32
    %dma_start3A_1674 = arith.constant 2 : i32
    %dma_start3A_1675 = arith.constant 0 : i32
    %dma_start3A_1676 = arith.constant 0 : i32
    %dma_start3A_1677 = tpu.memref_slice %arg7[%dma_start3A_1673, %dma_start3A_1675, %dma_start3A_1676] : memref<4x16x512xf32, #tpu.memory_space<vmem>> -> memref<1x16x512xf32, #tpu.memory_space<vmem>>
    %dma_start3A_1678 = tpu.memref_squeeze %dma_start3A_1677 : memref<1x16x512xf32, #tpu.memory_space<vmem>> -> memref<16x512xf32, #tpu.memory_space<vmem>>
    %dma_start3A_1679 = arith.constant 0 : i32
    %dma_start3A_1680 = tpu.memref_slice %arg4[%dma_start3A_1674, %add3A_1672, %dma_start3A_1679] : memref<4x4096x1024xf32, #tpu.memory_space<hbm>> -> memref<1x16x512xf32, #tpu.memory_space<hbm>>
    %dma_start3A_1681 = tpu.memref_squeeze %dma_start3A_1680 : memref<1x16x512xf32, #tpu.memory_space<hbm>> -> memref<16x512xf32, #tpu.memory_space<hbm>>
    %dma_start3A_1682 = arith.constant 0 : i32
    %dma_start3A_1683 = tpu.memref_slice %arg4[%dma_start3A_1674, %add3A_1672, %dma_start3A_1682] : memref<4x4096x1024xf32, #tpu.memory_space<hbm>> -> memref<1x16x512xf32, #tpu.memory_space<hbm>>
    %dma_start3A_1684 = tpu.memref_squeeze %dma_start3A_1683 : memref<1x16x512xf32, #tpu.memory_space<hbm>> -> memref<16x512xf32, #tpu.memory_space<hbm>>
    %dma_start3A_1685 = arith.constant 0 : i32
    %dma_start3A_1686 = arith.constant 0 : i32
    %dma_start3A_1687 = tpu.memref_slice %arg7[%dma_start3A_1673, %dma_start3A_1685, %dma_start3A_1686] : memref<4x16x512xf32, #tpu.memory_space<vmem>> -> memref<1x16x512xf32, #tpu.memory_space<vmem>>
    %dma_start3A_1688 = tpu.memref_squeeze %dma_start3A_1687 : memref<1x16x512xf32, #tpu.memory_space<vmem>> -> memref<16x512xf32, #tpu.memory_space<vmem>>
    tpu.enqueue_dma source(%dma_start3A_1688 : memref<16x512xf32, #tpu.memory_space<vmem>>) target(%dma_start3A_1684 : memref<16x512xf32, #tpu.memory_space<hbm>>) target_semaphore(%arg16 : memref<!tpu.dma_semaphore, #tpu.memory_space<semaphore_mem>>)
    %dma_wait3A_1689 = arith.constant 1 : i32
    %dma_wait3A_1690 = arith.constant 2 : i32
    %dma_wait3A_1691 = arith.constant 0 : i32
    %dma_wait3A_1692 = arith.constant 0 : i32
    %dma_wait3A_1693 = tpu.memref_slice %arg7[%dma_wait3A_1689, %dma_wait3A_1691, %dma_wait3A_1692] : memref<4x16x512xf32, #tpu.memory_space<vmem>> -> memref<1x16x512xf32, #tpu.memory_space<vmem>>
    %dma_wait3A_1694 = tpu.memref_squeeze %dma_wait3A_1693 : memref<1x16x512xf32, #tpu.memory_space<vmem>> -> memref<16x512xf32, #tpu.memory_space<vmem>>
    %dma_wait3A_1695 = arith.constant 0 : i32
    %dma_wait3A_1696 = tpu.memref_slice %arg4[%dma_wait3A_1690, %add3A_1604, %dma_wait3A_1695] : memref<4x4096x1024xf32, #tpu.memory_space<hbm>> -> memref<1x16x512xf32, #tpu.memory_space<hbm>>
    %dma_wait3A_1697 = tpu.memref_squeeze %dma_wait3A_1696 : memref<1x16x512xf32, #tpu.memory_space<hbm>> -> memref<16x512xf32, #tpu.memory_space<hbm>>
    %dma_wait3A_1698 = arith.constant 0 : i32
    %dma_wait3A_1699 = tpu.memref_slice %arg4[%dma_wait3A_1690, %add3A_1604, %dma_wait3A_1698] : memref<4x4096x1024xf32, #tpu.memory_space<hbm>> -> memref<1x16x512xf32, #tpu.memory_space<hbm>>
    %dma_wait3A_1700 = tpu.memref_squeeze %dma_wait3A_1699 : memref<1x16x512xf32, #tpu.memory_space<hbm>> -> memref<16x512xf32, #tpu.memory_space<hbm>>
    %dma_wait3A_1701 = arith.constant 0 : i32
    %dma_wait3A_1702 = arith.constant 0 : i32
    %dma_wait3A_1703 = tpu.memref_slice %arg7[%dma_wait3A_1689, %dma_wait3A_1701, %dma_wait3A_1702] : memref<4x16x512xf32, #tpu.memory_space<vmem>> -> memref<1x16x512xf32, #tpu.memory_space<vmem>>
    %dma_wait3A_1704 = tpu.memref_squeeze %dma_wait3A_1703 : memref<1x16x512xf32, #tpu.memory_space<vmem>> -> memref<16x512xf32, #tpu.memory_space<vmem>>
    tpu.wait_dma2 semaphore(%arg15 : memref<!tpu.dma_semaphore, #tpu.memory_space<semaphore_mem>>) src(%dma_wait3A_1704 : memref<16x512xf32, #tpu.memory_space<vmem>>) dst(%dma_wait3A_1700 : memref<16x512xf32, #tpu.memory_space<hbm>>)
    %add3A_1705 = arith.constant 16 : i32
    %add3A_1706 = arith.addi %mul3A_2, %add3A_1705 : i32
    %dma_start3A_1707 = arith.constant 3 : i32
    %dma_start3A_1708 = arith.constant 1 : i32
    %dma_start3A_1709 = arith.constant 0 : i32
    %dma_start3A_1710 = arith.constant 0 : i32
    %dma_start3A_1711 = tpu.memref_slice %arg7[%dma_start3A_1708, %dma_start3A_1709, %dma_start3A_1710] : memref<4x16x512xf32, #tpu.memory_space<vmem>> -> memref<1x16x512xf32, #tpu.memory_space<vmem>>
    %dma_start3A_1712 = tpu.memref_squeeze %dma_start3A_1711 : memref<1x16x512xf32, #tpu.memory_space<vmem>> -> memref<16x512xf32, #tpu.memory_space<vmem>>
    %dma_start3A_1713 = arith.constant 0 : i32
    %dma_start3A_1714 = tpu.memref_slice %arg2[%dma_start3A_1707, %add3A_1706, %dma_start3A_1713] : memref<4x4096x512xf32, #tpu.memory_space<hbm>> -> memref<1x16x512xf32, #tpu.memory_space<hbm>>
    %dma_start3A_1715 = tpu.memref_squeeze %dma_start3A_1714 : memref<1x16x512xf32, #tpu.memory_space<hbm>> -> memref<16x512xf32, #tpu.memory_space<hbm>>
    %dma_start3A_1716 = arith.constant 0 : i32
    %dma_start3A_1717 = arith.constant 0 : i32
    %dma_start3A_1718 = tpu.memref_slice %arg7[%dma_start3A_1708, %dma_start3A_1716, %dma_start3A_1717] : memref<4x16x512xf32, #tpu.memory_space<vmem>> -> memref<1x16x512xf32, #tpu.memory_space<vmem>>
    %dma_start3A_1719 = tpu.memref_squeeze %dma_start3A_1718 : memref<1x16x512xf32, #tpu.memory_space<vmem>> -> memref<16x512xf32, #tpu.memory_space<vmem>>
    %dma_start3A_1720 = arith.constant 0 : i32
    %dma_start3A_1721 = tpu.memref_slice %arg2[%dma_start3A_1707, %add3A_1706, %dma_start3A_1720] : memref<4x4096x512xf32, #tpu.memory_space<hbm>> -> memref<1x16x512xf32, #tpu.memory_space<hbm>>
    %dma_start3A_1722 = tpu.memref_squeeze %dma_start3A_1721 : memref<1x16x512xf32, #tpu.memory_space<hbm>> -> memref<16x512xf32, #tpu.memory_space<hbm>>
    tpu.enqueue_dma source(%dma_start3A_1722 : memref<16x512xf32, #tpu.memory_space<hbm>>) target(%dma_start3A_1719 : memref<16x512xf32, #tpu.memory_space<vmem>>) target_semaphore(%arg11 : memref<!tpu.dma_semaphore, #tpu.memory_space<semaphore_mem>>)
    %dma_wait3A_1723 = arith.constant 2 : i32
    %dma_wait3A_1724 = arith.constant 3 : i32
    %dma_wait3A_1725 = arith.constant 0 : i32
    %dma_wait3A_1726 = arith.constant 0 : i32
    %dma_wait3A_1727 = tpu.memref_slice %arg7[%dma_wait3A_1724, %dma_wait3A_1725, %dma_wait3A_1726] : memref<4x16x512xf32, #tpu.memory_space<vmem>> -> memref<1x16x512xf32, #tpu.memory_space<vmem>>
    %dma_wait3A_1728 = tpu.memref_squeeze %dma_wait3A_1727 : memref<1x16x512xf32, #tpu.memory_space<vmem>> -> memref<16x512xf32, #tpu.memory_space<vmem>>
    %dma_wait3A_1729 = arith.constant 0 : i32
    %dma_wait3A_1730 = tpu.memref_slice %arg2[%dma_wait3A_1723, %add3A_1570, %dma_wait3A_1729] : memref<4x4096x512xf32, #tpu.memory_space<hbm>> -> memref<1x16x512xf32, #tpu.memory_space<hbm>>
    %dma_wait3A_1731 = tpu.memref_squeeze %dma_wait3A_1730 : memref<1x16x512xf32, #tpu.memory_space<hbm>> -> memref<16x512xf32, #tpu.memory_space<hbm>>
    %dma_wait3A_1732 = arith.constant 0 : i32
    %dma_wait3A_1733 = arith.constant 0 : i32
    %dma_wait3A_1734 = tpu.memref_slice %arg7[%dma_wait3A_1724, %dma_wait3A_1732, %dma_wait3A_1733] : memref<4x16x512xf32, #tpu.memory_space<vmem>> -> memref<1x16x512xf32, #tpu.memory_space<vmem>>
    %dma_wait3A_1735 = tpu.memref_squeeze %dma_wait3A_1734 : memref<1x16x512xf32, #tpu.memory_space<vmem>> -> memref<16x512xf32, #tpu.memory_space<vmem>>
    %dma_wait3A_1736 = arith.constant 0 : i32
    %dma_wait3A_1737 = tpu.memref_slice %arg2[%dma_wait3A_1723, %add3A_1570, %dma_wait3A_1736] : memref<4x4096x512xf32, #tpu.memory_space<hbm>> -> memref<1x16x512xf32, #tpu.memory_space<hbm>>
    %dma_wait3A_1738 = tpu.memref_squeeze %dma_wait3A_1737 : memref<1x16x512xf32, #tpu.memory_space<hbm>> -> memref<16x512xf32, #tpu.memory_space<hbm>>
    tpu.wait_dma2 semaphore(%arg13 : memref<!tpu.dma_semaphore, #tpu.memory_space<semaphore_mem>>) src(%dma_wait3A_1738 : memref<16x512xf32, #tpu.memory_space<hbm>>) dst(%dma_wait3A_1735 : memref<16x512xf32, #tpu.memory_space<vmem>>)
    %add3A_1739 = arith.constant 112 : i32
    %add3A_1740 = arith.addi %mul3A_2, %add3A_1739 : i32
    %dma_start3A_1741 = arith.constant 3 : i32
    %dma_start3A_1742 = arith.constant 2 : i32
    %dma_start3A_1743 = arith.constant 0 : i32
    %dma_start3A_1744 = arith.constant 0 : i32
    %dma_start3A_1745 = tpu.memref_slice %arg7[%dma_start3A_1741, %dma_start3A_1743, %dma_start3A_1744] : memref<4x16x512xf32, #tpu.memory_space<vmem>> -> memref<1x16x512xf32, #tpu.memory_space<vmem>>
    %dma_start3A_1746 = tpu.memref_squeeze %dma_start3A_1745 : memref<1x16x512xf32, #tpu.memory_space<vmem>> -> memref<16x512xf32, #tpu.memory_space<vmem>>
    %dma_start3A_1747 = arith.constant 0 : i32
    %dma_start3A_1748 = tpu.memref_slice %arg4[%dma_start3A_1742, %add3A_1740, %dma_start3A_1747] : memref<4x4096x1024xf32, #tpu.memory_space<hbm>> -> memref<1x16x512xf32, #tpu.memory_space<hbm>>
    %dma_start3A_1749 = tpu.memref_squeeze %dma_start3A_1748 : memref<1x16x512xf32, #tpu.memory_space<hbm>> -> memref<16x512xf32, #tpu.memory_space<hbm>>
    %dma_start3A_1750 = arith.constant 0 : i32
    %dma_start3A_1751 = tpu.memref_slice %arg4[%dma_start3A_1742, %add3A_1740, %dma_start3A_1750] : memref<4x4096x1024xf32, #tpu.memory_space<hbm>> -> memref<1x16x512xf32, #tpu.memory_space<hbm>>
    %dma_start3A_1752 = tpu.memref_squeeze %dma_start3A_1751 : memref<1x16x512xf32, #tpu.memory_space<hbm>> -> memref<16x512xf32, #tpu.memory_space<hbm>>
    %dma_start3A_1753 = arith.constant 0 : i32
    %dma_start3A_1754 = arith.constant 0 : i32
    %dma_start3A_1755 = tpu.memref_slice %arg7[%dma_start3A_1741, %dma_start3A_1753, %dma_start3A_1754] : memref<4x16x512xf32, #tpu.memory_space<vmem>> -> memref<1x16x512xf32, #tpu.memory_space<vmem>>
    %dma_start3A_1756 = tpu.memref_squeeze %dma_start3A_1755 : memref<1x16x512xf32, #tpu.memory_space<vmem>> -> memref<16x512xf32, #tpu.memory_space<vmem>>
    tpu.enqueue_dma source(%dma_start3A_1756 : memref<16x512xf32, #tpu.memory_space<vmem>>) target(%dma_start3A_1752 : memref<16x512xf32, #tpu.memory_space<hbm>>) target_semaphore(%arg17 : memref<!tpu.dma_semaphore, #tpu.memory_space<semaphore_mem>>)
    %dma_wait3A_1757 = arith.constant 2 : i32
    %dma_wait3A_1758 = arith.constant 2 : i32
    %dma_wait3A_1759 = arith.constant 0 : i32
    %dma_wait3A_1760 = arith.constant 0 : i32
    %dma_wait3A_1761 = tpu.memref_slice %arg7[%dma_wait3A_1757, %dma_wait3A_1759, %dma_wait3A_1760] : memref<4x16x512xf32, #tpu.memory_space<vmem>> -> memref<1x16x512xf32, #tpu.memory_space<vmem>>
    %dma_wait3A_1762 = tpu.memref_squeeze %dma_wait3A_1761 : memref<1x16x512xf32, #tpu.memory_space<vmem>> -> memref<16x512xf32, #tpu.memory_space<vmem>>
    %dma_wait3A_1763 = arith.constant 0 : i32
    %dma_wait3A_1764 = tpu.memref_slice %arg4[%dma_wait3A_1758, %add3A_1672, %dma_wait3A_1763] : memref<4x4096x1024xf32, #tpu.memory_space<hbm>> -> memref<1x16x512xf32, #tpu.memory_space<hbm>>
    %dma_wait3A_1765 = tpu.memref_squeeze %dma_wait3A_1764 : memref<1x16x512xf32, #tpu.memory_space<hbm>> -> memref<16x512xf32, #tpu.memory_space<hbm>>
    %dma_wait3A_1766 = arith.constant 0 : i32
    %dma_wait3A_1767 = tpu.memref_slice %arg4[%dma_wait3A_1758, %add3A_1672, %dma_wait3A_1766] : memref<4x4096x1024xf32, #tpu.memory_space<hbm>> -> memref<1x16x512xf32, #tpu.memory_space<hbm>>
    %dma_wait3A_1768 = tpu.memref_squeeze %dma_wait3A_1767 : memref<1x16x512xf32, #tpu.memory_space<hbm>> -> memref<16x512xf32, #tpu.memory_space<hbm>>
    %dma_wait3A_1769 = arith.constant 0 : i32
    %dma_wait3A_1770 = arith.constant 0 : i32
    %dma_wait3A_1771 = tpu.memref_slice %arg7[%dma_wait3A_1757, %dma_wait3A_1769, %dma_wait3A_1770] : memref<4x16x512xf32, #tpu.memory_space<vmem>> -> memref<1x16x512xf32, #tpu.memory_space<vmem>>
    %dma_wait3A_1772 = tpu.memref_squeeze %dma_wait3A_1771 : memref<1x16x512xf32, #tpu.memory_space<vmem>> -> memref<16x512xf32, #tpu.memory_space<vmem>>
    tpu.wait_dma2 semaphore(%arg16 : memref<!tpu.dma_semaphore, #tpu.memory_space<semaphore_mem>>) src(%dma_wait3A_1772 : memref<16x512xf32, #tpu.memory_space<vmem>>) dst(%dma_wait3A_1768 : memref<16x512xf32, #tpu.memory_space<hbm>>)
    %add3A_1773 = arith.constant 32 : i32
    %add3A_1774 = arith.addi %mul3A_2, %add3A_1773 : i32
    %dma_start3A_1775 = arith.constant 3 : i32
    %dma_start3A_1776 = arith.constant 2 : i32
    %dma_start3A_1777 = arith.constant 0 : i32
    %dma_start3A_1778 = arith.constant 0 : i32
    %dma_start3A_1779 = tpu.memref_slice %arg7[%dma_start3A_1776, %dma_start3A_1777, %dma_start3A_1778] : memref<4x16x512xf32, #tpu.memory_space<vmem>> -> memref<1x16x512xf32, #tpu.memory_space<vmem>>
    %dma_start3A_1780 = tpu.memref_squeeze %dma_start3A_1779 : memref<1x16x512xf32, #tpu.memory_space<vmem>> -> memref<16x512xf32, #tpu.memory_space<vmem>>
    %dma_start3A_1781 = arith.constant 0 : i32
    %dma_start3A_1782 = tpu.memref_slice %arg2[%dma_start3A_1775, %add3A_1774, %dma_start3A_1781] : memref<4x4096x512xf32, #tpu.memory_space<hbm>> -> memref<1x16x512xf32, #tpu.memory_space<hbm>>
    %dma_start3A_1783 = tpu.memref_squeeze %dma_start3A_1782 : memref<1x16x512xf32, #tpu.memory_space<hbm>> -> memref<16x512xf32, #tpu.memory_space<hbm>>
    %dma_start3A_1784 = arith.constant 0 : i32
    %dma_start3A_1785 = arith.constant 0 : i32
    %dma_start3A_1786 = tpu.memref_slice %arg7[%dma_start3A_1776, %dma_start3A_1784, %dma_start3A_1785] : memref<4x16x512xf32, #tpu.memory_space<vmem>> -> memref<1x16x512xf32, #tpu.memory_space<vmem>>
    %dma_start3A_1787 = tpu.memref_squeeze %dma_start3A_1786 : memref<1x16x512xf32, #tpu.memory_space<vmem>> -> memref<16x512xf32, #tpu.memory_space<vmem>>
    %dma_start3A_1788 = arith.constant 0 : i32
    %dma_start3A_1789 = tpu.memref_slice %arg2[%dma_start3A_1775, %add3A_1774, %dma_start3A_1788] : memref<4x4096x512xf32, #tpu.memory_space<hbm>> -> memref<1x16x512xf32, #tpu.memory_space<hbm>>
    %dma_start3A_1790 = tpu.memref_squeeze %dma_start3A_1789 : memref<1x16x512xf32, #tpu.memory_space<hbm>> -> memref<16x512xf32, #tpu.memory_space<hbm>>
    tpu.enqueue_dma source(%dma_start3A_1790 : memref<16x512xf32, #tpu.memory_space<hbm>>) target(%dma_start3A_1787 : memref<16x512xf32, #tpu.memory_space<vmem>>) target_semaphore(%arg12 : memref<!tpu.dma_semaphore, #tpu.memory_space<semaphore_mem>>)
    %dma_wait3A_1791 = arith.constant 3 : i32
    %dma_wait3A_1792 = arith.constant 0 : i32
    %dma_wait3A_1793 = arith.constant 0 : i32
    %dma_wait3A_1794 = arith.constant 0 : i32
    %dma_wait3A_1795 = tpu.memref_slice %arg7[%dma_wait3A_1792, %dma_wait3A_1793, %dma_wait3A_1794] : memref<4x16x512xf32, #tpu.memory_space<vmem>> -> memref<1x16x512xf32, #tpu.memory_space<vmem>>
    %dma_wait3A_1796 = tpu.memref_squeeze %dma_wait3A_1795 : memref<1x16x512xf32, #tpu.memory_space<vmem>> -> memref<16x512xf32, #tpu.memory_space<vmem>>
    %dma_wait3A_1797 = arith.constant 0 : i32
    %dma_wait3A_1798 = tpu.memref_slice %arg2[%dma_wait3A_1791, %add3A_1638, %dma_wait3A_1797] : memref<4x4096x512xf32, #tpu.memory_space<hbm>> -> memref<1x16x512xf32, #tpu.memory_space<hbm>>
    %dma_wait3A_1799 = tpu.memref_squeeze %dma_wait3A_1798 : memref<1x16x512xf32, #tpu.memory_space<hbm>> -> memref<16x512xf32, #tpu.memory_space<hbm>>
    %dma_wait3A_1800 = arith.constant 0 : i32
    %dma_wait3A_1801 = arith.constant 0 : i32
    %dma_wait3A_1802 = tpu.memref_slice %arg7[%dma_wait3A_1792, %dma_wait3A_1800, %dma_wait3A_1801] : memref<4x16x512xf32, #tpu.memory_space<vmem>> -> memref<1x16x512xf32, #tpu.memory_space<vmem>>
    %dma_wait3A_1803 = tpu.memref_squeeze %dma_wait3A_1802 : memref<1x16x512xf32, #tpu.memory_space<vmem>> -> memref<16x512xf32, #tpu.memory_space<vmem>>
    %dma_wait3A_1804 = arith.constant 0 : i32
    %dma_wait3A_1805 = tpu.memref_slice %arg2[%dma_wait3A_1791, %add3A_1638, %dma_wait3A_1804] : memref<4x4096x512xf32, #tpu.memory_space<hbm>> -> memref<1x16x512xf32, #tpu.memory_space<hbm>>
    %dma_wait3A_1806 = tpu.memref_squeeze %dma_wait3A_1805 : memref<1x16x512xf32, #tpu.memory_space<hbm>> -> memref<16x512xf32, #tpu.memory_space<hbm>>
    tpu.wait_dma2 semaphore(%arg10 : memref<!tpu.dma_semaphore, #tpu.memory_space<semaphore_mem>>) src(%dma_wait3A_1806 : memref<16x512xf32, #tpu.memory_space<hbm>>) dst(%dma_wait3A_1803 : memref<16x512xf32, #tpu.memory_space<vmem>>)
    %add3A_1807 = arith.constant 0 : i32
    %add3A_1808 = arith.addi %mul3A_2, %add3A_1807 : i32
    %dma_start3A_1809 = arith.constant 0 : i32
    %dma_start3A_1810 = arith.constant 3 : i32
    %dma_start3A_1811 = arith.constant 0 : i32
    %dma_start3A_1812 = arith.constant 0 : i32
    %dma_start3A_1813 = tpu.memref_slice %arg7[%dma_start3A_1809, %dma_start3A_1811, %dma_start3A_1812] : memref<4x16x512xf32, #tpu.memory_space<vmem>> -> memref<1x16x512xf32, #tpu.memory_space<vmem>>
    %dma_start3A_1814 = tpu.memref_squeeze %dma_start3A_1813 : memref<1x16x512xf32, #tpu.memory_space<vmem>> -> memref<16x512xf32, #tpu.memory_space<vmem>>
    %dma_start3A_1815 = arith.constant 0 : i32
    %dma_start3A_1816 = tpu.memref_slice %arg4[%dma_start3A_1810, %add3A_1808, %dma_start3A_1815] : memref<4x4096x1024xf32, #tpu.memory_space<hbm>> -> memref<1x16x512xf32, #tpu.memory_space<hbm>>
    %dma_start3A_1817 = tpu.memref_squeeze %dma_start3A_1816 : memref<1x16x512xf32, #tpu.memory_space<hbm>> -> memref<16x512xf32, #tpu.memory_space<hbm>>
    %dma_start3A_1818 = arith.constant 0 : i32
    %dma_start3A_1819 = tpu.memref_slice %arg4[%dma_start3A_1810, %add3A_1808, %dma_start3A_1818] : memref<4x4096x1024xf32, #tpu.memory_space<hbm>> -> memref<1x16x512xf32, #tpu.memory_space<hbm>>
    %dma_start3A_1820 = tpu.memref_squeeze %dma_start3A_1819 : memref<1x16x512xf32, #tpu.memory_space<hbm>> -> memref<16x512xf32, #tpu.memory_space<hbm>>
    %dma_start3A_1821 = arith.constant 0 : i32
    %dma_start3A_1822 = arith.constant 0 : i32
    %dma_start3A_1823 = tpu.memref_slice %arg7[%dma_start3A_1809, %dma_start3A_1821, %dma_start3A_1822] : memref<4x16x512xf32, #tpu.memory_space<vmem>> -> memref<1x16x512xf32, #tpu.memory_space<vmem>>
    %dma_start3A_1824 = tpu.memref_squeeze %dma_start3A_1823 : memref<1x16x512xf32, #tpu.memory_space<vmem>> -> memref<16x512xf32, #tpu.memory_space<vmem>>
    tpu.enqueue_dma source(%dma_start3A_1824 : memref<16x512xf32, #tpu.memory_space<vmem>>) target(%dma_start3A_1820 : memref<16x512xf32, #tpu.memory_space<hbm>>) target_semaphore(%arg14 : memref<!tpu.dma_semaphore, #tpu.memory_space<semaphore_mem>>)
    %dma_wait3A_1825 = arith.constant 3 : i32
    %dma_wait3A_1826 = arith.constant 2 : i32
    %dma_wait3A_1827 = arith.constant 0 : i32
    %dma_wait3A_1828 = arith.constant 0 : i32
    %dma_wait3A_1829 = tpu.memref_slice %arg7[%dma_wait3A_1825, %dma_wait3A_1827, %dma_wait3A_1828] : memref<4x16x512xf32, #tpu.memory_space<vmem>> -> memref<1x16x512xf32, #tpu.memory_space<vmem>>
    %dma_wait3A_1830 = tpu.memref_squeeze %dma_wait3A_1829 : memref<1x16x512xf32, #tpu.memory_space<vmem>> -> memref<16x512xf32, #tpu.memory_space<vmem>>
    %dma_wait3A_1831 = arith.constant 0 : i32
    %dma_wait3A_1832 = tpu.memref_slice %arg4[%dma_wait3A_1826, %add3A_1740, %dma_wait3A_1831] : memref<4x4096x1024xf32, #tpu.memory_space<hbm>> -> memref<1x16x512xf32, #tpu.memory_space<hbm>>
    %dma_wait3A_1833 = tpu.memref_squeeze %dma_wait3A_1832 : memref<1x16x512xf32, #tpu.memory_space<hbm>> -> memref<16x512xf32, #tpu.memory_space<hbm>>
    %dma_wait3A_1834 = arith.constant 0 : i32
    %dma_wait3A_1835 = tpu.memref_slice %arg4[%dma_wait3A_1826, %add3A_1740, %dma_wait3A_1834] : memref<4x4096x1024xf32, #tpu.memory_space<hbm>> -> memref<1x16x512xf32, #tpu.memory_space<hbm>>
    %dma_wait3A_1836 = tpu.memref_squeeze %dma_wait3A_1835 : memref<1x16x512xf32, #tpu.memory_space<hbm>> -> memref<16x512xf32, #tpu.memory_space<hbm>>
    %dma_wait3A_1837 = arith.constant 0 : i32
    %dma_wait3A_1838 = arith.constant 0 : i32
    %dma_wait3A_1839 = tpu.memref_slice %arg7[%dma_wait3A_1825, %dma_wait3A_1837, %dma_wait3A_1838] : memref<4x16x512xf32, #tpu.memory_space<vmem>> -> memref<1x16x512xf32, #tpu.memory_space<vmem>>
    %dma_wait3A_1840 = tpu.memref_squeeze %dma_wait3A_1839 : memref<1x16x512xf32, #tpu.memory_space<vmem>> -> memref<16x512xf32, #tpu.memory_space<vmem>>
    tpu.wait_dma2 semaphore(%arg17 : memref<!tpu.dma_semaphore, #tpu.memory_space<semaphore_mem>>) src(%dma_wait3A_1840 : memref<16x512xf32, #tpu.memory_space<vmem>>) dst(%dma_wait3A_1836 : memref<16x512xf32, #tpu.memory_space<hbm>>)
    %add3A_1841 = arith.constant 48 : i32
    %add3A_1842 = arith.addi %mul3A_2, %add3A_1841 : i32
    %dma_start3A_1843 = arith.constant 3 : i32
    %dma_start3A_1844 = arith.constant 3 : i32
    %dma_start3A_1845 = arith.constant 0 : i32
    %dma_start3A_1846 = arith.constant 0 : i32
    %dma_start3A_1847 = tpu.memref_slice %arg7[%dma_start3A_1844, %dma_start3A_1845, %dma_start3A_1846] : memref<4x16x512xf32, #tpu.memory_space<vmem>> -> memref<1x16x512xf32, #tpu.memory_space<vmem>>
    %dma_start3A_1848 = tpu.memref_squeeze %dma_start3A_1847 : memref<1x16x512xf32, #tpu.memory_space<vmem>> -> memref<16x512xf32, #tpu.memory_space<vmem>>
    %dma_start3A_1849 = arith.constant 0 : i32
    %dma_start3A_1850 = tpu.memref_slice %arg2[%dma_start3A_1843, %add3A_1842, %dma_start3A_1849] : memref<4x4096x512xf32, #tpu.memory_space<hbm>> -> memref<1x16x512xf32, #tpu.memory_space<hbm>>
    %dma_start3A_1851 = tpu.memref_squeeze %dma_start3A_1850 : memref<1x16x512xf32, #tpu.memory_space<hbm>> -> memref<16x512xf32, #tpu.memory_space<hbm>>
    %dma_start3A_1852 = arith.constant 0 : i32
    %dma_start3A_1853 = arith.constant 0 : i32
    %dma_start3A_1854 = tpu.memref_slice %arg7[%dma_start3A_1844, %dma_start3A_1852, %dma_start3A_1853] : memref<4x16x512xf32, #tpu.memory_space<vmem>> -> memref<1x16x512xf32, #tpu.memory_space<vmem>>
    %dma_start3A_1855 = tpu.memref_squeeze %dma_start3A_1854 : memref<1x16x512xf32, #tpu.memory_space<vmem>> -> memref<16x512xf32, #tpu.memory_space<vmem>>
    %dma_start3A_1856 = arith.constant 0 : i32
    %dma_start3A_1857 = tpu.memref_slice %arg2[%dma_start3A_1843, %add3A_1842, %dma_start3A_1856] : memref<4x4096x512xf32, #tpu.memory_space<hbm>> -> memref<1x16x512xf32, #tpu.memory_space<hbm>>
    %dma_start3A_1858 = tpu.memref_squeeze %dma_start3A_1857 : memref<1x16x512xf32, #tpu.memory_space<hbm>> -> memref<16x512xf32, #tpu.memory_space<hbm>>
    tpu.enqueue_dma source(%dma_start3A_1858 : memref<16x512xf32, #tpu.memory_space<hbm>>) target(%dma_start3A_1855 : memref<16x512xf32, #tpu.memory_space<vmem>>) target_semaphore(%arg13 : memref<!tpu.dma_semaphore, #tpu.memory_space<semaphore_mem>>)
    %dma_wait3A_1859 = arith.constant 3 : i32
    %dma_wait3A_1860 = arith.constant 1 : i32
    %dma_wait3A_1861 = arith.constant 0 : i32
    %dma_wait3A_1862 = arith.constant 0 : i32
    %dma_wait3A_1863 = tpu.memref_slice %arg7[%dma_wait3A_1860, %dma_wait3A_1861, %dma_wait3A_1862] : memref<4x16x512xf32, #tpu.memory_space<vmem>> -> memref<1x16x512xf32, #tpu.memory_space<vmem>>
    %dma_wait3A_1864 = tpu.memref_squeeze %dma_wait3A_1863 : memref<1x16x512xf32, #tpu.memory_space<vmem>> -> memref<16x512xf32, #tpu.memory_space<vmem>>
    %dma_wait3A_1865 = arith.constant 0 : i32
    %dma_wait3A_1866 = tpu.memref_slice %arg2[%dma_wait3A_1859, %add3A_1706, %dma_wait3A_1865] : memref<4x4096x512xf32, #tpu.memory_space<hbm>> -> memref<1x16x512xf32, #tpu.memory_space<hbm>>
    %dma_wait3A_1867 = tpu.memref_squeeze %dma_wait3A_1866 : memref<1x16x512xf32, #tpu.memory_space<hbm>> -> memref<16x512xf32, #tpu.memory_space<hbm>>
    %dma_wait3A_1868 = arith.constant 0 : i32
    %dma_wait3A_1869 = arith.constant 0 : i32
    %dma_wait3A_1870 = tpu.memref_slice %arg7[%dma_wait3A_1860, %dma_wait3A_1868, %dma_wait3A_1869] : memref<4x16x512xf32, #tpu.memory_space<vmem>> -> memref<1x16x512xf32, #tpu.memory_space<vmem>>
    %dma_wait3A_1871 = tpu.memref_squeeze %dma_wait3A_1870 : memref<1x16x512xf32, #tpu.memory_space<vmem>> -> memref<16x512xf32, #tpu.memory_space<vmem>>
    %dma_wait3A_1872 = arith.constant 0 : i32
    %dma_wait3A_1873 = tpu.memref_slice %arg2[%dma_wait3A_1859, %add3A_1706, %dma_wait3A_1872] : memref<4x4096x512xf32, #tpu.memory_space<hbm>> -> memref<1x16x512xf32, #tpu.memory_space<hbm>>
    %dma_wait3A_1874 = tpu.memref_squeeze %dma_wait3A_1873 : memref<1x16x512xf32, #tpu.memory_space<hbm>> -> memref<16x512xf32, #tpu.memory_space<hbm>>
    tpu.wait_dma2 semaphore(%arg11 : memref<!tpu.dma_semaphore, #tpu.memory_space<semaphore_mem>>) src(%dma_wait3A_1874 : memref<16x512xf32, #tpu.memory_space<hbm>>) dst(%dma_wait3A_1871 : memref<16x512xf32, #tpu.memory_space<vmem>>)
    %add3A_1875 = arith.constant 16 : i32
    %add3A_1876 = arith.addi %mul3A_2, %add3A_1875 : i32
    %dma_start3A_1877 = arith.constant 1 : i32
    %dma_start3A_1878 = arith.constant 3 : i32
    %dma_start3A_1879 = arith.constant 0 : i32
    %dma_start3A_1880 = arith.constant 0 : i32
    %dma_start3A_1881 = tpu.memref_slice %arg7[%dma_start3A_1877, %dma_start3A_1879, %dma_start3A_1880] : memref<4x16x512xf32, #tpu.memory_space<vmem>> -> memref<1x16x512xf32, #tpu.memory_space<vmem>>
    %dma_start3A_1882 = tpu.memref_squeeze %dma_start3A_1881 : memref<1x16x512xf32, #tpu.memory_space<vmem>> -> memref<16x512xf32, #tpu.memory_space<vmem>>
    %dma_start3A_1883 = arith.constant 0 : i32
    %dma_start3A_1884 = tpu.memref_slice %arg4[%dma_start3A_1878, %add3A_1876, %dma_start3A_1883] : memref<4x4096x1024xf32, #tpu.memory_space<hbm>> -> memref<1x16x512xf32, #tpu.memory_space<hbm>>
    %dma_start3A_1885 = tpu.memref_squeeze %dma_start3A_1884 : memref<1x16x512xf32, #tpu.memory_space<hbm>> -> memref<16x512xf32, #tpu.memory_space<hbm>>
    %dma_start3A_1886 = arith.constant 0 : i32
    %dma_start3A_1887 = tpu.memref_slice %arg4[%dma_start3A_1878, %add3A_1876, %dma_start3A_1886] : memref<4x4096x1024xf32, #tpu.memory_space<hbm>> -> memref<1x16x512xf32, #tpu.memory_space<hbm>>
    %dma_start3A_1888 = tpu.memref_squeeze %dma_start3A_1887 : memref<1x16x512xf32, #tpu.memory_space<hbm>> -> memref<16x512xf32, #tpu.memory_space<hbm>>
    %dma_start3A_1889 = arith.constant 0 : i32
    %dma_start3A_1890 = arith.constant 0 : i32
    %dma_start3A_1891 = tpu.memref_slice %arg7[%dma_start3A_1877, %dma_start3A_1889, %dma_start3A_1890] : memref<4x16x512xf32, #tpu.memory_space<vmem>> -> memref<1x16x512xf32, #tpu.memory_space<vmem>>
    %dma_start3A_1892 = tpu.memref_squeeze %dma_start3A_1891 : memref<1x16x512xf32, #tpu.memory_space<vmem>> -> memref<16x512xf32, #tpu.memory_space<vmem>>
    tpu.enqueue_dma source(%dma_start3A_1892 : memref<16x512xf32, #tpu.memory_space<vmem>>) target(%dma_start3A_1888 : memref<16x512xf32, #tpu.memory_space<hbm>>) target_semaphore(%arg15 : memref<!tpu.dma_semaphore, #tpu.memory_space<semaphore_mem>>)
    %dma_wait3A_1893 = arith.constant 0 : i32
    %dma_wait3A_1894 = arith.constant 3 : i32
    %dma_wait3A_1895 = arith.constant 0 : i32
    %dma_wait3A_1896 = arith.constant 0 : i32
    %dma_wait3A_1897 = tpu.memref_slice %arg7[%dma_wait3A_1893, %dma_wait3A_1895, %dma_wait3A_1896] : memref<4x16x512xf32, #tpu.memory_space<vmem>> -> memref<1x16x512xf32, #tpu.memory_space<vmem>>
    %dma_wait3A_1898 = tpu.memref_squeeze %dma_wait3A_1897 : memref<1x16x512xf32, #tpu.memory_space<vmem>> -> memref<16x512xf32, #tpu.memory_space<vmem>>
    %dma_wait3A_1899 = arith.constant 0 : i32
    %dma_wait3A_1900 = tpu.memref_slice %arg4[%dma_wait3A_1894, %add3A_1808, %dma_wait3A_1899] : memref<4x4096x1024xf32, #tpu.memory_space<hbm>> -> memref<1x16x512xf32, #tpu.memory_space<hbm>>
    %dma_wait3A_1901 = tpu.memref_squeeze %dma_wait3A_1900 : memref<1x16x512xf32, #tpu.memory_space<hbm>> -> memref<16x512xf32, #tpu.memory_space<hbm>>
    %dma_wait3A_1902 = arith.constant 0 : i32
    %dma_wait3A_1903 = tpu.memref_slice %arg4[%dma_wait3A_1894, %add3A_1808, %dma_wait3A_1902] : memref<4x4096x1024xf32, #tpu.memory_space<hbm>> -> memref<1x16x512xf32, #tpu.memory_space<hbm>>
    %dma_wait3A_1904 = tpu.memref_squeeze %dma_wait3A_1903 : memref<1x16x512xf32, #tpu.memory_space<hbm>> -> memref<16x512xf32, #tpu.memory_space<hbm>>
    %dma_wait3A_1905 = arith.constant 0 : i32
    %dma_wait3A_1906 = arith.constant 0 : i32
    %dma_wait3A_1907 = tpu.memref_slice %arg7[%dma_wait3A_1893, %dma_wait3A_1905, %dma_wait3A_1906] : memref<4x16x512xf32, #tpu.memory_space<vmem>> -> memref<1x16x512xf32, #tpu.memory_space<vmem>>
    %dma_wait3A_1908 = tpu.memref_squeeze %dma_wait3A_1907 : memref<1x16x512xf32, #tpu.memory_space<vmem>> -> memref<16x512xf32, #tpu.memory_space<vmem>>
    tpu.wait_dma2 semaphore(%arg14 : memref<!tpu.dma_semaphore, #tpu.memory_space<semaphore_mem>>) src(%dma_wait3A_1908 : memref<16x512xf32, #tpu.memory_space<vmem>>) dst(%dma_wait3A_1904 : memref<16x512xf32, #tpu.memory_space<hbm>>)
    %add3A_1909 = arith.constant 64 : i32
    %add3A_1910 = arith.addi %mul3A_2, %add3A_1909 : i32
    %dma_start3A_1911 = arith.constant 3 : i32
    %dma_start3A_1912 = arith.constant 0 : i32
    %dma_start3A_1913 = arith.constant 0 : i32
    %dma_start3A_1914 = arith.constant 0 : i32
    %dma_start3A_1915 = tpu.memref_slice %arg7[%dma_start3A_1912, %dma_start3A_1913, %dma_start3A_1914] : memref<4x16x512xf32, #tpu.memory_space<vmem>> -> memref<1x16x512xf32, #tpu.memory_space<vmem>>
    %dma_start3A_1916 = tpu.memref_squeeze %dma_start3A_1915 : memref<1x16x512xf32, #tpu.memory_space<vmem>> -> memref<16x512xf32, #tpu.memory_space<vmem>>
    %dma_start3A_1917 = arith.constant 0 : i32
    %dma_start3A_1918 = tpu.memref_slice %arg2[%dma_start3A_1911, %add3A_1910, %dma_start3A_1917] : memref<4x4096x512xf32, #tpu.memory_space<hbm>> -> memref<1x16x512xf32, #tpu.memory_space<hbm>>
    %dma_start3A_1919 = tpu.memref_squeeze %dma_start3A_1918 : memref<1x16x512xf32, #tpu.memory_space<hbm>> -> memref<16x512xf32, #tpu.memory_space<hbm>>
    %dma_start3A_1920 = arith.constant 0 : i32
    %dma_start3A_1921 = arith.constant 0 : i32
    %dma_start3A_1922 = tpu.memref_slice %arg7[%dma_start3A_1912, %dma_start3A_1920, %dma_start3A_1921] : memref<4x16x512xf32, #tpu.memory_space<vmem>> -> memref<1x16x512xf32, #tpu.memory_space<vmem>>
    %dma_start3A_1923 = tpu.memref_squeeze %dma_start3A_1922 : memref<1x16x512xf32, #tpu.memory_space<vmem>> -> memref<16x512xf32, #tpu.memory_space<vmem>>
    %dma_start3A_1924 = arith.constant 0 : i32
    %dma_start3A_1925 = tpu.memref_slice %arg2[%dma_start3A_1911, %add3A_1910, %dma_start3A_1924] : memref<4x4096x512xf32, #tpu.memory_space<hbm>> -> memref<1x16x512xf32, #tpu.memory_space<hbm>>
    %dma_start3A_1926 = tpu.memref_squeeze %dma_start3A_1925 : memref<1x16x512xf32, #tpu.memory_space<hbm>> -> memref<16x512xf32, #tpu.memory_space<hbm>>
    tpu.enqueue_dma source(%dma_start3A_1926 : memref<16x512xf32, #tpu.memory_space<hbm>>) target(%dma_start3A_1923 : memref<16x512xf32, #tpu.memory_space<vmem>>) target_semaphore(%arg10 : memref<!tpu.dma_semaphore, #tpu.memory_space<semaphore_mem>>)
    %dma_wait3A_1927 = arith.constant 3 : i32
    %dma_wait3A_1928 = arith.constant 2 : i32
    %dma_wait3A_1929 = arith.constant 0 : i32
    %dma_wait3A_1930 = arith.constant 0 : i32
    %dma_wait3A_1931 = tpu.memref_slice %arg7[%dma_wait3A_1928, %dma_wait3A_1929, %dma_wait3A_1930] : memref<4x16x512xf32, #tpu.memory_space<vmem>> -> memref<1x16x512xf32, #tpu.memory_space<vmem>>
    %dma_wait3A_1932 = tpu.memref_squeeze %dma_wait3A_1931 : memref<1x16x512xf32, #tpu.memory_space<vmem>> -> memref<16x512xf32, #tpu.memory_space<vmem>>
    %dma_wait3A_1933 = arith.constant 0 : i32
    %dma_wait3A_1934 = tpu.memref_slice %arg2[%dma_wait3A_1927, %add3A_1774, %dma_wait3A_1933] : memref<4x4096x512xf32, #tpu.memory_space<hbm>> -> memref<1x16x512xf32, #tpu.memory_space<hbm>>
    %dma_wait3A_1935 = tpu.memref_squeeze %dma_wait3A_1934 : memref<1x16x512xf32, #tpu.memory_space<hbm>> -> memref<16x512xf32, #tpu.memory_space<hbm>>
    %dma_wait3A_1936 = arith.constant 0 : i32
    %dma_wait3A_1937 = arith.constant 0 : i32
    %dma_wait3A_1938 = tpu.memref_slice %arg7[%dma_wait3A_1928, %dma_wait3A_1936, %dma_wait3A_1937] : memref<4x16x512xf32, #tpu.memory_space<vmem>> -> memref<1x16x512xf32, #tpu.memory_space<vmem>>
    %dma_wait3A_1939 = tpu.memref_squeeze %dma_wait3A_1938 : memref<1x16x512xf32, #tpu.memory_space<vmem>> -> memref<16x512xf32, #tpu.memory_space<vmem>>
    %dma_wait3A_1940 = arith.constant 0 : i32
    %dma_wait3A_1941 = tpu.memref_slice %arg2[%dma_wait3A_1927, %add3A_1774, %dma_wait3A_1940] : memref<4x4096x512xf32, #tpu.memory_space<hbm>> -> memref<1x16x512xf32, #tpu.memory_space<hbm>>
    %dma_wait3A_1942 = tpu.memref_squeeze %dma_wait3A_1941 : memref<1x16x512xf32, #tpu.memory_space<hbm>> -> memref<16x512xf32, #tpu.memory_space<hbm>>
    tpu.wait_dma2 semaphore(%arg12 : memref<!tpu.dma_semaphore, #tpu.memory_space<semaphore_mem>>) src(%dma_wait3A_1942 : memref<16x512xf32, #tpu.memory_space<hbm>>) dst(%dma_wait3A_1939 : memref<16x512xf32, #tpu.memory_space<vmem>>)
    %add3A_1943 = arith.constant 32 : i32
    %add3A_1944 = arith.addi %mul3A_2, %add3A_1943 : i32
    %dma_start3A_1945 = arith.constant 2 : i32
    %dma_start3A_1946 = arith.constant 3 : i32
    %dma_start3A_1947 = arith.constant 0 : i32
    %dma_start3A_1948 = arith.constant 0 : i32
    %dma_start3A_1949 = tpu.memref_slice %arg7[%dma_start3A_1945, %dma_start3A_1947, %dma_start3A_1948] : memref<4x16x512xf32, #tpu.memory_space<vmem>> -> memref<1x16x512xf32, #tpu.memory_space<vmem>>
    %dma_start3A_1950 = tpu.memref_squeeze %dma_start3A_1949 : memref<1x16x512xf32, #tpu.memory_space<vmem>> -> memref<16x512xf32, #tpu.memory_space<vmem>>
    %dma_start3A_1951 = arith.constant 0 : i32
    %dma_start3A_1952 = tpu.memref_slice %arg4[%dma_start3A_1946, %add3A_1944, %dma_start3A_1951] : memref<4x4096x1024xf32, #tpu.memory_space<hbm>> -> memref<1x16x512xf32, #tpu.memory_space<hbm>>
    %dma_start3A_1953 = tpu.memref_squeeze %dma_start3A_1952 : memref<1x16x512xf32, #tpu.memory_space<hbm>> -> memref<16x512xf32, #tpu.memory_space<hbm>>
    %dma_start3A_1954 = arith.constant 0 : i32
    %dma_start3A_1955 = tpu.memref_slice %arg4[%dma_start3A_1946, %add3A_1944, %dma_start3A_1954] : memref<4x4096x1024xf32, #tpu.memory_space<hbm>> -> memref<1x16x512xf32, #tpu.memory_space<hbm>>
    %dma_start3A_1956 = tpu.memref_squeeze %dma_start3A_1955 : memref<1x16x512xf32, #tpu.memory_space<hbm>> -> memref<16x512xf32, #tpu.memory_space<hbm>>
    %dma_start3A_1957 = arith.constant 0 : i32
    %dma_start3A_1958 = arith.constant 0 : i32
    %dma_start3A_1959 = tpu.memref_slice %arg7[%dma_start3A_1945, %dma_start3A_1957, %dma_start3A_1958] : memref<4x16x512xf32, #tpu.memory_space<vmem>> -> memref<1x16x512xf32, #tpu.memory_space<vmem>>
    %dma_start3A_1960 = tpu.memref_squeeze %dma_start3A_1959 : memref<1x16x512xf32, #tpu.memory_space<vmem>> -> memref<16x512xf32, #tpu.memory_space<vmem>>
    tpu.enqueue_dma source(%dma_start3A_1960 : memref<16x512xf32, #tpu.memory_space<vmem>>) target(%dma_start3A_1956 : memref<16x512xf32, #tpu.memory_space<hbm>>) target_semaphore(%arg16 : memref<!tpu.dma_semaphore, #tpu.memory_space<semaphore_mem>>)
    %dma_wait3A_1961 = arith.constant 1 : i32
    %dma_wait3A_1962 = arith.constant 3 : i32
    %dma_wait3A_1963 = arith.constant 0 : i32
    %dma_wait3A_1964 = arith.constant 0 : i32
    %dma_wait3A_1965 = tpu.memref_slice %arg7[%dma_wait3A_1961, %dma_wait3A_1963, %dma_wait3A_1964] : memref<4x16x512xf32, #tpu.memory_space<vmem>> -> memref<1x16x512xf32, #tpu.memory_space<vmem>>
    %dma_wait3A_1966 = tpu.memref_squeeze %dma_wait3A_1965 : memref<1x16x512xf32, #tpu.memory_space<vmem>> -> memref<16x512xf32, #tpu.memory_space<vmem>>
    %dma_wait3A_1967 = arith.constant 0 : i32
    %dma_wait3A_1968 = tpu.memref_slice %arg4[%dma_wait3A_1962, %add3A_1876, %dma_wait3A_1967] : memref<4x4096x1024xf32, #tpu.memory_space<hbm>> -> memref<1x16x512xf32, #tpu.memory_space<hbm>>
    %dma_wait3A_1969 = tpu.memref_squeeze %dma_wait3A_1968 : memref<1x16x512xf32, #tpu.memory_space<hbm>> -> memref<16x512xf32, #tpu.memory_space<hbm>>
    %dma_wait3A_1970 = arith.constant 0 : i32
    %dma_wait3A_1971 = tpu.memref_slice %arg4[%dma_wait3A_1962, %add3A_1876, %dma_wait3A_1970] : memref<4x4096x1024xf32, #tpu.memory_space<hbm>> -> memref<1x16x512xf32, #tpu.memory_space<hbm>>
    %dma_wait3A_1972 = tpu.memref_squeeze %dma_wait3A_1971 : memref<1x16x512xf32, #tpu.memory_space<hbm>> -> memref<16x512xf32, #tpu.memory_space<hbm>>
    %dma_wait3A_1973 = arith.constant 0 : i32
    %dma_wait3A_1974 = arith.constant 0 : i32
    %dma_wait3A_1975 = tpu.memref_slice %arg7[%dma_wait3A_1961, %dma_wait3A_1973, %dma_wait3A_1974] : memref<4x16x512xf32, #tpu.memory_space<vmem>> -> memref<1x16x512xf32, #tpu.memory_space<vmem>>
    %dma_wait3A_1976 = tpu.memref_squeeze %dma_wait3A_1975 : memref<1x16x512xf32, #tpu.memory_space<vmem>> -> memref<16x512xf32, #tpu.memory_space<vmem>>
    tpu.wait_dma2 semaphore(%arg15 : memref<!tpu.dma_semaphore, #tpu.memory_space<semaphore_mem>>) src(%dma_wait3A_1976 : memref<16x512xf32, #tpu.memory_space<vmem>>) dst(%dma_wait3A_1972 : memref<16x512xf32, #tpu.memory_space<hbm>>)
    %add3A_1977 = arith.constant 80 : i32
    %add3A_1978 = arith.addi %mul3A_2, %add3A_1977 : i32
    %dma_start3A_1979 = arith.constant 3 : i32
    %dma_start3A_1980 = arith.constant 1 : i32
    %dma_start3A_1981 = arith.constant 0 : i32
    %dma_start3A_1982 = arith.constant 0 : i32
    %dma_start3A_1983 = tpu.memref_slice %arg7[%dma_start3A_1980, %dma_start3A_1981, %dma_start3A_1982] : memref<4x16x512xf32, #tpu.memory_space<vmem>> -> memref<1x16x512xf32, #tpu.memory_space<vmem>>
    %dma_start3A_1984 = tpu.memref_squeeze %dma_start3A_1983 : memref<1x16x512xf32, #tpu.memory_space<vmem>> -> memref<16x512xf32, #tpu.memory_space<vmem>>
    %dma_start3A_1985 = arith.constant 0 : i32
    %dma_start3A_1986 = tpu.memref_slice %arg2[%dma_start3A_1979, %add3A_1978, %dma_start3A_1985] : memref<4x4096x512xf32, #tpu.memory_space<hbm>> -> memref<1x16x512xf32, #tpu.memory_space<hbm>>
    %dma_start3A_1987 = tpu.memref_squeeze %dma_start3A_1986 : memref<1x16x512xf32, #tpu.memory_space<hbm>> -> memref<16x512xf32, #tpu.memory_space<hbm>>
    %dma_start3A_1988 = arith.constant 0 : i32
    %dma_start3A_1989 = arith.constant 0 : i32
    %dma_start3A_1990 = tpu.memref_slice %arg7[%dma_start3A_1980, %dma_start3A_1988, %dma_start3A_1989] : memref<4x16x512xf32, #tpu.memory_space<vmem>> -> memref<1x16x512xf32, #tpu.memory_space<vmem>>
    %dma_start3A_1991 = tpu.memref_squeeze %dma_start3A_1990 : memref<1x16x512xf32, #tpu.memory_space<vmem>> -> memref<16x512xf32, #tpu.memory_space<vmem>>
    %dma_start3A_1992 = arith.constant 0 : i32
    %dma_start3A_1993 = tpu.memref_slice %arg2[%dma_start3A_1979, %add3A_1978, %dma_start3A_1992] : memref<4x4096x512xf32, #tpu.memory_space<hbm>> -> memref<1x16x512xf32, #tpu.memory_space<hbm>>
    %dma_start3A_1994 = tpu.memref_squeeze %dma_start3A_1993 : memref<1x16x512xf32, #tpu.memory_space<hbm>> -> memref<16x512xf32, #tpu.memory_space<hbm>>
    tpu.enqueue_dma source(%dma_start3A_1994 : memref<16x512xf32, #tpu.memory_space<hbm>>) target(%dma_start3A_1991 : memref<16x512xf32, #tpu.memory_space<vmem>>) target_semaphore(%arg11 : memref<!tpu.dma_semaphore, #tpu.memory_space<semaphore_mem>>)
    %dma_wait3A_1995 = arith.constant 3 : i32
    %dma_wait3A_1996 = arith.constant 3 : i32
    %dma_wait3A_1997 = arith.constant 0 : i32
    %dma_wait3A_1998 = arith.constant 0 : i32
    %dma_wait3A_1999 = tpu.memref_slice %arg7[%dma_wait3A_1996, %dma_wait3A_1997, %dma_wait3A_1998] : memref<4x16x512xf32, #tpu.memory_space<vmem>> -> memref<1x16x512xf32, #tpu.memory_space<vmem>>
    %dma_wait3A_2000 = tpu.memref_squeeze %dma_wait3A_1999 : memref<1x16x512xf32, #tpu.memory_space<vmem>> -> memref<16x512xf32, #tpu.memory_space<vmem>>
    %dma_wait3A_2001 = arith.constant 0 : i32
    %dma_wait3A_2002 = tpu.memref_slice %arg2[%dma_wait3A_1995, %add3A_1842, %dma_wait3A_2001] : memref<4x4096x512xf32, #tpu.memory_space<hbm>> -> memref<1x16x512xf32, #tpu.memory_space<hbm>>
    %dma_wait3A_2003 = tpu.memref_squeeze %dma_wait3A_2002 : memref<1x16x512xf32, #tpu.memory_space<hbm>> -> memref<16x512xf32, #tpu.memory_space<hbm>>
    %dma_wait3A_2004 = arith.constant 0 : i32
    %dma_wait3A_2005 = arith.constant 0 : i32
    %dma_wait3A_2006 = tpu.memref_slice %arg7[%dma_wait3A_1996, %dma_wait3A_2004, %dma_wait3A_2005] : memref<4x16x512xf32, #tpu.memory_space<vmem>> -> memref<1x16x512xf32, #tpu.memory_space<vmem>>
    %dma_wait3A_2007 = tpu.memref_squeeze %dma_wait3A_2006 : memref<1x16x512xf32, #tpu.memory_space<vmem>> -> memref<16x512xf32, #tpu.memory_space<vmem>>
    %dma_wait3A_2008 = arith.constant 0 : i32
    %dma_wait3A_2009 = tpu.memref_slice %arg2[%dma_wait3A_1995, %add3A_1842, %dma_wait3A_2008] : memref<4x4096x512xf32, #tpu.memory_space<hbm>> -> memref<1x16x512xf32, #tpu.memory_space<hbm>>
    %dma_wait3A_2010 = tpu.memref_squeeze %dma_wait3A_2009 : memref<1x16x512xf32, #tpu.memory_space<hbm>> -> memref<16x512xf32, #tpu.memory_space<hbm>>
    tpu.wait_dma2 semaphore(%arg13 : memref<!tpu.dma_semaphore, #tpu.memory_space<semaphore_mem>>) src(%dma_wait3A_2010 : memref<16x512xf32, #tpu.memory_space<hbm>>) dst(%dma_wait3A_2007 : memref<16x512xf32, #tpu.memory_space<vmem>>)
    %add3A_2011 = arith.constant 48 : i32
    %add3A_2012 = arith.addi %mul3A_2, %add3A_2011 : i32
    %dma_start3A_2013 = arith.constant 3 : i32
    %dma_start3A_2014 = arith.constant 3 : i32
    %dma_start3A_2015 = arith.constant 0 : i32
    %dma_start3A_2016 = arith.constant 0 : i32
    %dma_start3A_2017 = tpu.memref_slice %arg7[%dma_start3A_2013, %dma_start3A_2015, %dma_start3A_2016] : memref<4x16x512xf32, #tpu.memory_space<vmem>> -> memref<1x16x512xf32, #tpu.memory_space<vmem>>
    %dma_start3A_2018 = tpu.memref_squeeze %dma_start3A_2017 : memref<1x16x512xf32, #tpu.memory_space<vmem>> -> memref<16x512xf32, #tpu.memory_space<vmem>>
    %dma_start3A_2019 = arith.constant 0 : i32
    %dma_start3A_2020 = tpu.memref_slice %arg4[%dma_start3A_2014, %add3A_2012, %dma_start3A_2019] : memref<4x4096x1024xf32, #tpu.memory_space<hbm>> -> memref<1x16x512xf32, #tpu.memory_space<hbm>>
    %dma_start3A_2021 = tpu.memref_squeeze %dma_start3A_2020 : memref<1x16x512xf32, #tpu.memory_space<hbm>> -> memref<16x512xf32, #tpu.memory_space<hbm>>
    %dma_start3A_2022 = arith.constant 0 : i32
    %dma_start3A_2023 = tpu.memref_slice %arg4[%dma_start3A_2014, %add3A_2012, %dma_start3A_2022] : memref<4x4096x1024xf32, #tpu.memory_space<hbm>> -> memref<1x16x512xf32, #tpu.memory_space<hbm>>
    %dma_start3A_2024 = tpu.memref_squeeze %dma_start3A_2023 : memref<1x16x512xf32, #tpu.memory_space<hbm>> -> memref<16x512xf32, #tpu.memory_space<hbm>>
    %dma_start3A_2025 = arith.constant 0 : i32
    %dma_start3A_2026 = arith.constant 0 : i32
    %dma_start3A_2027 = tpu.memref_slice %arg7[%dma_start3A_2013, %dma_start3A_2025, %dma_start3A_2026] : memref<4x16x512xf32, #tpu.memory_space<vmem>> -> memref<1x16x512xf32, #tpu.memory_space<vmem>>
    %dma_start3A_2028 = tpu.memref_squeeze %dma_start3A_2027 : memref<1x16x512xf32, #tpu.memory_space<vmem>> -> memref<16x512xf32, #tpu.memory_space<vmem>>
    tpu.enqueue_dma source(%dma_start3A_2028 : memref<16x512xf32, #tpu.memory_space<vmem>>) target(%dma_start3A_2024 : memref<16x512xf32, #tpu.memory_space<hbm>>) target_semaphore(%arg17 : memref<!tpu.dma_semaphore, #tpu.memory_space<semaphore_mem>>)
    %dma_wait3A_2029 = arith.constant 2 : i32
    %dma_wait3A_2030 = arith.constant 3 : i32
    %dma_wait3A_2031 = arith.constant 0 : i32
    %dma_wait3A_2032 = arith.constant 0 : i32
    %dma_wait3A_2033 = tpu.memref_slice %arg7[%dma_wait3A_2029, %dma_wait3A_2031, %dma_wait3A_2032] : memref<4x16x512xf32, #tpu.memory_space<vmem>> -> memref<1x16x512xf32, #tpu.memory_space<vmem>>
    %dma_wait3A_2034 = tpu.memref_squeeze %dma_wait3A_2033 : memref<1x16x512xf32, #tpu.memory_space<vmem>> -> memref<16x512xf32, #tpu.memory_space<vmem>>
    %dma_wait3A_2035 = arith.constant 0 : i32
    %dma_wait3A_2036 = tpu.memref_slice %arg4[%dma_wait3A_2030, %add3A_1944, %dma_wait3A_2035] : memref<4x4096x1024xf32, #tpu.memory_space<hbm>> -> memref<1x16x512xf32, #tpu.memory_space<hbm>>
    %dma_wait3A_2037 = tpu.memref_squeeze %dma_wait3A_2036 : memref<1x16x512xf32, #tpu.memory_space<hbm>> -> memref<16x512xf32, #tpu.memory_space<hbm>>
    %dma_wait3A_2038 = arith.constant 0 : i32
    %dma_wait3A_2039 = tpu.memref_slice %arg4[%dma_wait3A_2030, %add3A_1944, %dma_wait3A_2038] : memref<4x4096x1024xf32, #tpu.memory_space<hbm>> -> memref<1x16x512xf32, #tpu.memory_space<hbm>>
    %dma_wait3A_2040 = tpu.memref_squeeze %dma_wait3A_2039 : memref<1x16x512xf32, #tpu.memory_space<hbm>> -> memref<16x512xf32, #tpu.memory_space<hbm>>
    %dma_wait3A_2041 = arith.constant 0 : i32
    %dma_wait3A_2042 = arith.constant 0 : i32
    %dma_wait3A_2043 = tpu.memref_slice %arg7[%dma_wait3A_2029, %dma_wait3A_2041, %dma_wait3A_2042] : memref<4x16x512xf32, #tpu.memory_space<vmem>> -> memref<1x16x512xf32, #tpu.memory_space<vmem>>
    %dma_wait3A_2044 = tpu.memref_squeeze %dma_wait3A_2043 : memref<1x16x512xf32, #tpu.memory_space<vmem>> -> memref<16x512xf32, #tpu.memory_space<vmem>>
    tpu.wait_dma2 semaphore(%arg16 : memref<!tpu.dma_semaphore, #tpu.memory_space<semaphore_mem>>) src(%dma_wait3A_2044 : memref<16x512xf32, #tpu.memory_space<vmem>>) dst(%dma_wait3A_2040 : memref<16x512xf32, #tpu.memory_space<hbm>>)
    %add3A_2045 = arith.constant 96 : i32
    %add3A_2046 = arith.addi %mul3A_2, %add3A_2045 : i32
    %dma_start3A_2047 = arith.constant 3 : i32
    %dma_start3A_2048 = arith.constant 2 : i32
    %dma_start3A_2049 = arith.constant 0 : i32
    %dma_start3A_2050 = arith.constant 0 : i32
    %dma_start3A_2051 = tpu.memref_slice %arg7[%dma_start3A_2048, %dma_start3A_2049, %dma_start3A_2050] : memref<4x16x512xf32, #tpu.memory_space<vmem>> -> memref<1x16x512xf32, #tpu.memory_space<vmem>>
    %dma_start3A_2052 = tpu.memref_squeeze %dma_start3A_2051 : memref<1x16x512xf32, #tpu.memory_space<vmem>> -> memref<16x512xf32, #tpu.memory_space<vmem>>
    %dma_start3A_2053 = arith.constant 0 : i32
    %dma_start3A_2054 = tpu.memref_slice %arg2[%dma_start3A_2047, %add3A_2046, %dma_start3A_2053] : memref<4x4096x512xf32, #tpu.memory_space<hbm>> -> memref<1x16x512xf32, #tpu.memory_space<hbm>>
    %dma_start3A_2055 = tpu.memref_squeeze %dma_start3A_2054 : memref<1x16x512xf32, #tpu.memory_space<hbm>> -> memref<16x512xf32, #tpu.memory_space<hbm>>
    %dma_start3A_2056 = arith.constant 0 : i32
    %dma_start3A_2057 = arith.constant 0 : i32
    %dma_start3A_2058 = tpu.memref_slice %arg7[%dma_start3A_2048, %dma_start3A_2056, %dma_start3A_2057] : memref<4x16x512xf32, #tpu.memory_space<vmem>> -> memref<1x16x512xf32, #tpu.memory_space<vmem>>
    %dma_start3A_2059 = tpu.memref_squeeze %dma_start3A_2058 : memref<1x16x512xf32, #tpu.memory_space<vmem>> -> memref<16x512xf32, #tpu.memory_space<vmem>>
    %dma_start3A_2060 = arith.constant 0 : i32
    %dma_start3A_2061 = tpu.memref_slice %arg2[%dma_start3A_2047, %add3A_2046, %dma_start3A_2060] : memref<4x4096x512xf32, #tpu.memory_space<hbm>> -> memref<1x16x512xf32, #tpu.memory_space<hbm>>
    %dma_start3A_2062 = tpu.memref_squeeze %dma_start3A_2061 : memref<1x16x512xf32, #tpu.memory_space<hbm>> -> memref<16x512xf32, #tpu.memory_space<hbm>>
    tpu.enqueue_dma source(%dma_start3A_2062 : memref<16x512xf32, #tpu.memory_space<hbm>>) target(%dma_start3A_2059 : memref<16x512xf32, #tpu.memory_space<vmem>>) target_semaphore(%arg12 : memref<!tpu.dma_semaphore, #tpu.memory_space<semaphore_mem>>)
    %dma_wait3A_2063 = arith.constant 3 : i32
    %dma_wait3A_2064 = arith.constant 0 : i32
    %dma_wait3A_2065 = arith.constant 0 : i32
    %dma_wait3A_2066 = arith.constant 0 : i32
    %dma_wait3A_2067 = tpu.memref_slice %arg7[%dma_wait3A_2064, %dma_wait3A_2065, %dma_wait3A_2066] : memref<4x16x512xf32, #tpu.memory_space<vmem>> -> memref<1x16x512xf32, #tpu.memory_space<vmem>>
    %dma_wait3A_2068 = tpu.memref_squeeze %dma_wait3A_2067 : memref<1x16x512xf32, #tpu.memory_space<vmem>> -> memref<16x512xf32, #tpu.memory_space<vmem>>
    %dma_wait3A_2069 = arith.constant 0 : i32
    %dma_wait3A_2070 = tpu.memref_slice %arg2[%dma_wait3A_2063, %add3A_1910, %dma_wait3A_2069] : memref<4x4096x512xf32, #tpu.memory_space<hbm>> -> memref<1x16x512xf32, #tpu.memory_space<hbm>>
    %dma_wait3A_2071 = tpu.memref_squeeze %dma_wait3A_2070 : memref<1x16x512xf32, #tpu.memory_space<hbm>> -> memref<16x512xf32, #tpu.memory_space<hbm>>
    %dma_wait3A_2072 = arith.constant 0 : i32
    %dma_wait3A_2073 = arith.constant 0 : i32
    %dma_wait3A_2074 = tpu.memref_slice %arg7[%dma_wait3A_2064, %dma_wait3A_2072, %dma_wait3A_2073] : memref<4x16x512xf32, #tpu.memory_space<vmem>> -> memref<1x16x512xf32, #tpu.memory_space<vmem>>
    %dma_wait3A_2075 = tpu.memref_squeeze %dma_wait3A_2074 : memref<1x16x512xf32, #tpu.memory_space<vmem>> -> memref<16x512xf32, #tpu.memory_space<vmem>>
    %dma_wait3A_2076 = arith.constant 0 : i32
    %dma_wait3A_2077 = tpu.memref_slice %arg2[%dma_wait3A_2063, %add3A_1910, %dma_wait3A_2076] : memref<4x4096x512xf32, #tpu.memory_space<hbm>> -> memref<1x16x512xf32, #tpu.memory_space<hbm>>
    %dma_wait3A_2078 = tpu.memref_squeeze %dma_wait3A_2077 : memref<1x16x512xf32, #tpu.memory_space<hbm>> -> memref<16x512xf32, #tpu.memory_space<hbm>>
    tpu.wait_dma2 semaphore(%arg10 : memref<!tpu.dma_semaphore, #tpu.memory_space<semaphore_mem>>) src(%dma_wait3A_2078 : memref<16x512xf32, #tpu.memory_space<hbm>>) dst(%dma_wait3A_2075 : memref<16x512xf32, #tpu.memory_space<vmem>>)
    %add3A_2079 = arith.constant 64 : i32
    %add3A_2080 = arith.addi %mul3A_2, %add3A_2079 : i32
    %dma_start3A_2081 = arith.constant 0 : i32
    %dma_start3A_2082 = arith.constant 3 : i32
    %dma_start3A_2083 = arith.constant 0 : i32
    %dma_start3A_2084 = arith.constant 0 : i32
    %dma_start3A_2085 = tpu.memref_slice %arg7[%dma_start3A_2081, %dma_start3A_2083, %dma_start3A_2084] : memref<4x16x512xf32, #tpu.memory_space<vmem>> -> memref<1x16x512xf32, #tpu.memory_space<vmem>>
    %dma_start3A_2086 = tpu.memref_squeeze %dma_start3A_2085 : memref<1x16x512xf32, #tpu.memory_space<vmem>> -> memref<16x512xf32, #tpu.memory_space<vmem>>
    %dma_start3A_2087 = arith.constant 0 : i32
    %dma_start3A_2088 = tpu.memref_slice %arg4[%dma_start3A_2082, %add3A_2080, %dma_start3A_2087] : memref<4x4096x1024xf32, #tpu.memory_space<hbm>> -> memref<1x16x512xf32, #tpu.memory_space<hbm>>
    %dma_start3A_2089 = tpu.memref_squeeze %dma_start3A_2088 : memref<1x16x512xf32, #tpu.memory_space<hbm>> -> memref<16x512xf32, #tpu.memory_space<hbm>>
    %dma_start3A_2090 = arith.constant 0 : i32
    %dma_start3A_2091 = tpu.memref_slice %arg4[%dma_start3A_2082, %add3A_2080, %dma_start3A_2090] : memref<4x4096x1024xf32, #tpu.memory_space<hbm>> -> memref<1x16x512xf32, #tpu.memory_space<hbm>>
    %dma_start3A_2092 = tpu.memref_squeeze %dma_start3A_2091 : memref<1x16x512xf32, #tpu.memory_space<hbm>> -> memref<16x512xf32, #tpu.memory_space<hbm>>
    %dma_start3A_2093 = arith.constant 0 : i32
    %dma_start3A_2094 = arith.constant 0 : i32
    %dma_start3A_2095 = tpu.memref_slice %arg7[%dma_start3A_2081, %dma_start3A_2093, %dma_start3A_2094] : memref<4x16x512xf32, #tpu.memory_space<vmem>> -> memref<1x16x512xf32, #tpu.memory_space<vmem>>
    %dma_start3A_2096 = tpu.memref_squeeze %dma_start3A_2095 : memref<1x16x512xf32, #tpu.memory_space<vmem>> -> memref<16x512xf32, #tpu.memory_space<vmem>>
    tpu.enqueue_dma source(%dma_start3A_2096 : memref<16x512xf32, #tpu.memory_space<vmem>>) target(%dma_start3A_2092 : memref<16x512xf32, #tpu.memory_space<hbm>>) target_semaphore(%arg14 : memref<!tpu.dma_semaphore, #tpu.memory_space<semaphore_mem>>)
    %dma_wait3A_2097 = arith.constant 3 : i32
    %dma_wait3A_2098 = arith.constant 3 : i32
    %dma_wait3A_2099 = arith.constant 0 : i32
    %dma_wait3A_2100 = arith.constant 0 : i32
    %dma_wait3A_2101 = tpu.memref_slice %arg7[%dma_wait3A_2097, %dma_wait3A_2099, %dma_wait3A_2100] : memref<4x16x512xf32, #tpu.memory_space<vmem>> -> memref<1x16x512xf32, #tpu.memory_space<vmem>>
    %dma_wait3A_2102 = tpu.memref_squeeze %dma_wait3A_2101 : memref<1x16x512xf32, #tpu.memory_space<vmem>> -> memref<16x512xf32, #tpu.memory_space<vmem>>
    %dma_wait3A_2103 = arith.constant 0 : i32
    %dma_wait3A_2104 = tpu.memref_slice %arg4[%dma_wait3A_2098, %add3A_2012, %dma_wait3A_2103] : memref<4x4096x1024xf32, #tpu.memory_space<hbm>> -> memref<1x16x512xf32, #tpu.memory_space<hbm>>
    %dma_wait3A_2105 = tpu.memref_squeeze %dma_wait3A_2104 : memref<1x16x512xf32, #tpu.memory_space<hbm>> -> memref<16x512xf32, #tpu.memory_space<hbm>>
    %dma_wait3A_2106 = arith.constant 0 : i32
    %dma_wait3A_2107 = tpu.memref_slice %arg4[%dma_wait3A_2098, %add3A_2012, %dma_wait3A_2106] : memref<4x4096x1024xf32, #tpu.memory_space<hbm>> -> memref<1x16x512xf32, #tpu.memory_space<hbm>>
    %dma_wait3A_2108 = tpu.memref_squeeze %dma_wait3A_2107 : memref<1x16x512xf32, #tpu.memory_space<hbm>> -> memref<16x512xf32, #tpu.memory_space<hbm>>
    %dma_wait3A_2109 = arith.constant 0 : i32
    %dma_wait3A_2110 = arith.constant 0 : i32
    %dma_wait3A_2111 = tpu.memref_slice %arg7[%dma_wait3A_2097, %dma_wait3A_2109, %dma_wait3A_2110] : memref<4x16x512xf32, #tpu.memory_space<vmem>> -> memref<1x16x512xf32, #tpu.memory_space<vmem>>
    %dma_wait3A_2112 = tpu.memref_squeeze %dma_wait3A_2111 : memref<1x16x512xf32, #tpu.memory_space<vmem>> -> memref<16x512xf32, #tpu.memory_space<vmem>>
    tpu.wait_dma2 semaphore(%arg17 : memref<!tpu.dma_semaphore, #tpu.memory_space<semaphore_mem>>) src(%dma_wait3A_2112 : memref<16x512xf32, #tpu.memory_space<vmem>>) dst(%dma_wait3A_2108 : memref<16x512xf32, #tpu.memory_space<hbm>>)
    %add3A_2113 = arith.constant 112 : i32
    %add3A_2114 = arith.addi %mul3A_2, %add3A_2113 : i32
    %dma_start3A_2115 = arith.constant 3 : i32
    %dma_start3A_2116 = arith.constant 3 : i32
    %dma_start3A_2117 = arith.constant 0 : i32
    %dma_start3A_2118 = arith.constant 0 : i32
    %dma_start3A_2119 = tpu.memref_slice %arg7[%dma_start3A_2116, %dma_start3A_2117, %dma_start3A_2118] : memref<4x16x512xf32, #tpu.memory_space<vmem>> -> memref<1x16x512xf32, #tpu.memory_space<vmem>>
    %dma_start3A_2120 = tpu.memref_squeeze %dma_start3A_2119 : memref<1x16x512xf32, #tpu.memory_space<vmem>> -> memref<16x512xf32, #tpu.memory_space<vmem>>
    %dma_start3A_2121 = arith.constant 0 : i32
    %dma_start3A_2122 = tpu.memref_slice %arg2[%dma_start3A_2115, %add3A_2114, %dma_start3A_2121] : memref<4x4096x512xf32, #tpu.memory_space<hbm>> -> memref<1x16x512xf32, #tpu.memory_space<hbm>>
    %dma_start3A_2123 = tpu.memref_squeeze %dma_start3A_2122 : memref<1x16x512xf32, #tpu.memory_space<hbm>> -> memref<16x512xf32, #tpu.memory_space<hbm>>
    %dma_start3A_2124 = arith.constant 0 : i32
    %dma_start3A_2125 = arith.constant 0 : i32
    %dma_start3A_2126 = tpu.memref_slice %arg7[%dma_start3A_2116, %dma_start3A_2124, %dma_start3A_2125] : memref<4x16x512xf32, #tpu.memory_space<vmem>> -> memref<1x16x512xf32, #tpu.memory_space<vmem>>
    %dma_start3A_2127 = tpu.memref_squeeze %dma_start3A_2126 : memref<1x16x512xf32, #tpu.memory_space<vmem>> -> memref<16x512xf32, #tpu.memory_space<vmem>>
    %dma_start3A_2128 = arith.constant 0 : i32
    %dma_start3A_2129 = tpu.memref_slice %arg2[%dma_start3A_2115, %add3A_2114, %dma_start3A_2128] : memref<4x4096x512xf32, #tpu.memory_space<hbm>> -> memref<1x16x512xf32, #tpu.memory_space<hbm>>
    %dma_start3A_2130 = tpu.memref_squeeze %dma_start3A_2129 : memref<1x16x512xf32, #tpu.memory_space<hbm>> -> memref<16x512xf32, #tpu.memory_space<hbm>>
    tpu.enqueue_dma source(%dma_start3A_2130 : memref<16x512xf32, #tpu.memory_space<hbm>>) target(%dma_start3A_2127 : memref<16x512xf32, #tpu.memory_space<vmem>>) target_semaphore(%arg13 : memref<!tpu.dma_semaphore, #tpu.memory_space<semaphore_mem>>)
    %dma_wait3A_2131 = arith.constant 3 : i32
    %dma_wait3A_2132 = arith.constant 1 : i32
    %dma_wait3A_2133 = arith.constant 0 : i32
    %dma_wait3A_2134 = arith.constant 0 : i32
    %dma_wait3A_2135 = tpu.memref_slice %arg7[%dma_wait3A_2132, %dma_wait3A_2133, %dma_wait3A_2134] : memref<4x16x512xf32, #tpu.memory_space<vmem>> -> memref<1x16x512xf32, #tpu.memory_space<vmem>>
    %dma_wait3A_2136 = tpu.memref_squeeze %dma_wait3A_2135 : memref<1x16x512xf32, #tpu.memory_space<vmem>> -> memref<16x512xf32, #tpu.memory_space<vmem>>
    %dma_wait3A_2137 = arith.constant 0 : i32
    %dma_wait3A_2138 = tpu.memref_slice %arg2[%dma_wait3A_2131, %add3A_1978, %dma_wait3A_2137] : memref<4x4096x512xf32, #tpu.memory_space<hbm>> -> memref<1x16x512xf32, #tpu.memory_space<hbm>>
    %dma_wait3A_2139 = tpu.memref_squeeze %dma_wait3A_2138 : memref<1x16x512xf32, #tpu.memory_space<hbm>> -> memref<16x512xf32, #tpu.memory_space<hbm>>
    %dma_wait3A_2140 = arith.constant 0 : i32
    %dma_wait3A_2141 = arith.constant 0 : i32
    %dma_wait3A_2142 = tpu.memref_slice %arg7[%dma_wait3A_2132, %dma_wait3A_2140, %dma_wait3A_2141] : memref<4x16x512xf32, #tpu.memory_space<vmem>> -> memref<1x16x512xf32, #tpu.memory_space<vmem>>
    %dma_wait3A_2143 = tpu.memref_squeeze %dma_wait3A_2142 : memref<1x16x512xf32, #tpu.memory_space<vmem>> -> memref<16x512xf32, #tpu.memory_space<vmem>>
    %dma_wait3A_2144 = arith.constant 0 : i32
    %dma_wait3A_2145 = tpu.memref_slice %arg2[%dma_wait3A_2131, %add3A_1978, %dma_wait3A_2144] : memref<4x4096x512xf32, #tpu.memory_space<hbm>> -> memref<1x16x512xf32, #tpu.memory_space<hbm>>
    %dma_wait3A_2146 = tpu.memref_squeeze %dma_wait3A_2145 : memref<1x16x512xf32, #tpu.memory_space<hbm>> -> memref<16x512xf32, #tpu.memory_space<hbm>>
    tpu.wait_dma2 semaphore(%arg11 : memref<!tpu.dma_semaphore, #tpu.memory_space<semaphore_mem>>) src(%dma_wait3A_2146 : memref<16x512xf32, #tpu.memory_space<hbm>>) dst(%dma_wait3A_2143 : memref<16x512xf32, #tpu.memory_space<vmem>>)
    %add3A_2147 = arith.constant 80 : i32
    %add3A_2148 = arith.addi %mul3A_2, %add3A_2147 : i32
    %dma_start3A_2149 = arith.constant 1 : i32
    %dma_start3A_2150 = arith.constant 3 : i32
    %dma_start3A_2151 = arith.constant 0 : i32
    %dma_start3A_2152 = arith.constant 0 : i32
    %dma_start3A_2153 = tpu.memref_slice %arg7[%dma_start3A_2149, %dma_start3A_2151, %dma_start3A_2152] : memref<4x16x512xf32, #tpu.memory_space<vmem>> -> memref<1x16x512xf32, #tpu.memory_space<vmem>>
    %dma_start3A_2154 = tpu.memref_squeeze %dma_start3A_2153 : memref<1x16x512xf32, #tpu.memory_space<vmem>> -> memref<16x512xf32, #tpu.memory_space<vmem>>
    %dma_start3A_2155 = arith.constant 0 : i32
    %dma_start3A_2156 = tpu.memref_slice %arg4[%dma_start3A_2150, %add3A_2148, %dma_start3A_2155] : memref<4x4096x1024xf32, #tpu.memory_space<hbm>> -> memref<1x16x512xf32, #tpu.memory_space<hbm>>
    %dma_start3A_2157 = tpu.memref_squeeze %dma_start3A_2156 : memref<1x16x512xf32, #tpu.memory_space<hbm>> -> memref<16x512xf32, #tpu.memory_space<hbm>>
    %dma_start3A_2158 = arith.constant 0 : i32
    %dma_start3A_2159 = tpu.memref_slice %arg4[%dma_start3A_2150, %add3A_2148, %dma_start3A_2158] : memref<4x4096x1024xf32, #tpu.memory_space<hbm>> -> memref<1x16x512xf32, #tpu.memory_space<hbm>>
    %dma_start3A_2160 = tpu.memref_squeeze %dma_start3A_2159 : memref<1x16x512xf32, #tpu.memory_space<hbm>> -> memref<16x512xf32, #tpu.memory_space<hbm>>
    %dma_start3A_2161 = arith.constant 0 : i32
    %dma_start3A_2162 = arith.constant 0 : i32
    %dma_start3A_2163 = tpu.memref_slice %arg7[%dma_start3A_2149, %dma_start3A_2161, %dma_start3A_2162] : memref<4x16x512xf32, #tpu.memory_space<vmem>> -> memref<1x16x512xf32, #tpu.memory_space<vmem>>
    %dma_start3A_2164 = tpu.memref_squeeze %dma_start3A_2163 : memref<1x16x512xf32, #tpu.memory_space<vmem>> -> memref<16x512xf32, #tpu.memory_space<vmem>>
    tpu.enqueue_dma source(%dma_start3A_2164 : memref<16x512xf32, #tpu.memory_space<vmem>>) target(%dma_start3A_2160 : memref<16x512xf32, #tpu.memory_space<hbm>>) target_semaphore(%arg15 : memref<!tpu.dma_semaphore, #tpu.memory_space<semaphore_mem>>)
    %dma_wait3A_2165 = arith.constant 3 : i32
    %dma_wait3A_2166 = arith.constant 2 : i32
    %dma_wait3A_2167 = arith.constant 0 : i32
    %dma_wait3A_2168 = arith.constant 0 : i32
    %dma_wait3A_2169 = tpu.memref_slice %arg7[%dma_wait3A_2166, %dma_wait3A_2167, %dma_wait3A_2168] : memref<4x16x512xf32, #tpu.memory_space<vmem>> -> memref<1x16x512xf32, #tpu.memory_space<vmem>>
    %dma_wait3A_2170 = tpu.memref_squeeze %dma_wait3A_2169 : memref<1x16x512xf32, #tpu.memory_space<vmem>> -> memref<16x512xf32, #tpu.memory_space<vmem>>
    %dma_wait3A_2171 = arith.constant 0 : i32
    %dma_wait3A_2172 = tpu.memref_slice %arg2[%dma_wait3A_2165, %add3A_2046, %dma_wait3A_2171] : memref<4x4096x512xf32, #tpu.memory_space<hbm>> -> memref<1x16x512xf32, #tpu.memory_space<hbm>>
    %dma_wait3A_2173 = tpu.memref_squeeze %dma_wait3A_2172 : memref<1x16x512xf32, #tpu.memory_space<hbm>> -> memref<16x512xf32, #tpu.memory_space<hbm>>
    %dma_wait3A_2174 = arith.constant 0 : i32
    %dma_wait3A_2175 = arith.constant 0 : i32
    %dma_wait3A_2176 = tpu.memref_slice %arg7[%dma_wait3A_2166, %dma_wait3A_2174, %dma_wait3A_2175] : memref<4x16x512xf32, #tpu.memory_space<vmem>> -> memref<1x16x512xf32, #tpu.memory_space<vmem>>
    %dma_wait3A_2177 = tpu.memref_squeeze %dma_wait3A_2176 : memref<1x16x512xf32, #tpu.memory_space<vmem>> -> memref<16x512xf32, #tpu.memory_space<vmem>>
    %dma_wait3A_2178 = arith.constant 0 : i32
    %dma_wait3A_2179 = tpu.memref_slice %arg2[%dma_wait3A_2165, %add3A_2046, %dma_wait3A_2178] : memref<4x4096x512xf32, #tpu.memory_space<hbm>> -> memref<1x16x512xf32, #tpu.memory_space<hbm>>
    %dma_wait3A_2180 = tpu.memref_squeeze %dma_wait3A_2179 : memref<1x16x512xf32, #tpu.memory_space<hbm>> -> memref<16x512xf32, #tpu.memory_space<hbm>>
    tpu.wait_dma2 semaphore(%arg12 : memref<!tpu.dma_semaphore, #tpu.memory_space<semaphore_mem>>) src(%dma_wait3A_2180 : memref<16x512xf32, #tpu.memory_space<hbm>>) dst(%dma_wait3A_2177 : memref<16x512xf32, #tpu.memory_space<vmem>>)
    %add3A_2181 = arith.constant 96 : i32
    %add3A_2182 = arith.addi %mul3A_2, %add3A_2181 : i32
    %dma_start3A_2183 = arith.constant 2 : i32
    %dma_start3A_2184 = arith.constant 3 : i32
    %dma_start3A_2185 = arith.constant 0 : i32
    %dma_start3A_2186 = arith.constant 0 : i32
    %dma_start3A_2187 = tpu.memref_slice %arg7[%dma_start3A_2183, %dma_start3A_2185, %dma_start3A_2186] : memref<4x16x512xf32, #tpu.memory_space<vmem>> -> memref<1x16x512xf32, #tpu.memory_space<vmem>>
    %dma_start3A_2188 = tpu.memref_squeeze %dma_start3A_2187 : memref<1x16x512xf32, #tpu.memory_space<vmem>> -> memref<16x512xf32, #tpu.memory_space<vmem>>
    %dma_start3A_2189 = arith.constant 0 : i32
    %dma_start3A_2190 = tpu.memref_slice %arg4[%dma_start3A_2184, %add3A_2182, %dma_start3A_2189] : memref<4x4096x1024xf32, #tpu.memory_space<hbm>> -> memref<1x16x512xf32, #tpu.memory_space<hbm>>
    %dma_start3A_2191 = tpu.memref_squeeze %dma_start3A_2190 : memref<1x16x512xf32, #tpu.memory_space<hbm>> -> memref<16x512xf32, #tpu.memory_space<hbm>>
    %dma_start3A_2192 = arith.constant 0 : i32
    %dma_start3A_2193 = tpu.memref_slice %arg4[%dma_start3A_2184, %add3A_2182, %dma_start3A_2192] : memref<4x4096x1024xf32, #tpu.memory_space<hbm>> -> memref<1x16x512xf32, #tpu.memory_space<hbm>>
    %dma_start3A_2194 = tpu.memref_squeeze %dma_start3A_2193 : memref<1x16x512xf32, #tpu.memory_space<hbm>> -> memref<16x512xf32, #tpu.memory_space<hbm>>
    %dma_start3A_2195 = arith.constant 0 : i32
    %dma_start3A_2196 = arith.constant 0 : i32
    %dma_start3A_2197 = tpu.memref_slice %arg7[%dma_start3A_2183, %dma_start3A_2195, %dma_start3A_2196] : memref<4x16x512xf32, #tpu.memory_space<vmem>> -> memref<1x16x512xf32, #tpu.memory_space<vmem>>
    %dma_start3A_2198 = tpu.memref_squeeze %dma_start3A_2197 : memref<1x16x512xf32, #tpu.memory_space<vmem>> -> memref<16x512xf32, #tpu.memory_space<vmem>>
    tpu.enqueue_dma source(%dma_start3A_2198 : memref<16x512xf32, #tpu.memory_space<vmem>>) target(%dma_start3A_2194 : memref<16x512xf32, #tpu.memory_space<hbm>>) target_semaphore(%arg16 : memref<!tpu.dma_semaphore, #tpu.memory_space<semaphore_mem>>)
    %dma_wait3A_2199 = arith.constant 3 : i32
    %dma_wait3A_2200 = arith.constant 3 : i32
    %dma_wait3A_2201 = arith.constant 0 : i32
    %dma_wait3A_2202 = arith.constant 0 : i32
    %dma_wait3A_2203 = tpu.memref_slice %arg7[%dma_wait3A_2200, %dma_wait3A_2201, %dma_wait3A_2202] : memref<4x16x512xf32, #tpu.memory_space<vmem>> -> memref<1x16x512xf32, #tpu.memory_space<vmem>>
    %dma_wait3A_2204 = tpu.memref_squeeze %dma_wait3A_2203 : memref<1x16x512xf32, #tpu.memory_space<vmem>> -> memref<16x512xf32, #tpu.memory_space<vmem>>
    %dma_wait3A_2205 = arith.constant 0 : i32
    %dma_wait3A_2206 = tpu.memref_slice %arg2[%dma_wait3A_2199, %add3A_2114, %dma_wait3A_2205] : memref<4x4096x512xf32, #tpu.memory_space<hbm>> -> memref<1x16x512xf32, #tpu.memory_space<hbm>>
    %dma_wait3A_2207 = tpu.memref_squeeze %dma_wait3A_2206 : memref<1x16x512xf32, #tpu.memory_space<hbm>> -> memref<16x512xf32, #tpu.memory_space<hbm>>
    %dma_wait3A_2208 = arith.constant 0 : i32
    %dma_wait3A_2209 = arith.constant 0 : i32
    %dma_wait3A_2210 = tpu.memref_slice %arg7[%dma_wait3A_2200, %dma_wait3A_2208, %dma_wait3A_2209] : memref<4x16x512xf32, #tpu.memory_space<vmem>> -> memref<1x16x512xf32, #tpu.memory_space<vmem>>
    %dma_wait3A_2211 = tpu.memref_squeeze %dma_wait3A_2210 : memref<1x16x512xf32, #tpu.memory_space<vmem>> -> memref<16x512xf32, #tpu.memory_space<vmem>>
    %dma_wait3A_2212 = arith.constant 0 : i32
    %dma_wait3A_2213 = tpu.memref_slice %arg2[%dma_wait3A_2199, %add3A_2114, %dma_wait3A_2212] : memref<4x4096x512xf32, #tpu.memory_space<hbm>> -> memref<1x16x512xf32, #tpu.memory_space<hbm>>
    %dma_wait3A_2214 = tpu.memref_squeeze %dma_wait3A_2213 : memref<1x16x512xf32, #tpu.memory_space<hbm>> -> memref<16x512xf32, #tpu.memory_space<hbm>>
    tpu.wait_dma2 semaphore(%arg13 : memref<!tpu.dma_semaphore, #tpu.memory_space<semaphore_mem>>) src(%dma_wait3A_2214 : memref<16x512xf32, #tpu.memory_space<hbm>>) dst(%dma_wait3A_2211 : memref<16x512xf32, #tpu.memory_space<vmem>>)
    %add3A_2215 = arith.constant 112 : i32
    %add3A_2216 = arith.addi %mul3A_2, %add3A_2215 : i32
    %dma_start3A_2217 = arith.constant 3 : i32
    %dma_start3A_2218 = arith.constant 3 : i32
    %dma_start3A_2219 = arith.constant 0 : i32
    %dma_start3A_2220 = arith.constant 0 : i32
    %dma_start3A_2221 = tpu.memref_slice %arg7[%dma_start3A_2217, %dma_start3A_2219, %dma_start3A_2220] : memref<4x16x512xf32, #tpu.memory_space<vmem>> -> memref<1x16x512xf32, #tpu.memory_space<vmem>>
    %dma_start3A_2222 = tpu.memref_squeeze %dma_start3A_2221 : memref<1x16x512xf32, #tpu.memory_space<vmem>> -> memref<16x512xf32, #tpu.memory_space<vmem>>
    %dma_start3A_2223 = arith.constant 0 : i32
    %dma_start3A_2224 = tpu.memref_slice %arg4[%dma_start3A_2218, %add3A_2216, %dma_start3A_2223] : memref<4x4096x1024xf32, #tpu.memory_space<hbm>> -> memref<1x16x512xf32, #tpu.memory_space<hbm>>
    %dma_start3A_2225 = tpu.memref_squeeze %dma_start3A_2224 : memref<1x16x512xf32, #tpu.memory_space<hbm>> -> memref<16x512xf32, #tpu.memory_space<hbm>>
    %dma_start3A_2226 = arith.constant 0 : i32
    %dma_start3A_2227 = tpu.memref_slice %arg4[%dma_start3A_2218, %add3A_2216, %dma_start3A_2226] : memref<4x4096x1024xf32, #tpu.memory_space<hbm>> -> memref<1x16x512xf32, #tpu.memory_space<hbm>>
    %dma_start3A_2228 = tpu.memref_squeeze %dma_start3A_2227 : memref<1x16x512xf32, #tpu.memory_space<hbm>> -> memref<16x512xf32, #tpu.memory_space<hbm>>
    %dma_start3A_2229 = arith.constant 0 : i32
    %dma_start3A_2230 = arith.constant 0 : i32
    %dma_start3A_2231 = tpu.memref_slice %arg7[%dma_start3A_2217, %dma_start3A_2229, %dma_start3A_2230] : memref<4x16x512xf32, #tpu.memory_space<vmem>> -> memref<1x16x512xf32, #tpu.memory_space<vmem>>
    %dma_start3A_2232 = tpu.memref_squeeze %dma_start3A_2231 : memref<1x16x512xf32, #tpu.memory_space<vmem>> -> memref<16x512xf32, #tpu.memory_space<vmem>>
    tpu.enqueue_dma source(%dma_start3A_2232 : memref<16x512xf32, #tpu.memory_space<vmem>>) target(%dma_start3A_2228 : memref<16x512xf32, #tpu.memory_space<hbm>>) target_semaphore(%arg17 : memref<!tpu.dma_semaphore, #tpu.memory_space<semaphore_mem>>)
    %dma_wait3A_2233 = arith.constant 0 : i32
    %dma_wait3A_2234 = arith.constant 3 : i32
    %dma_wait3A_2235 = arith.constant 0 : i32
    %dma_wait3A_2236 = arith.constant 0 : i32
    %dma_wait3A_2237 = tpu.memref_slice %arg7[%dma_wait3A_2233, %dma_wait3A_2235, %dma_wait3A_2236] : memref<4x16x512xf32, #tpu.memory_space<vmem>> -> memref<1x16x512xf32, #tpu.memory_space<vmem>>
    %dma_wait3A_2238 = tpu.memref_squeeze %dma_wait3A_2237 : memref<1x16x512xf32, #tpu.memory_space<vmem>> -> memref<16x512xf32, #tpu.memory_space<vmem>>
    %dma_wait3A_2239 = arith.constant 0 : i32
    %dma_wait3A_2240 = tpu.memref_slice %arg4[%dma_wait3A_2234, %add3A_2080, %dma_wait3A_2239] : memref<4x4096x1024xf32, #tpu.memory_space<hbm>> -> memref<1x16x512xf32, #tpu.memory_space<hbm>>
    %dma_wait3A_2241 = tpu.memref_squeeze %dma_wait3A_2240 : memref<1x16x512xf32, #tpu.memory_space<hbm>> -> memref<16x512xf32, #tpu.memory_space<hbm>>
    %dma_wait3A_2242 = arith.constant 0 : i32
    %dma_wait3A_2243 = tpu.memref_slice %arg4[%dma_wait3A_2234, %add3A_2080, %dma_wait3A_2242] : memref<4x4096x1024xf32, #tpu.memory_space<hbm>> -> memref<1x16x512xf32, #tpu.memory_space<hbm>>
    %dma_wait3A_2244 = tpu.memref_squeeze %dma_wait3A_2243 : memref<1x16x512xf32, #tpu.memory_space<hbm>> -> memref<16x512xf32, #tpu.memory_space<hbm>>
    %dma_wait3A_2245 = arith.constant 0 : i32
    %dma_wait3A_2246 = arith.constant 0 : i32
    %dma_wait3A_2247 = tpu.memref_slice %arg7[%dma_wait3A_2233, %dma_wait3A_2245, %dma_wait3A_2246] : memref<4x16x512xf32, #tpu.memory_space<vmem>> -> memref<1x16x512xf32, #tpu.memory_space<vmem>>
    %dma_wait3A_2248 = tpu.memref_squeeze %dma_wait3A_2247 : memref<1x16x512xf32, #tpu.memory_space<vmem>> -> memref<16x512xf32, #tpu.memory_space<vmem>>
    tpu.wait_dma2 semaphore(%arg14 : memref<!tpu.dma_semaphore, #tpu.memory_space<semaphore_mem>>) src(%dma_wait3A_2248 : memref<16x512xf32, #tpu.memory_space<vmem>>) dst(%dma_wait3A_2244 : memref<16x512xf32, #tpu.memory_space<hbm>>)
    %dma_wait3A_2249 = arith.constant 1 : i32
    %dma_wait3A_2250 = arith.constant 3 : i32
    %dma_wait3A_2251 = arith.constant 0 : i32
    %dma_wait3A_2252 = arith.constant 0 : i32
    %dma_wait3A_2253 = tpu.memref_slice %arg7[%dma_wait3A_2249, %dma_wait3A_2251, %dma_wait3A_2252] : memref<4x16x512xf32, #tpu.memory_space<vmem>> -> memref<1x16x512xf32, #tpu.memory_space<vmem>>
    %dma_wait3A_2254 = tpu.memref_squeeze %dma_wait3A_2253 : memref<1x16x512xf32, #tpu.memory_space<vmem>> -> memref<16x512xf32, #tpu.memory_space<vmem>>
    %dma_wait3A_2255 = arith.constant 0 : i32
    %dma_wait3A_2256 = tpu.memref_slice %arg4[%dma_wait3A_2250, %add3A_2148, %dma_wait3A_2255] : memref<4x4096x1024xf32, #tpu.memory_space<hbm>> -> memref<1x16x512xf32, #tpu.memory_space<hbm>>
    %dma_wait3A_2257 = tpu.memref_squeeze %dma_wait3A_2256 : memref<1x16x512xf32, #tpu.memory_space<hbm>> -> memref<16x512xf32, #tpu.memory_space<hbm>>
    %dma_wait3A_2258 = arith.constant 0 : i32
    %dma_wait3A_2259 = tpu.memref_slice %arg4[%dma_wait3A_2250, %add3A_2148, %dma_wait3A_2258] : memref<4x4096x1024xf32, #tpu.memory_space<hbm>> -> memref<1x16x512xf32, #tpu.memory_space<hbm>>
    %dma_wait3A_2260 = tpu.memref_squeeze %dma_wait3A_2259 : memref<1x16x512xf32, #tpu.memory_space<hbm>> -> memref<16x512xf32, #tpu.memory_space<hbm>>
    %dma_wait3A_2261 = arith.constant 0 : i32
    %dma_wait3A_2262 = arith.constant 0 : i32
    %dma_wait3A_2263 = tpu.memref_slice %arg7[%dma_wait3A_2249, %dma_wait3A_2261, %dma_wait3A_2262] : memref<4x16x512xf32, #tpu.memory_space<vmem>> -> memref<1x16x512xf32, #tpu.memory_space<vmem>>
    %dma_wait3A_2264 = tpu.memref_squeeze %dma_wait3A_2263 : memref<1x16x512xf32, #tpu.memory_space<vmem>> -> memref<16x512xf32, #tpu.memory_space<vmem>>
    tpu.wait_dma2 semaphore(%arg15 : memref<!tpu.dma_semaphore, #tpu.memory_space<semaphore_mem>>) src(%dma_wait3A_2264 : memref<16x512xf32, #tpu.memory_space<vmem>>) dst(%dma_wait3A_2260 : memref<16x512xf32, #tpu.memory_space<hbm>>)
    %dma_wait3A_2265 = arith.constant 2 : i32
    %dma_wait3A_2266 = arith.constant 3 : i32
    %dma_wait3A_2267 = arith.constant 0 : i32
    %dma_wait3A_2268 = arith.constant 0 : i32
    %dma_wait3A_2269 = tpu.memref_slice %arg7[%dma_wait3A_2265, %dma_wait3A_2267, %dma_wait3A_2268] : memref<4x16x512xf32, #tpu.memory_space<vmem>> -> memref<1x16x512xf32, #tpu.memory_space<vmem>>
    %dma_wait3A_2270 = tpu.memref_squeeze %dma_wait3A_2269 : memref<1x16x512xf32, #tpu.memory_space<vmem>> -> memref<16x512xf32, #tpu.memory_space<vmem>>
    %dma_wait3A_2271 = arith.constant 0 : i32
    %dma_wait3A_2272 = tpu.memref_slice %arg4[%dma_wait3A_2266, %add3A_2182, %dma_wait3A_2271] : memref<4x4096x1024xf32, #tpu.memory_space<hbm>> -> memref<1x16x512xf32, #tpu.memory_space<hbm>>
    %dma_wait3A_2273 = tpu.memref_squeeze %dma_wait3A_2272 : memref<1x16x512xf32, #tpu.memory_space<hbm>> -> memref<16x512xf32, #tpu.memory_space<hbm>>
    %dma_wait3A_2274 = arith.constant 0 : i32
    %dma_wait3A_2275 = tpu.memref_slice %arg4[%dma_wait3A_2266, %add3A_2182, %dma_wait3A_2274] : memref<4x4096x1024xf32, #tpu.memory_space<hbm>> -> memref<1x16x512xf32, #tpu.memory_space<hbm>>
    %dma_wait3A_2276 = tpu.memref_squeeze %dma_wait3A_2275 : memref<1x16x512xf32, #tpu.memory_space<hbm>> -> memref<16x512xf32, #tpu.memory_space<hbm>>
    %dma_wait3A_2277 = arith.constant 0 : i32
    %dma_wait3A_2278 = arith.constant 0 : i32
    %dma_wait3A_2279 = tpu.memref_slice %arg7[%dma_wait3A_2265, %dma_wait3A_2277, %dma_wait3A_2278] : memref<4x16x512xf32, #tpu.memory_space<vmem>> -> memref<1x16x512xf32, #tpu.memory_space<vmem>>
    %dma_wait3A_2280 = tpu.memref_squeeze %dma_wait3A_2279 : memref<1x16x512xf32, #tpu.memory_space<vmem>> -> memref<16x512xf32, #tpu.memory_space<vmem>>
    tpu.wait_dma2 semaphore(%arg16 : memref<!tpu.dma_semaphore, #tpu.memory_space<semaphore_mem>>) src(%dma_wait3A_2280 : memref<16x512xf32, #tpu.memory_space<vmem>>) dst(%dma_wait3A_2276 : memref<16x512xf32, #tpu.memory_space<hbm>>)
    %dma_wait3A_2281 = arith.constant 3 : i32
    %dma_wait3A_2282 = arith.constant 3 : i32
    %dma_wait3A_2283 = arith.constant 0 : i32
    %dma_wait3A_2284 = arith.constant 0 : i32
    %dma_wait3A_2285 = tpu.memref_slice %arg7[%dma_wait3A_2281, %dma_wait3A_2283, %dma_wait3A_2284] : memref<4x16x512xf32, #tpu.memory_space<vmem>> -> memref<1x16x512xf32, #tpu.memory_space<vmem>>
    %dma_wait3A_2286 = tpu.memref_squeeze %dma_wait3A_2285 : memref<1x16x512xf32, #tpu.memory_space<vmem>> -> memref<16x512xf32, #tpu.memory_space<vmem>>
    %dma_wait3A_2287 = arith.constant 0 : i32
    %dma_wait3A_2288 = tpu.memref_slice %arg4[%dma_wait3A_2282, %add3A_2216, %dma_wait3A_2287] : memref<4x4096x1024xf32, #tpu.memory_space<hbm>> -> memref<1x16x512xf32, #tpu.memory_space<hbm>>
    %dma_wait3A_2289 = tpu.memref_squeeze %dma_wait3A_2288 : memref<1x16x512xf32, #tpu.memory_space<hbm>> -> memref<16x512xf32, #tpu.memory_space<hbm>>
    %dma_wait3A_2290 = arith.constant 0 : i32
    %dma_wait3A_2291 = tpu.memref_slice %arg4[%dma_wait3A_2282, %add3A_2216, %dma_wait3A_2290] : memref<4x4096x1024xf32, #tpu.memory_space<hbm>> -> memref<1x16x512xf32, #tpu.memory_space<hbm>>
    %dma_wait3A_2292 = tpu.memref_squeeze %dma_wait3A_2291 : memref<1x16x512xf32, #tpu.memory_space<hbm>> -> memref<16x512xf32, #tpu.memory_space<hbm>>
    %dma_wait3A_2293 = arith.constant 0 : i32
    %dma_wait3A_2294 = arith.constant 0 : i32
    %dma_wait3A_2295 = tpu.memref_slice %arg7[%dma_wait3A_2281, %dma_wait3A_2293, %dma_wait3A_2294] : memref<4x16x512xf32, #tpu.memory_space<vmem>> -> memref<1x16x512xf32, #tpu.memory_space<vmem>>
    %dma_wait3A_2296 = tpu.memref_squeeze %dma_wait3A_2295 : memref<1x16x512xf32, #tpu.memory_space<vmem>> -> memref<16x512xf32, #tpu.memory_space<vmem>>
    tpu.wait_dma2 semaphore(%arg17 : memref<!tpu.dma_semaphore, #tpu.memory_space<semaphore_mem>>) src(%dma_wait3A_2296 : memref<16x512xf32, #tpu.memory_space<vmem>>) dst(%dma_wait3A_2292 : memref<16x512xf32, #tpu.memory_space<hbm>>)
    %dma_wait3A_2297 = arith.constant 0 : i32
    %dma_wait3A_2298 = arith.constant 512 : i32
    %dma_wait3A_2299 = tpu.memref_slice %arg4[%dma_wait3A_2297, %mul3A_2, %dma_wait3A_2298] : memref<4x4096x1024xf32, #tpu.memory_space<hbm>> -> memref<1x128x512xf32, #tpu.memory_space<hbm>>
    %dma_wait3A_2300 = tpu.memref_squeeze %dma_wait3A_2299 : memref<1x128x512xf32, #tpu.memory_space<hbm>> -> memref<128x512xf32, #tpu.memory_space<hbm>>
    %dma_wait3A_2301 = arith.constant 512 : i32
    %dma_wait3A_2302 = tpu.memref_slice %arg4[%dma_wait3A_2297, %mul3A_2, %dma_wait3A_2301] : memref<4x4096x1024xf32, #tpu.memory_space<hbm>> -> memref<1x128x512xf32, #tpu.memory_space<hbm>>
    %dma_wait3A_2303 = tpu.memref_squeeze %dma_wait3A_2302 : memref<1x128x512xf32, #tpu.memory_space<hbm>> -> memref<128x512xf32, #tpu.memory_space<hbm>>
    tpu.wait_dma2 semaphore(%arg8 : memref<!tpu.dma_semaphore, #tpu.memory_space<semaphore_mem>>) src(%arg5 : memref<128x512xf32, #tpu.memory_space<vmem>>) dst(%dma_wait3A_2303 : memref<128x512xf32, #tpu.memory_space<hbm>>)
    %dma_wait3A_2304 = arith.constant 1 : i32
    %dma_wait3A_2305 = arith.constant 512 : i32
    %dma_wait3A_2306 = tpu.memref_slice %arg4[%dma_wait3A_2304, %mul3A_2, %dma_wait3A_2305] : memref<4x4096x1024xf32, #tpu.memory_space<hbm>> -> memref<1x128x512xf32, #tpu.memory_space<hbm>>
    %dma_wait3A_2307 = tpu.memref_squeeze %dma_wait3A_2306 : memref<1x128x512xf32, #tpu.memory_space<hbm>> -> memref<128x512xf32, #tpu.memory_space<hbm>>
    %dma_wait3A_2308 = arith.constant 512 : i32
    %dma_wait3A_2309 = tpu.memref_slice %arg4[%dma_wait3A_2304, %mul3A_2, %dma_wait3A_2308] : memref<4x4096x1024xf32, #tpu.memory_space<hbm>> -> memref<1x128x512xf32, #tpu.memory_space<hbm>>
    %dma_wait3A_2310 = tpu.memref_squeeze %dma_wait3A_2309 : memref<1x128x512xf32, #tpu.memory_space<hbm>> -> memref<128x512xf32, #tpu.memory_space<hbm>>
    tpu.wait_dma2 semaphore(%arg8 : memref<!tpu.dma_semaphore, #tpu.memory_space<semaphore_mem>>) src(%arg5 : memref<128x512xf32, #tpu.memory_space<vmem>>) dst(%dma_wait3A_2310 : memref<128x512xf32, #tpu.memory_space<hbm>>)
    %dma_wait3A_2311 = arith.constant 2 : i32
    %dma_wait3A_2312 = arith.constant 512 : i32
    %dma_wait3A_2313 = tpu.memref_slice %arg4[%dma_wait3A_2311, %mul3A_2, %dma_wait3A_2312] : memref<4x4096x1024xf32, #tpu.memory_space<hbm>> -> memref<1x128x512xf32, #tpu.memory_space<hbm>>
    %dma_wait3A_2314 = tpu.memref_squeeze %dma_wait3A_2313 : memref<1x128x512xf32, #tpu.memory_space<hbm>> -> memref<128x512xf32, #tpu.memory_space<hbm>>
    %dma_wait3A_2315 = arith.constant 512 : i32
    %dma_wait3A_2316 = tpu.memref_slice %arg4[%dma_wait3A_2311, %mul3A_2, %dma_wait3A_2315] : memref<4x4096x1024xf32, #tpu.memory_space<hbm>> -> memref<1x128x512xf32, #tpu.memory_space<hbm>>
    %dma_wait3A_2317 = tpu.memref_squeeze %dma_wait3A_2316 : memref<1x128x512xf32, #tpu.memory_space<hbm>> -> memref<128x512xf32, #tpu.memory_space<hbm>>
    tpu.wait_dma2 semaphore(%arg8 : memref<!tpu.dma_semaphore, #tpu.memory_space<semaphore_mem>>) src(%arg5 : memref<128x512xf32, #tpu.memory_space<vmem>>) dst(%dma_wait3A_2317 : memref<128x512xf32, #tpu.memory_space<hbm>>)
    %dma_wait3A_2318 = arith.constant 3 : i32
    %dma_wait3A_2319 = arith.constant 512 : i32
    %dma_wait3A_2320 = tpu.memref_slice %arg4[%dma_wait3A_2318, %mul3A_2, %dma_wait3A_2319] : memref<4x4096x1024xf32, #tpu.memory_space<hbm>> -> memref<1x128x512xf32, #tpu.memory_space<hbm>>
    %dma_wait3A_2321 = tpu.memref_squeeze %dma_wait3A_2320 : memref<1x128x512xf32, #tpu.memory_space<hbm>> -> memref<128x512xf32, #tpu.memory_space<hbm>>
    %dma_wait3A_2322 = arith.constant 512 : i32
    %dma_wait3A_2323 = tpu.memref_slice %arg4[%dma_wait3A_2318, %mul3A_2, %dma_wait3A_2322] : memref<4x4096x1024xf32, #tpu.memory_space<hbm>> -> memref<1x128x512xf32, #tpu.memory_space<hbm>>
    %dma_wait3A_2324 = tpu.memref_squeeze %dma_wait3A_2323 : memref<1x128x512xf32, #tpu.memory_space<hbm>> -> memref<128x512xf32, #tpu.memory_space<hbm>>
    tpu.wait_dma2 semaphore(%arg8 : memref<!tpu.dma_semaphore, #tpu.memory_space<semaphore_mem>>) src(%arg5 : memref<128x512xf32, #tpu.memory_space<vmem>>) dst(%dma_wait3A_2324 : memref<128x512xf32, #tpu.memory_space<hbm>>)
    return
  }
}

</mosaic_0001>

<sc_bundles>
// kernel: kernel.3.cloned.1.call-start
scs
__scs_entry_jumppad:
0x0: {  	(pc) =	sbr.rel $0x88, $3  }
0x1: {  	(tag) =	ssettag $0x0;
	lr =	simm.s32 $0x1  }
0x2: {  	[smem:$0x3F9F] =	sst lr;
	_ =	strace $0xD0000000  }
0x3: {  	_ = 	snop  }
0x4: {  	_ = 	snop  }
0x5: {  	_ = 	snop  }
0x6: {  	_ = 	snop  }
0x7: {  	_ = 	snop  }
__scs_overlays_trampoline_lowered:
0x8: {  	[smem:$0x3FAE] =	sst s0  }
0x9: {  	[smem:$0x3FAF] =	sst s1  }
0xa: {  	[smem:$0x3FB0] =	sst s2  }
0xb: {  	[smem:$0x3FB1] =	sst s3  }
0xc: {  	[smem:$0x3FB2] =	sst s4  }
0xd: {  	[smem:$0x3FB3] =	sst s5  }
0xe: {  	[smem:$0x3FB4] =	sst s6  }
0xf: {  	[smem:$0x3FB5] =	sst s7  }
0x10: {  	[smem:$0x3FB6] =	sst s8  }
0x11: {  	[smem:$0x3FB7] =	sst s9;
	s0 =	simm.s32 @!p0 $0x0  }
0x12: {  	s1 =	sld [smem:$0x3F9D];
	s0 =	simm.s32 @p0 $0x1  }
0x13: {  	[smem:$0x3FB8] =	sst s0;
	s0 =	simm.s32 @!p1 $0x0  }
0x14: {  	s2 =	sld [smem:$0x3F9C];
	s0 =	simm.s32 @p1 $0x1  }
0x15: {  	[smem:$0x3FB9] =	sst s0;
	s0 =	simm.s32 @!p2 $0x0  }
0x16: {  	s3 =	sld [smem:$0x3FDB];
	s0 =	simm.s32 @p2 $0x1  }
0x17: {  	s4 =	simm.s32 $0x1BF5;
	[smem:$0x3FBB] =	sst s0  }
0x18: {  	s0 =	sld [smem:$0x3F9E];
	_ =	swait.ge [sflag:s4], $0x0  }
0x19: {  	s7 =	sld [smem:$0x3F9F]  }
0x1a: {  	s8 =	sadd.s32 $0xFFFFE003, lr  }
0x1b: {  	s9 =	sadd.s32 $0xFFFFFEF7, lr;
	s5 =	simm.s32 $0xFFFFFFFF;
	p2 =	slt.u32 s8, $0xFFFFF086  }
0x1c: {  	p1 =	slt.u32 s9, $0xF7A;
	s5 =	simm.s32 @!p2 $0x0  }
0x1d: {  	s5 =	simm.s32 @p1 $0x1;
	p0 =	seq.s32 s7, s2  }
0x1e: {  	s7 =	smul.u32 @!p0 $0xF7A, s2;
	p2 =	seq.s32 @!p0 s5, $0x0  }
0x1f: {  	s9 =	smul.u32 $0xF7A, s1;
	s8 =	simm.s32 @!p0 $0x1BF5;
	p2 =	por !p2, p0  }
0x20: {  	[sflag:s8] =	ssyncset.s32 @!p0 $0xFFFFF086;
	s6 =	sadd.s32 @!p0 s3, s7;
	s7 =	simm.s32 @!p0 $0x108  }
0x21: {  	s3 =	sadd.s32 s3, s9;
	s6 =	sadd.s32 @!p0 $0x88, s6;
	s7 =	simm.s32 @p2 $0x1082  }
0x22: {  	[simem:s7], [sflag:s8] =	dma.local @!p0 [hbm:s6], $0xF7A  }
0x23: {  	s9 =	sor.u32 $0xD0000000, s2;
	s6 =	simm.s32 $0x108;
	_ =	swait.ge @!p0 [sflag:s8], $0x0  }
0x24: {  	s3 =	sadd.s32 $0x88, s3;
	s6 =	simm.s32 @!p1 $0x1082;
	[sflag:s4] =	ssyncset.s32 $0xFFFFF086  }
0x25: {  	[simem:s6], [sflag:s4] =	dma.local [hbm:s3], $0xF7A  }
0x26: {  	[smem:$0x3F9F] =	sst s1;
	(tag) =	ssettag s2;
	_ =	strace s9  }
0x27: {  	s1 =	sld [smem:$0x3FAF]  }
0x28: {  	s2 =	sld [smem:$0x3FB0]  }
0x29: {  	s4 =	sld [smem:$0x3FB2]  }
0x2a: {  	p0 =	seq.s32 s5, $0x0;
	s5 =	sld [smem:$0x3FB3]  }
0x2b: {  	s6 =	sld [smem:$0x3FB4]  }
0x2c: {  	s7 =	sld [smem:$0x3FB5]  }
0x2d: {  	s3 =	simm.s32 $0x108;
	s8 =	sld [smem:$0x3FB6]  }
0x2e: {  	s3 =	simm.s32 @!p0 $0x1082;
	s9 =	sld [smem:$0x3FB7]  }
0x2f: {  	lr =	sadd.s32 s0, s3;
	s0 =	sld [smem:$0x3FAE]  }
0x30: {  	s3 =	sld [smem:$0x3FB1]  }
0x31: {  	[smem:$0x3FBA] =	sst s10  }
0x32: {  	s10 =	sld [smem:$0x3FB8];
	_ =	sdelay $0x3  }
0x33: {  	p0 =	seq.s32 s10, $0x1;
	s10 =	sld [smem:$0x3FBA];
	_ =	sdelay $0x3  }
0x34: {  	[smem:$0x3FBA] =	sst s10  }
0x35: {  	s10 =	sld [smem:$0x3FB9];
	_ =	sdelay $0x3  }
0x36: {  	p1 =	seq.s32 s10, $0x1;
	s10 =	sld [smem:$0x3FBA];
	_ =	sdelay $0x3  }
0x37: {  	[smem:$0x3FBA] =	sst s10  }
0x38: {  	s10 =	sld [smem:$0x3FBB]  }
0x39: {  	_ = 	snop;
	(pc) =	sbr.ind lr, $3  }
0x3a: {  	_ = 	snop  }
0x3b: {  	_ = 	snop  }
0x3c: {  	p2 =	seq.s32 s10, $0x1;
	s10 =	sld [smem:$0x3FBA]  }
0x3d: {  	_ =	shalt  }
0x3e: {  	_ =	shalt  }
0x3f: {  	_ =	shalt  }
0x40: {  	_ =	shalt  }
0x41: {  	_ =	shalt  }
0x42: {  	_ =	shalt  }
0x43: {  	_ =	shalt  }
0x44: {  	_ =	shalt  }
0x45: {  	_ =	shalt  }
0x46: {  	_ =	shalt  }
0x47: {  	_ =	shalt  }
0x48: {  	_ =	shalt  }
0x49: {  	_ =	shalt  }
0x4a: {  	_ =	shalt  }
0x4b: {  	_ =	shalt  }
0x4c: {  	_ =	shalt  }
0x4d: {  	_ =	shalt  }
0x4e: {  	_ =	shalt  }
0x4f: {  	_ =	shalt  }
0x50: {  	_ =	shalt  }
0x51: {  	_ =	shalt  }
0x52: {  	_ =	shalt  }
0x53: {  	_ =	shalt  }
0x54: {  	_ =	shalt  }
0x55: {  	_ =	shalt  }
0x56: {  	_ =	shalt  }
0x57: {  	_ =	shalt  }
0x58: {  	_ =	shalt  }
0x59: {  	_ =	shalt  }
0x5a: {  	_ =	shalt  }
0x5b: {  	_ =	shalt  }
0x5c: {  	_ =	shalt  }
0x5d: {  	_ =	shalt  }
0x5e: {  	_ =	shalt  }
0x5f: {  	_ =	shalt  }
0x60: {  	_ =	shalt  }
0x61: {  	_ =	shalt  }
0x62: {  	_ =	shalt  }
0x63: {  	_ =	shalt  }
0x64: {  	_ =	shalt  }
0x65: {  	_ =	shalt  }
0x66: {  	_ =	shalt  }
0x67: {  	_ =	shalt  }
0x68: {  	_ =	shalt  }
0x69: {  	_ =	shalt  }
0x6a: {  	_ =	shalt  }
0x6b: {  	_ =	shalt  }
0x6c: {  	_ =	shalt  }
0x6d: {  	_ =	shalt  }
0x6e: {  	_ =	shalt  }
0x6f: {  	_ =	shalt  }
0x70: {  	_ =	shalt  }
0x71: {  	_ =	shalt  }
0x72: {  	_ =	shalt  }
0x73: {  	_ =	shalt  }
0x74: {  	_ =	shalt  }
0x75: {  	_ =	shalt  }
0x76: {  	_ =	shalt  }
0x77: {  	_ =	shalt  }
0x78: {  	_ =	shalt  }
0x79: {  	_ =	shalt  }
0x7a: {  	_ =	shalt  }
0x7b: {  	_ =	shalt  }
0x7c: {  	_ =	shalt  }
0x7d: {  	_ =	shalt  }
0x7e: {  	_ =	shalt  }
0x7f: {  	_ =	shalt  }
0x80: {  	_ =	shalt  }
0x81: {  	_ =	shalt  }
0x82: {  	_ =	shalt  }
0x83: {  	_ =	shalt  }
0x84: {  	_ =	shalt  }
0x85: {  	_ =	shalt  }
0x86: {  	_ =	shalt  }
0x87: {  	_ =	shalt  }
.Lfunc_end0:
.L_simem_size_0:
called_computation_lowered:
.L_overlay_start_0:
0x88: {  	s2 =	sld [smem:$0x3FD9]  }
0x89: {  	s3 =	sld [smem:$0x3FFE];
	_ =	sdelay $0x1  }
0x8a: {  	s1 =	srdreg.scid  }
0x8b: {  	s0 =	sand.u32 $0x1, s1  }
0x8c: {  	s18 =	sshll.u32 s0, $0xA;
	s2 =	sadd.s32 s3, s2  }
0x8d: {  	s2 =	sadd.s32 s2, s18  }
0x8e: {  	[smem:$0x3FC6] =	sst s2  }
0x8f: {  	_ = 	snop  }
0x90: {  	s2 =	sld [smem:$0x3FC9]  }
0x91: {  	s19 =	sld [smem:$0x3FC8]  }
0x92: {  	s4 =	sld [smem:$0x3FD0];
	(tm) =	ssettm $0x1  }
0x93: {  	s5 =	sld [smem:$0x3FFB];
	_ =	sdelay $0x3  }
0x94: {  	_ =	strace s5  }
0x95: {  	s5 =	sld [smem:$0x3FFC];
	_ =	sdelay $0x3  }
0x96: {  	_ =	strace s5  }
0x97: {  	s5 =	sld [smem:$0x3FFD];
	_ =	sdelay $0x3  }
0x98: {  	_ =	strace s5  }
0x99: {  	_ =	strace $0x8FFFFFFF  }
0x9a: {  	s20 =	sld [smem:$0x3FDB];
	_ =	sdelay $0x1  }
0x9b: {  	s6 =	simm.s32 $_scs_section_size  }
0x9c: {  	s7 =	simm.s32 $_size__tile_overlayer_lowered;
	s8 =	simm.s32 $_tile_overlayer_lowered  }
0x9d: {  	s23 =	simm.s32 $0x1BFF;
	s22 =	sshll.u32 s8, $0x1;
	s5 =	sadd.s32 s6, s20  }
0x9e: {  	s9 =	simm.s32 $0x0;
	s21 =	sshll.u32 s7, $0x1;
	s7 =	sadd.s32 s22, s5  }
0x9f: {  	[timem:s9], [sflag:s23] =	dma.local [hbm:s7], s21  }
0xa0: {  	_ =	swait.ge [sflag:s23], s21  }
0xa1: {  	s6 =	ssub.s32 $0x0, s21;
	[sflag:s23] =	ssyncset.done $0x0  }
0xa2: {  	[sflag:s23] =	ssyncadd.s32 s6;
	_ =	sdelay $0x1  }
0xa3: {  	s24 =	simm.s32 $0x1B8B  }
0xa4: {  	_ =	swait.ge [sflag:s24], $0x1  }
0xa5: {  	[sflag:s24] =	ssyncset.done $0x0  }
0xa6: {  	s25 =	simm.s32 $0x1B8E;
	[sflag:s24] =	ssyncadd.s32 $0xFFFFFFFF  }
0xa7: {  	s26 =	simm.s32 $execute0_lowered;
	[smem:$0x3FD2] =	sst s25  }
0xa8: {  	s6 =	sshll.u32 s26, $0x1;
	_ =	strace $0x80000046;
	[dreg:$0x1] =	wrdreg $0xFFFFFFFF  }
0xa9: {  	s28 =	simm.s32 $_size_execute0_lowered;
	s5 =	sadd.s32 s5, s6;
	[dreg:$0x0] =	wrdreg $0x0  }
0xaa: {  	s6 =	sshll.u32 s28, $0x1;
	[dreg:$0x2] =	wrdreg s5  }
0xab: {  	[dreg:$0x3] =	wrdreg s6  }
0xac: {  	[dreg:$0x4] =	wrdreg $0xC0  }
0xad: {  	_ =	task [dreg:s9], $0x5FFFF  }
0xae: {  	[dreg:$0x1] =	wrdreg $0xFFFFFFFF  }
0xaf: {  	[dreg:$0x0] =	wrdreg $0x60  }
0xb0: {  	[dreg:$0x2] =	wrdreg s2  }
0xb1: {  	[dreg:$0x3] =	wrdreg s19  }
0xb2: {  	[dreg:$0x4] =	wrdreg s4  }
0xb3: {  	[dreg:$0x5] =	wrdreg $0x9  }
0xb4: {  	_ =	task.clear_ibuf [dreg:s9], $0x6FFFF;
	_ =	strace $0x90000046  }
0xb5: {  	s29 =	simm.s32 $0x9;
	_ =	strace $0x80000048  }
0xb6: {  	_ =	swait.ge [sflag:s29], $0x1  }
0xb7: {  	[sflag:s29] =	ssyncadd.s32 $0xFFFFFFFF  }
0xb8: {  	_ =	strace $0x90000048  }
0xb9: {  	_ =	sfence  }
0xba: {  	s30 =	sld [smem:$0x0];
	_ =	sdelay $0x2  }
0xbb: {  	s31 =	sshll.u32 s1, $0xD;
	s1 =	sshrl.u32 s1, $0x2  }
0xbc: {  	s3 =	sand.u32 $0x4000, s31;
	s1 =	sadd.s32 s1, s30  }
0xbd: {  	s0 =	sor.u32 s3, s0;
	s1 =	sshll.u32 s1, $0x11  }
0xbe: {  	s0 =	sor.u32 s1, s0  }
0xbf: {  	s0 =	sadd.s32 $0x8F2B, s0  }
0xc0: {  	[sflag:s0] =	ssyncadd.remote.s32 $0x1  }
0xc1: {  	_ =	sfence.sel $0xFFFF  }
0xc2: {  	[dreg:$0x0] =	wrdreg $0xFFFFFFFF;
	(pc) =	sbr.abs _section_cstart, $3  }
0xc3: {  	[dreg:$0x1] =	wrdreg $0xFFFFFFFF  }
0xc4: {  	_ =	task.clear_ibuf [dreg:s9], $0x2FFFF;
	_ =	strace $0x9FFFFFFF  }
0xc5: {  	(tm) =	ssettm $0x7FFFFFFF  }
tec
execute0_lowered:
.L_overlay_start_1:
0x0: {  	(tag) =	ssettag $0x1  }
0x1: {  	s7 =	rddreg [dreg:$0x0]  }
0x2: {  	s1 =	srdreg.scid;
	s2 =	rddreg [dreg:$0x1]  }
0x3: {  	s0 =	stileid.u32;
	s3 =	simm.s32 $0x0;
	s5 =	sand.u32 $0x1, s1  }
0x4: {  	s16 =	sshll.u32 s0, $0x8;
	[smem:$0x7FF] =	sst s3;
	s4 =	sshll.u32 s5, $0x7  }
0x5: {  	s6 =	rddreg [dreg:$0x2];
	_ =	strace $0x80000047;
	s1 =	sor.u32 s4, s16  }
0x6: {  	s20 =	sshrl.u32 s1, $0x3;
	s10 =	sshll.u32 s1, $0x6;
	s8 =	sshll.u32 s1, $0x7  }
0x7: {  	s13 =	sor.u32 $0x2, s20;
	s17 =	sadd.s32 s7, s10;
	s4 =	sadd.s32 s6, s8  }
0x8: {  	s15 =	sor.u32 $0x4, s20;
	s9 =	sshll.u32 s13, $0x9;
	[dreg:$0x4] =	wrdreg s17  }
0x9: {  	s18 =	sadd.s32 $0x200, s4;
	s19 =	sadd.s32 $0x80200, s4;
	s21 =	sadd.s32 $0x100200, s4  }
0xa: {  	s22 =	sadd.s32 $0x180200, s4;
	s12 =	sshll.u32 s15, $0x9;
	[dreg:$0x6] =	wrdreg s18  }
0xb: {  	s17 =	sor.u32 $0x6, s20;
	s13 =	sshll.u32 s13, $0xA;
	[dreg:$0x7] =	wrdreg s19  }
0xc: {  	s15 =	sshll.u32 s15, $0xA;
	s11 =	sadd.s32 s7, s9;
	[dreg:$0x8] =	wrdreg s21  }
0xd: {  	[dreg:$0x9] =	wrdreg s22;
	s14 =	sadd.s32 s7, s12;
	s24 =	sadd.s32 s6, s13  }
0xe: {  	s19 =	sor.u32 $0x8, s20;
	s21 =	sor.u32 $0xA, s20;
	[dreg:$0x5] =	wrdreg s11  }
0xf: {  	s18 =	sadd.s32 s6, s15;
	s22 =	sor.u32 $0xC, s20;
	[dreg:$0xa] =	wrdreg s14  }
0x10: {  	s11 =	sshll.u32 s17, $0x9;
	[dreg:$0xc] =	wrdreg s24;
	s14 =	sshll.u32 s19, $0x9  }
0x11: {  	[dreg:$0xe] =	wrdreg s18;
	s17 =	sshll.u32 s17, $0xA;
	s23 =	sadd.s32 s7, s11  }
0x12: {  	s18 =	sshll.u32 s22, $0x9;
	s16 =	sadd.s32 s7, s14;
	[dreg:$0xb] =	wrdreg s23  }
0x13: {  	s19 =	sshll.u32 s19, $0xA;
	s26 =	sadd.s32 s6, s17;
	[dreg:$0xd] =	wrdreg s16  }
0x14: {  	s24 =	sor.u32 $0xE, s20;
	s0 =	sadd.s32 s6, s19;
	[dreg:$0x10] =	wrdreg s26  }
0x15: {  	s16 =	sshll.u32 s21, $0x9;
	s23 =	sadd.s32 s7, s18;
	[dreg:$0x12] =	wrdreg s0  }
0x16: {  	s21 =	sshll.u32 s21, $0xA;
	s25 =	sadd.s32 s7, s16;
	[dreg:$0x11] =	wrdreg s23  }
0x17: {  	s20 =	sshll.u32 s24, $0x9;
	s26 =	sadd.s32 s6, s21;
	[dreg:$0xf] =	wrdreg s25  }
0x18: {  	s23 =	sshll.u32 s24, $0xA;
	s24 =	simm.s32 $0x800;
	[dreg:$0x14] =	wrdreg s26  }
0x19: {  	s22 =	sshll.u32 s22, $0xA;
	s25 =	sadd.s32 s7, s20;
	[smem:$0x7EA] =	sst s24  }
0x1a: {  	s26 =	sadd.s32 s6, s22;
	[dreg:$0x13] =	wrdreg s25  }
0x1b: {  	s24 =	simm.s32 $0x6800;
	[dreg:$0x16] =	wrdreg s26  }
0x1c: {  	s26 =	sadd.s32 s6, s23;
	[smem:$0x7F4] =	sst s24  }
0x1d: {  	s25 =	sadd.s32 $0x40000, s7;
	s24 =	simm.s32 $0xA800;
	[dreg:$0x18] =	wrdreg s26  }
0x1e: {  	s0 =	sadd.s32 s10, s25;
	[smem:$0x7FC] =	sst s24  }
0x1f: {  	[dreg:$0x15] =	wrdreg s0;
	s0 =	sadd.s32 s9, s25  }
0x20: {  	s26 =	sadd.s32 $0x80000, s6;
	[dreg:$0x17] =	wrdreg s0;
	s0 =	sadd.s32 s12, s25  }
0x21: {  	[dreg:$0x19] =	wrdreg s0;
	s0 =	sadd.s32 s8, s26  }
0x22: {  	[dreg:$0x1a] =	wrdreg s0;
	s0 =	sadd.s32 s11, s25  }
0x23: {  	[dreg:$0x1b] =	wrdreg s0;
	s0 =	sadd.s32 s13, s26  }
0x24: {  	[dreg:$0x1c] =	wrdreg s0;
	s0 =	sadd.s32 s14, s25  }
0x25: {  	[dreg:$0x1d] =	wrdreg s0;
	s0 =	sadd.s32 s15, s26  }
0x26: {  	[dreg:$0x1e] =	wrdreg s0;
	s0 =	sadd.s32 s16, s25  }
0x27: {  	[dreg:$0x1f] =	wrdreg s0;
	s0 =	sadd.s32 s17, s26  }
0x28: {  	[smem:$0x7C3] =	sst s0;
	s0 =	sadd.s32 s18, s25  }
0x29: {  	s25 =	sadd.s32 s20, s25;
	[smem:$0x7C4] =	sst s0  }
0x2a: {  	s0 =	sadd.s32 s19, s26;
	[smem:$0x7C6] =	sst s25  }
0x2b: {  	s25 =	sadd.s32 $0x80000, s7;
	[smem:$0x7C5] =	sst s0;
	s0 =	sadd.s32 s21, s26  }
0x2c: {  	s7 =	sadd.s32 $0xC0000, s7;
	[smem:$0x7C7] =	sst s0;
	s0 =	sadd.s32 s10, s25  }
0x2d: {  	s10 =	sadd.s32 s10, s7;
	[smem:$0x7C8] =	sst s0  }
0x2e: {  	s0 =	sadd.s32 s22, s26;
	[smem:$0x7D8] =	sst s10  }
0x2f: {  	s26 =	sadd.s32 s23, s26;
	[smem:$0x7C9] =	sst s0  }
0x30: {  	s10 =	sadd.s32 s12, s7;
	[smem:$0x7CB] =	sst s26  }
0x31: {  	s0 =	sadd.s32 s9, s25;
	[smem:$0x7DC] =	sst s10  }
0x32: {  	s9 =	sadd.s32 s9, s7;
	[smem:$0x7CA] =	sst s0  }
0x33: {  	s10 =	simm.s32 $0x4800;
	[smem:$0x7DA] =	sst s9  }
0x34: {  	s0 =	sadd.s32 s12, s25;
	[smem:$0x7F0] =	sst s10  }
0x35: {  	s26 =	sadd.s32 $0x100000, s6;
	s12 =	sadd.s32 s11, s7;
	[smem:$0x7CC] =	sst s0  }
0x36: {  	s6 =	sadd.s32 $0x180000, s6;
	s0 =	sadd.s32 s8, s26;
	[smem:$0x7DE] =	sst s12  }
0x37: {  	s8 =	sadd.s32 s8, s6;
	[smem:$0x7CD] =	sst s0  }
0x38: {  	s0 =	sadd.s32 s11, s25;
	[smem:$0x7DD] =	sst s8  }
0x39: {  	s8 =	simm.s32 $0x4000;
	[smem:$0x7CE] =	sst s0  }
0x3a: {  	s11 =	simm.s32 $0x5000;
	[smem:$0x7EF] =	sst s8  }
0x3b: {  	s0 =	sadd.s32 s13, s26;
	[smem:$0x7F1] =	sst s11  }
0x3c: {  	s13 =	sadd.s32 s13, s6;
	[smem:$0x7CF] =	sst s0  }
0x3d: {  	s0 =	sadd.s32 s14, s25;
	[smem:$0x7DF] =	sst s13  }
0x3e: {  	s14 =	sadd.s32 s14, s7;
	[smem:$0x7D0] =	sst s0  }
0x3f: {  	s29 =	simm.s32 $0x6;
	s13 =	simm.s32 $0x5800;
	[smem:$0x7E0] =	sst s14  }
0x40: {  	s30 =	simm.s32 $0x9;
	s0 =	sadd.s32 s15, s26;
	[smem:$0x7F2] =	sst s13  }
0x41: {  	s31 =	simm.s32 $0xA;
	s15 =	sadd.s32 s15, s6;
	[smem:$0x7D1] =	sst s0  }
0x42: {  	s5 =	ssub.s32 $0x2, s5;
	s0 =	sadd.s32 s16, s25;
	[smem:$0x7E1] =	sst s15  }
0x43: {  	v10 =	vlaneseq.u32;
	s28 =	sor.u32 $0x61, s1;
	s16 =	sadd.s32 s16, s7;
	[smem:$0x7D2] =	sst s0  }
0x44: {  	v9 =	vadd.s32 s28, v10;
	s28 =	simm.s32 $0x8;
	s15 =	simm.s32 $0x6000;
	[smem:$0x7E2] =	sst s16  }
0x45: {  	s24 =	simm.s32 $0x4;
	s0 =	sadd.s32 s17, s26;
	[smem:$0x7F3] =	sst s15  }
0x46: {  	s9 =	sshrl.u32 s5, $0x1;
	s17 =	sadd.s32 s17, s6;
	[smem:$0x7D3] =	sst s0  }
0x47: {  	s10 =	simm.s32 $0x2000;
	s0 =	sadd.s32 s18, s25;
	[smem:$0x7E3] =	sst s17  }
0x48: {  	s12 =	sor.u32 $0x1, s1;
	s25 =	sadd.s32 s20, s25;
	[smem:$0x7D4] =	sst s0  }
0x49: {  	v0 =	vadd.s32 s12, v10;
	s12 =	simm.s32 $0xC000;
	s18 =	sadd.s32 s18, s7;
	[smem:$0x7D6] =	sst s25  }
0x4a: {  	s8 =	simm.s32 $0x12080;
	s7 =	sadd.s32 s20, s7;
	[smem:$0x7E4] =	sst s18  }
0x4b: {  	s14 =	sor.u32 $0x11, s1;
	s20 =	simm.s32 $0x8800;
	[smem:$0x7E6] =	sst s7  }
0x4c: {  	s13 =	simm.s32 $0xC800;
	s0 =	sadd.s32 s19, s26;
	[smem:$0x7F8] =	sst s20  }
0x4d: {  	v1 =	vadd.s32 s14, v10;
	s14 =	simm.s32 $0xD000;
	s25 =	sadd.s32 s22, s26;
	[smem:$0x7D5] =	sst s0  }
0x4e: {  	s16 =	sor.u32 $0x21, s1;
	s19 =	sadd.s32 s19, s6;
	[smem:$0x7D9] =	sst s25  }
0x4f: {  	s15 =	simm.s32 $0xD800;
	s22 =	sadd.s32 s22, s6;
	[smem:$0x7E5] =	sst s19  }
0x50: {  	s17 =	sor.u32 $0x31, s1;
	s7 =	simm.s32 $0x3800;
	[smem:$0x7E8] =	sst s22  }
0x51: {  	v2 =	vadd.s32 s16, v10;
	s16 =	simm.s32 $0xE000;
	s0 =	sadd.s32 s21, s26;
	[smem:$0x7EE] =	sst s7  }
0x52: {  	v3 =	vshll.u32 v0, $0x2;
	s18 =	sor.u32 $0x41, s1;
	s21 =	sadd.s32 s21, s6;
	[smem:$0x7D7] =	sst s0  }
0x53: {  	v6 =	vand.u32 $0x7FFFFFE0, v3;
	v3 =	vadd.s32 s17, v10;
	s17 =	simm.s32 $0xE800;
	s6 =	sadd.s32 s23, s6;
	[smem:$0x7E7] =	sst s21  }
0x54: {  	s20 =	simm.s32 $0x2;
	s25 =	simm.s32 $0x1800;
	[smem:$0x7E9] =	sst s6  }
0x55: {  	s7 =	ssub.s32 s5, s9;
	s19 =	simm.s32 $0x8000;
	[smem:$0x7EB] =	sst s25  }
0x56: {  	s5 =	sadd.s32 $0x100, s2;
	s22 =	simm.s32 $0x9800;
	[smem:$0x7F7] =	sst s19  }
0x57: {  	s9 =	simm.s32 $0x1000;
	s0 =	sadd.s32 s23, s26;
	[smem:$0x7FA] =	sst s22  }
0x58: {  	v4 =	vadd.s32 s18, v10;
	s18 =	simm.s32 $0xF000;
	s26 =	simm.s32 $0x2800;
	[smem:$0x7DB] =	sst s0  }
0x59: {  	s25 =	simm.s32 $0x7000;
	s21 =	simm.s32 $0x9000;
	[smem:$0x7EC] =	sst s26  }
0x5a: {  	s6 =	smax.u32 s7, $0x1;
	s23 =	simm.s32 $0xA000;
	[smem:$0x7F5] =	sst s25  }
0x5b: {  	v5 =	vand.u32 $0x7, v0;
	s7 =	simm.s32 $0x10080;
	s19 =	simm.s32 $0xF800;
	[smem:$0x7F9] =	sst s21  }
0x5c: {  	v7 =	vshrl.u32 v10, $0x3;
	v8 =	vor.u32 v5, v6;
	v5 =	vand.u32 $0x7, v10;
	s22 =	simm.s32 $0x3;
	s0 =	simm.s32 $0x3000;
	[smem:$0x7FB] =	sst s23  }
0x5d: {  	v7 =	vmul.u32 $0x8, v7;
	v6 =	vor.u32 $0x8, v10;
	v11 =	vperm.xlane v8, v5;
	s26 =	simm.s32 $0x7800;
	s25 =	simm.s32 $0xB000;
	[smem:$0x7ED] =	sst s0  }
0x5e: {  	v12 =	vperm.xlane v8, v6;
	s21 =	simm.s32 $0x14080;
	s23 =	simm.s32 $0x16080;
	[smem:$0x7F6] =	sst s26  }
0x5f: {  	vm0 =	vmmov $0xffff;
	v11 =	vadd.s32 v7, v11;
	s0 =	sor.u32 $0x51, s1;
	s1 =	sor.u32 $0x71, s1;
	[smem:$0x7FD] =	sst s25  }
0x60: {  	v12 =	vadd.s32 v7, v12;
	s25 =	simm.s32 $0x7;
	s26 =	simm.s32 $0x5;
	v8 =	vadd.s32 s0, v10;
	v10 =	vadd.s32 s1, v10;
	s1 =	simm.s32 $0x1  }
.LBB2_1:
0x61: {  	s0 =	rddreg [dreg:$0x4]  }
0x62: {  	[tilespmem:s7], [sflag:$0x3] =	stream.linear.gather [hbm4b:s0+s3], $0x2000, $0x38;
	[tilespmem:$0x18080] =	vst v63  }
0x63: {  	s11 =	rddreg [dreg:$0x5]  }
0x64: {  	[tilespmem:s8], [sflag:$0x4] =	stream.linear.gather [hbm4b:s11+s3], $0x2000, $0x38;
	[tilespmem:$0x18080] =	vst v63  }
0x65: {  	[tilespmem:$0x10000] =	vst v0  }
0x66: {  	[tilespmem:$0x10010] =	vst v1  }
0x67: {  	[tilespmem:$0x10020] =	vst v2  }
0x68: {  	[tilespmem:$0x10030] =	vst v3  }
0x69: {  	[tilespmem:$0x10040] =	vst v4  }
0x6a: {  	[tilespmem:$0x10050] =	vst v8  }
0x6b: {  	[tilespmem:$0x10060] =	vst v9  }
0x6c: {  	s11 =	sld [smem:$0x7EA];
	[tilespmem:$0x10070] =	vst v10  }
0x6d: {  	[tilespmem:s3], [sflag:$0x2] =	stream.indirect_vreg.gather [hbm4b:s2+s3], $0x80, v11, vm0, $0xb8;
	[tilespmem:$0x18080] =	vst v63  }
0x6e: {  	_ = 	snop  }
0x6f: {  	[tilespmem:s11], [sflag:$0x2] =	stream.indirect_vreg.gather [hbm4b:s5+s3], $0x80, v11, vm0, $0xb8;
	[tilespmem:$0x18080] =	vst v63  }
0x70: {  	s11 =	sld [smem:$0x7EB]  }
0x71: {  	[tilespmem:s9], [sflag:$0x2] =	stream.indirect_vreg.gather [hbm4b:s2+s3], $0x80, v12, vm0, $0xb8;
	[tilespmem:$0x18080] =	vst v63  }
0x72: {  	_ = 	snop  }
0x73: {  	[tilespmem:s11], [sflag:$0x2] =	stream.indirect_vreg.gather [hbm4b:s5+s3], $0x80, v12, vm0, $0xb8;
	[tilespmem:$0x18080] =	vst v63  }
0x74: {  	v13 =	vld [tilespmem:$0x10010];
	_ =	sdelay $0x4  }
0x75: {  	v14 =	vshll.u32 v13, $0x2  }
0x76: {  	v13 =	vand.u32 $0x7, v13;
	v14 =	vand.u32 $0xFFFFFFE0, v14  }
0x77: {  	v13 =	vor.u32 v13, v14  }
0x78: {  	v14 =	vperm.xlane v13, v5;
	_ =	sdelay $0x1  }
0x79: {  	v14 =	vadd.s32 v7, v14;
	_ =	sdelay $0x1  }
0x7a: {  	v13 =	vperm.xlane v13, v6;
	_ =	sdelay $0x1  }
0x7b: {  	s0 =	sld [smem:$0x7EC];
	v13 =	vadd.s32 v7, v13  }
0x7c: {  	[tilespmem:s10], [sflag:$0x2] =	stream.indirect_vreg.gather [hbm4b:s2+s3], $0x80, v14, vm0, $0xb8;
	[tilespmem:$0x18080] =	vst v63  }
0x7d: {  	s11 =	sld [smem:$0x7ED]  }
0x7e: {  	[tilespmem:s0], [sflag:$0x2] =	stream.indirect_vreg.gather [hbm4b:s5+s3], $0x80, v14, vm0, $0xb8;
	[tilespmem:$0x18080] =	vst v63  }
0x7f: {  	s0 =	sld [smem:$0x7EE]  }
0x80: {  	[tilespmem:s11], [sflag:$0x2] =	stream.indirect_vreg.gather [hbm4b:s2+s3], $0x80, v13, vm0, $0xb8;
	[tilespmem:$0x18080] =	vst v63  }
0x81: {  	_ = 	snop  }
0x82: {  	[tilespmem:s0], [sflag:$0x2] =	stream.indirect_vreg.gather [hbm4b:s5+s3], $0x80, v13, vm0, $0xb8;
	[tilespmem:$0x18080] =	vst v63  }
0x83: {  	v13 =	vld [tilespmem:$0x10020];
	_ =	sdelay $0x4  }
0x84: {  	v14 =	vshll.u32 v13, $0x2  }
0x85: {  	v13 =	vand.u32 $0x7, v13;
	v14 =	vand.u32 $0xFFFFFFE0, v14  }
0x86: {  	v13 =	vor.u32 v13, v14  }
0x87: {  	v14 =	vperm.xlane v13, v5;
	_ =	sdelay $0x1  }
0x88: {  	v14 =	vadd.s32 v7, v14;
	_ =	sdelay $0x1  }
0x89: {  	s0 =	sld [smem:$0x7EF];
	v13 =	vperm.xlane v13, v6;
	_ =	sdelay $0x1  }
0x8a: {  	s11 =	sld [smem:$0x7F0];
	v13 =	vadd.s32 v7, v13  }
0x8b: {  	[tilespmem:s0], [sflag:$0x2] =	stream.indirect_vreg.gather [hbm4b:s2+s3], $0x80, v14, vm0, $0xb8;
	[tilespmem:$0x18080] =	vst v63  }
0x8c: {  	s0 =	sld [smem:$0x7F1]  }
0x8d: {  	[tilespmem:s11], [sflag:$0x2] =	stream.indirect_vreg.gather [hbm4b:s5+s3], $0x80, v14, vm0, $0xb8;
	[tilespmem:$0x18080] =	vst v63  }
0x8e: {  	s11 =	sld [smem:$0x7F2]  }
0x8f: {  	[tilespmem:s0], [sflag:$0x2] =	stream.indirect_vreg.gather [hbm4b:s2+s3], $0x80, v13, vm0, $0xb8;
	[tilespmem:$0x18080] =	vst v63  }
0x90: {  	_ = 	snop  }
0x91: {  	[tilespmem:s11], [sflag:$0x2] =	stream.indirect_vreg.gather [hbm4b:s5+s3], $0x80, v13, vm0, $0xb8;
	[tilespmem:$0x18080] =	vst v63  }
0x92: {  	v13 =	vld [tilespmem:$0x10030];
	_ =	sdelay $0x4  }
0x93: {  	v14 =	vshll.u32 v13, $0x2  }
0x94: {  	v13 =	vand.u32 $0x7, v13;
	v14 =	vand.u32 $0xFFFFFFE0, v14  }
0x95: {  	v13 =	vor.u32 v13, v14  }
0x96: {  	v14 =	vperm.xlane v13, v5;
	_ =	sdelay $0x1  }
0x97: {  	v14 =	vadd.s32 v7, v14;
	_ =	sdelay $0x1  }
0x98: {  	s0 =	sld [smem:$0x7F3];
	v13 =	vperm.xlane v13, v6;
	_ =	sdelay $0x1  }
0x99: {  	s11 =	sld [smem:$0x7F4];
	v13 =	vadd.s32 v7, v13  }
0x9a: {  	[tilespmem:s0], [sflag:$0x2] =	stream.indirect_vreg.gather [hbm4b:s2+s3], $0x80, v14, vm0, $0xb8;
	[tilespmem:$0x18080] =	vst v63  }
0x9b: {  	s0 =	sld [smem:$0x7F5]  }
0x9c: {  	[tilespmem:s11], [sflag:$0x2] =	stream.indirect_vreg.gather [hbm4b:s5+s3], $0x80, v14, vm0, $0xb8;
	[tilespmem:$0x18080] =	vst v63  }
0x9d: {  	s11 =	sld [smem:$0x7F6]  }
0x9e: {  	[tilespmem:s0], [sflag:$0x2] =	stream.indirect_vreg.gather [hbm4b:s2+s3], $0x80, v13, vm0, $0xb8;
	[tilespmem:$0x18080] =	vst v63  }
0x9f: {  	_ = 	snop  }
0xa0: {  	[tilespmem:s11], [sflag:$0x2] =	stream.indirect_vreg.gather [hbm4b:s5+s3], $0x80, v13, vm0, $0xb8;
	[tilespmem:$0x18080] =	vst v63  }
0xa1: {  	v13 =	vld [tilespmem:$0x10040];
	_ =	sdelay $0x4  }
0xa2: {  	v14 =	vshll.u32 v13, $0x2  }
0xa3: {  	v13 =	vand.u32 $0x7, v13;
	v14 =	vand.u32 $0xFFFFFFE0, v14  }
0xa4: {  	v13 =	vor.u32 v13, v14  }
0xa5: {  	v14 =	vperm.xlane v13, v5;
	_ =	sdelay $0x1  }
0xa6: {  	v14 =	vadd.s32 v7, v14;
	_ =	sdelay $0x1  }
0xa7: {  	s0 =	sld [smem:$0x7F7];
	v13 =	vperm.xlane v13, v6;
	_ =	sdelay $0x1  }
0xa8: {  	s11 =	sld [smem:$0x7F8];
	v13 =	vadd.s32 v7, v13  }
0xa9: {  	[tilespmem:s0], [sflag:$0x2] =	stream.indirect_vreg.gather [hbm4b:s2+s3], $0x80, v14, vm0, $0xb8;
	[tilespmem:$0x18080] =	vst v63  }
0xaa: {  	s0 =	sld [smem:$0x7F9]  }
0xab: {  	[tilespmem:s11], [sflag:$0x2] =	stream.indirect_vreg.gather [hbm4b:s5+s3], $0x80, v14, vm0, $0xb8;
	[tilespmem:$0x18080] =	vst v63  }
0xac: {  	s11 =	sld [smem:$0x7FA]  }
0xad: {  	[tilespmem:s0], [sflag:$0x2] =	stream.indirect_vreg.gather [hbm4b:s2+s3], $0x80, v13, vm0, $0xb8;
	[tilespmem:$0x18080] =	vst v63  }
0xae: {  	_ = 	snop  }
0xaf: {  	[tilespmem:s11], [sflag:$0x2] =	stream.indirect_vreg.gather [hbm4b:s5+s3], $0x80, v13, vm0, $0xb8;
	[tilespmem:$0x18080] =	vst v63  }
0xb0: {  	v13 =	vld [tilespmem:$0x10050];
	_ =	sdelay $0x4  }
0xb1: {  	v14 =	vshll.u32 v13, $0x2  }
0xb2: {  	v13 =	vand.u32 $0x7, v13;
	v14 =	vand.u32 $0xFFFFFFE0, v14  }
0xb3: {  	v13 =	vor.u32 v13, v14  }
0xb4: {  	v14 =	vperm.xlane v13, v5;
	_ =	sdelay $0x1  }
0xb5: {  	v14 =	vadd.s32 v7, v14;
	_ =	sdelay $0x1  }
0xb6: {  	s0 =	sld [smem:$0x7FB];
	v13 =	vperm.xlane v13, v6;
	_ =	sdelay $0x1  }
0xb7: {  	s11 =	sld [smem:$0x7FC];
	v13 =	vadd.s32 v7, v13  }
0xb8: {  	[tilespmem:s0], [sflag:$0x2] =	stream.indirect_vreg.gather [hbm4b:s2+s3], $0x80, v14, vm0, $0xb8;
	[tilespmem:$0x18080] =	vst v63  }
0xb9: {  	s0 =	sld [smem:$0x7FD]  }
0xba: {  	[tilespmem:s11], [sflag:$0x2] =	stream.indirect_vreg.gather [hbm4b:s5+s3], $0x80, v14, vm0, $0xb8;
	[tilespmem:$0x18080] =	vst v63  }
0xbb: {  	_ = 	snop  }
0xbc: {  	[tilespmem:s0], [sflag:$0x2] =	stream.indirect_vreg.gather [hbm4b:s2+s3], $0x80, v13, vm0, $0xb8;
	[tilespmem:$0x18080] =	vst v63  }
0xbd: {  	s11 =	simm.s32 $0xB800  }
0xbe: {  	[tilespmem:s11], [sflag:$0x2] =	stream.indirect_vreg.gather [hbm4b:s5+s3], $0x80, v13, vm0, $0xb8;
	[tilespmem:$0x18080] =	vst v63  }
0xbf: {  	v13 =	vld [tilespmem:$0x10060];
	_ =	sdelay $0x4  }
0xc0: {  	v14 =	vshll.u32 v13, $0x2  }
0xc1: {  	v13 =	vand.u32 $0x7, v13;
	v14 =	vand.u32 $0xFFFFFFE0, v14  }
0xc2: {  	v13 =	vor.u32 v13, v14  }
0xc3: {  	v14 =	vperm.xlane v13, v5;
	_ =	sdelay $0x1  }
0xc4: {  	v14 =	vadd.s32 v7, v14;
	_ =	sdelay $0x1  }
0xc5: {  	v13 =	vperm.xlane v13, v6;
	_ =	sdelay $0x1  }
0xc6: {  	v13 =	vadd.s32 v7, v13  }
0xc7: {  	[tilespmem:s12], [sflag:$0x2] =	stream.indirect_vreg.gather [hbm4b:s2+s3], $0x80, v14, vm0, $0xb8;
	[tilespmem:$0x18080] =	vst v63  }
0xc8: {  	_ = 	snop  }
0xc9: {  	[tilespmem:s13], [sflag:$0x2] =	stream.indirect_vreg.gather [hbm4b:s5+s3], $0x80, v14, vm0, $0xb8;
	[tilespmem:$0x18080] =	vst v63  }
0xca: {  	_ = 	snop  }
0xcb: {  	[tilespmem:s14], [sflag:$0x2] =	stream.indirect_vreg.gather [hbm4b:s2+s3], $0x80, v13, vm0, $0xb8;
	[tilespmem:$0x18080] =	vst v63  }
0xcc: {  	_ = 	snop  }
0xcd: {  	[tilespmem:s15], [sflag:$0x2] =	stream.indirect_vreg.gather [hbm4b:s5+s3], $0x80, v13, vm0, $0xb8;
	[tilespmem:$0x18080] =	vst v63  }
0xce: {  	v13 =	vld [tilespmem:$0x10070];
	_ =	sdelay $0x4  }
0xcf: {  	v14 =	vshll.u32 v13, $0x2  }
0xd0: {  	v13 =	vand.u32 $0x7, v13;
	v14 =	vand.u32 $0xFFFFFFE0, v14  }
0xd1: {  	v13 =	vor.u32 v13, v14  }
0xd2: {  	v14 =	vperm.xlane v13, v5;
	_ =	sdelay $0x1  }
0xd3: {  	v14 =	vadd.s32 v7, v14;
	_ =	sdelay $0x1  }
0xd4: {  	v13 =	vperm.xlane v13, v6;
	_ =	sdelay $0x1  }
0xd5: {  	v13 =	vadd.s32 v7, v13  }
0xd6: {  	[tilespmem:s16], [sflag:$0x2] =	stream.indirect_vreg.gather [hbm4b:s2+s3], $0x80, v14, vm0, $0xb8;
	[tilespmem:$0x18080] =	vst v63  }
0xd7: {  	_ = 	snop  }
0xd8: {  	[tilespmem:s17], [sflag:$0x2] =	stream.indirect_vreg.gather [hbm4b:s5+s3], $0x80, v14, vm0, $0xb8;
	[tilespmem:$0x18080] =	vst v63  }
0xd9: {  	_ = 	snop  }
0xda: {  	[tilespmem:s18], [sflag:$0x2] =	stream.indirect_vreg.gather [hbm4b:s2+s3], $0x80, v13, vm0, $0xb8;
	[tilespmem:$0x18080] =	vst v63  }
0xdb: {  	_ = 	snop  }
0xdc: {  	[tilespmem:s19], [sflag:$0x2] =	stream.indirect_vreg.gather [hbm4b:s5+s3], $0x80, v13, vm0, $0xb8;
	[tilespmem:$0x18080] =	vst v63  }
0xdd: {  	_ =	swait.ge [sflag:s20], $0x10000  }
0xde: {  	[sflag:s20] =	ssyncset.done $0x0  }
0xdf: {  	s0 =	rddreg [dreg:$0x6];
	[sflag:s20] =	ssyncadd.s32 $0xFFFF0000  }
0xe0: {  	[hbm4b:s0+s9] =	stream.strided.scatter [tilespmem:s3], [sflag:$0x1], $0x10000, s10, s9, $0x38;
	[tilespmem:$0x18080] =	vst v63  }
0xe1: {  	s11 =	rddreg [dreg:$0x7]  }
0xe2: {  	[hbm4b:s11+s9] =	stream.strided.scatter [tilespmem:s3], [sflag:$0x1], $0x10000, s10, s9, $0x38;
	[tilespmem:$0x18080] =	vst v63  }
0xe3: {  	s0 =	rddreg [dreg:$0x8]  }
0xe4: {  	[hbm4b:s0+s9] =	stream.strided.scatter [tilespmem:s3], [sflag:$0x1], $0x10000, s10, s9, $0x38;
	[tilespmem:$0x18080] =	vst v63  }
0xe5: {  	s11 =	rddreg [dreg:$0x9]  }
0xe6: {  	[hbm4b:s11+s9] =	stream.strided.scatter [tilespmem:s3], [sflag:$0x1], $0x10000, s10, s9, $0x38;
	[tilespmem:$0x18080] =	vst v63  }
0xe7: {  	s0 =	rddreg [dreg:$0xa]  }
0xe8: {  	[tilespmem:s21], [sflag:$0x5] =	stream.linear.gather [hbm4b:s0+s3], $0x2000, $0x38;
	[tilespmem:$0x18080] =	vst v63  }
0xe9: {  	_ =	swait.ge [sflag:s22], $0x2000  }
0xea: {  	[sflag:s22] =	ssyncset.done $0x0  }
0xeb: {  	[sflag:s22] =	ssyncadd.s32 $0xFFFFE000  }
0xec: {  	[hbm4b:s4+s9] =	stream.strided.scatter [tilespmem:s7], [sflag:$0x7], $0x2000, s10, s9, $0x38;
	[tilespmem:$0x18080] =	vst v63  }
0xed: {  	s11 =	rddreg [dreg:$0xb]  }
0xee: {  	[tilespmem:s23], [sflag:$0x6] =	stream.linear.gather [hbm4b:s11+s3], $0x2000, $0x38;
	[tilespmem:$0x18080] =	vst v63  }
0xef: {  	_ =	swait.ge [sflag:s24], $0x2000  }
0xf0: {  	[sflag:s24] =	ssyncset.done $0x0  }
0xf1: {  	s11 =	rddreg [dreg:$0xc];
	[sflag:s24] =	ssyncadd.s32 $0xFFFFE000  }
0xf2: {  	[hbm4b:s11+s9] =	stream.strided.scatter [tilespmem:s8], [sflag:$0x8], $0x2000, s10, s9, $0x38;
	[tilespmem:$0x18080] =	vst v63  }
0xf3: {  	_ =	swait.ge [sflag:s25], $0x2000  }
0xf4: {  	[sflag:s25] =	ssyncset.done $0x0  }
0xf5: {  	s11 =	rddreg [dreg:$0xd];
	[sflag:s25] =	ssyncadd.s32 $0xFFFFE000  }
0xf6: {  	[tilespmem:s7], [sflag:$0x3] =	stream.linear.gather [hbm4b:s11+s3], $0x2000, $0x38;
	[tilespmem:$0x18080] =	vst v63  }
0xf7: {  	_ =	swait.ge [sflag:s26], $0x2000  }
0xf8: {  	[sflag:s26] =	ssyncset.done $0x0  }
0xf9: {  	s11 =	rddreg [dreg:$0xe];
	[sflag:s26] =	ssyncadd.s32 $0xFFFFE000  }
0xfa: {  	[hbm4b:s11+s9] =	stream.strided.scatter [tilespmem:s21], [sflag:$0x9], $0x2000, s10, s9, $0x38;
	[tilespmem:$0x18080] =	vst v63  }
0xfb: {  	_ =	swait.ge [sflag:s28], $0x2000  }
0xfc: {  	[sflag:s28] =	ssyncset.done $0x0  }
0xfd: {  	s11 =	rddreg [dreg:$0xf];
	[sflag:s28] =	ssyncadd.s32 $0xFFFFE000  }
0xfe: {  	[tilespmem:s8], [sflag:$0x4] =	stream.linear.gather [hbm4b:s11+s3], $0x2000, $0x38;
	[tilespmem:$0x18080] =	vst v63  }
0xff: {  	_ =	swait.ge [sflag:s29], $0x2000  }
0x100: {  	[sflag:s29] =	ssyncset.done $0x0  }
0x101: {  	s11 =	rddreg [dreg:$0x10];
	[sflag:s29] =	ssyncadd.s32 $0xFFFFE000  }
0x102: {  	[hbm4b:s11+s9] =	stream.strided.scatter [tilespmem:s23], [sflag:$0xA], $0x2000, s10, s9, $0x38;
	[tilespmem:$0x18080] =	vst v63  }
0x103: {  	_ =	swait.ge [sflag:s30], $0x2000  }
0x104: {  	[sflag:s30] =	ssyncset.done $0x0  }
0x105: {  	s11 =	rddreg [dreg:$0x11];
	[sflag:s30] =	ssyncadd.s32 $0xFFFFE000  }
0x106: {  	[tilespmem:s21], [sflag:$0x5] =	stream.linear.gather [hbm4b:s11+s3], $0x2000, $0x38;
	[tilespmem:$0x18080] =	vst v63  }
0x107: {  	_ =	swait.ge [sflag:s22], $0x2000  }
0x108: {  	[sflag:s22] =	ssyncset.done $0x0  }
0x109: {  	s11 =	rddreg [dreg:$0x12];
	[sflag:s22] =	ssyncadd.s32 $0xFFFFE000  }
0x10a: {  	[hbm4b:s11+s9] =	stream.strided.scatter [tilespmem:s7], [sflag:$0x7], $0x2000, s10, s9, $0x38;
	[tilespmem:$0x18080] =	vst v63  }
0x10b: {  	_ =	swait.ge [sflag:s31], $0x2000  }
0x10c: {  	[sflag:s31] =	ssyncset.done $0x0  }
0x10d: {  	s11 =	rddreg [dreg:$0x13];
	[sflag:s31] =	ssyncadd.s32 $0xFFFFE000  }
0x10e: {  	[tilespmem:s23], [sflag:$0x6] =	stream.linear.gather [hbm4b:s11+s3], $0x2000, $0x38;
	[tilespmem:$0x18080] =	vst v63  }
0x10f: {  	_ =	swait.ge [sflag:s24], $0x2000  }
0x110: {  	[sflag:s24] =	ssyncset.done $0x0  }
0x111: {  	s11 =	rddreg [dreg:$0x14];
	[sflag:s24] =	ssyncadd.s32 $0xFFFFE000  }
0x112: {  	[hbm4b:s11+s9] =	stream.strided.scatter [tilespmem:s8], [sflag:$0x8], $0x2000, s10, s9, $0x38;
	[tilespmem:$0x18080] =	vst v63  }
0x113: {  	_ =	swait.ge [sflag:s25], $0x2000  }
0x114: {  	[sflag:s25] =	ssyncset.done $0x0  }
0x115: {  	s11 =	rddreg [dreg:$0x15];
	[sflag:s25] =	ssyncadd.s32 $0xFFFFE000  }
0x116: {  	[tilespmem:s7], [sflag:$0x3] =	stream.linear.gather [hbm4b:s11+s3], $0x2000, $0x38;
	[tilespmem:$0x18080] =	vst v63  }
0x117: {  	_ =	swait.ge [sflag:s26], $0x2000  }
0x118: {  	[sflag:s26] =	ssyncset.done $0x0  }
0x119: {  	s11 =	rddreg [dreg:$0x16];
	[sflag:s26] =	ssyncadd.s32 $0xFFFFE000  }
0x11a: {  	[hbm4b:s11+s9] =	stream.strided.scatter [tilespmem:s21], [sflag:$0x9], $0x2000, s10, s9, $0x38;
	[tilespmem:$0x18080] =	vst v63  }
0x11b: {  	_ =	swait.ge [sflag:s28], $0x2000  }
0x11c: {  	[sflag:s28] =	ssyncset.done $0x0  }
0x11d: {  	s11 =	rddreg [dreg:$0x17];
	[sflag:s28] =	ssyncadd.s32 $0xFFFFE000  }
0x11e: {  	[tilespmem:s8], [sflag:$0x4] =	stream.linear.gather [hbm4b:s11+s3], $0x2000, $0x38;
	[tilespmem:$0x18080] =	vst v63  }
0x11f: {  	_ =	swait.ge [sflag:s29], $0x2000  }
0x120: {  	[sflag:s29] =	ssyncset.done $0x0  }
0x121: {  	s11 =	rddreg [dreg:$0x18];
	[sflag:s29] =	ssyncadd.s32 $0xFFFFE000  }
0x122: {  	[hbm4b:s11+s9] =	stream.strided.scatter [tilespmem:s23], [sflag:$0xA], $0x2000, s10, s9, $0x38;
	[tilespmem:$0x18080] =	vst v63  }
0x123: {  	_ =	swait.ge [sflag:s30], $0x2000  }
0x124: {  	[sflag:s30] =	ssyncset.done $0x0  }
0x125: {  	s11 =	rddreg [dreg:$0x19];
	[sflag:s30] =	ssyncadd.s32 $0xFFFFE000  }
0x126: {  	[tilespmem:s21], [sflag:$0x5] =	stream.linear.gather [hbm4b:s11+s3], $0x2000, $0x38;
	[tilespmem:$0x18080] =	vst v63  }
0x127: {  	_ =	swait.ge [sflag:s22], $0x2000  }
0x128: {  	[sflag:s22] =	ssyncset.done $0x0  }
0x129: {  	s11 =	rddreg [dreg:$0x1a];
	[sflag:s22] =	ssyncadd.s32 $0xFFFFE000  }
0x12a: {  	[hbm4b:s11+s9] =	stream.strided.scatter [tilespmem:s7], [sflag:$0x7], $0x2000, s10, s9, $0x38;
	[tilespmem:$0x18080] =	vst v63  }
0x12b: {  	_ =	swait.ge [sflag:s31], $0x2000  }
0x12c: {  	[sflag:s31] =	ssyncset.done $0x0  }
0x12d: {  	s11 =	rddreg [dreg:$0x1b];
	[sflag:s31] =	ssyncadd.s32 $0xFFFFE000  }
0x12e: {  	[tilespmem:s23], [sflag:$0x6] =	stream.linear.gather [hbm4b:s11+s3], $0x2000, $0x38;
	[tilespmem:$0x18080] =	vst v63  }
0x12f: {  	_ =	swait.ge [sflag:s24], $0x2000  }
0x130: {  	[sflag:s24] =	ssyncset.done $0x0  }
0x131: {  	s11 =	rddreg [dreg:$0x1c];
	[sflag:s24] =	ssyncadd.s32 $0xFFFFE000  }
0x132: {  	[hbm4b:s11+s9] =	stream.strided.scatter [tilespmem:s8], [sflag:$0x8], $0x2000, s10, s9, $0x38;
	[tilespmem:$0x18080] =	vst v63  }
0x133: {  	_ =	swait.ge [sflag:s25], $0x2000  }
0x134: {  	[sflag:s25] =	ssyncset.done $0x0  }
0x135: {  	s11 =	rddreg [dreg:$0x1d];
	[sflag:s25] =	ssyncadd.s32 $0xFFFFE000  }
0x136: {  	[tilespmem:s7], [sflag:$0x3] =	stream.linear.gather [hbm4b:s11+s3], $0x2000, $0x38;
	[tilespmem:$0x18080] =	vst v63  }
0x137: {  	_ =	swait.ge [sflag:s26], $0x2000  }
0x138: {  	[sflag:s26] =	ssyncset.done $0x0  }
0x139: {  	s11 =	rddreg [dreg:$0x1e];
	[sflag:s26] =	ssyncadd.s32 $0xFFFFE000  }
0x13a: {  	[hbm4b:s11+s9] =	stream.strided.scatter [tilespmem:s21], [sflag:$0x9], $0x2000, s10, s9, $0x38;
	[tilespmem:$0x18080] =	vst v63  }
0x13b: {  	_ =	swait.ge [sflag:s28], $0x2000  }
0x13c: {  	[sflag:s28] =	ssyncset.done $0x0  }
0x13d: {  	s11 =	rddreg [dreg:$0x1f];
	[sflag:s28] =	ssyncadd.s32 $0xFFFFE000  }
0x13e: {  	[tilespmem:s8], [sflag:$0x4] =	stream.linear.gather [hbm4b:s11+s3], $0x2000, $0x38;
	[tilespmem:$0x18080] =	vst v63  }
0x13f: {  	_ =	swait.ge [sflag:s29], $0x2000  }
0x140: {  	s11 =	sld [smem:$0x7C3]  }
0x141: {  	[sflag:s29] =	ssyncset.done $0x0  }
0x142: {  	[sflag:s29] =	ssyncadd.s32 $0xFFFFE000  }
0x143: {  	[hbm4b:s11+s9] =	stream.strided.scatter [tilespmem:s23], [sflag:$0xA], $0x2000, s10, s9, $0x38;
	[tilespmem:$0x18080] =	vst v63  }
0x144: {  	_ =	swait.ge [sflag:s30], $0x2000  }
0x145: {  	s11 =	sld [smem:$0x7C4]  }
0x146: {  	[sflag:s30] =	ssyncset.done $0x0  }
0x147: {  	[sflag:s30] =	ssyncadd.s32 $0xFFFFE000  }
0x148: {  	[tilespmem:s21], [sflag:$0x5] =	stream.linear.gather [hbm4b:s11+s3], $0x2000, $0x38;
	[tilespmem:$0x18080] =	vst v63  }
0x149: {  	_ =	swait.ge [sflag:s22], $0x2000  }
0x14a: {  	s11 =	sld [smem:$0x7C5]  }
0x14b: {  	[sflag:s22] =	ssyncset.done $0x0  }
0x14c: {  	[sflag:s22] =	ssyncadd.s32 $0xFFFFE000  }
0x14d: {  	[hbm4b:s11+s9] =	stream.strided.scatter [tilespmem:s7], [sflag:$0x7], $0x2000, s10, s9, $0x38;
	[tilespmem:$0x18080] =	vst v63  }
0x14e: {  	_ =	swait.ge [sflag:s31], $0x2000  }
0x14f: {  	s11 =	sld [smem:$0x7C6]  }
0x150: {  	[sflag:s31] =	ssyncset.done $0x0  }
0x151: {  	[sflag:s31] =	ssyncadd.s32 $0xFFFFE000  }
0x152: {  	[tilespmem:s23], [sflag:$0x6] =	stream.linear.gather [hbm4b:s11+s3], $0x2000, $0x38;
	[tilespmem:$0x18080] =	vst v63  }
0x153: {  	_ =	swait.ge [sflag:s24], $0x2000  }
0x154: {  	s11 =	sld [smem:$0x7C7]  }
0x155: {  	[sflag:s24] =	ssyncset.done $0x0  }
0x156: {  	[sflag:s24] =	ssyncadd.s32 $0xFFFFE000  }
0x157: {  	[hbm4b:s11+s9] =	stream.strided.scatter [tilespmem:s8], [sflag:$0x8], $0x2000, s10, s9, $0x38;
	[tilespmem:$0x18080] =	vst v63  }
0x158: {  	_ =	swait.ge [sflag:s25], $0x2000  }
0x159: {  	s11 =	sld [smem:$0x7C8]  }
0x15a: {  	[sflag:s25] =	ssyncset.done $0x0  }
0x15b: {  	[sflag:s25] =	ssyncadd.s32 $0xFFFFE000  }
0x15c: {  	[tilespmem:s7], [sflag:$0x3] =	stream.linear.gather [hbm4b:s11+s3], $0x2000, $0x38;
	[tilespmem:$0x18080] =	vst v63  }
0x15d: {  	_ =	swait.ge [sflag:s26], $0x2000  }
0x15e: {  	s11 =	sld [smem:$0x7C9]  }
0x15f: {  	[sflag:s26] =	ssyncset.done $0x0  }
0x160: {  	[sflag:s26] =	ssyncadd.s32 $0xFFFFE000  }
0x161: {  	[hbm4b:s11+s9] =	stream.strided.scatter [tilespmem:s21], [sflag:$0x9], $0x2000, s10, s9, $0x38;
	[tilespmem:$0x18080] =	vst v63  }
0x162: {  	_ =	swait.ge [sflag:s28], $0x2000  }
0x163: {  	s11 =	sld [smem:$0x7CA]  }
0x164: {  	[sflag:s28] =	ssyncset.done $0x0  }
0x165: {  	[sflag:s28] =	ssyncadd.s32 $0xFFFFE000  }
0x166: {  	[tilespmem:s8], [sflag:$0x4] =	stream.linear.gather [hbm4b:s11+s3], $0x2000, $0x38;
	[tilespmem:$0x18080] =	vst v63  }
0x167: {  	_ =	swait.ge [sflag:s29], $0x2000  }
0x168: {  	s11 =	sld [smem:$0x7CB]  }
0x169: {  	[sflag:s29] =	ssyncset.done $0x0  }
0x16a: {  	[sflag:s29] =	ssyncadd.s32 $0xFFFFE000  }
0x16b: {  	[hbm4b:s11+s9] =	stream.strided.scatter [tilespmem:s23], [sflag:$0xA], $0x2000, s10, s9, $0x38;
	[tilespmem:$0x18080] =	vst v63  }
0x16c: {  	_ =	swait.ge [sflag:s30], $0x2000  }
0x16d: {  	s11 =	sld [smem:$0x7CC]  }
0x16e: {  	[sflag:s30] =	ssyncset.done $0x0  }
0x16f: {  	[sflag:s30] =	ssyncadd.s32 $0xFFFFE000  }
0x170: {  	[tilespmem:s21], [sflag:$0x5] =	stream.linear.gather [hbm4b:s11+s3], $0x2000, $0x38;
	[tilespmem:$0x18080] =	vst v63  }
0x171: {  	_ =	swait.ge [sflag:s22], $0x2000  }
0x172: {  	s11 =	sld [smem:$0x7CD]  }
0x173: {  	[sflag:s22] =	ssyncset.done $0x0  }
0x174: {  	[sflag:s22] =	ssyncadd.s32 $0xFFFFE000  }
0x175: {  	[hbm4b:s11+s9] =	stream.strided.scatter [tilespmem:s7], [sflag:$0x7], $0x2000, s10, s9, $0x38;
	[tilespmem:$0x18080] =	vst v63  }
0x176: {  	_ =	swait.ge [sflag:s31], $0x2000  }
0x177: {  	s11 =	sld [smem:$0x7CE]  }
0x178: {  	[sflag:s31] =	ssyncset.done $0x0  }
0x179: {  	[sflag:s31] =	ssyncadd.s32 $0xFFFFE000  }
0x17a: {  	[tilespmem:s23], [sflag:$0x6] =	stream.linear.gather [hbm4b:s11+s3], $0x2000, $0x38;
	[tilespmem:$0x18080] =	vst v63  }
0x17b: {  	_ =	swait.ge [sflag:s24], $0x2000  }
0x17c: {  	s11 =	sld [smem:$0x7CF]  }
0x17d: {  	[sflag:s24] =	ssyncset.done $0x0  }
0x17e: {  	[sflag:s24] =	ssyncadd.s32 $0xFFFFE000  }
0x17f: {  	[hbm4b:s11+s9] =	stream.strided.scatter [tilespmem:s8], [sflag:$0x8], $0x2000, s10, s9, $0x38;
	[tilespmem:$0x18080] =	vst v63  }
0x180: {  	_ =	swait.ge [sflag:s25], $0x2000  }
0x181: {  	s11 =	sld [smem:$0x7D0]  }
0x182: {  	[sflag:s25] =	ssyncset.done $0x0  }
0x183: {  	[sflag:s25] =	ssyncadd.s32 $0xFFFFE000  }
0x184: {  	[tilespmem:s7], [sflag:$0x3] =	stream.linear.gather [hbm4b:s11+s3], $0x2000, $0x38;
	[tilespmem:$0x18080] =	vst v63  }
0x185: {  	_ =	swait.ge [sflag:s26], $0x2000  }
0x186: {  	s11 =	sld [smem:$0x7D1]  }
0x187: {  	[sflag:s26] =	ssyncset.done $0x0  }
0x188: {  	[sflag:s26] =	ssyncadd.s32 $0xFFFFE000  }
0x189: {  	[hbm4b:s11+s9] =	stream.strided.scatter [tilespmem:s21], [sflag:$0x9], $0x2000, s10, s9, $0x38;
	[tilespmem:$0x18080] =	vst v63  }
0x18a: {  	_ =	swait.ge [sflag:s28], $0x2000  }
0x18b: {  	s11 =	sld [smem:$0x7D2]  }
0x18c: {  	[sflag:s28] =	ssyncset.done $0x0  }
0x18d: {  	[sflag:s28] =	ssyncadd.s32 $0xFFFFE000  }
0x18e: {  	[tilespmem:s8], [sflag:$0x4] =	stream.linear.gather [hbm4b:s11+s3], $0x2000, $0x38;
	[tilespmem:$0x18080] =	vst v63  }
0x18f: {  	_ =	swait.ge [sflag:s29], $0x2000  }
0x190: {  	s11 =	sld [smem:$0x7D3]  }
0x191: {  	[sflag:s29] =	ssyncset.done $0x0  }
0x192: {  	[sflag:s29] =	ssyncadd.s32 $0xFFFFE000  }
0x193: {  	[hbm4b:s11+s9] =	stream.strided.scatter [tilespmem:s23], [sflag:$0xA], $0x2000, s10, s9, $0x38;
	[tilespmem:$0x18080] =	vst v63  }
0x194: {  	_ =	swait.ge [sflag:s30], $0x2000  }
0x195: {  	s11 =	sld [smem:$0x7D4]  }
0x196: {  	[sflag:s30] =	ssyncset.done $0x0  }
0x197: {  	[sflag:s30] =	ssyncadd.s32 $0xFFFFE000  }
0x198: {  	[tilespmem:s21], [sflag:$0x5] =	stream.linear.gather [hbm4b:s11+s3], $0x2000, $0x38;
	[tilespmem:$0x18080] =	vst v63  }
0x199: {  	_ =	swait.ge [sflag:s22], $0x2000  }
0x19a: {  	s11 =	sld [smem:$0x7D5]  }
0x19b: {  	[sflag:s22] =	ssyncset.done $0x0  }
0x19c: {  	[sflag:s22] =	ssyncadd.s32 $0xFFFFE000  }
0x19d: {  	[hbm4b:s11+s9] =	stream.strided.scatter [tilespmem:s7], [sflag:$0x7], $0x2000, s10, s9, $0x38;
	[tilespmem:$0x18080] =	vst v63  }
0x19e: {  	_ =	swait.ge [sflag:s31], $0x2000  }
0x19f: {  	s11 =	sld [smem:$0x7D6]  }
0x1a0: {  	[sflag:s31] =	ssyncset.done $0x0  }
0x1a1: {  	[sflag:s31] =	ssyncadd.s32 $0xFFFFE000  }
0x1a2: {  	[tilespmem:s23], [sflag:$0x6] =	stream.linear.gather [hbm4b:s11+s3], $0x2000, $0x38;
	[tilespmem:$0x18080] =	vst v63  }
0x1a3: {  	_ =	swait.ge [sflag:s24], $0x2000  }
0x1a4: {  	s11 =	sld [smem:$0x7D7]  }
0x1a5: {  	[sflag:s24] =	ssyncset.done $0x0  }
0x1a6: {  	[sflag:s24] =	ssyncadd.s32 $0xFFFFE000  }
0x1a7: {  	[hbm4b:s11+s9] =	stream.strided.scatter [tilespmem:s8], [sflag:$0x8], $0x2000, s10, s9, $0x38;
	[tilespmem:$0x18080] =	vst v63  }
0x1a8: {  	_ =	swait.ge [sflag:s25], $0x2000  }
0x1a9: {  	s11 =	sld [smem:$0x7D8]  }
0x1aa: {  	[sflag:s25] =	ssyncset.done $0x0  }
0x1ab: {  	[sflag:s25] =	ssyncadd.s32 $0xFFFFE000  }
0x1ac: {  	[tilespmem:s7], [sflag:$0x3] =	stream.linear.gather [hbm4b:s11+s3], $0x2000, $0x38;
	[tilespmem:$0x18080] =	vst v63  }
0x1ad: {  	_ =	swait.ge [sflag:s26], $0x2000  }
0x1ae: {  	s11 =	sld [smem:$0x7D9]  }
0x1af: {  	[sflag:s26] =	ssyncset.done $0x0  }
0x1b0: {  	[sflag:s26] =	ssyncadd.s32 $0xFFFFE000  }
0x1b1: {  	[hbm4b:s11+s9] =	stream.strided.scatter [tilespmem:s21], [sflag:$0x9], $0x2000, s10, s9, $0x38;
	[tilespmem:$0x18080] =	vst v63  }
0x1b2: {  	_ =	swait.ge [sflag:s28], $0x2000  }
0x1b3: {  	s11 =	sld [smem:$0x7DA]  }
0x1b4: {  	[sflag:s28] =	ssyncset.done $0x0  }
0x1b5: {  	[sflag:s28] =	ssyncadd.s32 $0xFFFFE000  }
0x1b6: {  	[tilespmem:s8], [sflag:$0x4] =	stream.linear.gather [hbm4b:s11+s3], $0x2000, $0x38;
	[tilespmem:$0x18080] =	vst v63  }
0x1b7: {  	_ =	swait.ge [sflag:s29], $0x2000  }
0x1b8: {  	s11 =	sld [smem:$0x7DB]  }
0x1b9: {  	[sflag:s29] =	ssyncset.done $0x0  }
0x1ba: {  	[sflag:s29] =	ssyncadd.s32 $0xFFFFE000  }
0x1bb: {  	[hbm4b:s11+s9] =	stream.strided.scatter [tilespmem:s23], [sflag:$0xA], $0x2000, s10, s9, $0x38;
	[tilespmem:$0x18080] =	vst v63  }
0x1bc: {  	_ =	swait.ge [sflag:s30], $0x2000  }
0x1bd: {  	s11 =	sld [smem:$0x7DC]  }
0x1be: {  	[sflag:s30] =	ssyncset.done $0x0  }
0x1bf: {  	[sflag:s30] =	ssyncadd.s32 $0xFFFFE000  }
0x1c0: {  	[tilespmem:s21], [sflag:$0x5] =	stream.linear.gather [hbm4b:s11+s3], $0x2000, $0x38;
	[tilespmem:$0x18080] =	vst v63  }
0x1c1: {  	_ =	swait.ge [sflag:s22], $0x2000  }
0x1c2: {  	s11 =	sld [smem:$0x7DD]  }
0x1c3: {  	[sflag:s22] =	ssyncset.done $0x0  }
0x1c4: {  	[sflag:s22] =	ssyncadd.s32 $0xFFFFE000  }
0x1c5: {  	[hbm4b:s11+s9] =	stream.strided.scatter [tilespmem:s7], [sflag:$0x7], $0x2000, s10, s9, $0x38;
	[tilespmem:$0x18080] =	vst v63  }
0x1c6: {  	_ =	swait.ge [sflag:s31], $0x2000  }
0x1c7: {  	s11 =	sld [smem:$0x7DE]  }
0x1c8: {  	[sflag:s31] =	ssyncset.done $0x0  }
0x1c9: {  	[sflag:s31] =	ssyncadd.s32 $0xFFFFE000  }
0x1ca: {  	[tilespmem:s23], [sflag:$0x6] =	stream.linear.gather [hbm4b:s11+s3], $0x2000, $0x38;
	[tilespmem:$0x18080] =	vst v63  }
0x1cb: {  	_ =	swait.ge [sflag:s24], $0x2000  }
0x1cc: {  	s11 =	sld [smem:$0x7DF]  }
0x1cd: {  	[sflag:s24] =	ssyncset.done $0x0  }
0x1ce: {  	[sflag:s24] =	ssyncadd.s32 $0xFFFFE000  }
0x1cf: {  	[hbm4b:s11+s9] =	stream.strided.scatter [tilespmem:s8], [sflag:$0x8], $0x2000, s10, s9, $0x38;
	[tilespmem:$0x18080] =	vst v63  }
0x1d0: {  	_ =	swait.ge [sflag:s25], $0x2000  }
0x1d1: {  	s11 =	sld [smem:$0x7E0]  }
0x1d2: {  	[sflag:s25] =	ssyncset.done $0x0  }
0x1d3: {  	[sflag:s25] =	ssyncadd.s32 $0xFFFFE000  }
0x1d4: {  	[tilespmem:s7], [sflag:$0x3] =	stream.linear.gather [hbm4b:s11+s3], $0x2000, $0x38;
	[tilespmem:$0x18080] =	vst v63  }
0x1d5: {  	_ =	swait.ge [sflag:s26], $0x2000  }
0x1d6: {  	s11 =	sld [smem:$0x7E1]  }
0x1d7: {  	[sflag:s26] =	ssyncset.done $0x0  }
0x1d8: {  	[sflag:s26] =	ssyncadd.s32 $0xFFFFE000  }
0x1d9: {  	[hbm4b:s11+s9] =	stream.strided.scatter [tilespmem:s21], [sflag:$0x9], $0x2000, s10, s9, $0x38;
	[tilespmem:$0x18080] =	vst v63  }
0x1da: {  	_ =	swait.ge [sflag:s28], $0x2000  }
0x1db: {  	s11 =	sld [smem:$0x7E2]  }
0x1dc: {  	[sflag:s28] =	ssyncset.done $0x0  }
0x1dd: {  	[sflag:s28] =	ssyncadd.s32 $0xFFFFE000  }
0x1de: {  	[tilespmem:s8], [sflag:$0x4] =	stream.linear.gather [hbm4b:s11+s3], $0x2000, $0x38;
	[tilespmem:$0x18080] =	vst v63  }
0x1df: {  	_ =	swait.ge [sflag:s29], $0x2000  }
0x1e0: {  	s11 =	sld [smem:$0x7E3]  }
0x1e1: {  	[sflag:s29] =	ssyncset.done $0x0  }
0x1e2: {  	[sflag:s29] =	ssyncadd.s32 $0xFFFFE000  }
0x1e3: {  	[hbm4b:s11+s9] =	stream.strided.scatter [tilespmem:s23], [sflag:$0xA], $0x2000, s10, s9, $0x38;
	[tilespmem:$0x18080] =	vst v63  }
0x1e4: {  	_ =	swait.ge [sflag:s30], $0x2000  }
0x1e5: {  	s11 =	sld [smem:$0x7E4]  }
0x1e6: {  	[sflag:s30] =	ssyncset.done $0x0  }
0x1e7: {  	[sflag:s30] =	ssyncadd.s32 $0xFFFFE000  }
0x1e8: {  	[tilespmem:s21], [sflag:$0x5] =	stream.linear.gather [hbm4b:s11+s3], $0x2000, $0x38;
	[tilespmem:$0x18080] =	vst v63  }
0x1e9: {  	_ =	swait.ge [sflag:s22], $0x2000  }
0x1ea: {  	s11 =	sld [smem:$0x7E5]  }
0x1eb: {  	[sflag:s22] =	ssyncset.done $0x0  }
0x1ec: {  	[sflag:s22] =	ssyncadd.s32 $0xFFFFE000  }
0x1ed: {  	[hbm4b:s11+s9] =	stream.strided.scatter [tilespmem:s7], [sflag:$0x7], $0x2000, s10, s9, $0x38;
	[tilespmem:$0x18080] =	vst v63  }
0x1ee: {  	_ =	swait.ge [sflag:s31], $0x2000  }
0x1ef: {  	s11 =	sld [smem:$0x7E6]  }
0x1f0: {  	[sflag:s31] =	ssyncset.done $0x0  }
0x1f1: {  	[sflag:s31] =	ssyncadd.s32 $0xFFFFE000  }
0x1f2: {  	[tilespmem:s23], [sflag:$0x6] =	stream.linear.gather [hbm4b:s11+s3], $0x2000, $0x38;
	[tilespmem:$0x18080] =	vst v63  }
0x1f3: {  	_ =	swait.ge [sflag:s24], $0x2000  }
0x1f4: {  	s11 =	sld [smem:$0x7E7]  }
0x1f5: {  	[sflag:s24] =	ssyncset.done $0x0  }
0x1f6: {  	[sflag:s24] =	ssyncadd.s32 $0xFFFFE000  }
0x1f7: {  	[hbm4b:s11+s9] =	stream.strided.scatter [tilespmem:s8], [sflag:$0x8], $0x2000, s10, s9, $0x38;
	[tilespmem:$0x18080] =	vst v63  }
0x1f8: {  	_ =	swait.ge [sflag:s26], $0x2000  }
0x1f9: {  	s11 =	sld [smem:$0x7E8]  }
0x1fa: {  	[sflag:s26] =	ssyncset.done $0x0  }
0x1fb: {  	[sflag:s26] =	ssyncadd.s32 $0xFFFFE000  }
0x1fc: {  	[hbm4b:s11+s9] =	stream.strided.scatter [tilespmem:s21], [sflag:$0x9], $0x2000, s10, s9, $0x38;
	[tilespmem:$0x18080] =	vst v63  }
0x1fd: {  	_ =	swait.ge [sflag:s29], $0x2000  }
0x1fe: {  	s11 =	sld [smem:$0x7E9]  }
0x1ff: {  	[sflag:s29] =	ssyncset.done $0x0  }
0x200: {  	[sflag:s29] =	ssyncadd.s32 $0xFFFFE000  }
0x201: {  	[hbm4b:s11+s9] =	stream.strided.scatter [tilespmem:s23], [sflag:$0xA], $0x2000, s10, s9, $0x38;
	[tilespmem:$0x18080] =	vst v63  }
0x202: {  	_ =	swait.ge [sflag:s25], $0x2000  }
0x203: {  	[sflag:s25] =	ssyncset.done $0x0  }
0x204: {  	[sflag:s25] =	ssyncadd.s32 $0xFFFFE000  }
0x205: {  	_ =	swait.ge [sflag:s28], $0x2000  }
0x206: {  	[sflag:s28] =	ssyncset.done $0x0  }
0x207: {  	[sflag:s28] =	ssyncadd.s32 $0xFFFFE000  }
0x208: {  	_ =	swait.ge [sflag:s30], $0x2000  }
0x209: {  	[sflag:s30] =	ssyncset.done $0x0  }
0x20a: {  	[sflag:s30] =	ssyncadd.s32 $0xFFFFE000  }
0x20b: {  	_ =	swait.ge [sflag:s31], $0x2000  }
0x20c: {  	[sflag:s31] =	ssyncset.done $0x0  }
0x20d: {  	[sflag:s31] =	ssyncadd.s32 $0xFFFFE000  }
0x20e: {  	_ =	swait.ge [sflag:s1], $0x10000  }
0x20f: {  	[sflag:s1] =	ssyncset.done $0x0  }
0x210: {  	[sflag:s1] =	ssyncadd.s32 $0xFFFF0000  }
0x211: {  	_ =	swait.ge [sflag:s1], $0x10000  }
0x212: {  	[sflag:s1] =	ssyncset.done $0x0  }
0x213: {  	[sflag:s1] =	ssyncadd.s32 $0xFFFF0000  }
0x214: {  	p0 =	sne.s32 s6, $0x1;
	_ =	swait.ge [sflag:s1], $0x10000  }
.Ltmp0:
0x215: {  	[sflag:s1] =	ssyncset.done $0x0;
	(pc) =	sbr.rel @p0 .LBB2_1-.Ltmp0, $4  }
0x216: {  	[sflag:s1] =	ssyncadd.s32 $0xFFFF0000  }
0x217: {  	_ =	swait.ge [sflag:s1], $0x10000  }
0x218: {  	[sflag:s1] =	ssyncset.done $0x0  }
0x219: {  	s6 =	sadd.s32 $0xFFFFFFFF, s6;
	[sflag:s1] =	ssyncadd.s32 $0xFFFF0000  }
0x21a: {  	_ =	sfence.sel $0x180000  }
0x21b: {  	[bflag:$0x0] =	sbarrier.arrive $0xFFFF  }
0x21c: {  	_ =	strace $0x90000047  }
0x21d: {  	s0 =	stileid.u32;
	[bflag:$0x2] =	sbarrier.arrive $0xFFFF  }
0x21e: {  	p0 =	sne.s32 s0, $0x0;
	s0 =	rddreg [dreg:$0x3]  }
0x21f: {  	s0 =	sadd.s32 @!p0 $0x100000, s0  }
0x220: {  	[sflag:s0] =	ssyncadd.tile.s32 @!p0 $0x1;
	_ =	shalt  }
.Lfunc_end2:
_tile_overlayer_lowered:
.L_overlay_start_2:
0x221: {  	(tag) =	ssettag $0x2  }
0x222: {  	s0 =	rddreg [dreg:$0x0];
	s2 =	stileid.u32  }
0x223: {  	s1 =	rddreg [dreg:$0x1];
	p0 =	sne.s32 s2, $0x0  }
0x224: {  	s3 =	rddreg [dreg:$0x2];
	[bflag:$0x3] =	sbarrier.arrive $0xFFFF;
	s2 =	simm.s32 @!p0 $0x1C0B  }
0x225: {  	[timem:s3], [sflag:s2] =	dma.local @!p0 [hbm:s0], s1  }
0x226: {  	s0 =	simm.s32 @!p0 $0xB  }
0x227: {  	_ =	swait.ge @!p0 [sflag:s0], s1  }
0x228: {  	s1 =	ssub.s32 @!p0 $0x0, s1;
	[sflag:s0] =	ssyncset.done @!p0 $0x0  }
0x229: {  	[sflag:s0] =	ssyncadd.s32 @!p0 s1  }
0x22a: {  	[bflag:$0x3] =	sbarrier.arrive $0xFFFF  }
0x22b: {  	_ =	shalt  }

</sc_bundles>
